<compile_context>
chip_gen: v7x
topology: tpu7x:2x2x1
jax: 0.10.2.dev20260603
libtpu: 0.0.44.dev20260713+nightly
codegen_flags: <defaults>
</compile_context>

<pallas_src>
import functools

import jax
import jax.numpy as jnp
from jax import lax
from jax.experimental import pallas as pl
from jax.experimental.pallas import tpu as pltpu
from jax.experimental.pallas import tpu_sc as plsc

N = 10000
NP = 10240
E = 160000
D = 256
DH = 128
HID = 512
NB = 16
BLK = NP // NB
CH = 80
NCH = E // 16 // CH
GRP = 25
NGRP = NCH // GRP
RING = 4
EP = 163840
EH = EP // 32
EH16 = EH // 16

_mesh = plsc.VectorSubcoreMesh(core_axis_name="c", subcore_axis_name="s")
_sc_params = pltpu.CompilerParams(needs_layout_passes=False)


def _hist_body(dst_hbm, hist_out, dst_v, hist_v):
    c = lax.axis_index("c")
    s = lax.axis_index("s")
    wid = s * 2 + c
    pltpu.sync_copy(dst_hbm.at[wid], dst_v)

    def zero(i, _):
        hist_v[pl.ds(i * 16, 16)] = jnp.zeros((16,), jnp.float32)
        return 0

    lax.fori_loop(0, NP // 16, zero, 0)
    ones = jnp.ones((16,), jnp.float32)

    def add(i, _):
        idx = dst_v[pl.ds(i * 16, 16)]
        plsc.addupdate_scatter(hist_v, [idx], ones)
        return 0

    lax.fori_loop(0, EH16, add, 0)
    pltpu.sync_copy(hist_v, hist_out.at[wid])


_hist_call = functools.partial(
    pl.kernel,
    out_type=jax.ShapeDtypeStruct((32, NP), jnp.float32),
    mesh=_mesh,
    scratch_types=[
        pltpu.VMEM((EH,), jnp.int32),
        pltpu.VMEM((NP,), jnp.float32),
    ],
    compiler_params=_sc_params,
)(_hist_body)


def _scale_body(x_ref, hist_ref, xs2_ref, dis8_ref, disc_ref):
    deg = jnp.sum(hist_ref[...], axis=0, keepdims=True) + 1.0
    dis_row = lax.rsqrt(deg)
    dis_col = jnp.transpose(dis_row)
    xv = x_ref[...]
    xc = jnp.where(jnp.isnan(xv), 0.0,
                   jnp.where(xv == jnp.inf, 1.0,
                             jnp.where(xv == -jnp.inf, -1.0, xv)))
    xs = dis_col * xc
    xs2_ref[0] = xs[:, :DH]
    xs2_ref[1] = xs[:, DH:]
    dis8_ref[...] = jnp.broadcast_to(dis_row, (8, BLK))
    disc_ref[...] = jnp.broadcast_to(dis_col, (BLK, 8))


_scale_call = pl.pallas_call(
    _scale_body,
    grid=(NB,),
    in_specs=[
        pl.BlockSpec((BLK, D), lambda i: (i, 0)),
        pl.BlockSpec((32, BLK), lambda i: (0, i)),
    ],
    out_specs=[
        pl.BlockSpec((2, BLK, DH), lambda i: (0, i, 0)),
        pl.BlockSpec((8, BLK), lambda i: (0, i)),
        pl.BlockSpec((BLK, 8), lambda i: (i, 0)),
    ],
    out_shape=[
        jax.ShapeDtypeStruct((2, NP, DH), jnp.float32),
        jax.ShapeDtypeStruct((8, NP), jnp.float32),
        jax.ShapeDtypeStruct((NP, 8), jnp.float32),
    ],
)


def _t_body(src_hbm, dst_hbm, dis8, t_out, src_v, dst_v, dis_v, t_v):
    c = lax.axis_index("c")
    s = lax.axis_index("s")
    wid = s * 2 + c
    pltpu.sync_copy(src_hbm.at[wid], src_v.at[pl.ds(0, EH)])
    pltpu.sync_copy(dst_hbm.at[wid], dst_v)
    pltpu.sync_copy(dis8.at[0], dis_v)

    def zt(i, _):
        t_v[pl.ds(i * 16, 16)] = jnp.zeros((16,), jnp.float32)
        return 0

    lax.fori_loop(0, NP // 16, zt, 0)

    def tstep(l, _):
        dsti = dst_v[pl.ds(l * 16, 16)]
        srci = src_v[pl.ds(l * 16, 16)]
        dvals = plsc.load_gather(dis_v, [dsti])
        plsc.addupdate_scatter(t_v, [srci], dvals)
        return 0

    lax.fori_loop(0, EH16, tstep, 0)
    pltpu.sync_copy(t_v, t_out.at[wid])


_t_call = functools.partial(
    pl.kernel,
    out_type=jax.ShapeDtypeStruct((32, NP), jnp.float32),
    mesh=_mesh,
    scratch_types=[
        pltpu.VMEM((EH,), jnp.int32),
        pltpu.VMEM((EH,), jnp.int32),
        pltpu.VMEM((NP,), jnp.float32),
        pltpu.VMEM((NP,), jnp.float32),
    ],
    compiler_params=_sc_params,
)(_t_body)


def _agg_body(xs2, src_t, dst_t,
              agg2,
              src_v, dst_v, rows0, rows1, rows2, rows3, acc,
              gsem0, gsem1, gsem2, gsem3, ssem0, ssem1, ssem2, ssem3):
    c = lax.axis_index("c")
    s = lax.axis_index("s")
    rows = (rows0, rows1, rows2, rows3)
    gsem = (gsem0, gsem1, gsem2, gsem3)
    ssem = (ssem0, ssem1, ssem2, ssem3)
    xs = xs2.at[c]

    def zrows(i, _):
        rows0[i // 8, pl.ds((i % 8) * 16, 16)] = jnp.zeros((16,), jnp.float32)
        return 0

    lax.fori_loop(0, CH * 8, zrows, 0)
    for k in range(BLK // CH):
        pltpu.sync_copy(rows0, acc.at[pl.ds(s * BLK + k * CH, CH)])
    plsc.subcore_barrier()

    def group(g, _):
        pltpu.sync_copy(src_t.at[s, g], src_v)
        pltpu.sync_copy(dst_t.at[s, g], dst_v)
        gd = {}
        sd = {}
        for jj in range(min(2, GRP)):
            gd[jj] = pltpu.async_copy(
                xs.at[src_v.at[jj]], rows[jj % RING], gsem[jj % RING])
        for jj in range(GRP):
            b = jj % RING
            gd[jj].wait()
            sd[jj] = pltpu.async_copy(
                rows[b], acc.at[dst_v.at[jj]], ssem[b], add=True)
            if jj + 2 < GRP:
                nb = (jj + 2) % RING
                if jj - 2 >= 0:
                    sd[jj - 2].wait()
                gd[jj + 2] = pltpu.async_copy(
                    xs.at[src_v.at[jj + 2]], rows[nb], gsem[nb])
        for jj in range(max(0, GRP - RING), GRP):
            sd[jj].wait()
        return 0

    lax.fori_loop(0, NGRP, group, 0)

    plsc.subcore_barrier()
    out = agg2.at[c]
    for k in range(BLK // CH):
        pltpu.sync_copy(acc.at[pl.ds(s * BLK + k * CH, CH)],
                        out.at[pl.ds(s * BLK + k * CH, CH)])


_agg_call = functools.partial(
    pl.kernel,
    out_type=jax.ShapeDtypeStruct((2, NP, DH), jnp.float32),
    mesh=_mesh,
    scratch_types=[
        pltpu.VMEM((GRP, CH), jnp.int32),
        pltpu.VMEM((GRP, CH), jnp.int32),
        pltpu.VMEM((CH, DH), jnp.float32),
        pltpu.VMEM((CH, DH), jnp.float32),
        pltpu.VMEM((CH, DH), jnp.float32),
        pltpu.VMEM((CH, DH), jnp.float32),
        pltpu.VMEM_SHARED((NP, DH), jnp.float32),
        pltpu.SemaphoreType.DMA,
        pltpu.SemaphoreType.DMA,
        pltpu.SemaphoreType.DMA,
        pltpu.SemaphoreType.DMA,
        pltpu.SemaphoreType.DMA,
        pltpu.SemaphoreType.DMA,
        pltpu.SemaphoreType.DMA,
        pltpu.SemaphoreType.DMA,
    ],
    compiler_params=_sc_params,
)(_agg_body)


def _final_body(agg2_ref, xs2_ref, disc_ref, dis8_ref,
                t32_ref, w1_ref, b1_ref, w2_ref, b2_ref, out_ref, s_ref):
    i = pl.program_id(0)
    dis_col = disc_ref[:, 0:1]
    y = dis_col * jnp.concatenate(
        [agg2_ref[0] + xs2_ref[0], agg2_ref[1] + xs2_ref[1]], axis=1)
    h1 = lax.dot_general(y, w1_ref[...], (((1,), (1,)), ((), ())),
                         preferred_element_type=jnp.float32)
    h1 = jnp.maximum(h1 + b1_ref[...], 0.0)

    dis_row = dis8_ref[0:1, :]
    t_row = jnp.sum(t32_ref[...], axis=0, keepdims=True)
    rowid = lax.broadcasted_iota(jnp.int32, (1, BLK), 1) + i * BLK
    w = jnp.where(rowid < N, dis_row * t_row + dis_row * dis_row, 0.0)
    part = lax.dot_general(w, h1, (((1,), (0,)), ((), ())),
                           preferred_element_type=jnp.float32)

    @pl.when(i == 0)
    def _():
        s_ref[...] = jnp.zeros_like(s_ref)

    s_ref[0:1, :] += part

    @pl.when(i == NB - 1)
    def _():
        sfin = s_ref[0:1, :] * (1.0 / N)
        o = lax.dot_general(sfin, w2_ref[...], (((1,), (1,)), ((), ())),
                            preferred_element_type=jnp.float32)
        out_ref[...] = o + b2_ref[...]


_final_call = pl.pallas_call(
    _final_body,
    grid=(NB,),
    in_specs=[
        pl.BlockSpec((2, BLK, DH), lambda i: (0, i, 0)),
        pl.BlockSpec((2, BLK, DH), lambda i: (0, i, 0)),
        pl.BlockSpec((BLK, 8), lambda i: (i, 0)),
        pl.BlockSpec((8, BLK), lambda i: (0, i)),
        pl.BlockSpec((32, BLK), lambda i: (0, i)),
        pl.BlockSpec((HID, D), lambda i: (0, 0)),
        pl.BlockSpec((1, HID), lambda i: (0, 0)),
        pl.BlockSpec((3, HID), lambda i: (0, 0)),
        pl.BlockSpec((1, 3), lambda i: (0, 0)),
    ],
    out_specs=pl.BlockSpec((1, 3), lambda i: (0, 0)),
    out_shape=jax.ShapeDtypeStruct((1, 3), jnp.float32),
    scratch_shapes=[pltpu.VMEM((8, HID), jnp.float32)],
)


def kernel(x, edge_index, W1, b1, W2, b2):
    src = edge_index[0].astype(jnp.int32)
    dst = edge_index[1].astype(jnp.int32)
    pad = jnp.full((EP - E,), N, jnp.int32)
    src_h = jnp.concatenate([src, pad]).reshape(32, EH)
    dst_h = jnp.concatenate([dst, pad]).reshape(32, EH)
    src_t = src.reshape(16, NGRP, GRP, CH)
    dst_t = dst.reshape(16, NGRP, GRP, CH)

    hist = _hist_call(dst_h)
    xs2, dis8, disc = _scale_call(x, hist)
    t32 = _t_call(src_h, dst_h, dis8)
    agg2 = _agg_call(xs2, src_t, dst_t)

    out = _final_call(agg2, xs2, disc, dis8, t32,
                      W1, b1.reshape(1, HID), W2, b2.reshape(1, 3))
    return out

# --- scband reference (transcript-rebuilt; emitter-appended) ---
"""Pipeline reference for scband-lightweight-gcn-21268678050010 (READ-ONLY COPY).

The authoritative reference and input builder live on the scoring server;
editing this copy changes nothing except your own understanding.
"""

import jax, jax.numpy as jnp
import numpy as np

N_NODES = 10000
N_EDGES = 160000
IN_DIM = 256
HID_DIM = 512
OUT_DIM = 3


def _xavier(key, shape):
    fan_out, fan_in = shape
    limit = float(np.sqrt(6.0 / (fan_in + fan_out)))
    return jax.random.uniform(key, shape, dtype=jnp.float32, minval=-limit, maxval=limit)


def setup_inputs(seed: int = 0) -> dict:
    key = jax.random.key(seed)
    k_x, k_e, k_w1, k_w2 = jax.random.split(key, 4)
    x = jax.random.normal(k_x, (N_NODES, IN_DIM), dtype=jnp.float32)
    edge_index = jax.random.randint(k_e, (2, N_EDGES), 0, N_NODES, dtype=jnp.int64)
    W1 = _xavier(k_w1, (HID_DIM, IN_DIM))
    b1 = jnp.zeros((HID_DIM,), dtype=jnp.float32)
    W2 = _xavier(k_w2, (OUT_DIM, HID_DIM))
    b2 = jnp.zeros((OUT_DIM,), dtype=jnp.float32)
    return {"x": x, "edge_index": edge_index, "W1": W1, "b1": b1, "W2": W2, "b2": b2}


def _gcn_conv(x, src, dst, W, b, n_nodes):
    # PyG GCNConv: x' = D^{-1/2} (A + I) D^{-1/2} (X W^T) + b  (self-loops added)
    x_lin = x @ W.T
    deg = jnp.zeros((n_nodes,), dtype=jnp.float32).at[dst].add(1.0)
    deg_inv_sqrt = jnp.where(deg > 0, deg ** -0.5, 0.0)
    norm = deg_inv_sqrt[src] * deg_inv_sqrt[dst]
    msgs = x_lin[src] * norm[:, None]
    out = jnp.zeros((n_nodes, W.shape[0]), dtype=jnp.float32).at[dst].add(msgs)
    return out + b


def reference(x, edge_index, W1, b1, W2, b2):
    n_nodes = x.shape[0]
    loop = jnp.arange(n_nodes, dtype=edge_index.dtype)
    src = jnp.concatenate([edge_index[0], loop])
    dst = jnp.concatenate([edge_index[1], loop])
    x = jnp.nan_to_num(x, nan=0.0, posinf=1.0, neginf=-1.0)
    h = _gcn_conv(x, src, dst, W1, b1, n_nodes)
    h = jax.nn.relu(h)
    h = _gcn_conv(h, src, dst, W2, b2, n_nodes)
    out = jnp.mean(h, axis=0, keepdims=True)
    return out

if __name__ == "__main__":
    import jax
    _d = setup_inputs()
    print(jax.jit(kernel)(*tuple(_d.values())))

</pallas_src>

<mosaic_0001>
#map = affine_map<(d0, d1) -> (0, 0)>
module attributes {stable_mosaic.version = 14 : i64} {
  func.func @_t_body(%arg0: i32, %arg1: i32, %arg2: memref<32x5120xi32, #tpu.memory_space<hbm>>, %arg3: memref<32x5120xi32, #tpu.memory_space<hbm>>, %arg4: memref<8x10240xf32, #tpu.memory_space<hbm>>, %arg5: memref<32x10240xf32, #tpu.memory_space<hbm>>, %arg6: memref<5120xi32, #tpu.memory_space<vmem>>, %arg7: memref<5120xi32, #tpu.memory_space<vmem>>, %arg8: memref<10240xf32, #tpu.memory_space<vmem>>, %arg9: memref<10240xf32, #tpu.memory_space<vmem>>) attributes {dimension_semantics = [#tpu.dimension_semantics<core_parallel>, #tpu.dimension_semantics<subcore_parallel>], iteration_bounds = array<i64: 2, 16>, scalar_prefetch = 0 : i64, scratch_operands = 4 : i64, tpu.core_type = #tpu.core_type<sc_vector_subcore>, window_params = [{transform_indices = #map}, {transform_indices = #map}, {transform_indices = #map}, {transform_indices = #map}]} {
    %mul3A = arith.constant 2 : i32
    %mul3A_0 = arith.muli %arg1, %mul3A : i32
    %add3A = arith.addi %mul3A_0, %arg0 : i32
    "tpu.region"() ({
      %run_scoped3A_14 = tpu.sem_alloc : memref<!tpu.dma_semaphore, #tpu.memory_space<semaphore_mem>>
      %dma_start3A = arith.constant 0 : i32
      %dma_start3A_15 = tpu.memref_slice %arg6[%dma_start3A] : memref<5120xi32, #tpu.memory_space<vmem>> -> memref<5120xi32, #tpu.memory_space<vmem>>
      %dma_start3A_16 = arith.constant 0 : i32
      %dma_start3A_17 = tpu.memref_slice %arg2[%add3A, %dma_start3A_16] : memref<32x5120xi32, #tpu.memory_space<hbm>> -> memref<1x5120xi32, #tpu.memory_space<hbm>>
      %dma_start3A_18 = tpu.memref_squeeze %dma_start3A_17 : memref<1x5120xi32, #tpu.memory_space<hbm>> -> memref<5120xi32, #tpu.memory_space<hbm>>
      %dma_start3A_19 = arith.constant 0 : i32
      %dma_start3A_20 = tpu.memref_slice %arg6[%dma_start3A_19] : memref<5120xi32, #tpu.memory_space<vmem>> -> memref<5120xi32, #tpu.memory_space<vmem>>
      %dma_start3A_21 = arith.constant 0 : i32
      %dma_start3A_22 = tpu.memref_slice %arg2[%add3A, %dma_start3A_21] : memref<32x5120xi32, #tpu.memory_space<hbm>> -> memref<1x5120xi32, #tpu.memory_space<hbm>>
      %dma_start3A_23 = tpu.memref_squeeze %dma_start3A_22 : memref<1x5120xi32, #tpu.memory_space<hbm>> -> memref<5120xi32, #tpu.memory_space<hbm>>
      tpu.enqueue_dma source(%dma_start3A_23 : memref<5120xi32, #tpu.memory_space<hbm>>) target(%dma_start3A_20 : memref<5120xi32, #tpu.memory_space<vmem>>) target_semaphore(%run_scoped3A_14 : memref<!tpu.dma_semaphore, #tpu.memory_space<semaphore_mem>>)
      %dma_wait3A = arith.constant 0 : i32
      %dma_wait3A_24 = tpu.memref_slice %arg6[%dma_wait3A] : memref<5120xi32, #tpu.memory_space<vmem>> -> memref<5120xi32, #tpu.memory_space<vmem>>
      %dma_wait3A_25 = arith.constant 0 : i32
      %dma_wait3A_26 = tpu.memref_slice %arg2[%add3A, %dma_wait3A_25] : memref<32x5120xi32, #tpu.memory_space<hbm>> -> memref<1x5120xi32, #tpu.memory_space<hbm>>
      %dma_wait3A_27 = tpu.memref_squeeze %dma_wait3A_26 : memref<1x5120xi32, #tpu.memory_space<hbm>> -> memref<5120xi32, #tpu.memory_space<hbm>>
      %dma_wait3A_28 = arith.constant 0 : i32
      %dma_wait3A_29 = tpu.memref_slice %arg6[%dma_wait3A_28] : memref<5120xi32, #tpu.memory_space<vmem>> -> memref<5120xi32, #tpu.memory_space<vmem>>
      %dma_wait3A_30 = arith.constant 0 : i32
      %dma_wait3A_31 = tpu.memref_slice %arg2[%add3A, %dma_wait3A_30] : memref<32x5120xi32, #tpu.memory_space<hbm>> -> memref<1x5120xi32, #tpu.memory_space<hbm>>
      %dma_wait3A_32 = tpu.memref_squeeze %dma_wait3A_31 : memref<1x5120xi32, #tpu.memory_space<hbm>> -> memref<5120xi32, #tpu.memory_space<hbm>>
      tpu.wait_dma2 semaphore(%run_scoped3A_14 : memref<!tpu.dma_semaphore, #tpu.memory_space<semaphore_mem>>) src(%dma_wait3A_32 : memref<5120xi32, #tpu.memory_space<hbm>>) dst(%dma_wait3A_29 : memref<5120xi32, #tpu.memory_space<vmem>>)
      tpu.yield
    }) : () -> ()
    "tpu.region"() ({
      %run_scoped3A_14 = tpu.sem_alloc : memref<!tpu.dma_semaphore, #tpu.memory_space<semaphore_mem>>
      %dma_start3A = arith.constant 0 : i32
      %dma_start3A_15 = tpu.memref_slice %arg3[%add3A, %dma_start3A] : memref<32x5120xi32, #tpu.memory_space<hbm>> -> memref<1x5120xi32, #tpu.memory_space<hbm>>
      %dma_start3A_16 = tpu.memref_squeeze %dma_start3A_15 : memref<1x5120xi32, #tpu.memory_space<hbm>> -> memref<5120xi32, #tpu.memory_space<hbm>>
      %dma_start3A_17 = arith.constant 0 : i32
      %dma_start3A_18 = tpu.memref_slice %arg3[%add3A, %dma_start3A_17] : memref<32x5120xi32, #tpu.memory_space<hbm>> -> memref<1x5120xi32, #tpu.memory_space<hbm>>
      %dma_start3A_19 = tpu.memref_squeeze %dma_start3A_18 : memref<1x5120xi32, #tpu.memory_space<hbm>> -> memref<5120xi32, #tpu.memory_space<hbm>>
      tpu.enqueue_dma source(%dma_start3A_19 : memref<5120xi32, #tpu.memory_space<hbm>>) target(%arg7 : memref<5120xi32, #tpu.memory_space<vmem>>) target_semaphore(%run_scoped3A_14 : memref<!tpu.dma_semaphore, #tpu.memory_space<semaphore_mem>>)
      %dma_wait3A = arith.constant 0 : i32
      %dma_wait3A_20 = tpu.memref_slice %arg3[%add3A, %dma_wait3A] : memref<32x5120xi32, #tpu.memory_space<hbm>> -> memref<1x5120xi32, #tpu.memory_space<hbm>>
      %dma_wait3A_21 = tpu.memref_squeeze %dma_wait3A_20 : memref<1x5120xi32, #tpu.memory_space<hbm>> -> memref<5120xi32, #tpu.memory_space<hbm>>
      %dma_wait3A_22 = arith.constant 0 : i32
      %dma_wait3A_23 = tpu.memref_slice %arg3[%add3A, %dma_wait3A_22] : memref<32x5120xi32, #tpu.memory_space<hbm>> -> memref<1x5120xi32, #tpu.memory_space<hbm>>
      %dma_wait3A_24 = tpu.memref_squeeze %dma_wait3A_23 : memref<1x5120xi32, #tpu.memory_space<hbm>> -> memref<5120xi32, #tpu.memory_space<hbm>>
      tpu.wait_dma2 semaphore(%run_scoped3A_14 : memref<!tpu.dma_semaphore, #tpu.memory_space<semaphore_mem>>) src(%dma_wait3A_24 : memref<5120xi32, #tpu.memory_space<hbm>>) dst(%arg7 : memref<5120xi32, #tpu.memory_space<vmem>>)
      tpu.yield
    }) : () -> ()
    %run_scoped3A = arith.constant 0 : i32
    "tpu.region"() ({
      %run_scoped3A_14 = tpu.sem_alloc : memref<!tpu.dma_semaphore, #tpu.memory_space<semaphore_mem>>
      %dma_start3A = arith.constant 0 : i32
      %dma_start3A_15 = tpu.memref_slice %arg4[%run_scoped3A, %dma_start3A] : memref<8x10240xf32, #tpu.memory_space<hbm>> -> memref<1x10240xf32, #tpu.memory_space<hbm>>
      %dma_start3A_16 = tpu.memref_squeeze %dma_start3A_15 : memref<1x10240xf32, #tpu.memory_space<hbm>> -> memref<10240xf32, #tpu.memory_space<hbm>>
      %dma_start3A_17 = arith.constant 0 : i32
      %dma_start3A_18 = tpu.memref_slice %arg4[%run_scoped3A, %dma_start3A_17] : memref<8x10240xf32, #tpu.memory_space<hbm>> -> memref<1x10240xf32, #tpu.memory_space<hbm>>
      %dma_start3A_19 = tpu.memref_squeeze %dma_start3A_18 : memref<1x10240xf32, #tpu.memory_space<hbm>> -> memref<10240xf32, #tpu.memory_space<hbm>>
      tpu.enqueue_dma source(%dma_start3A_19 : memref<10240xf32, #tpu.memory_space<hbm>>) target(%arg8 : memref<10240xf32, #tpu.memory_space<vmem>>) target_semaphore(%run_scoped3A_14 : memref<!tpu.dma_semaphore, #tpu.memory_space<semaphore_mem>>)
      %dma_wait3A = arith.constant 0 : i32
      %dma_wait3A_20 = tpu.memref_slice %arg4[%run_scoped3A, %dma_wait3A] : memref<8x10240xf32, #tpu.memory_space<hbm>> -> memref<1x10240xf32, #tpu.memory_space<hbm>>
      %dma_wait3A_21 = tpu.memref_squeeze %dma_wait3A_20 : memref<1x10240xf32, #tpu.memory_space<hbm>> -> memref<10240xf32, #tpu.memory_space<hbm>>
      %dma_wait3A_22 = arith.constant 0 : i32
      %dma_wait3A_23 = tpu.memref_slice %arg4[%run_scoped3A, %dma_wait3A_22] : memref<8x10240xf32, #tpu.memory_space<hbm>> -> memref<1x10240xf32, #tpu.memory_space<hbm>>
      %dma_wait3A_24 = tpu.memref_squeeze %dma_wait3A_23 : memref<1x10240xf32, #tpu.memory_space<hbm>> -> memref<10240xf32, #tpu.memory_space<hbm>>
      tpu.wait_dma2 semaphore(%run_scoped3A_14 : memref<!tpu.dma_semaphore, #tpu.memory_space<semaphore_mem>>) src(%dma_wait3A_24 : memref<10240xf32, #tpu.memory_space<hbm>>) dst(%arg8 : memref<10240xf32, #tpu.memory_space<vmem>>)
      tpu.yield
    }) : () -> ()
    %scan3A = arith.constant 0 : i32
    %scan3A_1 = arith.constant 0 : i32
    %scan3A_2 = arith.constant 640 : i32
    %scan3A_3 = arith.addi %scan3A_1, %scan3A_2 : i32
    %scan3A_4 = arith.constant 1 : i32
    %scan3A_5 = scf.for %scan3A_14 = %scan3A_1 to %scan3A_3 step %scan3A_4 iter_args(%scan3A_15 = %scan3A) -> (i32)  : i32 {
      %broadcast_in_dim3A = arith.constant 0.000000e+00 : f32
      %broadcast_in_dim3A_16 = vector.broadcast %broadcast_in_dim3A : f32 to vector<16xf32>
      %mul3A_17 = arith.constant 16 : i32
      %mul3A_18 = arith.muli %scan3A_14, %mul3A_17 : i32
      %swap3A = arith.index_cast %mul3A_18 : i32 to index
      %swap3A_19 = tpu.vector_load %arg9[%swap3A] {strides = array<i32>} : memref<10240xf32, #tpu.memory_space<vmem>>, vector<16xf32>,
      tpu.vector_store %arg9[%swap3A], %broadcast_in_dim3A_16 {strides = array<i32>} : memref<10240xf32, #tpu.memory_space<vmem>>, vector<16xf32>,
      %scan3A_20 = arith.constant 0 : i32
      scf.yield %scan3A_20 : i32
    }
    %scan3A_6 = arith.constant 640 : i32
    %scan3A_7 = arith.constant 0 : i32
    %scan3A_8 = arith.constant 0 : i32
    %scan3A_9 = arith.constant 320 : i32
    %scan3A_10 = arith.addi %scan3A_8, %scan3A_9 : i32
    %scan3A_11 = arith.constant 1 : i32
    %scan3A_12 = scf.for %scan3A_14 = %scan3A_8 to %scan3A_10 step %scan3A_11 iter_args(%scan3A_15 = %scan3A_7) -> (i32)  : i32 {
      %mul3A_16 = arith.constant 16 : i32
      %mul3A_17 = arith.muli %scan3A_14, %mul3A_16 : i32
      %get3A = arith.index_cast %mul3A_17 : i32 to index
      %get3A_18 = tpu.vector_load %arg7[%get3A] {strides = array<i32>} : memref<5120xi32, #tpu.memory_space<vmem>>, vector<16xi32>,
      %mul3A_19 = arith.constant 16 : i32
      %mul3A_20 = arith.muli %scan3A_14, %mul3A_19 : i32
      %get3A_21 = arith.index_cast %mul3A_20 : i32 to index
      %get3A_22 = tpu.vector_load %arg6[%get3A_21] {strides = array<i32>} : memref<5120xi32, #tpu.memory_space<vmem>>, vector<16xi32>,
      %gather3A = tpu.vector_load_idx %arg8[%get3A_18] : memref<10240xf32, #tpu.memory_space<vmem>>[vector<16xi32>], vector<16xf32>,
      tpu.vector_store_idx %arg9[%get3A_22], %gather3A {add = true} : memref<10240xf32, #tpu.memory_space<vmem>>[vector<16xi32>], vector<16xf32>,
      %scan3A_23 = arith.constant 0 : i32
      scf.yield %scan3A_23 : i32
    }
    %scan3A_13 = arith.constant 320 : i32
    "tpu.region"() ({
      %run_scoped3A_14 = tpu.sem_alloc : memref<!tpu.dma_semaphore, #tpu.memory_space<semaphore_mem>>
      %dma_start3A = arith.constant 0 : i32
      %dma_start3A_15 = tpu.memref_slice %arg5[%add3A, %dma_start3A] : memref<32x10240xf32, #tpu.memory_space<hbm>> -> memref<1x10240xf32, #tpu.memory_space<hbm>>
      %dma_start3A_16 = tpu.memref_squeeze %dma_start3A_15 : memref<1x10240xf32, #tpu.memory_space<hbm>> -> memref<10240xf32, #tpu.memory_space<hbm>>
      %dma_start3A_17 = arith.constant 0 : i32
      %dma_start3A_18 = tpu.memref_slice %arg5[%add3A, %dma_start3A_17] : memref<32x10240xf32, #tpu.memory_space<hbm>> -> memref<1x10240xf32, #tpu.memory_space<hbm>>
      %dma_start3A_19 = tpu.memref_squeeze %dma_start3A_18 : memref<1x10240xf32, #tpu.memory_space<hbm>> -> memref<10240xf32, #tpu.memory_space<hbm>>
      tpu.enqueue_dma source(%arg9 : memref<10240xf32, #tpu.memory_space<vmem>>) target(%dma_start3A_19 : memref<10240xf32, #tpu.memory_space<hbm>>) target_semaphore(%run_scoped3A_14 : memref<!tpu.dma_semaphore, #tpu.memory_space<semaphore_mem>>)
      %dma_wait3A = arith.constant 0 : i32
      %dma_wait3A_20 = tpu.memref_slice %arg5[%add3A, %dma_wait3A] : memref<32x10240xf32, #tpu.memory_space<hbm>> -> memref<1x10240xf32, #tpu.memory_space<hbm>>
      %dma_wait3A_21 = tpu.memref_squeeze %dma_wait3A_20 : memref<1x10240xf32, #tpu.memory_space<hbm>> -> memref<10240xf32, #tpu.memory_space<hbm>>
      %dma_wait3A_22 = arith.constant 0 : i32
      %dma_wait3A_23 = tpu.memref_slice %arg5[%add3A, %dma_wait3A_22] : memref<32x10240xf32, #tpu.memory_space<hbm>> -> memref<1x10240xf32, #tpu.memory_space<hbm>>
      %dma_wait3A_24 = tpu.memref_squeeze %dma_wait3A_23 : memref<1x10240xf32, #tpu.memory_space<hbm>> -> memref<10240xf32, #tpu.memory_space<hbm>>
      tpu.wait_dma2 semaphore(%run_scoped3A_14 : memref<!tpu.dma_semaphore, #tpu.memory_space<semaphore_mem>>) src(%arg9 : memref<10240xf32, #tpu.memory_space<vmem>>) dst(%dma_wait3A_24 : memref<10240xf32, #tpu.memory_space<hbm>>)
      tpu.yield
    }) : () -> ()
    return
  }
}

#map = affine_map<(d0, d1) -> (0, 0, 0)>
#map1 = affine_map<(d0, d1) -> (0, 0, 0, 0)>
module attributes {stable_mosaic.version = 14 : i64} {
  func.func @_agg_body(%arg0: i32, %arg1: i32, %arg2: memref<2x10240x128xf32, #tpu.memory_space<hbm>>, %arg3: memref<16x5x25x80xi32, #tpu.memory_space<hbm>>, %arg4: memref<16x5x25x80xi32, #tpu.memory_space<hbm>>, %arg5: memref<2x10240x128xf32, #tpu.memory_space<hbm>>, %arg6: memref<25x80xi32, #tpu.memory_space<vmem>>, %arg7: memref<25x80xi32, #tpu.memory_space<vmem>>, %arg8: memref<80x128xf32, #tpu.memory_space<vmem>>, %arg9: memref<80x128xf32, #tpu.memory_space<vmem>>, %arg10: memref<80x128xf32, #tpu.memory_space<vmem>>, %arg11: memref<80x128xf32, #tpu.memory_space<vmem>>, %arg12: memref<10240x128xf32, #tpu.memory_space<vmem_shared>>, %arg13: memref<!tpu.dma_semaphore, #tpu.memory_space<semaphore_mem>>, %arg14: memref<!tpu.dma_semaphore, #tpu.memory_space<semaphore_mem>>, %arg15: memref<!tpu.dma_semaphore, #tpu.memory_space<semaphore_mem>>, %arg16: memref<!tpu.dma_semaphore, #tpu.memory_space<semaphore_mem>>, %arg17: memref<!tpu.dma_semaphore, #tpu.memory_space<semaphore_mem>>, %arg18: memref<!tpu.dma_semaphore, #tpu.memory_space<semaphore_mem>>, %arg19: memref<!tpu.dma_semaphore, #tpu.memory_space<semaphore_mem>>, %arg20: memref<!tpu.dma_semaphore, #tpu.memory_space<semaphore_mem>>) attributes {dimension_semantics = [#tpu.dimension_semantics<core_parallel>, #tpu.dimension_semantics<subcore_parallel>], iteration_bounds = array<i64: 2, 16>, scalar_prefetch = 0 : i64, scratch_operands = 15 : i64, tpu.core_type = #tpu.core_type<sc_vector_subcore>, window_params = [{transform_indices = #map}, {transform_indices = #map1}, {transform_indices = #map1}, {transform_indices = #map}]} {
    %scan3A = arith.constant 0 : i32
    %scan3A_0 = arith.constant 0 : i32
    %scan3A_1 = arith.constant 640 : i32
    %scan3A_2 = arith.addi %scan3A_0, %scan3A_1 : i32
    %scan3A_3 = arith.constant 1 : i32
    %scan3A_4 = scf.for %scan3A_108 = %scan3A_0 to %scan3A_2 step %scan3A_3 iter_args(%scan3A_109 = %scan3A) -> (i32)  : i32 {
      %broadcast_in_dim3A = arith.constant 0.000000e+00 : f32
      %broadcast_in_dim3A_110 = vector.broadcast %broadcast_in_dim3A : f32 to vector<16xf32>
      %jit3A = arith.constant 8 : i32
      %div3A = arith.divsi %scan3A_108, %jit3A : i32
      %sign3A = arith.constant 0 : i32
      %sign3A_111 = arith.cmpi sgt, %scan3A_108, %sign3A : i32
      %sign3A_112 = arith.extui %sign3A_111 : i1 to i32
      %sign3A_113 = arith.constant 0 : i32
      %sign3A_114 = arith.cmpi slt, %scan3A_108, %sign3A_113 : i32
      %sign3A_115 = arith.extui %sign3A_114 : i1 to i32
      %sign3A_116 = arith.subi %sign3A_112, %sign3A_115 : i32
      %sign3A_117 = arith.constant 0 : i32
      %sign3A_118 = arith.cmpi sgt, %jit3A, %sign3A_117 : i32
      %sign3A_119 = arith.extui %sign3A_118 : i1 to i32
      %sign3A_120 = arith.constant 0 : i32
      %sign3A_121 = arith.cmpi slt, %jit3A, %sign3A_120 : i32
      %sign3A_122 = arith.extui %sign3A_121 : i1 to i32
      %sign3A_123 = arith.subi %sign3A_119, %sign3A_122 : i32
      %ne3A = arith.cmpi ne, %sign3A_116, %sign3A_123 : i32
      %rem3A = arith.remsi %scan3A_108, %jit3A : i32
      %ne3A_124 = arith.constant 0 : i32
      %ne3A_125 = arith.cmpi ne, %rem3A, %ne3A_124 : i32
      %and3A = arith.andi %ne3A, %ne3A_125 : i1
      %sub3A = arith.constant 1 : i32
      %sub3A_126 = arith.subi %div3A, %sub3A : i32
      %select_n3A = arith.select %and3A, %sub3A_126, %div3A : i32
      %jit3A_127 = arith.constant 8 : i32
      %eq3A = arith.constant 0 : i32
      %eq3A_128 = arith.cmpi eq, %jit3A_127, %eq3A : i32
      %jit3A_129 = arith.constant 1 : i32
      %select_n3A_130 = arith.select %eq3A_128, %jit3A_129, %jit3A_127 : i32
      %rem3A_131 = arith.remsi %scan3A_108, %select_n3A_130 : i32
      %ne3A_132 = arith.constant 0 : i32
      %ne3A_133 = arith.cmpi ne, %rem3A_131, %ne3A_132 : i32
      %lt3A = arith.constant 0 : i32
      %lt3A_134 = arith.cmpi slt, %rem3A_131, %lt3A : i32
      %lt3A_135 = arith.constant 0 : i32
      %lt3A_136 = arith.cmpi slt, %select_n3A_130, %lt3A_135 : i32
      %ne3A_137 = arith.xori %lt3A_134, %lt3A_136 : i1
      %and3A_138 = arith.andi %ne3A_137, %ne3A_133 : i1
      %add3A_139 = arith.addi %rem3A_131, %select_n3A_130 : i32
      %select_n3A_140 = arith.select %and3A_138, %add3A_139, %rem3A_131 : i32
      %mul3A_141 = arith.constant 16 : i32
      %mul3A_142 = arith.muli %select_n3A_140, %mul3A_141 : i32
      %swap3A = arith.index_cast %select_n3A : i32 to index
      %swap3A_143 = arith.index_cast %mul3A_142 : i32 to index
      %swap3A_144 = tpu.vector_load %arg8[%swap3A, %swap3A_143] {strides = array<i32>} : memref<80x128xf32, #tpu.memory_space<vmem>>, vector<16xf32>,
      tpu.vector_store %arg8[%swap3A, %swap3A_143], %broadcast_in_dim3A_110 {strides = array<i32>} : memref<80x128xf32, #tpu.memory_space<vmem>>, vector<16xf32>,
      %scan3A_145 = arith.constant 0 : i32
      scf.yield %scan3A_145 : i32
    }
    %scan3A_5 = arith.constant 640 : i32
    %mul3A = arith.constant 640 : i32
    %mul3A_6 = arith.muli %arg1, %mul3A : i32
    %add3A = arith.constant 0 : i32
    %add3A_7 = arith.addi %mul3A_6, %add3A : i32
    "tpu.region"() ({
      %run_scoped3A = tpu.sem_alloc : memref<!tpu.dma_semaphore, #tpu.memory_space<semaphore_mem>>
      %dma_start3A = arith.constant 0 : i32
      %dma_start3A_108 = tpu.memref_slice %arg12[%add3A_7, %dma_start3A] : memref<10240x128xf32, #tpu.memory_space<vmem_shared>> -> memref<80x128xf32, #tpu.memory_space<vmem_shared>>
      %dma_start3A_109 = arith.constant 0 : i32
      %dma_start3A_110 = tpu.memref_slice %arg12[%add3A_7, %dma_start3A_109] : memref<10240x128xf32, #tpu.memory_space<vmem_shared>> -> memref<80x128xf32, #tpu.memory_space<vmem_shared>>
      tpu.enqueue_dma source(%arg8 : memref<80x128xf32, #tpu.memory_space<vmem>>) target(%dma_start3A_110 : memref<80x128xf32, #tpu.memory_space<vmem_shared>>) target_semaphore(%run_scoped3A : memref<!tpu.dma_semaphore, #tpu.memory_space<semaphore_mem>>)
      %dma_wait3A = arith.constant 0 : i32
      %dma_wait3A_111 = tpu.memref_slice %arg12[%add3A_7, %dma_wait3A] : memref<10240x128xf32, #tpu.memory_space<vmem_shared>> -> memref<80x128xf32, #tpu.memory_space<vmem_shared>>
      %dma_wait3A_112 = arith.constant 0 : i32
      %dma_wait3A_113 = tpu.memref_slice %arg12[%add3A_7, %dma_wait3A_112] : memref<10240x128xf32, #tpu.memory_space<vmem_shared>> -> memref<80x128xf32, #tpu.memory_space<vmem_shared>>
      tpu.wait_dma2 semaphore(%run_scoped3A : memref<!tpu.dma_semaphore, #tpu.memory_space<semaphore_mem>>) src(%arg8 : memref<80x128xf32, #tpu.memory_space<vmem>>) dst(%dma_wait3A_113 : memref<80x128xf32, #tpu.memory_space<vmem_shared>>)
      tpu.yield
    }) : () -> ()
    %mul3A_8 = arith.constant 640 : i32
    %mul3A_9 = arith.muli %arg1, %mul3A_8 : i32
    %add3A_10 = arith.constant 80 : i32
    %add3A_11 = arith.addi %mul3A_9, %add3A_10 : i32
    "tpu.region"() ({
      %run_scoped3A = tpu.sem_alloc : memref<!tpu.dma_semaphore, #tpu.memory_space<semaphore_mem>>
      %dma_start3A = arith.constant 0 : i32
      %dma_start3A_108 = tpu.memref_slice %arg12[%add3A_11, %dma_start3A] : memref<10240x128xf32, #tpu.memory_space<vmem_shared>> -> memref<80x128xf32, #tpu.memory_space<vmem_shared>>
      %dma_start3A_109 = arith.constant 0 : i32
      %dma_start3A_110 = tpu.memref_slice %arg12[%add3A_11, %dma_start3A_109] : memref<10240x128xf32, #tpu.memory_space<vmem_shared>> -> memref<80x128xf32, #tpu.memory_space<vmem_shared>>
      tpu.enqueue_dma source(%arg8 : memref<80x128xf32, #tpu.memory_space<vmem>>) target(%dma_start3A_110 : memref<80x128xf32, #tpu.memory_space<vmem_shared>>) target_semaphore(%run_scoped3A : memref<!tpu.dma_semaphore, #tpu.memory_space<semaphore_mem>>)
      %dma_wait3A = arith.constant 0 : i32
      %dma_wait3A_111 = tpu.memref_slice %arg12[%add3A_11, %dma_wait3A] : memref<10240x128xf32, #tpu.memory_space<vmem_shared>> -> memref<80x128xf32, #tpu.memory_space<vmem_shared>>
      %dma_wait3A_112 = arith.constant 0 : i32
      %dma_wait3A_113 = tpu.memref_slice %arg12[%add3A_11, %dma_wait3A_112] : memref<10240x128xf32, #tpu.memory_space<vmem_shared>> -> memref<80x128xf32, #tpu.memory_space<vmem_shared>>
      tpu.wait_dma2 semaphore(%run_scoped3A : memref<!tpu.dma_semaphore, #tpu.memory_space<semaphore_mem>>) src(%arg8 : memref<80x128xf32, #tpu.memory_space<vmem>>) dst(%dma_wait3A_113 : memref<80x128xf32, #tpu.memory_space<vmem_shared>>)
      tpu.yield
    }) : () -> ()
    %mul3A_12 = arith.constant 640 : i32
    %mul3A_13 = arith.muli %arg1, %mul3A_12 : i32
    %add3A_14 = arith.constant 160 : i32
    %add3A_15 = arith.addi %mul3A_13, %add3A_14 : i32
    "tpu.region"() ({
      %run_scoped3A = tpu.sem_alloc : memref<!tpu.dma_semaphore, #tpu.memory_space<semaphore_mem>>
      %dma_start3A = arith.constant 0 : i32
      %dma_start3A_108 = tpu.memref_slice %arg12[%add3A_15, %dma_start3A] : memref<10240x128xf32, #tpu.memory_space<vmem_shared>> -> memref<80x128xf32, #tpu.memory_space<vmem_shared>>
      %dma_start3A_109 = arith.constant 0 : i32
      %dma_start3A_110 = tpu.memref_slice %arg12[%add3A_15, %dma_start3A_109] : memref<10240x128xf32, #tpu.memory_space<vmem_shared>> -> memref<80x128xf32, #tpu.memory_space<vmem_shared>>
      tpu.enqueue_dma source(%arg8 : memref<80x128xf32, #tpu.memory_space<vmem>>) target(%dma_start3A_110 : memref<80x128xf32, #tpu.memory_space<vmem_shared>>) target_semaphore(%run_scoped3A : memref<!tpu.dma_semaphore, #tpu.memory_space<semaphore_mem>>)
      %dma_wait3A = arith.constant 0 : i32
      %dma_wait3A_111 = tpu.memref_slice %arg12[%add3A_15, %dma_wait3A] : memref<10240x128xf32, #tpu.memory_space<vmem_shared>> -> memref<80x128xf32, #tpu.memory_space<vmem_shared>>
      %dma_wait3A_112 = arith.constant 0 : i32
      %dma_wait3A_113 = tpu.memref_slice %arg12[%add3A_15, %dma_wait3A_112] : memref<10240x128xf32, #tpu.memory_space<vmem_shared>> -> memref<80x128xf32, #tpu.memory_space<vmem_shared>>
      tpu.wait_dma2 semaphore(%run_scoped3A : memref<!tpu.dma_semaphore, #tpu.memory_space<semaphore_mem>>) src(%arg8 : memref<80x128xf32, #tpu.memory_space<vmem>>) dst(%dma_wait3A_113 : memref<80x128xf32, #tpu.memory_space<vmem_shared>>)
      tpu.yield
    }) : () -> ()
    %mul3A_16 = arith.constant 640 : i32
    %mul3A_17 = arith.muli %arg1, %mul3A_16 : i32
    %add3A_18 = arith.constant 240 : i32
    %add3A_19 = arith.addi %mul3A_17, %add3A_18 : i32
    "tpu.region"() ({
      %run_scoped3A = tpu.sem_alloc : memref<!tpu.dma_semaphore, #tpu.memory_space<semaphore_mem>>
      %dma_start3A = arith.constant 0 : i32
      %dma_start3A_108 = tpu.memref_slice %arg12[%add3A_19, %dma_start3A] : memref<10240x128xf32, #tpu.memory_space<vmem_shared>> -> memref<80x128xf32, #tpu.memory_space<vmem_shared>>
      %dma_start3A_109 = arith.constant 0 : i32
      %dma_start3A_110 = tpu.memref_slice %arg12[%add3A_19, %dma_start3A_109] : memref<10240x128xf32, #tpu.memory_space<vmem_shared>> -> memref<80x128xf32, #tpu.memory_space<vmem_shared>>
      tpu.enqueue_dma source(%arg8 : memref<80x128xf32, #tpu.memory_space<vmem>>) target(%dma_start3A_110 : memref<80x128xf32, #tpu.memory_space<vmem_shared>>) target_semaphore(%run_scoped3A : memref<!tpu.dma_semaphore, #tpu.memory_space<semaphore_mem>>)
      %dma_wait3A = arith.constant 0 : i32
      %dma_wait3A_111 = tpu.memref_slice %arg12[%add3A_19, %dma_wait3A] : memref<10240x128xf32, #tpu.memory_space<vmem_shared>> -> memref<80x128xf32, #tpu.memory_space<vmem_shared>>
      %dma_wait3A_112 = arith.constant 0 : i32
      %dma_wait3A_113 = tpu.memref_slice %arg12[%add3A_19, %dma_wait3A_112] : memref<10240x128xf32, #tpu.memory_space<vmem_shared>> -> memref<80x128xf32, #tpu.memory_space<vmem_shared>>
      tpu.wait_dma2 semaphore(%run_scoped3A : memref<!tpu.dma_semaphore, #tpu.memory_space<semaphore_mem>>) src(%arg8 : memref<80x128xf32, #tpu.memory_space<vmem>>) dst(%dma_wait3A_113 : memref<80x128xf32, #tpu.memory_space<vmem_shared>>)
      tpu.yield
    }) : () -> ()
    %mul3A_20 = arith.constant 640 : i32
    %mul3A_21 = arith.muli %arg1, %mul3A_20 : i32
    %add3A_22 = arith.constant 320 : i32
    %add3A_23 = arith.addi %mul3A_21, %add3A_22 : i32
    "tpu.region"() ({
      %run_scoped3A = tpu.sem_alloc : memref<!tpu.dma_semaphore, #tpu.memory_space<semaphore_mem>>
      %dma_start3A = arith.constant 0 : i32
      %dma_start3A_108 = tpu.memref_slice %arg12[%add3A_23, %dma_start3A] : memref<10240x128xf32, #tpu.memory_space<vmem_shared>> -> memref<80x128xf32, #tpu.memory_space<vmem_shared>>
      %dma_start3A_109 = arith.constant 0 : i32
      %dma_start3A_110 = tpu.memref_slice %arg12[%add3A_23, %dma_start3A_109] : memref<10240x128xf32, #tpu.memory_space<vmem_shared>> -> memref<80x128xf32, #tpu.memory_space<vmem_shared>>
      tpu.enqueue_dma source(%arg8 : memref<80x128xf32, #tpu.memory_space<vmem>>) target(%dma_start3A_110 : memref<80x128xf32, #tpu.memory_space<vmem_shared>>) target_semaphore(%run_scoped3A : memref<!tpu.dma_semaphore, #tpu.memory_space<semaphore_mem>>)
      %dma_wait3A = arith.constant 0 : i32
      %dma_wait3A_111 = tpu.memref_slice %arg12[%add3A_23, %dma_wait3A] : memref<10240x128xf32, #tpu.memory_space<vmem_shared>> -> memref<80x128xf32, #tpu.memory_space<vmem_shared>>
      %dma_wait3A_112 = arith.constant 0 : i32
      %dma_wait3A_113 = tpu.memref_slice %arg12[%add3A_23, %dma_wait3A_112] : memref<10240x128xf32, #tpu.memory_space<vmem_shared>> -> memref<80x128xf32, #tpu.memory_space<vmem_shared>>
      tpu.wait_dma2 semaphore(%run_scoped3A : memref<!tpu.dma_semaphore, #tpu.memory_space<semaphore_mem>>) src(%arg8 : memref<80x128xf32, #tpu.memory_space<vmem>>) dst(%dma_wait3A_113 : memref<80x128xf32, #tpu.memory_space<vmem_shared>>)
      tpu.yield
    }) : () -> ()
    %mul3A_24 = arith.constant 640 : i32
    %mul3A_25 = arith.muli %arg1, %mul3A_24 : i32
    %add3A_26 = arith.constant 400 : i32
    %add3A_27 = arith.addi %mul3A_25, %add3A_26 : i32
    "tpu.region"() ({
      %run_scoped3A = tpu.sem_alloc : memref<!tpu.dma_semaphore, #tpu.memory_space<semaphore_mem>>
      %dma_start3A = arith.constant 0 : i32
      %dma_start3A_108 = tpu.memref_slice %arg12[%add3A_27, %dma_start3A] : memref<10240x128xf32, #tpu.memory_space<vmem_shared>> -> memref<80x128xf32, #tpu.memory_space<vmem_shared>>
      %dma_start3A_109 = arith.constant 0 : i32
      %dma_start3A_110 = tpu.memref_slice %arg12[%add3A_27, %dma_start3A_109] : memref<10240x128xf32, #tpu.memory_space<vmem_shared>> -> memref<80x128xf32, #tpu.memory_space<vmem_shared>>
      tpu.enqueue_dma source(%arg8 : memref<80x128xf32, #tpu.memory_space<vmem>>) target(%dma_start3A_110 : memref<80x128xf32, #tpu.memory_space<vmem_shared>>) target_semaphore(%run_scoped3A : memref<!tpu.dma_semaphore, #tpu.memory_space<semaphore_mem>>)
      %dma_wait3A = arith.constant 0 : i32
      %dma_wait3A_111 = tpu.memref_slice %arg12[%add3A_27, %dma_wait3A] : memref<10240x128xf32, #tpu.memory_space<vmem_shared>> -> memref<80x128xf32, #tpu.memory_space<vmem_shared>>
      %dma_wait3A_112 = arith.constant 0 : i32
      %dma_wait3A_113 = tpu.memref_slice %arg12[%add3A_27, %dma_wait3A_112] : memref<10240x128xf32, #tpu.memory_space<vmem_shared>> -> memref<80x128xf32, #tpu.memory_space<vmem_shared>>
      tpu.wait_dma2 semaphore(%run_scoped3A : memref<!tpu.dma_semaphore, #tpu.memory_space<semaphore_mem>>) src(%arg8 : memref<80x128xf32, #tpu.memory_space<vmem>>) dst(%dma_wait3A_113 : memref<80x128xf32, #tpu.memory_space<vmem_shared>>)
      tpu.yield
    }) : () -> ()
    %mul3A_28 = arith.constant 640 : i32
    %mul3A_29 = arith.muli %arg1, %mul3A_28 : i32
    %add3A_30 = arith.constant 480 : i32
    %add3A_31 = arith.addi %mul3A_29, %add3A_30 : i32
    "tpu.region"() ({
      %run_scoped3A = tpu.sem_alloc : memref<!tpu.dma_semaphore, #tpu.memory_space<semaphore_mem>>
      %dma_start3A = arith.constant 0 : i32
      %dma_start3A_108 = tpu.memref_slice %arg12[%add3A_31, %dma_start3A] : memref<10240x128xf32, #tpu.memory_space<vmem_shared>> -> memref<80x128xf32, #tpu.memory_space<vmem_shared>>
      %dma_start3A_109 = arith.constant 0 : i32
      %dma_start3A_110 = tpu.memref_slice %arg12[%add3A_31, %dma_start3A_109] : memref<10240x128xf32, #tpu.memory_space<vmem_shared>> -> memref<80x128xf32, #tpu.memory_space<vmem_shared>>
      tpu.enqueue_dma source(%arg8 : memref<80x128xf32, #tpu.memory_space<vmem>>) target(%dma_start3A_110 : memref<80x128xf32, #tpu.memory_space<vmem_shared>>) target_semaphore(%run_scoped3A : memref<!tpu.dma_semaphore, #tpu.memory_space<semaphore_mem>>)
      %dma_wait3A = arith.constant 0 : i32
      %dma_wait3A_111 = tpu.memref_slice %arg12[%add3A_31, %dma_wait3A] : memref<10240x128xf32, #tpu.memory_space<vmem_shared>> -> memref<80x128xf32, #tpu.memory_space<vmem_shared>>
      %dma_wait3A_112 = arith.constant 0 : i32
      %dma_wait3A_113 = tpu.memref_slice %arg12[%add3A_31, %dma_wait3A_112] : memref<10240x128xf32, #tpu.memory_space<vmem_shared>> -> memref<80x128xf32, #tpu.memory_space<vmem_shared>>
      tpu.wait_dma2 semaphore(%run_scoped3A : memref<!tpu.dma_semaphore, #tpu.memory_space<semaphore_mem>>) src(%arg8 : memref<80x128xf32, #tpu.memory_space<vmem>>) dst(%dma_wait3A_113 : memref<80x128xf32, #tpu.memory_space<vmem_shared>>)
      tpu.yield
    }) : () -> ()
    %mul3A_32 = arith.constant 640 : i32
    %mul3A_33 = arith.muli %arg1, %mul3A_32 : i32
    %add3A_34 = arith.constant 560 : i32
    %add3A_35 = arith.addi %mul3A_33, %add3A_34 : i32
    "tpu.region"() ({
      %run_scoped3A = tpu.sem_alloc : memref<!tpu.dma_semaphore, #tpu.memory_space<semaphore_mem>>
      %dma_start3A = arith.constant 0 : i32
      %dma_start3A_108 = tpu.memref_slice %arg12[%add3A_35, %dma_start3A] : memref<10240x128xf32, #tpu.memory_space<vmem_shared>> -> memref<80x128xf32, #tpu.memory_space<vmem_shared>>
      %dma_start3A_109 = arith.constant 0 : i32
      %dma_start3A_110 = tpu.memref_slice %arg12[%add3A_35, %dma_start3A_109] : memref<10240x128xf32, #tpu.memory_space<vmem_shared>> -> memref<80x128xf32, #tpu.memory_space<vmem_shared>>
      tpu.enqueue_dma source(%arg8 : memref<80x128xf32, #tpu.memory_space<vmem>>) target(%dma_start3A_110 : memref<80x128xf32, #tpu.memory_space<vmem_shared>>) target_semaphore(%run_scoped3A : memref<!tpu.dma_semaphore, #tpu.memory_space<semaphore_mem>>)
      %dma_wait3A = arith.constant 0 : i32
      %dma_wait3A_111 = tpu.memref_slice %arg12[%add3A_35, %dma_wait3A] : memref<10240x128xf32, #tpu.memory_space<vmem_shared>> -> memref<80x128xf32, #tpu.memory_space<vmem_shared>>
      %dma_wait3A_112 = arith.constant 0 : i32
      %dma_wait3A_113 = tpu.memref_slice %arg12[%add3A_35, %dma_wait3A_112] : memref<10240x128xf32, #tpu.memory_space<vmem_shared>> -> memref<80x128xf32, #tpu.memory_space<vmem_shared>>
      tpu.wait_dma2 semaphore(%run_scoped3A : memref<!tpu.dma_semaphore, #tpu.memory_space<semaphore_mem>>) src(%arg8 : memref<80x128xf32, #tpu.memory_space<vmem>>) dst(%dma_wait3A_113 : memref<80x128xf32, #tpu.memory_space<vmem_shared>>)
      tpu.yield
    }) : () -> ()
    %barrier3A = arith.constant 0 : index
    tpu.barrier barrier_id(%barrier3A)
    %scan3A_36 = arith.constant 0 : i32
    %scan3A_37 = arith.constant 0 : i32
    %scan3A_38 = arith.constant 5 : i32
    %scan3A_39 = arith.addi %scan3A_37, %scan3A_38 : i32
    %scan3A_40 = arith.constant 1 : i32
    %scan3A_41 = scf.for %scan3A_108 = %scan3A_37 to %scan3A_39 step %scan3A_40 iter_args(%scan3A_109 = %scan3A_36) -> (i32)  : i32 {
      "tpu.region"() ({
        %run_scoped3A = tpu.sem_alloc : memref<!tpu.dma_semaphore, #tpu.memory_space<semaphore_mem>>
        %dma_start3A_1009 = arith.constant 0 : i32
        %dma_start3A_1010 = arith.constant 0 : i32
        %dma_start3A_1011 = tpu.memref_slice %arg3[%arg1, %scan3A_108, %dma_start3A_1009, %dma_start3A_1010] : memref<16x5x25x80xi32, #tpu.memory_space<hbm>> -> memref<1x1x25x80xi32, #tpu.memory_space<hbm>>
        %dma_start3A_1012 = tpu.memref_squeeze %dma_start3A_1011 : memref<1x1x25x80xi32, #tpu.memory_space<hbm>> -> memref<25x80xi32, #tpu.memory_space<hbm>>
        %dma_start3A_1013 = arith.constant 0 : i32
        %dma_start3A_1014 = arith.constant 0 : i32
        %dma_start3A_1015 = tpu.memref_slice %arg3[%arg1, %scan3A_108, %dma_start3A_1013, %dma_start3A_1014] : memref<16x5x25x80xi32, #tpu.memory_space<hbm>> -> memref<1x1x25x80xi32, #tpu.memory_space<hbm>>
        %dma_start3A_1016 = tpu.memref_squeeze %dma_start3A_1015 : memref<1x1x25x80xi32, #tpu.memory_space<hbm>> -> memref<25x80xi32, #tpu.memory_space<hbm>>
        tpu.enqueue_dma source(%dma_start3A_1016 : memref<25x80xi32, #tpu.memory_space<hbm>>) target(%arg6 : memref<25x80xi32, #tpu.memory_space<vmem>>) target_semaphore(%run_scoped3A : memref<!tpu.dma_semaphore, #tpu.memory_space<semaphore_mem>>)
        %dma_wait3A_1017 = arith.constant 0 : i32
        %dma_wait3A_1018 = arith.constant 0 : i32
        %dma_wait3A_1019 = tpu.memref_slice %arg3[%arg1, %scan3A_108, %dma_wait3A_1017, %dma_wait3A_1018] : memref<16x5x25x80xi32, #tpu.memory_space<hbm>> -> memref<1x1x25x80xi32, #tpu.memory_space<hbm>>
        %dma_wait3A_1020 = tpu.memref_squeeze %dma_wait3A_1019 : memref<1x1x25x80xi32, #tpu.memory_space<hbm>> -> memref<25x80xi32, #tpu.memory_space<hbm>>
        %dma_wait3A_1021 = arith.constant 0 : i32
        %dma_wait3A_1022 = arith.constant 0 : i32
        %dma_wait3A_1023 = tpu.memref_slice %arg3[%arg1, %scan3A_108, %dma_wait3A_1021, %dma_wait3A_1022] : memref<16x5x25x80xi32, #tpu.memory_space<hbm>> -> memref<1x1x25x80xi32, #tpu.memory_space<hbm>>
        %dma_wait3A_1024 = tpu.memref_squeeze %dma_wait3A_1023 : memref<1x1x25x80xi32, #tpu.memory_space<hbm>> -> memref<25x80xi32, #tpu.memory_space<hbm>>
        tpu.wait_dma2 semaphore(%run_scoped3A : memref<!tpu.dma_semaphore, #tpu.memory_space<semaphore_mem>>) src(%dma_wait3A_1024 : memref<25x80xi32, #tpu.memory_space<hbm>>) dst(%arg6 : memref<25x80xi32, #tpu.memory_space<vmem>>)
        tpu.yield
      }) : () -> ()
      "tpu.region"() ({
        %run_scoped3A = tpu.sem_alloc : memref<!tpu.dma_semaphore, #tpu.memory_space<semaphore_mem>>
        %dma_start3A_1009 = arith.constant 0 : i32
        %dma_start3A_1010 = arith.constant 0 : i32
        %dma_start3A_1011 = tpu.memref_slice %arg4[%arg1, %scan3A_108, %dma_start3A_1009, %dma_start3A_1010] : memref<16x5x25x80xi32, #tpu.memory_space<hbm>> -> memref<1x1x25x80xi32, #tpu.memory_space<hbm>>
        %dma_start3A_1012 = tpu.memref_squeeze %dma_start3A_1011 : memref<1x1x25x80xi32, #tpu.memory_space<hbm>> -> memref<25x80xi32, #tpu.memory_space<hbm>>
        %dma_start3A_1013 = arith.constant 0 : i32
        %dma_start3A_1014 = arith.constant 0 : i32
        %dma_start3A_1015 = tpu.memref_slice %arg4[%arg1, %scan3A_108, %dma_start3A_1013, %dma_start3A_1014] : memref<16x5x25x80xi32, #tpu.memory_space<hbm>> -> memref<1x1x25x80xi32, #tpu.memory_space<hbm>>
        %dma_start3A_1016 = tpu.memref_squeeze %dma_start3A_1015 : memref<1x1x25x80xi32, #tpu.memory_space<hbm>> -> memref<25x80xi32, #tpu.memory_space<hbm>>
        tpu.enqueue_dma source(%dma_start3A_1016 : memref<25x80xi32, #tpu.memory_space<hbm>>) target(%arg7 : memref<25x80xi32, #tpu.memory_space<vmem>>) target_semaphore(%run_scoped3A : memref<!tpu.dma_semaphore, #tpu.memory_space<semaphore_mem>>)
        %dma_wait3A_1017 = arith.constant 0 : i32
        %dma_wait3A_1018 = arith.constant 0 : i32
        %dma_wait3A_1019 = tpu.memref_slice %arg4[%arg1, %scan3A_108, %dma_wait3A_1017, %dma_wait3A_1018] : memref<16x5x25x80xi32, #tpu.memory_space<hbm>> -> memref<1x1x25x80xi32, #tpu.memory_space<hbm>>
        %dma_wait3A_1020 = tpu.memref_squeeze %dma_wait3A_1019 : memref<1x1x25x80xi32, #tpu.memory_space<hbm>> -> memref<25x80xi32, #tpu.memory_space<hbm>>
        %dma_wait3A_1021 = arith.constant 0 : i32
        %dma_wait3A_1022 = arith.constant 0 : i32
        %dma_wait3A_1023 = tpu.memref_slice %arg4[%arg1, %scan3A_108, %dma_wait3A_1021, %dma_wait3A_1022] : memref<16x5x25x80xi32, #tpu.memory_space<hbm>> -> memref<1x1x25x80xi32, #tpu.memory_space<hbm>>
        %dma_wait3A_1024 = tpu.memref_squeeze %dma_wait3A_1023 : memref<1x1x25x80xi32, #tpu.memory_space<hbm>> -> memref<25x80xi32, #tpu.memory_space<hbm>>
        tpu.wait_dma2 semaphore(%run_scoped3A : memref<!tpu.dma_semaphore, #tpu.memory_space<semaphore_mem>>) src(%dma_wait3A_1024 : memref<25x80xi32, #tpu.memory_space<hbm>>) dst(%arg7 : memref<25x80xi32, #tpu.memory_space<vmem>>)
        tpu.yield
      }) : () -> ()
      %dma_start3A = arith.constant 0 : i32
      %dma_start3A_110 = arith.constant 0 : i32
      %dma_start3A_111 = tpu.memref_slice %arg6[%dma_start3A, %dma_start3A_110] : memref<25x80xi32, #tpu.memory_space<vmem>> -> memref<1x80xi32, #tpu.memory_space<vmem>>
      %dma_start3A_112 = tpu.memref_squeeze %dma_start3A_111 : memref<1x80xi32, #tpu.memory_space<vmem>> -> memref<80xi32, #tpu.memory_space<vmem>>
      %dma_start3A_113 = arith.constant 0 : i32
      %dma_start3A_114 = arith.constant 0 : i32
      %dma_start3A_115 = tpu.memref_slice %arg2[%arg0, %dma_start3A_113, %dma_start3A_114] : memref<2x10240x128xf32, #tpu.memory_space<hbm>> -> memref<1x10240x128xf32, #tpu.memory_space<hbm>>
      %dma_start3A_116 = tpu.memref_squeeze %dma_start3A_115 : memref<1x10240x128xf32, #tpu.memory_space<hbm>> -> memref<10240x128xf32, #tpu.memory_space<hbm>>
      %dma_start3A_117 = arith.constant 0 : i32
      %dma_start3A_118 = arith.constant 0 : i32
      %dma_start3A_119 = tpu.memref_slice %dma_start3A_116[%dma_start3A_117, %dma_start3A_118] : memref<10240x128xf32, #tpu.memory_space<hbm>> -> memref<10240x128xf32, #tpu.memory_space<hbm>>
      tpu.enqueue_indirect_dma source(%dma_start3A_119 : memref<10240x128xf32, #tpu.memory_space<hbm>>) target(%arg8 : memref<80x128xf32, #tpu.memory_space<vmem>>) offsets(%dma_start3A_112 : memref<80xi32, #tpu.memory_space<vmem>>) semaphore(%arg13 : memref<!tpu.dma_semaphore, #tpu.memory_space<semaphore_mem>>)
      %dma_start3A_120 = arith.constant 1 : i32
      %dma_start3A_121 = arith.constant 0 : i32
      %dma_start3A_122 = tpu.memref_slice %arg6[%dma_start3A_120, %dma_start3A_121] : memref<25x80xi32, #tpu.memory_space<vmem>> -> memref<1x80xi32, #tpu.memory_space<vmem>>
      %dma_start3A_123 = tpu.memref_squeeze %dma_start3A_122 : memref<1x80xi32, #tpu.memory_space<vmem>> -> memref<80xi32, #tpu.memory_space<vmem>>
      %dma_start3A_124 = arith.constant 0 : i32
      %dma_start3A_125 = arith.constant 0 : i32
      %dma_start3A_126 = tpu.memref_slice %arg2[%arg0, %dma_start3A_124, %dma_start3A_125] : memref<2x10240x128xf32, #tpu.memory_space<hbm>> -> memref<1x10240x128xf32, #tpu.memory_space<hbm>>
      %dma_start3A_127 = tpu.memref_squeeze %dma_start3A_126 : memref<1x10240x128xf32, #tpu.memory_space<hbm>> -> memref<10240x128xf32, #tpu.memory_space<hbm>>
      %dma_start3A_128 = arith.constant 0 : i32
      %dma_start3A_129 = arith.constant 0 : i32
      %dma_start3A_130 = tpu.memref_slice %dma_start3A_127[%dma_start3A_128, %dma_start3A_129] : memref<10240x128xf32, #tpu.memory_space<hbm>> -> memref<10240x128xf32, #tpu.memory_space<hbm>>
      tpu.enqueue_indirect_dma source(%dma_start3A_130 : memref<10240x128xf32, #tpu.memory_space<hbm>>) target(%arg9 : memref<80x128xf32, #tpu.memory_space<vmem>>) offsets(%dma_start3A_123 : memref<80xi32, #tpu.memory_space<vmem>>) semaphore(%arg14 : memref<!tpu.dma_semaphore, #tpu.memory_space<semaphore_mem>>)
      %dma_wait3A = arith.constant 0 : i32
      %dma_wait3A_131 = arith.constant 0 : i32
      %dma_wait3A_132 = tpu.memref_slice %arg6[%dma_wait3A, %dma_wait3A_131] : memref<25x80xi32, #tpu.memory_space<vmem>> -> memref<1x80xi32, #tpu.memory_space<vmem>>
      %dma_wait3A_133 = tpu.memref_squeeze %dma_wait3A_132 : memref<1x80xi32, #tpu.memory_space<vmem>> -> memref<80xi32, #tpu.memory_space<vmem>>
      %dma_wait3A_134 = arith.constant 0 : i32
      %dma_wait3A_135 = arith.constant 0 : i32
      %dma_wait3A_136 = tpu.memref_slice %arg2[%arg0, %dma_wait3A_134, %dma_wait3A_135] : memref<2x10240x128xf32, #tpu.memory_space<hbm>> -> memref<1x10240x128xf32, #tpu.memory_space<hbm>>
      %dma_wait3A_137 = tpu.memref_squeeze %dma_wait3A_136 : memref<1x10240x128xf32, #tpu.memory_space<hbm>> -> memref<10240x128xf32, #tpu.memory_space<hbm>>
      %dma_wait3A_138 = arith.constant 0 : i32
      %dma_wait3A_139 = arith.constant 0 : i32
      %dma_wait3A_140 = tpu.memref_slice %dma_wait3A_137[%dma_wait3A_138, %dma_wait3A_139] : memref<10240x128xf32, #tpu.memory_space<hbm>> -> memref<10240x128xf32, #tpu.memory_space<hbm>>
      tpu.wait_indirect_dma semaphore(%arg13 : memref<!tpu.dma_semaphore, #tpu.memory_space<semaphore_mem>>) src(%dma_wait3A_140 : memref<10240x128xf32, #tpu.memory_space<hbm>>) dst(%arg8 : memref<80x128xf32, #tpu.memory_space<vmem>>)
      %dma_start3A_141 = arith.constant 0 : i32
      %dma_start3A_142 = arith.constant 0 : i32
      %dma_start3A_143 = tpu.memref_slice %arg7[%dma_start3A_141, %dma_start3A_142] : memref<25x80xi32, #tpu.memory_space<vmem>> -> memref<1x80xi32, #tpu.memory_space<vmem>>
      %dma_start3A_144 = tpu.memref_squeeze %dma_start3A_143 : memref<1x80xi32, #tpu.memory_space<vmem>> -> memref<80xi32, #tpu.memory_space<vmem>>
      %dma_start3A_145 = arith.constant 0 : i32
      %dma_start3A_146 = arith.constant 0 : i32
      %dma_start3A_147 = tpu.memref_slice %arg12[%dma_start3A_145, %dma_start3A_146] : memref<10240x128xf32, #tpu.memory_space<vmem_shared>> -> memref<10240x128xf32, #tpu.memory_space<vmem_shared>>
      tpu.enqueue_indirect_dma source(%arg8 : memref<80x128xf32, #tpu.memory_space<vmem>>) target(%dma_start3A_147 : memref<10240x128xf32, #tpu.memory_space<vmem_shared>>) offsets(%dma_start3A_144 : memref<80xi32, #tpu.memory_space<vmem>>) semaphore(%arg17 : memref<!tpu.dma_semaphore, #tpu.memory_space<semaphore_mem>>) {add = true}
      %dma_start3A_148 = arith.constant 2 : i32
      %dma_start3A_149 = arith.constant 0 : i32
      %dma_start3A_150 = tpu.memref_slice %arg6[%dma_start3A_148, %dma_start3A_149] : memref<25x80xi32, #tpu.memory_space<vmem>> -> memref<1x80xi32, #tpu.memory_space<vmem>>
      %dma_start3A_151 = tpu.memref_squeeze %dma_start3A_150 : memref<1x80xi32, #tpu.memory_space<vmem>> -> memref<80xi32, #tpu.memory_space<vmem>>
      %dma_start3A_152 = arith.constant 0 : i32
      %dma_start3A_153 = arith.constant 0 : i32
      %dma_start3A_154 = tpu.memref_slice %arg2[%arg0, %dma_start3A_152, %dma_start3A_153] : memref<2x10240x128xf32, #tpu.memory_space<hbm>> -> memref<1x10240x128xf32, #tpu.memory_space<hbm>>
      %dma_start3A_155 = tpu.memref_squeeze %dma_start3A_154 : memref<1x10240x128xf32, #tpu.memory_space<hbm>> -> memref<10240x128xf32, #tpu.memory_space<hbm>>
      %dma_start3A_156 = arith.constant 0 : i32
      %dma_start3A_157 = arith.constant 0 : i32
      %dma_start3A_158 = tpu.memref_slice %dma_start3A_155[%dma_start3A_156, %dma_start3A_157] : memref<10240x128xf32, #tpu.memory_space<hbm>> -> memref<10240x128xf32, #tpu.memory_space<hbm>>
      tpu.enqueue_indirect_dma source(%dma_start3A_158 : memref<10240x128xf32, #tpu.memory_space<hbm>>) target(%arg10 : memref<80x128xf32, #tpu.memory_space<vmem>>) offsets(%dma_start3A_151 : memref<80xi32, #tpu.memory_space<vmem>>) semaphore(%arg15 : memref<!tpu.dma_semaphore, #tpu.memory_space<semaphore_mem>>)
      %dma_wait3A_159 = arith.constant 1 : i32
      %dma_wait3A_160 = arith.constant 0 : i32
      %dma_wait3A_161 = tpu.memref_slice %arg6[%dma_wait3A_159, %dma_wait3A_160] : memref<25x80xi32, #tpu.memory_space<vmem>> -> memref<1x80xi32, #tpu.memory_space<vmem>>
      %dma_wait3A_162 = tpu.memref_squeeze %dma_wait3A_161 : memref<1x80xi32, #tpu.memory_space<vmem>> -> memref<80xi32, #tpu.memory_space<vmem>>
      %dma_wait3A_163 = arith.constant 0 : i32
      %dma_wait3A_164 = arith.constant 0 : i32
      %dma_wait3A_165 = tpu.memref_slice %arg2[%arg0, %dma_wait3A_163, %dma_wait3A_164] : memref<2x10240x128xf32, #tpu.memory_space<hbm>> -> memref<1x10240x128xf32, #tpu.memory_space<hbm>>
      %dma_wait3A_166 = tpu.memref_squeeze %dma_wait3A_165 : memref<1x10240x128xf32, #tpu.memory_space<hbm>> -> memref<10240x128xf32, #tpu.memory_space<hbm>>
      %dma_wait3A_167 = arith.constant 0 : i32
      %dma_wait3A_168 = arith.constant 0 : i32
      %dma_wait3A_169 = tpu.memref_slice %dma_wait3A_166[%dma_wait3A_167, %dma_wait3A_168] : memref<10240x128xf32, #tpu.memory_space<hbm>> -> memref<10240x128xf32, #tpu.memory_space<hbm>>
      tpu.wait_indirect_dma semaphore(%arg14 : memref<!tpu.dma_semaphore, #tpu.memory_space<semaphore_mem>>) src(%dma_wait3A_169 : memref<10240x128xf32, #tpu.memory_space<hbm>>) dst(%arg9 : memref<80x128xf32, #tpu.memory_space<vmem>>)
      %dma_start3A_170 = arith.constant 1 : i32
      %dma_start3A_171 = arith.constant 0 : i32
      %dma_start3A_172 = tpu.memref_slice %arg7[%dma_start3A_170, %dma_start3A_171] : memref<25x80xi32, #tpu.memory_space<vmem>> -> memref<1x80xi32, #tpu.memory_space<vmem>>
      %dma_start3A_173 = tpu.memref_squeeze %dma_start3A_172 : memref<1x80xi32, #tpu.memory_space<vmem>> -> memref<80xi32, #tpu.memory_space<vmem>>
      %dma_start3A_174 = arith.constant 0 : i32
      %dma_start3A_175 = arith.constant 0 : i32
      %dma_start3A_176 = tpu.memref_slice %arg12[%dma_start3A_174, %dma_start3A_175] : memref<10240x128xf32, #tpu.memory_space<vmem_shared>> -> memref<10240x128xf32, #tpu.memory_space<vmem_shared>>
      tpu.enqueue_indirect_dma source(%arg9 : memref<80x128xf32, #tpu.memory_space<vmem>>) target(%dma_start3A_176 : memref<10240x128xf32, #tpu.memory_space<vmem_shared>>) offsets(%dma_start3A_173 : memref<80xi32, #tpu.memory_space<vmem>>) semaphore(%arg18 : memref<!tpu.dma_semaphore, #tpu.memory_space<semaphore_mem>>) {add = true}
      %dma_start3A_177 = arith.constant 3 : i32
      %dma_start3A_178 = arith.constant 0 : i32
      %dma_start3A_179 = tpu.memref_slice %arg6[%dma_start3A_177, %dma_start3A_178] : memref<25x80xi32, #tpu.memory_space<vmem>> -> memref<1x80xi32, #tpu.memory_space<vmem>>
      %dma_start3A_180 = tpu.memref_squeeze %dma_start3A_179 : memref<1x80xi32, #tpu.memory_space<vmem>> -> memref<80xi32, #tpu.memory_space<vmem>>
      %dma_start3A_181 = arith.constant 0 : i32
      %dma_start3A_182 = arith.constant 0 : i32
      %dma_start3A_183 = tpu.memref_slice %arg2[%arg0, %dma_start3A_181, %dma_start3A_182] : memref<2x10240x128xf32, #tpu.memory_space<hbm>> -> memref<1x10240x128xf32, #tpu.memory_space<hbm>>
      %dma_start3A_184 = tpu.memref_squeeze %dma_start3A_183 : memref<1x10240x128xf32, #tpu.memory_space<hbm>> -> memref<10240x128xf32, #tpu.memory_space<hbm>>
      %dma_start3A_185 = arith.constant 0 : i32
      %dma_start3A_186 = arith.constant 0 : i32
      %dma_start3A_187 = tpu.memref_slice %dma_start3A_184[%dma_start3A_185, %dma_start3A_186] : memref<10240x128xf32, #tpu.memory_space<hbm>> -> memref<10240x128xf32, #tpu.memory_space<hbm>>
      tpu.enqueue_indirect_dma source(%dma_start3A_187 : memref<10240x128xf32, #tpu.memory_space<hbm>>) target(%arg11 : memref<80x128xf32, #tpu.memory_space<vmem>>) offsets(%dma_start3A_180 : memref<80xi32, #tpu.memory_space<vmem>>) semaphore(%arg16 : memref<!tpu.dma_semaphore, #tpu.memory_space<semaphore_mem>>)
      %dma_wait3A_188 = arith.constant 2 : i32
      %dma_wait3A_189 = arith.constant 0 : i32
      %dma_wait3A_190 = tpu.memref_slice %arg6[%dma_wait3A_188, %dma_wait3A_189] : memref<25x80xi32, #tpu.memory_space<vmem>> -> memref<1x80xi32, #tpu.memory_space<vmem>>
      %dma_wait3A_191 = tpu.memref_squeeze %dma_wait3A_190 : memref<1x80xi32, #tpu.memory_space<vmem>> -> memref<80xi32, #tpu.memory_space<vmem>>
      %dma_wait3A_192 = arith.constant 0 : i32
      %dma_wait3A_193 = arith.constant 0 : i32
      %dma_wait3A_194 = tpu.memref_slice %arg2[%arg0, %dma_wait3A_192, %dma_wait3A_193] : memref<2x10240x128xf32, #tpu.memory_space<hbm>> -> memref<1x10240x128xf32, #tpu.memory_space<hbm>>
      %dma_wait3A_195 = tpu.memref_squeeze %dma_wait3A_194 : memref<1x10240x128xf32, #tpu.memory_space<hbm>> -> memref<10240x128xf32, #tpu.memory_space<hbm>>
      %dma_wait3A_196 = arith.constant 0 : i32
      %dma_wait3A_197 = arith.constant 0 : i32
      %dma_wait3A_198 = tpu.memref_slice %dma_wait3A_195[%dma_wait3A_196, %dma_wait3A_197] : memref<10240x128xf32, #tpu.memory_space<hbm>> -> memref<10240x128xf32, #tpu.memory_space<hbm>>
      tpu.wait_indirect_dma semaphore(%arg15 : memref<!tpu.dma_semaphore, #tpu.memory_space<semaphore_mem>>) src(%dma_wait3A_198 : memref<10240x128xf32, #tpu.memory_space<hbm>>) dst(%arg10 : memref<80x128xf32, #tpu.memory_space<vmem>>)
      %dma_start3A_199 = arith.constant 2 : i32
      %dma_start3A_200 = arith.constant 0 : i32
      %dma_start3A_201 = tpu.memref_slice %arg7[%dma_start3A_199, %dma_start3A_200] : memref<25x80xi32, #tpu.memory_space<vmem>> -> memref<1x80xi32, #tpu.memory_space<vmem>>
      %dma_start3A_202 = tpu.memref_squeeze %dma_start3A_201 : memref<1x80xi32, #tpu.memory_space<vmem>> -> memref<80xi32, #tpu.memory_space<vmem>>
      %dma_start3A_203 = arith.constant 0 : i32
      %dma_start3A_204 = arith.constant 0 : i32
      %dma_start3A_205 = tpu.memref_slice %arg12[%dma_start3A_203, %dma_start3A_204] : memref<10240x128xf32, #tpu.memory_space<vmem_shared>> -> memref<10240x128xf32, #tpu.memory_space<vmem_shared>>
      tpu.enqueue_indirect_dma source(%arg10 : memref<80x128xf32, #tpu.memory_space<vmem>>) target(%dma_start3A_205 : memref<10240x128xf32, #tpu.memory_space<vmem_shared>>) offsets(%dma_start3A_202 : memref<80xi32, #tpu.memory_space<vmem>>) semaphore(%arg19 : memref<!tpu.dma_semaphore, #tpu.memory_space<semaphore_mem>>) {add = true}
      %dma_wait3A_206 = arith.constant 0 : i32
      %dma_wait3A_207 = arith.constant 0 : i32
      %dma_wait3A_208 = tpu.memref_slice %arg7[%dma_wait3A_206, %dma_wait3A_207] : memref<25x80xi32, #tpu.memory_space<vmem>> -> memref<1x80xi32, #tpu.memory_space<vmem>>
      %dma_wait3A_209 = tpu.memref_squeeze %dma_wait3A_208 : memref<1x80xi32, #tpu.memory_space<vmem>> -> memref<80xi32, #tpu.memory_space<vmem>>
      %dma_wait3A_210 = arith.constant 0 : i32
      %dma_wait3A_211 = arith.constant 0 : i32
      %dma_wait3A_212 = tpu.memref_slice %arg12[%dma_wait3A_210, %dma_wait3A_211] : memref<10240x128xf32, #tpu.memory_space<vmem_shared>> -> memref<10240x128xf32, #tpu.memory_space<vmem_shared>>
      tpu.wait_indirect_dma semaphore(%arg17 : memref<!tpu.dma_semaphore, #tpu.memory_space<semaphore_mem>>) src(%arg8 : memref<80x128xf32, #tpu.memory_space<vmem>>) dst(%dma_wait3A_212 : memref<10240x128xf32, #tpu.memory_space<vmem_shared>>)
      %dma_start3A_213 = arith.constant 4 : i32
      %dma_start3A_214 = arith.constant 0 : i32
      %dma_start3A_215 = tpu.memref_slice %arg6[%dma_start3A_213, %dma_start3A_214] : memref<25x80xi32, #tpu.memory_space<vmem>> -> memref<1x80xi32, #tpu.memory_space<vmem>>
      %dma_start3A_216 = tpu.memref_squeeze %dma_start3A_215 : memref<1x80xi32, #tpu.memory_space<vmem>> -> memref<80xi32, #tpu.memory_space<vmem>>
      %dma_start3A_217 = arith.constant 0 : i32
      %dma_start3A_218 = arith.constant 0 : i32
      %dma_start3A_219 = tpu.memref_slice %arg2[%arg0, %dma_start3A_217, %dma_start3A_218] : memref<2x10240x128xf32, #tpu.memory_space<hbm>> -> memref<1x10240x128xf32, #tpu.memory_space<hbm>>
      %dma_start3A_220 = tpu.memref_squeeze %dma_start3A_219 : memref<1x10240x128xf32, #tpu.memory_space<hbm>> -> memref<10240x128xf32, #tpu.memory_space<hbm>>
      %dma_start3A_221 = arith.constant 0 : i32
      %dma_start3A_222 = arith.constant 0 : i32
      %dma_start3A_223 = tpu.memref_slice %dma_start3A_220[%dma_start3A_221, %dma_start3A_222] : memref<10240x128xf32, #tpu.memory_space<hbm>> -> memref<10240x128xf32, #tpu.memory_space<hbm>>
      tpu.enqueue_indirect_dma source(%dma_start3A_223 : memref<10240x128xf32, #tpu.memory_space<hbm>>) target(%arg8 : memref<80x128xf32, #tpu.memory_space<vmem>>) offsets(%dma_start3A_216 : memref<80xi32, #tpu.memory_space<vmem>>) semaphore(%arg13 : memref<!tpu.dma_semaphore, #tpu.memory_space<semaphore_mem>>)
      %dma_wait3A_224 = arith.constant 3 : i32
      %dma_wait3A_225 = arith.constant 0 : i32
      %dma_wait3A_226 = tpu.memref_slice %arg6[%dma_wait3A_224, %dma_wait3A_225] : memref<25x80xi32, #tpu.memory_space<vmem>> -> memref<1x80xi32, #tpu.memory_space<vmem>>
      %dma_wait3A_227 = tpu.memref_squeeze %dma_wait3A_226 : memref<1x80xi32, #tpu.memory_space<vmem>> -> memref<80xi32, #tpu.memory_space<vmem>>
      %dma_wait3A_228 = arith.constant 0 : i32
      %dma_wait3A_229 = arith.constant 0 : i32
      %dma_wait3A_230 = tpu.memref_slice %arg2[%arg0, %dma_wait3A_228, %dma_wait3A_229] : memref<2x10240x128xf32, #tpu.memory_space<hbm>> -> memref<1x10240x128xf32, #tpu.memory_space<hbm>>
      %dma_wait3A_231 = tpu.memref_squeeze %dma_wait3A_230 : memref<1x10240x128xf32, #tpu.memory_space<hbm>> -> memref<10240x128xf32, #tpu.memory_space<hbm>>
      %dma_wait3A_232 = arith.constant 0 : i32
      %dma_wait3A_233 = arith.constant 0 : i32
      %dma_wait3A_234 = tpu.memref_slice %dma_wait3A_231[%dma_wait3A_232, %dma_wait3A_233] : memref<10240x128xf32, #tpu.memory_space<hbm>> -> memref<10240x128xf32, #tpu.memory_space<hbm>>
      tpu.wait_indirect_dma semaphore(%arg16 : memref<!tpu.dma_semaphore, #tpu.memory_space<semaphore_mem>>) src(%dma_wait3A_234 : memref<10240x128xf32, #tpu.memory_space<hbm>>) dst(%arg11 : memref<80x128xf32, #tpu.memory_space<vmem>>)
      %dma_start3A_235 = arith.constant 3 : i32
      %dma_start3A_236 = arith.constant 0 : i32
      %dma_start3A_237 = tpu.memref_slice %arg7[%dma_start3A_235, %dma_start3A_236] : memref<25x80xi32, #tpu.memory_space<vmem>> -> memref<1x80xi32, #tpu.memory_space<vmem>>
      %dma_start3A_238 = tpu.memref_squeeze %dma_start3A_237 : memref<1x80xi32, #tpu.memory_space<vmem>> -> memref<80xi32, #tpu.memory_space<vmem>>
      %dma_start3A_239 = arith.constant 0 : i32
      %dma_start3A_240 = arith.constant 0 : i32
      %dma_start3A_241 = tpu.memref_slice %arg12[%dma_start3A_239, %dma_start3A_240] : memref<10240x128xf32, #tpu.memory_space<vmem_shared>> -> memref<10240x128xf32, #tpu.memory_space<vmem_shared>>
      tpu.enqueue_indirect_dma source(%arg11 : memref<80x128xf32, #tpu.memory_space<vmem>>) target(%dma_start3A_241 : memref<10240x128xf32, #tpu.memory_space<vmem_shared>>) offsets(%dma_start3A_238 : memref<80xi32, #tpu.memory_space<vmem>>) semaphore(%arg20 : memref<!tpu.dma_semaphore, #tpu.memory_space<semaphore_mem>>) {add = true}
      %dma_wait3A_242 = arith.constant 1 : i32
      %dma_wait3A_243 = arith.constant 0 : i32
      %dma_wait3A_244 = tpu.memref_slice %arg7[%dma_wait3A_242, %dma_wait3A_243] : memref<25x80xi32, #tpu.memory_space<vmem>> -> memref<1x80xi32, #tpu.memory_space<vmem>>
      %dma_wait3A_245 = tpu.memref_squeeze %dma_wait3A_244 : memref<1x80xi32, #tpu.memory_space<vmem>> -> memref<80xi32, #tpu.memory_space<vmem>>
      %dma_wait3A_246 = arith.constant 0 : i32
      %dma_wait3A_247 = arith.constant 0 : i32
      %dma_wait3A_248 = tpu.memref_slice %arg12[%dma_wait3A_246, %dma_wait3A_247] : memref<10240x128xf32, #tpu.memory_space<vmem_shared>> -> memref<10240x128xf32, #tpu.memory_space<vmem_shared>>
      tpu.wait_indirect_dma semaphore(%arg18 : memref<!tpu.dma_semaphore, #tpu.memory_space<semaphore_mem>>) src(%arg9 : memref<80x128xf32, #tpu.memory_space<vmem>>) dst(%dma_wait3A_248 : memref<10240x128xf32, #tpu.memory_space<vmem_shared>>)
      %dma_start3A_249 = arith.constant 5 : i32
      %dma_start3A_250 = arith.constant 0 : i32
      %dma_start3A_251 = tpu.memref_slice %arg6[%dma_start3A_249, %dma_start3A_250] : memref<25x80xi32, #tpu.memory_space<vmem>> -> memref<1x80xi32, #tpu.memory_space<vmem>>
      %dma_start3A_252 = tpu.memref_squeeze %dma_start3A_251 : memref<1x80xi32, #tpu.memory_space<vmem>> -> memref<80xi32, #tpu.memory_space<vmem>>
      %dma_start3A_253 = arith.constant 0 : i32
      %dma_start3A_254 = arith.constant 0 : i32
      %dma_start3A_255 = tpu.memref_slice %arg2[%arg0, %dma_start3A_253, %dma_start3A_254] : memref<2x10240x128xf32, #tpu.memory_space<hbm>> -> memref<1x10240x128xf32, #tpu.memory_space<hbm>>
      %dma_start3A_256 = tpu.memref_squeeze %dma_start3A_255 : memref<1x10240x128xf32, #tpu.memory_space<hbm>> -> memref<10240x128xf32, #tpu.memory_space<hbm>>
      %dma_start3A_257 = arith.constant 0 : i32
      %dma_start3A_258 = arith.constant 0 : i32
      %dma_start3A_259 = tpu.memref_slice %dma_start3A_256[%dma_start3A_257, %dma_start3A_258] : memref<10240x128xf32, #tpu.memory_space<hbm>> -> memref<10240x128xf32, #tpu.memory_space<hbm>>
      tpu.enqueue_indirect_dma source(%dma_start3A_259 : memref<10240x128xf32, #tpu.memory_space<hbm>>) target(%arg9 : memref<80x128xf32, #tpu.memory_space<vmem>>) offsets(%dma_start3A_252 : memref<80xi32, #tpu.memory_space<vmem>>) semaphore(%arg14 : memref<!tpu.dma_semaphore, #tpu.memory_space<semaphore_mem>>)
      %dma_wait3A_260 = arith.constant 4 : i32
      %dma_wait3A_261 = arith.constant 0 : i32
      %dma_wait3A_262 = tpu.memref_slice %arg6[%dma_wait3A_260, %dma_wait3A_261] : memref<25x80xi32, #tpu.memory_space<vmem>> -> memref<1x80xi32, #tpu.memory_space<vmem>>
      %dma_wait3A_263 = tpu.memref_squeeze %dma_wait3A_262 : memref<1x80xi32, #tpu.memory_space<vmem>> -> memref<80xi32, #tpu.memory_space<vmem>>
      %dma_wait3A_264 = arith.constant 0 : i32
      %dma_wait3A_265 = arith.constant 0 : i32
      %dma_wait3A_266 = tpu.memref_slice %arg2[%arg0, %dma_wait3A_264, %dma_wait3A_265] : memref<2x10240x128xf32, #tpu.memory_space<hbm>> -> memref<1x10240x128xf32, #tpu.memory_space<hbm>>
      %dma_wait3A_267 = tpu.memref_squeeze %dma_wait3A_266 : memref<1x10240x128xf32, #tpu.memory_space<hbm>> -> memref<10240x128xf32, #tpu.memory_space<hbm>>
      %dma_wait3A_268 = arith.constant 0 : i32
      %dma_wait3A_269 = arith.constant 0 : i32
      %dma_wait3A_270 = tpu.memref_slice %dma_wait3A_267[%dma_wait3A_268, %dma_wait3A_269] : memref<10240x128xf32, #tpu.memory_space<hbm>> -> memref<10240x128xf32, #tpu.memory_space<hbm>>
      tpu.wait_indirect_dma semaphore(%arg13 : memref<!tpu.dma_semaphore, #tpu.memory_space<semaphore_mem>>) src(%dma_wait3A_270 : memref<10240x128xf32, #tpu.memory_space<hbm>>) dst(%arg8 : memref<80x128xf32, #tpu.memory_space<vmem>>)
      %dma_start3A_271 = arith.constant 4 : i32
      %dma_start3A_272 = arith.constant 0 : i32
      %dma_start3A_273 = tpu.memref_slice %arg7[%dma_start3A_271, %dma_start3A_272] : memref<25x80xi32, #tpu.memory_space<vmem>> -> memref<1x80xi32, #tpu.memory_space<vmem>>
      %dma_start3A_274 = tpu.memref_squeeze %dma_start3A_273 : memref<1x80xi32, #tpu.memory_space<vmem>> -> memref<80xi32, #tpu.memory_space<vmem>>
      %dma_start3A_275 = arith.constant 0 : i32
      %dma_start3A_276 = arith.constant 0 : i32
      %dma_start3A_277 = tpu.memref_slice %arg12[%dma_start3A_275, %dma_start3A_276] : memref<10240x128xf32, #tpu.memory_space<vmem_shared>> -> memref<10240x128xf32, #tpu.memory_space<vmem_shared>>
      tpu.enqueue_indirect_dma source(%arg8 : memref<80x128xf32, #tpu.memory_space<vmem>>) target(%dma_start3A_277 : memref<10240x128xf32, #tpu.memory_space<vmem_shared>>) offsets(%dma_start3A_274 : memref<80xi32, #tpu.memory_space<vmem>>) semaphore(%arg17 : memref<!tpu.dma_semaphore, #tpu.memory_space<semaphore_mem>>) {add = true}
      %dma_wait3A_278 = arith.constant 2 : i32
      %dma_wait3A_279 = arith.constant 0 : i32
      %dma_wait3A_280 = tpu.memref_slice %arg7[%dma_wait3A_278, %dma_wait3A_279] : memref<25x80xi32, #tpu.memory_space<vmem>> -> memref<1x80xi32, #tpu.memory_space<vmem>>
      %dma_wait3A_281 = tpu.memref_squeeze %dma_wait3A_280 : memref<1x80xi32, #tpu.memory_space<vmem>> -> memref<80xi32, #tpu.memory_space<vmem>>
      %dma_wait3A_282 = arith.constant 0 : i32
      %dma_wait3A_283 = arith.constant 0 : i32
      %dma_wait3A_284 = tpu.memref_slice %arg12[%dma_wait3A_282, %dma_wait3A_283] : memref<10240x128xf32, #tpu.memory_space<vmem_shared>> -> memref<10240x128xf32, #tpu.memory_space<vmem_shared>>
      tpu.wait_indirect_dma semaphore(%arg19 : memref<!tpu.dma_semaphore, #tpu.memory_space<semaphore_mem>>) src(%arg10 : memref<80x128xf32, #tpu.memory_space<vmem>>) dst(%dma_wait3A_284 : memref<10240x128xf32, #tpu.memory_space<vmem_shared>>)
      %dma_start3A_285 = arith.constant 6 : i32
      %dma_start3A_286 = arith.constant 0 : i32
      %dma_start3A_287 = tpu.memref_slice %arg6[%dma_start3A_285, %dma_start3A_286] : memref<25x80xi32, #tpu.memory_space<vmem>> -> memref<1x80xi32, #tpu.memory_space<vmem>>
      %dma_start3A_288 = tpu.memref_squeeze %dma_start3A_287 : memref<1x80xi32, #tpu.memory_space<vmem>> -> memref<80xi32, #tpu.memory_space<vmem>>
      %dma_start3A_289 = arith.constant 0 : i32
      %dma_start3A_290 = arith.constant 0 : i32
      %dma_start3A_291 = tpu.memref_slice %arg2[%arg0, %dma_start3A_289, %dma_start3A_290] : memref<2x10240x128xf32, #tpu.memory_space<hbm>> -> memref<1x10240x128xf32, #tpu.memory_space<hbm>>
      %dma_start3A_292 = tpu.memref_squeeze %dma_start3A_291 : memref<1x10240x128xf32, #tpu.memory_space<hbm>> -> memref<10240x128xf32, #tpu.memory_space<hbm>>
      %dma_start3A_293 = arith.constant 0 : i32
      %dma_start3A_294 = arith.constant 0 : i32
      %dma_start3A_295 = tpu.memref_slice %dma_start3A_292[%dma_start3A_293, %dma_start3A_294] : memref<10240x128xf32, #tpu.memory_space<hbm>> -> memref<10240x128xf32, #tpu.memory_space<hbm>>
      tpu.enqueue_indirect_dma source(%dma_start3A_295 : memref<10240x128xf32, #tpu.memory_space<hbm>>) target(%arg10 : memref<80x128xf32, #tpu.memory_space<vmem>>) offsets(%dma_start3A_288 : memref<80xi32, #tpu.memory_space<vmem>>) semaphore(%arg15 : memref<!tpu.dma_semaphore, #tpu.memory_space<semaphore_mem>>)
      %dma_wait3A_296 = arith.constant 5 : i32
      %dma_wait3A_297 = arith.constant 0 : i32
      %dma_wait3A_298 = tpu.memref_slice %arg6[%dma_wait3A_296, %dma_wait3A_297] : memref<25x80xi32, #tpu.memory_space<vmem>> -> memref<1x80xi32, #tpu.memory_space<vmem>>
      %dma_wait3A_299 = tpu.memref_squeeze %dma_wait3A_298 : memref<1x80xi32, #tpu.memory_space<vmem>> -> memref<80xi32, #tpu.memory_space<vmem>>
      %dma_wait3A_300 = arith.constant 0 : i32
      %dma_wait3A_301 = arith.constant 0 : i32
      %dma_wait3A_302 = tpu.memref_slice %arg2[%arg0, %dma_wait3A_300, %dma_wait3A_301] : memref<2x10240x128xf32, #tpu.memory_space<hbm>> -> memref<1x10240x128xf32, #tpu.memory_space<hbm>>
      %dma_wait3A_303 = tpu.memref_squeeze %dma_wait3A_302 : memref<1x10240x128xf32, #tpu.memory_space<hbm>> -> memref<10240x128xf32, #tpu.memory_space<hbm>>
      %dma_wait3A_304 = arith.constant 0 : i32
      %dma_wait3A_305 = arith.constant 0 : i32
      %dma_wait3A_306 = tpu.memref_slice %dma_wait3A_303[%dma_wait3A_304, %dma_wait3A_305] : memref<10240x128xf32, #tpu.memory_space<hbm>> -> memref<10240x128xf32, #tpu.memory_space<hbm>>
      tpu.wait_indirect_dma semaphore(%arg14 : memref<!tpu.dma_semaphore, #tpu.memory_space<semaphore_mem>>) src(%dma_wait3A_306 : memref<10240x128xf32, #tpu.memory_space<hbm>>) dst(%arg9 : memref<80x128xf32, #tpu.memory_space<vmem>>)
      %dma_start3A_307 = arith.constant 5 : i32
      %dma_start3A_308 = arith.constant 0 : i32
      %dma_start3A_309 = tpu.memref_slice %arg7[%dma_start3A_307, %dma_start3A_308] : memref<25x80xi32, #tpu.memory_space<vmem>> -> memref<1x80xi32, #tpu.memory_space<vmem>>
      %dma_start3A_310 = tpu.memref_squeeze %dma_start3A_309 : memref<1x80xi32, #tpu.memory_space<vmem>> -> memref<80xi32, #tpu.memory_space<vmem>>
      %dma_start3A_311 = arith.constant 0 : i32
      %dma_start3A_312 = arith.constant 0 : i32
      %dma_start3A_313 = tpu.memref_slice %arg12[%dma_start3A_311, %dma_start3A_312] : memref<10240x128xf32, #tpu.memory_space<vmem_shared>> -> memref<10240x128xf32, #tpu.memory_space<vmem_shared>>
      tpu.enqueue_indirect_dma source(%arg9 : memref<80x128xf32, #tpu.memory_space<vmem>>) target(%dma_start3A_313 : memref<10240x128xf32, #tpu.memory_space<vmem_shared>>) offsets(%dma_start3A_310 : memref<80xi32, #tpu.memory_space<vmem>>) semaphore(%arg18 : memref<!tpu.dma_semaphore, #tpu.memory_space<semaphore_mem>>) {add = true}
      %dma_wait3A_314 = arith.constant 3 : i32
      %dma_wait3A_315 = arith.constant 0 : i32
      %dma_wait3A_316 = tpu.memref_slice %arg7[%dma_wait3A_314, %dma_wait3A_315] : memref<25x80xi32, #tpu.memory_space<vmem>> -> memref<1x80xi32, #tpu.memory_space<vmem>>
      %dma_wait3A_317 = tpu.memref_squeeze %dma_wait3A_316 : memref<1x80xi32, #tpu.memory_space<vmem>> -> memref<80xi32, #tpu.memory_space<vmem>>
      %dma_wait3A_318 = arith.constant 0 : i32
      %dma_wait3A_319 = arith.constant 0 : i32
      %dma_wait3A_320 = tpu.memref_slice %arg12[%dma_wait3A_318, %dma_wait3A_319] : memref<10240x128xf32, #tpu.memory_space<vmem_shared>> -> memref<10240x128xf32, #tpu.memory_space<vmem_shared>>
      tpu.wait_indirect_dma semaphore(%arg20 : memref<!tpu.dma_semaphore, #tpu.memory_space<semaphore_mem>>) src(%arg11 : memref<80x128xf32, #tpu.memory_space<vmem>>) dst(%dma_wait3A_320 : memref<10240x128xf32, #tpu.memory_space<vmem_shared>>)
      %dma_start3A_321 = arith.constant 7 : i32
      %dma_start3A_322 = arith.constant 0 : i32
      %dma_start3A_323 = tpu.memref_slice %arg6[%dma_start3A_321, %dma_start3A_322] : memref<25x80xi32, #tpu.memory_space<vmem>> -> memref<1x80xi32, #tpu.memory_space<vmem>>
      %dma_start3A_324 = tpu.memref_squeeze %dma_start3A_323 : memref<1x80xi32, #tpu.memory_space<vmem>> -> memref<80xi32, #tpu.memory_space<vmem>>
      %dma_start3A_325 = arith.constant 0 : i32
      %dma_start3A_326 = arith.constant 0 : i32
      %dma_start3A_327 = tpu.memref_slice %arg2[%arg0, %dma_start3A_325, %dma_start3A_326] : memref<2x10240x128xf32, #tpu.memory_space<hbm>> -> memref<1x10240x128xf32, #tpu.memory_space<hbm>>
      %dma_start3A_328 = tpu.memref_squeeze %dma_start3A_327 : memref<1x10240x128xf32, #tpu.memory_space<hbm>> -> memref<10240x128xf32, #tpu.memory_space<hbm>>
      %dma_start3A_329 = arith.constant 0 : i32
      %dma_start3A_330 = arith.constant 0 : i32
      %dma_start3A_331 = tpu.memref_slice %dma_start3A_328[%dma_start3A_329, %dma_start3A_330] : memref<10240x128xf32, #tpu.memory_space<hbm>> -> memref<10240x128xf32, #tpu.memory_space<hbm>>
      tpu.enqueue_indirect_dma source(%dma_start3A_331 : memref<10240x128xf32, #tpu.memory_space<hbm>>) target(%arg11 : memref<80x128xf32, #tpu.memory_space<vmem>>) offsets(%dma_start3A_324 : memref<80xi32, #tpu.memory_space<vmem>>) semaphore(%arg16 : memref<!tpu.dma_semaphore, #tpu.memory_space<semaphore_mem>>)
      %dma_wait3A_332 = arith.constant 6 : i32
      %dma_wait3A_333 = arith.constant 0 : i32
      %dma_wait3A_334 = tpu.memref_slice %arg6[%dma_wait3A_332, %dma_wait3A_333] : memref<25x80xi32, #tpu.memory_space<vmem>> -> memref<1x80xi32, #tpu.memory_space<vmem>>
      %dma_wait3A_335 = tpu.memref_squeeze %dma_wait3A_334 : memref<1x80xi32, #tpu.memory_space<vmem>> -> memref<80xi32, #tpu.memory_space<vmem>>
      %dma_wait3A_336 = arith.constant 0 : i32
      %dma_wait3A_337 = arith.constant 0 : i32
      %dma_wait3A_338 = tpu.memref_slice %arg2[%arg0, %dma_wait3A_336, %dma_wait3A_337] : memref<2x10240x128xf32, #tpu.memory_space<hbm>> -> memref<1x10240x128xf32, #tpu.memory_space<hbm>>
      %dma_wait3A_339 = tpu.memref_squeeze %dma_wait3A_338 : memref<1x10240x128xf32, #tpu.memory_space<hbm>> -> memref<10240x128xf32, #tpu.memory_space<hbm>>
      %dma_wait3A_340 = arith.constant 0 : i32
      %dma_wait3A_341 = arith.constant 0 : i32
      %dma_wait3A_342 = tpu.memref_slice %dma_wait3A_339[%dma_wait3A_340, %dma_wait3A_341] : memref<10240x128xf32, #tpu.memory_space<hbm>> -> memref<10240x128xf32, #tpu.memory_space<hbm>>
      tpu.wait_indirect_dma semaphore(%arg15 : memref<!tpu.dma_semaphore, #tpu.memory_space<semaphore_mem>>) src(%dma_wait3A_342 : memref<10240x128xf32, #tpu.memory_space<hbm>>) dst(%arg10 : memref<80x128xf32, #tpu.memory_space<vmem>>)
      %dma_start3A_343 = arith.constant 6 : i32
      %dma_start3A_344 = arith.constant 0 : i32
      %dma_start3A_345 = tpu.memref_slice %arg7[%dma_start3A_343, %dma_start3A_344] : memref<25x80xi32, #tpu.memory_space<vmem>> -> memref<1x80xi32, #tpu.memory_space<vmem>>
      %dma_start3A_346 = tpu.memref_squeeze %dma_start3A_345 : memref<1x80xi32, #tpu.memory_space<vmem>> -> memref<80xi32, #tpu.memory_space<vmem>>
      %dma_start3A_347 = arith.constant 0 : i32
      %dma_start3A_348 = arith.constant 0 : i32
      %dma_start3A_349 = tpu.memref_slice %arg12[%dma_start3A_347, %dma_start3A_348] : memref<10240x128xf32, #tpu.memory_space<vmem_shared>> -> memref<10240x128xf32, #tpu.memory_space<vmem_shared>>
      tpu.enqueue_indirect_dma source(%arg10 : memref<80x128xf32, #tpu.memory_space<vmem>>) target(%dma_start3A_349 : memref<10240x128xf32, #tpu.memory_space<vmem_shared>>) offsets(%dma_start3A_346 : memref<80xi32, #tpu.memory_space<vmem>>) semaphore(%arg19 : memref<!tpu.dma_semaphore, #tpu.memory_space<semaphore_mem>>) {add = true}
      %dma_wait3A_350 = arith.constant 4 : i32
      %dma_wait3A_351 = arith.constant 0 : i32
      %dma_wait3A_352 = tpu.memref_slice %arg7[%dma_wait3A_350, %dma_wait3A_351] : memref<25x80xi32, #tpu.memory_space<vmem>> -> memref<1x80xi32, #tpu.memory_space<vmem>>
      %dma_wait3A_353 = tpu.memref_squeeze %dma_wait3A_352 : memref<1x80xi32, #tpu.memory_space<vmem>> -> memref<80xi32, #tpu.memory_space<vmem>>
      %dma_wait3A_354 = arith.constant 0 : i32
      %dma_wait3A_355 = arith.constant 0 : i32
      %dma_wait3A_356 = tpu.memref_slice %arg12[%dma_wait3A_354, %dma_wait3A_355] : memref<10240x128xf32, #tpu.memory_space<vmem_shared>> -> memref<10240x128xf32, #tpu.memory_space<vmem_shared>>
      tpu.wait_indirect_dma semaphore(%arg17 : memref<!tpu.dma_semaphore, #tpu.memory_space<semaphore_mem>>) src(%arg8 : memref<80x128xf32, #tpu.memory_space<vmem>>) dst(%dma_wait3A_356 : memref<10240x128xf32, #tpu.memory_space<vmem_shared>>)
      %dma_start3A_357 = arith.constant 8 : i32
      %dma_start3A_358 = arith.constant 0 : i32
      %dma_start3A_359 = tpu.memref_slice %arg6[%dma_start3A_357, %dma_start3A_358] : memref<25x80xi32, #tpu.memory_space<vmem>> -> memref<1x80xi32, #tpu.memory_space<vmem>>
      %dma_start3A_360 = tpu.memref_squeeze %dma_start3A_359 : memref<1x80xi32, #tpu.memory_space<vmem>> -> memref<80xi32, #tpu.memory_space<vmem>>
      %dma_start3A_361 = arith.constant 0 : i32
      %dma_start3A_362 = arith.constant 0 : i32
      %dma_start3A_363 = tpu.memref_slice %arg2[%arg0, %dma_start3A_361, %dma_start3A_362] : memref<2x10240x128xf32, #tpu.memory_space<hbm>> -> memref<1x10240x128xf32, #tpu.memory_space<hbm>>
      %dma_start3A_364 = tpu.memref_squeeze %dma_start3A_363 : memref<1x10240x128xf32, #tpu.memory_space<hbm>> -> memref<10240x128xf32, #tpu.memory_space<hbm>>
      %dma_start3A_365 = arith.constant 0 : i32
      %dma_start3A_366 = arith.constant 0 : i32
      %dma_start3A_367 = tpu.memref_slice %dma_start3A_364[%dma_start3A_365, %dma_start3A_366] : memref<10240x128xf32, #tpu.memory_space<hbm>> -> memref<10240x128xf32, #tpu.memory_space<hbm>>
      tpu.enqueue_indirect_dma source(%dma_start3A_367 : memref<10240x128xf32, #tpu.memory_space<hbm>>) target(%arg8 : memref<80x128xf32, #tpu.memory_space<vmem>>) offsets(%dma_start3A_360 : memref<80xi32, #tpu.memory_space<vmem>>) semaphore(%arg13 : memref<!tpu.dma_semaphore, #tpu.memory_space<semaphore_mem>>)
      %dma_wait3A_368 = arith.constant 7 : i32
      %dma_wait3A_369 = arith.constant 0 : i32
      %dma_wait3A_370 = tpu.memref_slice %arg6[%dma_wait3A_368, %dma_wait3A_369] : memref<25x80xi32, #tpu.memory_space<vmem>> -> memref<1x80xi32, #tpu.memory_space<vmem>>
      %dma_wait3A_371 = tpu.memref_squeeze %dma_wait3A_370 : memref<1x80xi32, #tpu.memory_space<vmem>> -> memref<80xi32, #tpu.memory_space<vmem>>
      %dma_wait3A_372 = arith.constant 0 : i32
      %dma_wait3A_373 = arith.constant 0 : i32
      %dma_wait3A_374 = tpu.memref_slice %arg2[%arg0, %dma_wait3A_372, %dma_wait3A_373] : memref<2x10240x128xf32, #tpu.memory_space<hbm>> -> memref<1x10240x128xf32, #tpu.memory_space<hbm>>
      %dma_wait3A_375 = tpu.memref_squeeze %dma_wait3A_374 : memref<1x10240x128xf32, #tpu.memory_space<hbm>> -> memref<10240x128xf32, #tpu.memory_space<hbm>>
      %dma_wait3A_376 = arith.constant 0 : i32
      %dma_wait3A_377 = arith.constant 0 : i32
      %dma_wait3A_378 = tpu.memref_slice %dma_wait3A_375[%dma_wait3A_376, %dma_wait3A_377] : memref<10240x128xf32, #tpu.memory_space<hbm>> -> memref<10240x128xf32, #tpu.memory_space<hbm>>
      tpu.wait_indirect_dma semaphore(%arg16 : memref<!tpu.dma_semaphore, #tpu.memory_space<semaphore_mem>>) src(%dma_wait3A_378 : memref<10240x128xf32, #tpu.memory_space<hbm>>) dst(%arg11 : memref<80x128xf32, #tpu.memory_space<vmem>>)
      %dma_start3A_379 = arith.constant 7 : i32
      %dma_start3A_380 = arith.constant 0 : i32
      %dma_start3A_381 = tpu.memref_slice %arg7[%dma_start3A_379, %dma_start3A_380] : memref<25x80xi32, #tpu.memory_space<vmem>> -> memref<1x80xi32, #tpu.memory_space<vmem>>
      %dma_start3A_382 = tpu.memref_squeeze %dma_start3A_381 : memref<1x80xi32, #tpu.memory_space<vmem>> -> memref<80xi32, #tpu.memory_space<vmem>>
      %dma_start3A_383 = arith.constant 0 : i32
      %dma_start3A_384 = arith.constant 0 : i32
      %dma_start3A_385 = tpu.memref_slice %arg12[%dma_start3A_383, %dma_start3A_384] : memref<10240x128xf32, #tpu.memory_space<vmem_shared>> -> memref<10240x128xf32, #tpu.memory_space<vmem_shared>>
      tpu.enqueue_indirect_dma source(%arg11 : memref<80x128xf32, #tpu.memory_space<vmem>>) target(%dma_start3A_385 : memref<10240x128xf32, #tpu.memory_space<vmem_shared>>) offsets(%dma_start3A_382 : memref<80xi32, #tpu.memory_space<vmem>>) semaphore(%arg20 : memref<!tpu.dma_semaphore, #tpu.memory_space<semaphore_mem>>) {add = true}
      %dma_wait3A_386 = arith.constant 5 : i32
      %dma_wait3A_387 = arith.constant 0 : i32
      %dma_wait3A_388 = tpu.memref_slice %arg7[%dma_wait3A_386, %dma_wait3A_387] : memref<25x80xi32, #tpu.memory_space<vmem>> -> memref<1x80xi32, #tpu.memory_space<vmem>>
      %dma_wait3A_389 = tpu.memref_squeeze %dma_wait3A_388 : memref<1x80xi32, #tpu.memory_space<vmem>> -> memref<80xi32, #tpu.memory_space<vmem>>
      %dma_wait3A_390 = arith.constant 0 : i32
      %dma_wait3A_391 = arith.constant 0 : i32
      %dma_wait3A_392 = tpu.memref_slice %arg12[%dma_wait3A_390, %dma_wait3A_391] : memref<10240x128xf32, #tpu.memory_space<vmem_shared>> -> memref<10240x128xf32, #tpu.memory_space<vmem_shared>>
      tpu.wait_indirect_dma semaphore(%arg18 : memref<!tpu.dma_semaphore, #tpu.memory_space<semaphore_mem>>) src(%arg9 : memref<80x128xf32, #tpu.memory_space<vmem>>) dst(%dma_wait3A_392 : memref<10240x128xf32, #tpu.memory_space<vmem_shared>>)
      %dma_start3A_393 = arith.constant 9 : i32
      %dma_start3A_394 = arith.constant 0 : i32
      %dma_start3A_395 = tpu.memref_slice %arg6[%dma_start3A_393, %dma_start3A_394] : memref<25x80xi32, #tpu.memory_space<vmem>> -> memref<1x80xi32, #tpu.memory_space<vmem>>
      %dma_start3A_396 = tpu.memref_squeeze %dma_start3A_395 : memref<1x80xi32, #tpu.memory_space<vmem>> -> memref<80xi32, #tpu.memory_space<vmem>>
      %dma_start3A_397 = arith.constant 0 : i32
      %dma_start3A_398 = arith.constant 0 : i32
      %dma_start3A_399 = tpu.memref_slice %arg2[%arg0, %dma_start3A_397, %dma_start3A_398] : memref<2x10240x128xf32, #tpu.memory_space<hbm>> -> memref<1x10240x128xf32, #tpu.memory_space<hbm>>
      %dma_start3A_400 = tpu.memref_squeeze %dma_start3A_399 : memref<1x10240x128xf32, #tpu.memory_space<hbm>> -> memref<10240x128xf32, #tpu.memory_space<hbm>>
      %dma_start3A_401 = arith.constant 0 : i32
      %dma_start3A_402 = arith.constant 0 : i32
      %dma_start3A_403 = tpu.memref_slice %dma_start3A_400[%dma_start3A_401, %dma_start3A_402] : memref<10240x128xf32, #tpu.memory_space<hbm>> -> memref<10240x128xf32, #tpu.memory_space<hbm>>
      tpu.enqueue_indirect_dma source(%dma_start3A_403 : memref<10240x128xf32, #tpu.memory_space<hbm>>) target(%arg9 : memref<80x128xf32, #tpu.memory_space<vmem>>) offsets(%dma_start3A_396 : memref<80xi32, #tpu.memory_space<vmem>>) semaphore(%arg14 : memref<!tpu.dma_semaphore, #tpu.memory_space<semaphore_mem>>)
      %dma_wait3A_404 = arith.constant 8 : i32
      %dma_wait3A_405 = arith.constant 0 : i32
      %dma_wait3A_406 = tpu.memref_slice %arg6[%dma_wait3A_404, %dma_wait3A_405] : memref<25x80xi32, #tpu.memory_space<vmem>> -> memref<1x80xi32, #tpu.memory_space<vmem>>
      %dma_wait3A_407 = tpu.memref_squeeze %dma_wait3A_406 : memref<1x80xi32, #tpu.memory_space<vmem>> -> memref<80xi32, #tpu.memory_space<vmem>>
      %dma_wait3A_408 = arith.constant 0 : i32
      %dma_wait3A_409 = arith.constant 0 : i32
      %dma_wait3A_410 = tpu.memref_slice %arg2[%arg0, %dma_wait3A_408, %dma_wait3A_409] : memref<2x10240x128xf32, #tpu.memory_space<hbm>> -> memref<1x10240x128xf32, #tpu.memory_space<hbm>>
      %dma_wait3A_411 = tpu.memref_squeeze %dma_wait3A_410 : memref<1x10240x128xf32, #tpu.memory_space<hbm>> -> memref<10240x128xf32, #tpu.memory_space<hbm>>
      %dma_wait3A_412 = arith.constant 0 : i32
      %dma_wait3A_413 = arith.constant 0 : i32
      %dma_wait3A_414 = tpu.memref_slice %dma_wait3A_411[%dma_wait3A_412, %dma_wait3A_413] : memref<10240x128xf32, #tpu.memory_space<hbm>> -> memref<10240x128xf32, #tpu.memory_space<hbm>>
      tpu.wait_indirect_dma semaphore(%arg13 : memref<!tpu.dma_semaphore, #tpu.memory_space<semaphore_mem>>) src(%dma_wait3A_414 : memref<10240x128xf32, #tpu.memory_space<hbm>>) dst(%arg8 : memref<80x128xf32, #tpu.memory_space<vmem>>)
      %dma_start3A_415 = arith.constant 8 : i32
      %dma_start3A_416 = arith.constant 0 : i32
      %dma_start3A_417 = tpu.memref_slice %arg7[%dma_start3A_415, %dma_start3A_416] : memref<25x80xi32, #tpu.memory_space<vmem>> -> memref<1x80xi32, #tpu.memory_space<vmem>>
      %dma_start3A_418 = tpu.memref_squeeze %dma_start3A_417 : memref<1x80xi32, #tpu.memory_space<vmem>> -> memref<80xi32, #tpu.memory_space<vmem>>
      %dma_start3A_419 = arith.constant 0 : i32
      %dma_start3A_420 = arith.constant 0 : i32
      %dma_start3A_421 = tpu.memref_slice %arg12[%dma_start3A_419, %dma_start3A_420] : memref<10240x128xf32, #tpu.memory_space<vmem_shared>> -> memref<10240x128xf32, #tpu.memory_space<vmem_shared>>
      tpu.enqueue_indirect_dma source(%arg8 : memref<80x128xf32, #tpu.memory_space<vmem>>) target(%dma_start3A_421 : memref<10240x128xf32, #tpu.memory_space<vmem_shared>>) offsets(%dma_start3A_418 : memref<80xi32, #tpu.memory_space<vmem>>) semaphore(%arg17 : memref<!tpu.dma_semaphore, #tpu.memory_space<semaphore_mem>>) {add = true}
      %dma_wait3A_422 = arith.constant 6 : i32
      %dma_wait3A_423 = arith.constant 0 : i32
      %dma_wait3A_424 = tpu.memref_slice %arg7[%dma_wait3A_422, %dma_wait3A_423] : memref<25x80xi32, #tpu.memory_space<vmem>> -> memref<1x80xi32, #tpu.memory_space<vmem>>
      %dma_wait3A_425 = tpu.memref_squeeze %dma_wait3A_424 : memref<1x80xi32, #tpu.memory_space<vmem>> -> memref<80xi32, #tpu.memory_space<vmem>>
      %dma_wait3A_426 = arith.constant 0 : i32
      %dma_wait3A_427 = arith.constant 0 : i32
      %dma_wait3A_428 = tpu.memref_slice %arg12[%dma_wait3A_426, %dma_wait3A_427] : memref<10240x128xf32, #tpu.memory_space<vmem_shared>> -> memref<10240x128xf32, #tpu.memory_space<vmem_shared>>
      tpu.wait_indirect_dma semaphore(%arg19 : memref<!tpu.dma_semaphore, #tpu.memory_space<semaphore_mem>>) src(%arg10 : memref<80x128xf32, #tpu.memory_space<vmem>>) dst(%dma_wait3A_428 : memref<10240x128xf32, #tpu.memory_space<vmem_shared>>)
      %dma_start3A_429 = arith.constant 10 : i32
      %dma_start3A_430 = arith.constant 0 : i32
      %dma_start3A_431 = tpu.memref_slice %arg6[%dma_start3A_429, %dma_start3A_430] : memref<25x80xi32, #tpu.memory_space<vmem>> -> memref<1x80xi32, #tpu.memory_space<vmem>>
      %dma_start3A_432 = tpu.memref_squeeze %dma_start3A_431 : memref<1x80xi32, #tpu.memory_space<vmem>> -> memref<80xi32, #tpu.memory_space<vmem>>
      %dma_start3A_433 = arith.constant 0 : i32
      %dma_start3A_434 = arith.constant 0 : i32
      %dma_start3A_435 = tpu.memref_slice %arg2[%arg0, %dma_start3A_433, %dma_start3A_434] : memref<2x10240x128xf32, #tpu.memory_space<hbm>> -> memref<1x10240x128xf32, #tpu.memory_space<hbm>>
      %dma_start3A_436 = tpu.memref_squeeze %dma_start3A_435 : memref<1x10240x128xf32, #tpu.memory_space<hbm>> -> memref<10240x128xf32, #tpu.memory_space<hbm>>
      %dma_start3A_437 = arith.constant 0 : i32
      %dma_start3A_438 = arith.constant 0 : i32
      %dma_start3A_439 = tpu.memref_slice %dma_start3A_436[%dma_start3A_437, %dma_start3A_438] : memref<10240x128xf32, #tpu.memory_space<hbm>> -> memref<10240x128xf32, #tpu.memory_space<hbm>>
      tpu.enqueue_indirect_dma source(%dma_start3A_439 : memref<10240x128xf32, #tpu.memory_space<hbm>>) target(%arg10 : memref<80x128xf32, #tpu.memory_space<vmem>>) offsets(%dma_start3A_432 : memref<80xi32, #tpu.memory_space<vmem>>) semaphore(%arg15 : memref<!tpu.dma_semaphore, #tpu.memory_space<semaphore_mem>>)
      %dma_wait3A_440 = arith.constant 9 : i32
      %dma_wait3A_441 = arith.constant 0 : i32
      %dma_wait3A_442 = tpu.memref_slice %arg6[%dma_wait3A_440, %dma_wait3A_441] : memref<25x80xi32, #tpu.memory_space<vmem>> -> memref<1x80xi32, #tpu.memory_space<vmem>>
      %dma_wait3A_443 = tpu.memref_squeeze %dma_wait3A_442 : memref<1x80xi32, #tpu.memory_space<vmem>> -> memref<80xi32, #tpu.memory_space<vmem>>
      %dma_wait3A_444 = arith.constant 0 : i32
      %dma_wait3A_445 = arith.constant 0 : i32
      %dma_wait3A_446 = tpu.memref_slice %arg2[%arg0, %dma_wait3A_444, %dma_wait3A_445] : memref<2x10240x128xf32, #tpu.memory_space<hbm>> -> memref<1x10240x128xf32, #tpu.memory_space<hbm>>
      %dma_wait3A_447 = tpu.memref_squeeze %dma_wait3A_446 : memref<1x10240x128xf32, #tpu.memory_space<hbm>> -> memref<10240x128xf32, #tpu.memory_space<hbm>>
      %dma_wait3A_448 = arith.constant 0 : i32
      %dma_wait3A_449 = arith.constant 0 : i32
      %dma_wait3A_450 = tpu.memref_slice %dma_wait3A_447[%dma_wait3A_448, %dma_wait3A_449] : memref<10240x128xf32, #tpu.memory_space<hbm>> -> memref<10240x128xf32, #tpu.memory_space<hbm>>
      tpu.wait_indirect_dma semaphore(%arg14 : memref<!tpu.dma_semaphore, #tpu.memory_space<semaphore_mem>>) src(%dma_wait3A_450 : memref<10240x128xf32, #tpu.memory_space<hbm>>) dst(%arg9 : memref<80x128xf32, #tpu.memory_space<vmem>>)
      %dma_start3A_451 = arith.constant 9 : i32
      %dma_start3A_452 = arith.constant 0 : i32
      %dma_start3A_453 = tpu.memref_slice %arg7[%dma_start3A_451, %dma_start3A_452] : memref<25x80xi32, #tpu.memory_space<vmem>> -> memref<1x80xi32, #tpu.memory_space<vmem>>
      %dma_start3A_454 = tpu.memref_squeeze %dma_start3A_453 : memref<1x80xi32, #tpu.memory_space<vmem>> -> memref<80xi32, #tpu.memory_space<vmem>>
      %dma_start3A_455 = arith.constant 0 : i32
      %dma_start3A_456 = arith.constant 0 : i32
      %dma_start3A_457 = tpu.memref_slice %arg12[%dma_start3A_455, %dma_start3A_456] : memref<10240x128xf32, #tpu.memory_space<vmem_shared>> -> memref<10240x128xf32, #tpu.memory_space<vmem_shared>>
      tpu.enqueue_indirect_dma source(%arg9 : memref<80x128xf32, #tpu.memory_space<vmem>>) target(%dma_start3A_457 : memref<10240x128xf32, #tpu.memory_space<vmem_shared>>) offsets(%dma_start3A_454 : memref<80xi32, #tpu.memory_space<vmem>>) semaphore(%arg18 : memref<!tpu.dma_semaphore, #tpu.memory_space<semaphore_mem>>) {add = true}
      %dma_wait3A_458 = arith.constant 7 : i32
      %dma_wait3A_459 = arith.constant 0 : i32
      %dma_wait3A_460 = tpu.memref_slice %arg7[%dma_wait3A_458, %dma_wait3A_459] : memref<25x80xi32, #tpu.memory_space<vmem>> -> memref<1x80xi32, #tpu.memory_space<vmem>>
      %dma_wait3A_461 = tpu.memref_squeeze %dma_wait3A_460 : memref<1x80xi32, #tpu.memory_space<vmem>> -> memref<80xi32, #tpu.memory_space<vmem>>
      %dma_wait3A_462 = arith.constant 0 : i32
      %dma_wait3A_463 = arith.constant 0 : i32
      %dma_wait3A_464 = tpu.memref_slice %arg12[%dma_wait3A_462, %dma_wait3A_463] : memref<10240x128xf32, #tpu.memory_space<vmem_shared>> -> memref<10240x128xf32, #tpu.memory_space<vmem_shared>>
      tpu.wait_indirect_dma semaphore(%arg20 : memref<!tpu.dma_semaphore, #tpu.memory_space<semaphore_mem>>) src(%arg11 : memref<80x128xf32, #tpu.memory_space<vmem>>) dst(%dma_wait3A_464 : memref<10240x128xf32, #tpu.memory_space<vmem_shared>>)
      %dma_start3A_465 = arith.constant 11 : i32
      %dma_start3A_466 = arith.constant 0 : i32
      %dma_start3A_467 = tpu.memref_slice %arg6[%dma_start3A_465, %dma_start3A_466] : memref<25x80xi32, #tpu.memory_space<vmem>> -> memref<1x80xi32, #tpu.memory_space<vmem>>
      %dma_start3A_468 = tpu.memref_squeeze %dma_start3A_467 : memref<1x80xi32, #tpu.memory_space<vmem>> -> memref<80xi32, #tpu.memory_space<vmem>>
      %dma_start3A_469 = arith.constant 0 : i32
      %dma_start3A_470 = arith.constant 0 : i32
      %dma_start3A_471 = tpu.memref_slice %arg2[%arg0, %dma_start3A_469, %dma_start3A_470] : memref<2x10240x128xf32, #tpu.memory_space<hbm>> -> memref<1x10240x128xf32, #tpu.memory_space<hbm>>
      %dma_start3A_472 = tpu.memref_squeeze %dma_start3A_471 : memref<1x10240x128xf32, #tpu.memory_space<hbm>> -> memref<10240x128xf32, #tpu.memory_space<hbm>>
      %dma_start3A_473 = arith.constant 0 : i32
      %dma_start3A_474 = arith.constant 0 : i32
      %dma_start3A_475 = tpu.memref_slice %dma_start3A_472[%dma_start3A_473, %dma_start3A_474] : memref<10240x128xf32, #tpu.memory_space<hbm>> -> memref<10240x128xf32, #tpu.memory_space<hbm>>
      tpu.enqueue_indirect_dma source(%dma_start3A_475 : memref<10240x128xf32, #tpu.memory_space<hbm>>) target(%arg11 : memref<80x128xf32, #tpu.memory_space<vmem>>) offsets(%dma_start3A_468 : memref<80xi32, #tpu.memory_space<vmem>>) semaphore(%arg16 : memref<!tpu.dma_semaphore, #tpu.memory_space<semaphore_mem>>)
      %dma_wait3A_476 = arith.constant 10 : i32
      %dma_wait3A_477 = arith.constant 0 : i32
      %dma_wait3A_478 = tpu.memref_slice %arg6[%dma_wait3A_476, %dma_wait3A_477] : memref<25x80xi32, #tpu.memory_space<vmem>> -> memref<1x80xi32, #tpu.memory_space<vmem>>
      %dma_wait3A_479 = tpu.memref_squeeze %dma_wait3A_478 : memref<1x80xi32, #tpu.memory_space<vmem>> -> memref<80xi32, #tpu.memory_space<vmem>>
      %dma_wait3A_480 = arith.constant 0 : i32
      %dma_wait3A_481 = arith.constant 0 : i32
      %dma_wait3A_482 = tpu.memref_slice %arg2[%arg0, %dma_wait3A_480, %dma_wait3A_481] : memref<2x10240x128xf32, #tpu.memory_space<hbm>> -> memref<1x10240x128xf32, #tpu.memory_space<hbm>>
      %dma_wait3A_483 = tpu.memref_squeeze %dma_wait3A_482 : memref<1x10240x128xf32, #tpu.memory_space<hbm>> -> memref<10240x128xf32, #tpu.memory_space<hbm>>
      %dma_wait3A_484 = arith.constant 0 : i32
      %dma_wait3A_485 = arith.constant 0 : i32
      %dma_wait3A_486 = tpu.memref_slice %dma_wait3A_483[%dma_wait3A_484, %dma_wait3A_485] : memref<10240x128xf32, #tpu.memory_space<hbm>> -> memref<10240x128xf32, #tpu.memory_space<hbm>>
      tpu.wait_indirect_dma semaphore(%arg15 : memref<!tpu.dma_semaphore, #tpu.memory_space<semaphore_mem>>) src(%dma_wait3A_486 : memref<10240x128xf32, #tpu.memory_space<hbm>>) dst(%arg10 : memref<80x128xf32, #tpu.memory_space<vmem>>)
      %dma_start3A_487 = arith.constant 10 : i32
      %dma_start3A_488 = arith.constant 0 : i32
      %dma_start3A_489 = tpu.memref_slice %arg7[%dma_start3A_487, %dma_start3A_488] : memref<25x80xi32, #tpu.memory_space<vmem>> -> memref<1x80xi32, #tpu.memory_space<vmem>>
      %dma_start3A_490 = tpu.memref_squeeze %dma_start3A_489 : memref<1x80xi32, #tpu.memory_space<vmem>> -> memref<80xi32, #tpu.memory_space<vmem>>
      %dma_start3A_491 = arith.constant 0 : i32
      %dma_start3A_492 = arith.constant 0 : i32
      %dma_start3A_493 = tpu.memref_slice %arg12[%dma_start3A_491, %dma_start3A_492] : memref<10240x128xf32, #tpu.memory_space<vmem_shared>> -> memref<10240x128xf32, #tpu.memory_space<vmem_shared>>
      tpu.enqueue_indirect_dma source(%arg10 : memref<80x128xf32, #tpu.memory_space<vmem>>) target(%dma_start3A_493 : memref<10240x128xf32, #tpu.memory_space<vmem_shared>>) offsets(%dma_start3A_490 : memref<80xi32, #tpu.memory_space<vmem>>) semaphore(%arg19 : memref<!tpu.dma_semaphore, #tpu.memory_space<semaphore_mem>>) {add = true}
      %dma_wait3A_494 = arith.constant 8 : i32
      %dma_wait3A_495 = arith.constant 0 : i32
      %dma_wait3A_496 = tpu.memref_slice %arg7[%dma_wait3A_494, %dma_wait3A_495] : memref<25x80xi32, #tpu.memory_space<vmem>> -> memref<1x80xi32, #tpu.memory_space<vmem>>
      %dma_wait3A_497 = tpu.memref_squeeze %dma_wait3A_496 : memref<1x80xi32, #tpu.memory_space<vmem>> -> memref<80xi32, #tpu.memory_space<vmem>>
      %dma_wait3A_498 = arith.constant 0 : i32
      %dma_wait3A_499 = arith.constant 0 : i32
      %dma_wait3A_500 = tpu.memref_slice %arg12[%dma_wait3A_498, %dma_wait3A_499] : memref<10240x128xf32, #tpu.memory_space<vmem_shared>> -> memref<10240x128xf32, #tpu.memory_space<vmem_shared>>
      tpu.wait_indirect_dma semaphore(%arg17 : memref<!tpu.dma_semaphore, #tpu.memory_space<semaphore_mem>>) src(%arg8 : memref<80x128xf32, #tpu.memory_space<vmem>>) dst(%dma_wait3A_500 : memref<10240x128xf32, #tpu.memory_space<vmem_shared>>)
      %dma_start3A_501 = arith.constant 12 : i32
      %dma_start3A_502 = arith.constant 0 : i32
      %dma_start3A_503 = tpu.memref_slice %arg6[%dma_start3A_501, %dma_start3A_502] : memref<25x80xi32, #tpu.memory_space<vmem>> -> memref<1x80xi32, #tpu.memory_space<vmem>>
      %dma_start3A_504 = tpu.memref_squeeze %dma_start3A_503 : memref<1x80xi32, #tpu.memory_space<vmem>> -> memref<80xi32, #tpu.memory_space<vmem>>
      %dma_start3A_505 = arith.constant 0 : i32
      %dma_start3A_506 = arith.constant 0 : i32
      %dma_start3A_507 = tpu.memref_slice %arg2[%arg0, %dma_start3A_505, %dma_start3A_506] : memref<2x10240x128xf32, #tpu.memory_space<hbm>> -> memref<1x10240x128xf32, #tpu.memory_space<hbm>>
      %dma_start3A_508 = tpu.memref_squeeze %dma_start3A_507 : memref<1x10240x128xf32, #tpu.memory_space<hbm>> -> memref<10240x128xf32, #tpu.memory_space<hbm>>
      %dma_start3A_509 = arith.constant 0 : i32
      %dma_start3A_510 = arith.constant 0 : i32
      %dma_start3A_511 = tpu.memref_slice %dma_start3A_508[%dma_start3A_509, %dma_start3A_510] : memref<10240x128xf32, #tpu.memory_space<hbm>> -> memref<10240x128xf32, #tpu.memory_space<hbm>>
      tpu.enqueue_indirect_dma source(%dma_start3A_511 : memref<10240x128xf32, #tpu.memory_space<hbm>>) target(%arg8 : memref<80x128xf32, #tpu.memory_space<vmem>>) offsets(%dma_start3A_504 : memref<80xi32, #tpu.memory_space<vmem>>) semaphore(%arg13 : memref<!tpu.dma_semaphore, #tpu.memory_space<semaphore_mem>>)
      %dma_wait3A_512 = arith.constant 11 : i32
      %dma_wait3A_513 = arith.constant 0 : i32
      %dma_wait3A_514 = tpu.memref_slice %arg6[%dma_wait3A_512, %dma_wait3A_513] : memref<25x80xi32, #tpu.memory_space<vmem>> -> memref<1x80xi32, #tpu.memory_space<vmem>>
      %dma_wait3A_515 = tpu.memref_squeeze %dma_wait3A_514 : memref<1x80xi32, #tpu.memory_space<vmem>> -> memref<80xi32, #tpu.memory_space<vmem>>
      %dma_wait3A_516 = arith.constant 0 : i32
      %dma_wait3A_517 = arith.constant 0 : i32
      %dma_wait3A_518 = tpu.memref_slice %arg2[%arg0, %dma_wait3A_516, %dma_wait3A_517] : memref<2x10240x128xf32, #tpu.memory_space<hbm>> -> memref<1x10240x128xf32, #tpu.memory_space<hbm>>
      %dma_wait3A_519 = tpu.memref_squeeze %dma_wait3A_518 : memref<1x10240x128xf32, #tpu.memory_space<hbm>> -> memref<10240x128xf32, #tpu.memory_space<hbm>>
      %dma_wait3A_520 = arith.constant 0 : i32
      %dma_wait3A_521 = arith.constant 0 : i32
      %dma_wait3A_522 = tpu.memref_slice %dma_wait3A_519[%dma_wait3A_520, %dma_wait3A_521] : memref<10240x128xf32, #tpu.memory_space<hbm>> -> memref<10240x128xf32, #tpu.memory_space<hbm>>
      tpu.wait_indirect_dma semaphore(%arg16 : memref<!tpu.dma_semaphore, #tpu.memory_space<semaphore_mem>>) src(%dma_wait3A_522 : memref<10240x128xf32, #tpu.memory_space<hbm>>) dst(%arg11 : memref<80x128xf32, #tpu.memory_space<vmem>>)
      %dma_start3A_523 = arith.constant 11 : i32
      %dma_start3A_524 = arith.constant 0 : i32
      %dma_start3A_525 = tpu.memref_slice %arg7[%dma_start3A_523, %dma_start3A_524] : memref<25x80xi32, #tpu.memory_space<vmem>> -> memref<1x80xi32, #tpu.memory_space<vmem>>
      %dma_start3A_526 = tpu.memref_squeeze %dma_start3A_525 : memref<1x80xi32, #tpu.memory_space<vmem>> -> memref<80xi32, #tpu.memory_space<vmem>>
      %dma_start3A_527 = arith.constant 0 : i32
      %dma_start3A_528 = arith.constant 0 : i32
      %dma_start3A_529 = tpu.memref_slice %arg12[%dma_start3A_527, %dma_start3A_528] : memref<10240x128xf32, #tpu.memory_space<vmem_shared>> -> memref<10240x128xf32, #tpu.memory_space<vmem_shared>>
      tpu.enqueue_indirect_dma source(%arg11 : memref<80x128xf32, #tpu.memory_space<vmem>>) target(%dma_start3A_529 : memref<10240x128xf32, #tpu.memory_space<vmem_shared>>) offsets(%dma_start3A_526 : memref<80xi32, #tpu.memory_space<vmem>>) semaphore(%arg20 : memref<!tpu.dma_semaphore, #tpu.memory_space<semaphore_mem>>) {add = true}
      %dma_wait3A_530 = arith.constant 9 : i32
      %dma_wait3A_531 = arith.constant 0 : i32
      %dma_wait3A_532 = tpu.memref_slice %arg7[%dma_wait3A_530, %dma_wait3A_531] : memref<25x80xi32, #tpu.memory_space<vmem>> -> memref<1x80xi32, #tpu.memory_space<vmem>>
      %dma_wait3A_533 = tpu.memref_squeeze %dma_wait3A_532 : memref<1x80xi32, #tpu.memory_space<vmem>> -> memref<80xi32, #tpu.memory_space<vmem>>
      %dma_wait3A_534 = arith.constant 0 : i32
      %dma_wait3A_535 = arith.constant 0 : i32
      %dma_wait3A_536 = tpu.memref_slice %arg12[%dma_wait3A_534, %dma_wait3A_535] : memref<10240x128xf32, #tpu.memory_space<vmem_shared>> -> memref<10240x128xf32, #tpu.memory_space<vmem_shared>>
      tpu.wait_indirect_dma semaphore(%arg18 : memref<!tpu.dma_semaphore, #tpu.memory_space<semaphore_mem>>) src(%arg9 : memref<80x128xf32, #tpu.memory_space<vmem>>) dst(%dma_wait3A_536 : memref<10240x128xf32, #tpu.memory_space<vmem_shared>>)
      %dma_start3A_537 = arith.constant 13 : i32
      %dma_start3A_538 = arith.constant 0 : i32
      %dma_start3A_539 = tpu.memref_slice %arg6[%dma_start3A_537, %dma_start3A_538] : memref<25x80xi32, #tpu.memory_space<vmem>> -> memref<1x80xi32, #tpu.memory_space<vmem>>
      %dma_start3A_540 = tpu.memref_squeeze %dma_start3A_539 : memref<1x80xi32, #tpu.memory_space<vmem>> -> memref<80xi32, #tpu.memory_space<vmem>>
      %dma_start3A_541 = arith.constant 0 : i32
      %dma_start3A_542 = arith.constant 0 : i32
      %dma_start3A_543 = tpu.memref_slice %arg2[%arg0, %dma_start3A_541, %dma_start3A_542] : memref<2x10240x128xf32, #tpu.memory_space<hbm>> -> memref<1x10240x128xf32, #tpu.memory_space<hbm>>
      %dma_start3A_544 = tpu.memref_squeeze %dma_start3A_543 : memref<1x10240x128xf32, #tpu.memory_space<hbm>> -> memref<10240x128xf32, #tpu.memory_space<hbm>>
      %dma_start3A_545 = arith.constant 0 : i32
      %dma_start3A_546 = arith.constant 0 : i32
      %dma_start3A_547 = tpu.memref_slice %dma_start3A_544[%dma_start3A_545, %dma_start3A_546] : memref<10240x128xf32, #tpu.memory_space<hbm>> -> memref<10240x128xf32, #tpu.memory_space<hbm>>
      tpu.enqueue_indirect_dma source(%dma_start3A_547 : memref<10240x128xf32, #tpu.memory_space<hbm>>) target(%arg9 : memref<80x128xf32, #tpu.memory_space<vmem>>) offsets(%dma_start3A_540 : memref<80xi32, #tpu.memory_space<vmem>>) semaphore(%arg14 : memref<!tpu.dma_semaphore, #tpu.memory_space<semaphore_mem>>)
      %dma_wait3A_548 = arith.constant 12 : i32
      %dma_wait3A_549 = arith.constant 0 : i32
      %dma_wait3A_550 = tpu.memref_slice %arg6[%dma_wait3A_548, %dma_wait3A_549] : memref<25x80xi32, #tpu.memory_space<vmem>> -> memref<1x80xi32, #tpu.memory_space<vmem>>
      %dma_wait3A_551 = tpu.memref_squeeze %dma_wait3A_550 : memref<1x80xi32, #tpu.memory_space<vmem>> -> memref<80xi32, #tpu.memory_space<vmem>>
      %dma_wait3A_552 = arith.constant 0 : i32
      %dma_wait3A_553 = arith.constant 0 : i32
      %dma_wait3A_554 = tpu.memref_slice %arg2[%arg0, %dma_wait3A_552, %dma_wait3A_553] : memref<2x10240x128xf32, #tpu.memory_space<hbm>> -> memref<1x10240x128xf32, #tpu.memory_space<hbm>>
      %dma_wait3A_555 = tpu.memref_squeeze %dma_wait3A_554 : memref<1x10240x128xf32, #tpu.memory_space<hbm>> -> memref<10240x128xf32, #tpu.memory_space<hbm>>
      %dma_wait3A_556 = arith.constant 0 : i32
      %dma_wait3A_557 = arith.constant 0 : i32
      %dma_wait3A_558 = tpu.memref_slice %dma_wait3A_555[%dma_wait3A_556, %dma_wait3A_557] : memref<10240x128xf32, #tpu.memory_space<hbm>> -> memref<10240x128xf32, #tpu.memory_space<hbm>>
      tpu.wait_indirect_dma semaphore(%arg13 : memref<!tpu.dma_semaphore, #tpu.memory_space<semaphore_mem>>) src(%dma_wait3A_558 : memref<10240x128xf32, #tpu.memory_space<hbm>>) dst(%arg8 : memref<80x128xf32, #tpu.memory_space<vmem>>)
      %dma_start3A_559 = arith.constant 12 : i32
      %dma_start3A_560 = arith.constant 0 : i32
      %dma_start3A_561 = tpu.memref_slice %arg7[%dma_start3A_559, %dma_start3A_560] : memref<25x80xi32, #tpu.memory_space<vmem>> -> memref<1x80xi32, #tpu.memory_space<vmem>>
      %dma_start3A_562 = tpu.memref_squeeze %dma_start3A_561 : memref<1x80xi32, #tpu.memory_space<vmem>> -> memref<80xi32, #tpu.memory_space<vmem>>
      %dma_start3A_563 = arith.constant 0 : i32
      %dma_start3A_564 = arith.constant 0 : i32
      %dma_start3A_565 = tpu.memref_slice %arg12[%dma_start3A_563, %dma_start3A_564] : memref<10240x128xf32, #tpu.memory_space<vmem_shared>> -> memref<10240x128xf32, #tpu.memory_space<vmem_shared>>
      tpu.enqueue_indirect_dma source(%arg8 : memref<80x128xf32, #tpu.memory_space<vmem>>) target(%dma_start3A_565 : memref<10240x128xf32, #tpu.memory_space<vmem_shared>>) offsets(%dma_start3A_562 : memref<80xi32, #tpu.memory_space<vmem>>) semaphore(%arg17 : memref<!tpu.dma_semaphore, #tpu.memory_space<semaphore_mem>>) {add = true}
      %dma_wait3A_566 = arith.constant 10 : i32
      %dma_wait3A_567 = arith.constant 0 : i32
      %dma_wait3A_568 = tpu.memref_slice %arg7[%dma_wait3A_566, %dma_wait3A_567] : memref<25x80xi32, #tpu.memory_space<vmem>> -> memref<1x80xi32, #tpu.memory_space<vmem>>
      %dma_wait3A_569 = tpu.memref_squeeze %dma_wait3A_568 : memref<1x80xi32, #tpu.memory_space<vmem>> -> memref<80xi32, #tpu.memory_space<vmem>>
      %dma_wait3A_570 = arith.constant 0 : i32
      %dma_wait3A_571 = arith.constant 0 : i32
      %dma_wait3A_572 = tpu.memref_slice %arg12[%dma_wait3A_570, %dma_wait3A_571] : memref<10240x128xf32, #tpu.memory_space<vmem_shared>> -> memref<10240x128xf32, #tpu.memory_space<vmem_shared>>
      tpu.wait_indirect_dma semaphore(%arg19 : memref<!tpu.dma_semaphore, #tpu.memory_space<semaphore_mem>>) src(%arg10 : memref<80x128xf32, #tpu.memory_space<vmem>>) dst(%dma_wait3A_572 : memref<10240x128xf32, #tpu.memory_space<vmem_shared>>)
      %dma_start3A_573 = arith.constant 14 : i32
      %dma_start3A_574 = arith.constant 0 : i32
      %dma_start3A_575 = tpu.memref_slice %arg6[%dma_start3A_573, %dma_start3A_574] : memref<25x80xi32, #tpu.memory_space<vmem>> -> memref<1x80xi32, #tpu.memory_space<vmem>>
      %dma_start3A_576 = tpu.memref_squeeze %dma_start3A_575 : memref<1x80xi32, #tpu.memory_space<vmem>> -> memref<80xi32, #tpu.memory_space<vmem>>
      %dma_start3A_577 = arith.constant 0 : i32
      %dma_start3A_578 = arith.constant 0 : i32
      %dma_start3A_579 = tpu.memref_slice %arg2[%arg0, %dma_start3A_577, %dma_start3A_578] : memref<2x10240x128xf32, #tpu.memory_space<hbm>> -> memref<1x10240x128xf32, #tpu.memory_space<hbm>>
      %dma_start3A_580 = tpu.memref_squeeze %dma_start3A_579 : memref<1x10240x128xf32, #tpu.memory_space<hbm>> -> memref<10240x128xf32, #tpu.memory_space<hbm>>
      %dma_start3A_581 = arith.constant 0 : i32
      %dma_start3A_582 = arith.constant 0 : i32
      %dma_start3A_583 = tpu.memref_slice %dma_start3A_580[%dma_start3A_581, %dma_start3A_582] : memref<10240x128xf32, #tpu.memory_space<hbm>> -> memref<10240x128xf32, #tpu.memory_space<hbm>>
      tpu.enqueue_indirect_dma source(%dma_start3A_583 : memref<10240x128xf32, #tpu.memory_space<hbm>>) target(%arg10 : memref<80x128xf32, #tpu.memory_space<vmem>>) offsets(%dma_start3A_576 : memref<80xi32, #tpu.memory_space<vmem>>) semaphore(%arg15 : memref<!tpu.dma_semaphore, #tpu.memory_space<semaphore_mem>>)
      %dma_wait3A_584 = arith.constant 13 : i32
      %dma_wait3A_585 = arith.constant 0 : i32
      %dma_wait3A_586 = tpu.memref_slice %arg6[%dma_wait3A_584, %dma_wait3A_585] : memref<25x80xi32, #tpu.memory_space<vmem>> -> memref<1x80xi32, #tpu.memory_space<vmem>>
      %dma_wait3A_587 = tpu.memref_squeeze %dma_wait3A_586 : memref<1x80xi32, #tpu.memory_space<vmem>> -> memref<80xi32, #tpu.memory_space<vmem>>
      %dma_wait3A_588 = arith.constant 0 : i32
      %dma_wait3A_589 = arith.constant 0 : i32
      %dma_wait3A_590 = tpu.memref_slice %arg2[%arg0, %dma_wait3A_588, %dma_wait3A_589] : memref<2x10240x128xf32, #tpu.memory_space<hbm>> -> memref<1x10240x128xf32, #tpu.memory_space<hbm>>
      %dma_wait3A_591 = tpu.memref_squeeze %dma_wait3A_590 : memref<1x10240x128xf32, #tpu.memory_space<hbm>> -> memref<10240x128xf32, #tpu.memory_space<hbm>>
      %dma_wait3A_592 = arith.constant 0 : i32
      %dma_wait3A_593 = arith.constant 0 : i32
      %dma_wait3A_594 = tpu.memref_slice %dma_wait3A_591[%dma_wait3A_592, %dma_wait3A_593] : memref<10240x128xf32, #tpu.memory_space<hbm>> -> memref<10240x128xf32, #tpu.memory_space<hbm>>
      tpu.wait_indirect_dma semaphore(%arg14 : memref<!tpu.dma_semaphore, #tpu.memory_space<semaphore_mem>>) src(%dma_wait3A_594 : memref<10240x128xf32, #tpu.memory_space<hbm>>) dst(%arg9 : memref<80x128xf32, #tpu.memory_space<vmem>>)
      %dma_start3A_595 = arith.constant 13 : i32
      %dma_start3A_596 = arith.constant 0 : i32
      %dma_start3A_597 = tpu.memref_slice %arg7[%dma_start3A_595, %dma_start3A_596] : memref<25x80xi32, #tpu.memory_space<vmem>> -> memref<1x80xi32, #tpu.memory_space<vmem>>
      %dma_start3A_598 = tpu.memref_squeeze %dma_start3A_597 : memref<1x80xi32, #tpu.memory_space<vmem>> -> memref<80xi32, #tpu.memory_space<vmem>>
      %dma_start3A_599 = arith.constant 0 : i32
      %dma_start3A_600 = arith.constant 0 : i32
      %dma_start3A_601 = tpu.memref_slice %arg12[%dma_start3A_599, %dma_start3A_600] : memref<10240x128xf32, #tpu.memory_space<vmem_shared>> -> memref<10240x128xf32, #tpu.memory_space<vmem_shared>>
      tpu.enqueue_indirect_dma source(%arg9 : memref<80x128xf32, #tpu.memory_space<vmem>>) target(%dma_start3A_601 : memref<10240x128xf32, #tpu.memory_space<vmem_shared>>) offsets(%dma_start3A_598 : memref<80xi32, #tpu.memory_space<vmem>>) semaphore(%arg18 : memref<!tpu.dma_semaphore, #tpu.memory_space<semaphore_mem>>) {add = true}
      %dma_wait3A_602 = arith.constant 11 : i32
      %dma_wait3A_603 = arith.constant 0 : i32
      %dma_wait3A_604 = tpu.memref_slice %arg7[%dma_wait3A_602, %dma_wait3A_603] : memref<25x80xi32, #tpu.memory_space<vmem>> -> memref<1x80xi32, #tpu.memory_space<vmem>>
      %dma_wait3A_605 = tpu.memref_squeeze %dma_wait3A_604 : memref<1x80xi32, #tpu.memory_space<vmem>> -> memref<80xi32, #tpu.memory_space<vmem>>
      %dma_wait3A_606 = arith.constant 0 : i32
      %dma_wait3A_607 = arith.constant 0 : i32
      %dma_wait3A_608 = tpu.memref_slice %arg12[%dma_wait3A_606, %dma_wait3A_607] : memref<10240x128xf32, #tpu.memory_space<vmem_shared>> -> memref<10240x128xf32, #tpu.memory_space<vmem_shared>>
      tpu.wait_indirect_dma semaphore(%arg20 : memref<!tpu.dma_semaphore, #tpu.memory_space<semaphore_mem>>) src(%arg11 : memref<80x128xf32, #tpu.memory_space<vmem>>) dst(%dma_wait3A_608 : memref<10240x128xf32, #tpu.memory_space<vmem_shared>>)
      %dma_start3A_609 = arith.constant 15 : i32
      %dma_start3A_610 = arith.constant 0 : i32
      %dma_start3A_611 = tpu.memref_slice %arg6[%dma_start3A_609, %dma_start3A_610] : memref<25x80xi32, #tpu.memory_space<vmem>> -> memref<1x80xi32, #tpu.memory_space<vmem>>
      %dma_start3A_612 = tpu.memref_squeeze %dma_start3A_611 : memref<1x80xi32, #tpu.memory_space<vmem>> -> memref<80xi32, #tpu.memory_space<vmem>>
      %dma_start3A_613 = arith.constant 0 : i32
      %dma_start3A_614 = arith.constant 0 : i32
      %dma_start3A_615 = tpu.memref_slice %arg2[%arg0, %dma_start3A_613, %dma_start3A_614] : memref<2x10240x128xf32, #tpu.memory_space<hbm>> -> memref<1x10240x128xf32, #tpu.memory_space<hbm>>
      %dma_start3A_616 = tpu.memref_squeeze %dma_start3A_615 : memref<1x10240x128xf32, #tpu.memory_space<hbm>> -> memref<10240x128xf32, #tpu.memory_space<hbm>>
      %dma_start3A_617 = arith.constant 0 : i32
      %dma_start3A_618 = arith.constant 0 : i32
      %dma_start3A_619 = tpu.memref_slice %dma_start3A_616[%dma_start3A_617, %dma_start3A_618] : memref<10240x128xf32, #tpu.memory_space<hbm>> -> memref<10240x128xf32, #tpu.memory_space<hbm>>
      tpu.enqueue_indirect_dma source(%dma_start3A_619 : memref<10240x128xf32, #tpu.memory_space<hbm>>) target(%arg11 : memref<80x128xf32, #tpu.memory_space<vmem>>) offsets(%dma_start3A_612 : memref<80xi32, #tpu.memory_space<vmem>>) semaphore(%arg16 : memref<!tpu.dma_semaphore, #tpu.memory_space<semaphore_mem>>)
      %dma_wait3A_620 = arith.constant 14 : i32
      %dma_wait3A_621 = arith.constant 0 : i32
      %dma_wait3A_622 = tpu.memref_slice %arg6[%dma_wait3A_620, %dma_wait3A_621] : memref<25x80xi32, #tpu.memory_space<vmem>> -> memref<1x80xi32, #tpu.memory_space<vmem>>
      %dma_wait3A_623 = tpu.memref_squeeze %dma_wait3A_622 : memref<1x80xi32, #tpu.memory_space<vmem>> -> memref<80xi32, #tpu.memory_space<vmem>>
      %dma_wait3A_624 = arith.constant 0 : i32
      %dma_wait3A_625 = arith.constant 0 : i32
      %dma_wait3A_626 = tpu.memref_slice %arg2[%arg0, %dma_wait3A_624, %dma_wait3A_625] : memref<2x10240x128xf32, #tpu.memory_space<hbm>> -> memref<1x10240x128xf32, #tpu.memory_space<hbm>>
      %dma_wait3A_627 = tpu.memref_squeeze %dma_wait3A_626 : memref<1x10240x128xf32, #tpu.memory_space<hbm>> -> memref<10240x128xf32, #tpu.memory_space<hbm>>
      %dma_wait3A_628 = arith.constant 0 : i32
      %dma_wait3A_629 = arith.constant 0 : i32
      %dma_wait3A_630 = tpu.memref_slice %dma_wait3A_627[%dma_wait3A_628, %dma_wait3A_629] : memref<10240x128xf32, #tpu.memory_space<hbm>> -> memref<10240x128xf32, #tpu.memory_space<hbm>>
      tpu.wait_indirect_dma semaphore(%arg15 : memref<!tpu.dma_semaphore, #tpu.memory_space<semaphore_mem>>) src(%dma_wait3A_630 : memref<10240x128xf32, #tpu.memory_space<hbm>>) dst(%arg10 : memref<80x128xf32, #tpu.memory_space<vmem>>)
      %dma_start3A_631 = arith.constant 14 : i32
      %dma_start3A_632 = arith.constant 0 : i32
      %dma_start3A_633 = tpu.memref_slice %arg7[%dma_start3A_631, %dma_start3A_632] : memref<25x80xi32, #tpu.memory_space<vmem>> -> memref<1x80xi32, #tpu.memory_space<vmem>>
      %dma_start3A_634 = tpu.memref_squeeze %dma_start3A_633 : memref<1x80xi32, #tpu.memory_space<vmem>> -> memref<80xi32, #tpu.memory_space<vmem>>
      %dma_start3A_635 = arith.constant 0 : i32
      %dma_start3A_636 = arith.constant 0 : i32
      %dma_start3A_637 = tpu.memref_slice %arg12[%dma_start3A_635, %dma_start3A_636] : memref<10240x128xf32, #tpu.memory_space<vmem_shared>> -> memref<10240x128xf32, #tpu.memory_space<vmem_shared>>
      tpu.enqueue_indirect_dma source(%arg10 : memref<80x128xf32, #tpu.memory_space<vmem>>) target(%dma_start3A_637 : memref<10240x128xf32, #tpu.memory_space<vmem_shared>>) offsets(%dma_start3A_634 : memref<80xi32, #tpu.memory_space<vmem>>) semaphore(%arg19 : memref<!tpu.dma_semaphore, #tpu.memory_space<semaphore_mem>>) {add = true}
      %dma_wait3A_638 = arith.constant 12 : i32
      %dma_wait3A_639 = arith.constant 0 : i32
      %dma_wait3A_640 = tpu.memref_slice %arg7[%dma_wait3A_638, %dma_wait3A_639] : memref<25x80xi32, #tpu.memory_space<vmem>> -> memref<1x80xi32, #tpu.memory_space<vmem>>
      %dma_wait3A_641 = tpu.memref_squeeze %dma_wait3A_640 : memref<1x80xi32, #tpu.memory_space<vmem>> -> memref<80xi32, #tpu.memory_space<vmem>>
      %dma_wait3A_642 = arith.constant 0 : i32
      %dma_wait3A_643 = arith.constant 0 : i32
      %dma_wait3A_644 = tpu.memref_slice %arg12[%dma_wait3A_642, %dma_wait3A_643] : memref<10240x128xf32, #tpu.memory_space<vmem_shared>> -> memref<10240x128xf32, #tpu.memory_space<vmem_shared>>
      tpu.wait_indirect_dma semaphore(%arg17 : memref<!tpu.dma_semaphore, #tpu.memory_space<semaphore_mem>>) src(%arg8 : memref<80x128xf32, #tpu.memory_space<vmem>>) dst(%dma_wait3A_644 : memref<10240x128xf32, #tpu.memory_space<vmem_shared>>)
      %dma_start3A_645 = arith.constant 16 : i32
      %dma_start3A_646 = arith.constant 0 : i32
      %dma_start3A_647 = tpu.memref_slice %arg6[%dma_start3A_645, %dma_start3A_646] : memref<25x80xi32, #tpu.memory_space<vmem>> -> memref<1x80xi32, #tpu.memory_space<vmem>>
      %dma_start3A_648 = tpu.memref_squeeze %dma_start3A_647 : memref<1x80xi32, #tpu.memory_space<vmem>> -> memref<80xi32, #tpu.memory_space<vmem>>
      %dma_start3A_649 = arith.constant 0 : i32
      %dma_start3A_650 = arith.constant 0 : i32
      %dma_start3A_651 = tpu.memref_slice %arg2[%arg0, %dma_start3A_649, %dma_start3A_650] : memref<2x10240x128xf32, #tpu.memory_space<hbm>> -> memref<1x10240x128xf32, #tpu.memory_space<hbm>>
      %dma_start3A_652 = tpu.memref_squeeze %dma_start3A_651 : memref<1x10240x128xf32, #tpu.memory_space<hbm>> -> memref<10240x128xf32, #tpu.memory_space<hbm>>
      %dma_start3A_653 = arith.constant 0 : i32
      %dma_start3A_654 = arith.constant 0 : i32
      %dma_start3A_655 = tpu.memref_slice %dma_start3A_652[%dma_start3A_653, %dma_start3A_654] : memref<10240x128xf32, #tpu.memory_space<hbm>> -> memref<10240x128xf32, #tpu.memory_space<hbm>>
      tpu.enqueue_indirect_dma source(%dma_start3A_655 : memref<10240x128xf32, #tpu.memory_space<hbm>>) target(%arg8 : memref<80x128xf32, #tpu.memory_space<vmem>>) offsets(%dma_start3A_648 : memref<80xi32, #tpu.memory_space<vmem>>) semaphore(%arg13 : memref<!tpu.dma_semaphore, #tpu.memory_space<semaphore_mem>>)
      %dma_wait3A_656 = arith.constant 15 : i32
      %dma_wait3A_657 = arith.constant 0 : i32
      %dma_wait3A_658 = tpu.memref_slice %arg6[%dma_wait3A_656, %dma_wait3A_657] : memref<25x80xi32, #tpu.memory_space<vmem>> -> memref<1x80xi32, #tpu.memory_space<vmem>>
      %dma_wait3A_659 = tpu.memref_squeeze %dma_wait3A_658 : memref<1x80xi32, #tpu.memory_space<vmem>> -> memref<80xi32, #tpu.memory_space<vmem>>
      %dma_wait3A_660 = arith.constant 0 : i32
      %dma_wait3A_661 = arith.constant 0 : i32
      %dma_wait3A_662 = tpu.memref_slice %arg2[%arg0, %dma_wait3A_660, %dma_wait3A_661] : memref<2x10240x128xf32, #tpu.memory_space<hbm>> -> memref<1x10240x128xf32, #tpu.memory_space<hbm>>
      %dma_wait3A_663 = tpu.memref_squeeze %dma_wait3A_662 : memref<1x10240x128xf32, #tpu.memory_space<hbm>> -> memref<10240x128xf32, #tpu.memory_space<hbm>>
      %dma_wait3A_664 = arith.constant 0 : i32
      %dma_wait3A_665 = arith.constant 0 : i32
      %dma_wait3A_666 = tpu.memref_slice %dma_wait3A_663[%dma_wait3A_664, %dma_wait3A_665] : memref<10240x128xf32, #tpu.memory_space<hbm>> -> memref<10240x128xf32, #tpu.memory_space<hbm>>
      tpu.wait_indirect_dma semaphore(%arg16 : memref<!tpu.dma_semaphore, #tpu.memory_space<semaphore_mem>>) src(%dma_wait3A_666 : memref<10240x128xf32, #tpu.memory_space<hbm>>) dst(%arg11 : memref<80x128xf32, #tpu.memory_space<vmem>>)
      %dma_start3A_667 = arith.constant 15 : i32
      %dma_start3A_668 = arith.constant 0 : i32
      %dma_start3A_669 = tpu.memref_slice %arg7[%dma_start3A_667, %dma_start3A_668] : memref<25x80xi32, #tpu.memory_space<vmem>> -> memref<1x80xi32, #tpu.memory_space<vmem>>
      %dma_start3A_670 = tpu.memref_squeeze %dma_start3A_669 : memref<1x80xi32, #tpu.memory_space<vmem>> -> memref<80xi32, #tpu.memory_space<vmem>>
      %dma_start3A_671 = arith.constant 0 : i32
      %dma_start3A_672 = arith.constant 0 : i32
      %dma_start3A_673 = tpu.memref_slice %arg12[%dma_start3A_671, %dma_start3A_672] : memref<10240x128xf32, #tpu.memory_space<vmem_shared>> -> memref<10240x128xf32, #tpu.memory_space<vmem_shared>>
      tpu.enqueue_indirect_dma source(%arg11 : memref<80x128xf32, #tpu.memory_space<vmem>>) target(%dma_start3A_673 : memref<10240x128xf32, #tpu.memory_space<vmem_shared>>) offsets(%dma_start3A_670 : memref<80xi32, #tpu.memory_space<vmem>>) semaphore(%arg20 : memref<!tpu.dma_semaphore, #tpu.memory_space<semaphore_mem>>) {add = true}
      %dma_wait3A_674 = arith.constant 13 : i32
      %dma_wait3A_675 = arith.constant 0 : i32
      %dma_wait3A_676 = tpu.memref_slice %arg7[%dma_wait3A_674, %dma_wait3A_675] : memref<25x80xi32, #tpu.memory_space<vmem>> -> memref<1x80xi32, #tpu.memory_space<vmem>>
      %dma_wait3A_677 = tpu.memref_squeeze %dma_wait3A_676 : memref<1x80xi32, #tpu.memory_space<vmem>> -> memref<80xi32, #tpu.memory_space<vmem>>
      %dma_wait3A_678 = arith.constant 0 : i32
      %dma_wait3A_679 = arith.constant 0 : i32
      %dma_wait3A_680 = tpu.memref_slice %arg12[%dma_wait3A_678, %dma_wait3A_679] : memref<10240x128xf32, #tpu.memory_space<vmem_shared>> -> memref<10240x128xf32, #tpu.memory_space<vmem_shared>>
      tpu.wait_indirect_dma semaphore(%arg18 : memref<!tpu.dma_semaphore, #tpu.memory_space<semaphore_mem>>) src(%arg9 : memref<80x128xf32, #tpu.memory_space<vmem>>) dst(%dma_wait3A_680 : memref<10240x128xf32, #tpu.memory_space<vmem_shared>>)
      %dma_start3A_681 = arith.constant 17 : i32
      %dma_start3A_682 = arith.constant 0 : i32
      %dma_start3A_683 = tpu.memref_slice %arg6[%dma_start3A_681, %dma_start3A_682] : memref<25x80xi32, #tpu.memory_space<vmem>> -> memref<1x80xi32, #tpu.memory_space<vmem>>
      %dma_start3A_684 = tpu.memref_squeeze %dma_start3A_683 : memref<1x80xi32, #tpu.memory_space<vmem>> -> memref<80xi32, #tpu.memory_space<vmem>>
      %dma_start3A_685 = arith.constant 0 : i32
      %dma_start3A_686 = arith.constant 0 : i32
      %dma_start3A_687 = tpu.memref_slice %arg2[%arg0, %dma_start3A_685, %dma_start3A_686] : memref<2x10240x128xf32, #tpu.memory_space<hbm>> -> memref<1x10240x128xf32, #tpu.memory_space<hbm>>
      %dma_start3A_688 = tpu.memref_squeeze %dma_start3A_687 : memref<1x10240x128xf32, #tpu.memory_space<hbm>> -> memref<10240x128xf32, #tpu.memory_space<hbm>>
      %dma_start3A_689 = arith.constant 0 : i32
      %dma_start3A_690 = arith.constant 0 : i32
      %dma_start3A_691 = tpu.memref_slice %dma_start3A_688[%dma_start3A_689, %dma_start3A_690] : memref<10240x128xf32, #tpu.memory_space<hbm>> -> memref<10240x128xf32, #tpu.memory_space<hbm>>
      tpu.enqueue_indirect_dma source(%dma_start3A_691 : memref<10240x128xf32, #tpu.memory_space<hbm>>) target(%arg9 : memref<80x128xf32, #tpu.memory_space<vmem>>) offsets(%dma_start3A_684 : memref<80xi32, #tpu.memory_space<vmem>>) semaphore(%arg14 : memref<!tpu.dma_semaphore, #tpu.memory_space<semaphore_mem>>)
      %dma_wait3A_692 = arith.constant 16 : i32
      %dma_wait3A_693 = arith.constant 0 : i32
      %dma_wait3A_694 = tpu.memref_slice %arg6[%dma_wait3A_692, %dma_wait3A_693] : memref<25x80xi32, #tpu.memory_space<vmem>> -> memref<1x80xi32, #tpu.memory_space<vmem>>
      %dma_wait3A_695 = tpu.memref_squeeze %dma_wait3A_694 : memref<1x80xi32, #tpu.memory_space<vmem>> -> memref<80xi32, #tpu.memory_space<vmem>>
      %dma_wait3A_696 = arith.constant 0 : i32
      %dma_wait3A_697 = arith.constant 0 : i32
      %dma_wait3A_698 = tpu.memref_slice %arg2[%arg0, %dma_wait3A_696, %dma_wait3A_697] : memref<2x10240x128xf32, #tpu.memory_space<hbm>> -> memref<1x10240x128xf32, #tpu.memory_space<hbm>>
      %dma_wait3A_699 = tpu.memref_squeeze %dma_wait3A_698 : memref<1x10240x128xf32, #tpu.memory_space<hbm>> -> memref<10240x128xf32, #tpu.memory_space<hbm>>
      %dma_wait3A_700 = arith.constant 0 : i32
      %dma_wait3A_701 = arith.constant 0 : i32
      %dma_wait3A_702 = tpu.memref_slice %dma_wait3A_699[%dma_wait3A_700, %dma_wait3A_701] : memref<10240x128xf32, #tpu.memory_space<hbm>> -> memref<10240x128xf32, #tpu.memory_space<hbm>>
      tpu.wait_indirect_dma semaphore(%arg13 : memref<!tpu.dma_semaphore, #tpu.memory_space<semaphore_mem>>) src(%dma_wait3A_702 : memref<10240x128xf32, #tpu.memory_space<hbm>>) dst(%arg8 : memref<80x128xf32, #tpu.memory_space<vmem>>)
      %dma_start3A_703 = arith.constant 16 : i32
      %dma_start3A_704 = arith.constant 0 : i32
      %dma_start3A_705 = tpu.memref_slice %arg7[%dma_start3A_703, %dma_start3A_704] : memref<25x80xi32, #tpu.memory_space<vmem>> -> memref<1x80xi32, #tpu.memory_space<vmem>>
      %dma_start3A_706 = tpu.memref_squeeze %dma_start3A_705 : memref<1x80xi32, #tpu.memory_space<vmem>> -> memref<80xi32, #tpu.memory_space<vmem>>
      %dma_start3A_707 = arith.constant 0 : i32
      %dma_start3A_708 = arith.constant 0 : i32
      %dma_start3A_709 = tpu.memref_slice %arg12[%dma_start3A_707, %dma_start3A_708] : memref<10240x128xf32, #tpu.memory_space<vmem_shared>> -> memref<10240x128xf32, #tpu.memory_space<vmem_shared>>
      tpu.enqueue_indirect_dma source(%arg8 : memref<80x128xf32, #tpu.memory_space<vmem>>) target(%dma_start3A_709 : memref<10240x128xf32, #tpu.memory_space<vmem_shared>>) offsets(%dma_start3A_706 : memref<80xi32, #tpu.memory_space<vmem>>) semaphore(%arg17 : memref<!tpu.dma_semaphore, #tpu.memory_space<semaphore_mem>>) {add = true}
      %dma_wait3A_710 = arith.constant 14 : i32
      %dma_wait3A_711 = arith.constant 0 : i32
      %dma_wait3A_712 = tpu.memref_slice %arg7[%dma_wait3A_710, %dma_wait3A_711] : memref<25x80xi32, #tpu.memory_space<vmem>> -> memref<1x80xi32, #tpu.memory_space<vmem>>
      %dma_wait3A_713 = tpu.memref_squeeze %dma_wait3A_712 : memref<1x80xi32, #tpu.memory_space<vmem>> -> memref<80xi32, #tpu.memory_space<vmem>>
      %dma_wait3A_714 = arith.constant 0 : i32
      %dma_wait3A_715 = arith.constant 0 : i32
      %dma_wait3A_716 = tpu.memref_slice %arg12[%dma_wait3A_714, %dma_wait3A_715] : memref<10240x128xf32, #tpu.memory_space<vmem_shared>> -> memref<10240x128xf32, #tpu.memory_space<vmem_shared>>
      tpu.wait_indirect_dma semaphore(%arg19 : memref<!tpu.dma_semaphore, #tpu.memory_space<semaphore_mem>>) src(%arg10 : memref<80x128xf32, #tpu.memory_space<vmem>>) dst(%dma_wait3A_716 : memref<10240x128xf32, #tpu.memory_space<vmem_shared>>)
      %dma_start3A_717 = arith.constant 18 : i32
      %dma_start3A_718 = arith.constant 0 : i32
      %dma_start3A_719 = tpu.memref_slice %arg6[%dma_start3A_717, %dma_start3A_718] : memref<25x80xi32, #tpu.memory_space<vmem>> -> memref<1x80xi32, #tpu.memory_space<vmem>>
      %dma_start3A_720 = tpu.memref_squeeze %dma_start3A_719 : memref<1x80xi32, #tpu.memory_space<vmem>> -> memref<80xi32, #tpu.memory_space<vmem>>
      %dma_start3A_721 = arith.constant 0 : i32
      %dma_start3A_722 = arith.constant 0 : i32
      %dma_start3A_723 = tpu.memref_slice %arg2[%arg0, %dma_start3A_721, %dma_start3A_722] : memref<2x10240x128xf32, #tpu.memory_space<hbm>> -> memref<1x10240x128xf32, #tpu.memory_space<hbm>>
      %dma_start3A_724 = tpu.memref_squeeze %dma_start3A_723 : memref<1x10240x128xf32, #tpu.memory_space<hbm>> -> memref<10240x128xf32, #tpu.memory_space<hbm>>
      %dma_start3A_725 = arith.constant 0 : i32
      %dma_start3A_726 = arith.constant 0 : i32
      %dma_start3A_727 = tpu.memref_slice %dma_start3A_724[%dma_start3A_725, %dma_start3A_726] : memref<10240x128xf32, #tpu.memory_space<hbm>> -> memref<10240x128xf32, #tpu.memory_space<hbm>>
      tpu.enqueue_indirect_dma source(%dma_start3A_727 : memref<10240x128xf32, #tpu.memory_space<hbm>>) target(%arg10 : memref<80x128xf32, #tpu.memory_space<vmem>>) offsets(%dma_start3A_720 : memref<80xi32, #tpu.memory_space<vmem>>) semaphore(%arg15 : memref<!tpu.dma_semaphore, #tpu.memory_space<semaphore_mem>>)
      %dma_wait3A_728 = arith.constant 17 : i32
      %dma_wait3A_729 = arith.constant 0 : i32
      %dma_wait3A_730 = tpu.memref_slice %arg6[%dma_wait3A_728, %dma_wait3A_729] : memref<25x80xi32, #tpu.memory_space<vmem>> -> memref<1x80xi32, #tpu.memory_space<vmem>>
      %dma_wait3A_731 = tpu.memref_squeeze %dma_wait3A_730 : memref<1x80xi32, #tpu.memory_space<vmem>> -> memref<80xi32, #tpu.memory_space<vmem>>
      %dma_wait3A_732 = arith.constant 0 : i32
      %dma_wait3A_733 = arith.constant 0 : i32
      %dma_wait3A_734 = tpu.memref_slice %arg2[%arg0, %dma_wait3A_732, %dma_wait3A_733] : memref<2x10240x128xf32, #tpu.memory_space<hbm>> -> memref<1x10240x128xf32, #tpu.memory_space<hbm>>
      %dma_wait3A_735 = tpu.memref_squeeze %dma_wait3A_734 : memref<1x10240x128xf32, #tpu.memory_space<hbm>> -> memref<10240x128xf32, #tpu.memory_space<hbm>>
      %dma_wait3A_736 = arith.constant 0 : i32
      %dma_wait3A_737 = arith.constant 0 : i32
      %dma_wait3A_738 = tpu.memref_slice %dma_wait3A_735[%dma_wait3A_736, %dma_wait3A_737] : memref<10240x128xf32, #tpu.memory_space<hbm>> -> memref<10240x128xf32, #tpu.memory_space<hbm>>
      tpu.wait_indirect_dma semaphore(%arg14 : memref<!tpu.dma_semaphore, #tpu.memory_space<semaphore_mem>>) src(%dma_wait3A_738 : memref<10240x128xf32, #tpu.memory_space<hbm>>) dst(%arg9 : memref<80x128xf32, #tpu.memory_space<vmem>>)
      %dma_start3A_739 = arith.constant 17 : i32
      %dma_start3A_740 = arith.constant 0 : i32
      %dma_start3A_741 = tpu.memref_slice %arg7[%dma_start3A_739, %dma_start3A_740] : memref<25x80xi32, #tpu.memory_space<vmem>> -> memref<1x80xi32, #tpu.memory_space<vmem>>
      %dma_start3A_742 = tpu.memref_squeeze %dma_start3A_741 : memref<1x80xi32, #tpu.memory_space<vmem>> -> memref<80xi32, #tpu.memory_space<vmem>>
      %dma_start3A_743 = arith.constant 0 : i32
      %dma_start3A_744 = arith.constant 0 : i32
      %dma_start3A_745 = tpu.memref_slice %arg12[%dma_start3A_743, %dma_start3A_744] : memref<10240x128xf32, #tpu.memory_space<vmem_shared>> -> memref<10240x128xf32, #tpu.memory_space<vmem_shared>>
      tpu.enqueue_indirect_dma source(%arg9 : memref<80x128xf32, #tpu.memory_space<vmem>>) target(%dma_start3A_745 : memref<10240x128xf32, #tpu.memory_space<vmem_shared>>) offsets(%dma_start3A_742 : memref<80xi32, #tpu.memory_space<vmem>>) semaphore(%arg18 : memref<!tpu.dma_semaphore, #tpu.memory_space<semaphore_mem>>) {add = true}
      %dma_wait3A_746 = arith.constant 15 : i32
      %dma_wait3A_747 = arith.constant 0 : i32
      %dma_wait3A_748 = tpu.memref_slice %arg7[%dma_wait3A_746, %dma_wait3A_747] : memref<25x80xi32, #tpu.memory_space<vmem>> -> memref<1x80xi32, #tpu.memory_space<vmem>>
      %dma_wait3A_749 = tpu.memref_squeeze %dma_wait3A_748 : memref<1x80xi32, #tpu.memory_space<vmem>> -> memref<80xi32, #tpu.memory_space<vmem>>
      %dma_wait3A_750 = arith.constant 0 : i32
      %dma_wait3A_751 = arith.constant 0 : i32
      %dma_wait3A_752 = tpu.memref_slice %arg12[%dma_wait3A_750, %dma_wait3A_751] : memref<10240x128xf32, #tpu.memory_space<vmem_shared>> -> memref<10240x128xf32, #tpu.memory_space<vmem_shared>>
      tpu.wait_indirect_dma semaphore(%arg20 : memref<!tpu.dma_semaphore, #tpu.memory_space<semaphore_mem>>) src(%arg11 : memref<80x128xf32, #tpu.memory_space<vmem>>) dst(%dma_wait3A_752 : memref<10240x128xf32, #tpu.memory_space<vmem_shared>>)
      %dma_start3A_753 = arith.constant 19 : i32
      %dma_start3A_754 = arith.constant 0 : i32
      %dma_start3A_755 = tpu.memref_slice %arg6[%dma_start3A_753, %dma_start3A_754] : memref<25x80xi32, #tpu.memory_space<vmem>> -> memref<1x80xi32, #tpu.memory_space<vmem>>
      %dma_start3A_756 = tpu.memref_squeeze %dma_start3A_755 : memref<1x80xi32, #tpu.memory_space<vmem>> -> memref<80xi32, #tpu.memory_space<vmem>>
      %dma_start3A_757 = arith.constant 0 : i32
      %dma_start3A_758 = arith.constant 0 : i32
      %dma_start3A_759 = tpu.memref_slice %arg2[%arg0, %dma_start3A_757, %dma_start3A_758] : memref<2x10240x128xf32, #tpu.memory_space<hbm>> -> memref<1x10240x128xf32, #tpu.memory_space<hbm>>
      %dma_start3A_760 = tpu.memref_squeeze %dma_start3A_759 : memref<1x10240x128xf32, #tpu.memory_space<hbm>> -> memref<10240x128xf32, #tpu.memory_space<hbm>>
      %dma_start3A_761 = arith.constant 0 : i32
      %dma_start3A_762 = arith.constant 0 : i32
      %dma_start3A_763 = tpu.memref_slice %dma_start3A_760[%dma_start3A_761, %dma_start3A_762] : memref<10240x128xf32, #tpu.memory_space<hbm>> -> memref<10240x128xf32, #tpu.memory_space<hbm>>
      tpu.enqueue_indirect_dma source(%dma_start3A_763 : memref<10240x128xf32, #tpu.memory_space<hbm>>) target(%arg11 : memref<80x128xf32, #tpu.memory_space<vmem>>) offsets(%dma_start3A_756 : memref<80xi32, #tpu.memory_space<vmem>>) semaphore(%arg16 : memref<!tpu.dma_semaphore, #tpu.memory_space<semaphore_mem>>)
      %dma_wait3A_764 = arith.constant 18 : i32
      %dma_wait3A_765 = arith.constant 0 : i32
      %dma_wait3A_766 = tpu.memref_slice %arg6[%dma_wait3A_764, %dma_wait3A_765] : memref<25x80xi32, #tpu.memory_space<vmem>> -> memref<1x80xi32, #tpu.memory_space<vmem>>
      %dma_wait3A_767 = tpu.memref_squeeze %dma_wait3A_766 : memref<1x80xi32, #tpu.memory_space<vmem>> -> memref<80xi32, #tpu.memory_space<vmem>>
      %dma_wait3A_768 = arith.constant 0 : i32
      %dma_wait3A_769 = arith.constant 0 : i32
      %dma_wait3A_770 = tpu.memref_slice %arg2[%arg0, %dma_wait3A_768, %dma_wait3A_769] : memref<2x10240x128xf32, #tpu.memory_space<hbm>> -> memref<1x10240x128xf32, #tpu.memory_space<hbm>>
      %dma_wait3A_771 = tpu.memref_squeeze %dma_wait3A_770 : memref<1x10240x128xf32, #tpu.memory_space<hbm>> -> memref<10240x128xf32, #tpu.memory_space<hbm>>
      %dma_wait3A_772 = arith.constant 0 : i32
      %dma_wait3A_773 = arith.constant 0 : i32
      %dma_wait3A_774 = tpu.memref_slice %dma_wait3A_771[%dma_wait3A_772, %dma_wait3A_773] : memref<10240x128xf32, #tpu.memory_space<hbm>> -> memref<10240x128xf32, #tpu.memory_space<hbm>>
      tpu.wait_indirect_dma semaphore(%arg15 : memref<!tpu.dma_semaphore, #tpu.memory_space<semaphore_mem>>) src(%dma_wait3A_774 : memref<10240x128xf32, #tpu.memory_space<hbm>>) dst(%arg10 : memref<80x128xf32, #tpu.memory_space<vmem>>)
      %dma_start3A_775 = arith.constant 18 : i32
      %dma_start3A_776 = arith.constant 0 : i32
      %dma_start3A_777 = tpu.memref_slice %arg7[%dma_start3A_775, %dma_start3A_776] : memref<25x80xi32, #tpu.memory_space<vmem>> -> memref<1x80xi32, #tpu.memory_space<vmem>>
      %dma_start3A_778 = tpu.memref_squeeze %dma_start3A_777 : memref<1x80xi32, #tpu.memory_space<vmem>> -> memref<80xi32, #tpu.memory_space<vmem>>
      %dma_start3A_779 = arith.constant 0 : i32
      %dma_start3A_780 = arith.constant 0 : i32
      %dma_start3A_781 = tpu.memref_slice %arg12[%dma_start3A_779, %dma_start3A_780] : memref<10240x128xf32, #tpu.memory_space<vmem_shared>> -> memref<10240x128xf32, #tpu.memory_space<vmem_shared>>
      tpu.enqueue_indirect_dma source(%arg10 : memref<80x128xf32, #tpu.memory_space<vmem>>) target(%dma_start3A_781 : memref<10240x128xf32, #tpu.memory_space<vmem_shared>>) offsets(%dma_start3A_778 : memref<80xi32, #tpu.memory_space<vmem>>) semaphore(%arg19 : memref<!tpu.dma_semaphore, #tpu.memory_space<semaphore_mem>>) {add = true}
      %dma_wait3A_782 = arith.constant 16 : i32
      %dma_wait3A_783 = arith.constant 0 : i32
      %dma_wait3A_784 = tpu.memref_slice %arg7[%dma_wait3A_782, %dma_wait3A_783] : memref<25x80xi32, #tpu.memory_space<vmem>> -> memref<1x80xi32, #tpu.memory_space<vmem>>
      %dma_wait3A_785 = tpu.memref_squeeze %dma_wait3A_784 : memref<1x80xi32, #tpu.memory_space<vmem>> -> memref<80xi32, #tpu.memory_space<vmem>>
      %dma_wait3A_786 = arith.constant 0 : i32
      %dma_wait3A_787 = arith.constant 0 : i32
      %dma_wait3A_788 = tpu.memref_slice %arg12[%dma_wait3A_786, %dma_wait3A_787] : memref<10240x128xf32, #tpu.memory_space<vmem_shared>> -> memref<10240x128xf32, #tpu.memory_space<vmem_shared>>
      tpu.wait_indirect_dma semaphore(%arg17 : memref<!tpu.dma_semaphore, #tpu.memory_space<semaphore_mem>>) src(%arg8 : memref<80x128xf32, #tpu.memory_space<vmem>>) dst(%dma_wait3A_788 : memref<10240x128xf32, #tpu.memory_space<vmem_shared>>)
      %dma_start3A_789 = arith.constant 20 : i32
      %dma_start3A_790 = arith.constant 0 : i32
      %dma_start3A_791 = tpu.memref_slice %arg6[%dma_start3A_789, %dma_start3A_790] : memref<25x80xi32, #tpu.memory_space<vmem>> -> memref<1x80xi32, #tpu.memory_space<vmem>>
      %dma_start3A_792 = tpu.memref_squeeze %dma_start3A_791 : memref<1x80xi32, #tpu.memory_space<vmem>> -> memref<80xi32, #tpu.memory_space<vmem>>
      %dma_start3A_793 = arith.constant 0 : i32
      %dma_start3A_794 = arith.constant 0 : i32
      %dma_start3A_795 = tpu.memref_slice %arg2[%arg0, %dma_start3A_793, %dma_start3A_794] : memref<2x10240x128xf32, #tpu.memory_space<hbm>> -> memref<1x10240x128xf32, #tpu.memory_space<hbm>>
      %dma_start3A_796 = tpu.memref_squeeze %dma_start3A_795 : memref<1x10240x128xf32, #tpu.memory_space<hbm>> -> memref<10240x128xf32, #tpu.memory_space<hbm>>
      %dma_start3A_797 = arith.constant 0 : i32
      %dma_start3A_798 = arith.constant 0 : i32
      %dma_start3A_799 = tpu.memref_slice %dma_start3A_796[%dma_start3A_797, %dma_start3A_798] : memref<10240x128xf32, #tpu.memory_space<hbm>> -> memref<10240x128xf32, #tpu.memory_space<hbm>>
      tpu.enqueue_indirect_dma source(%dma_start3A_799 : memref<10240x128xf32, #tpu.memory_space<hbm>>) target(%arg8 : memref<80x128xf32, #tpu.memory_space<vmem>>) offsets(%dma_start3A_792 : memref<80xi32, #tpu.memory_space<vmem>>) semaphore(%arg13 : memref<!tpu.dma_semaphore, #tpu.memory_space<semaphore_mem>>)
      %dma_wait3A_800 = arith.constant 19 : i32
      %dma_wait3A_801 = arith.constant 0 : i32
      %dma_wait3A_802 = tpu.memref_slice %arg6[%dma_wait3A_800, %dma_wait3A_801] : memref<25x80xi32, #tpu.memory_space<vmem>> -> memref<1x80xi32, #tpu.memory_space<vmem>>
      %dma_wait3A_803 = tpu.memref_squeeze %dma_wait3A_802 : memref<1x80xi32, #tpu.memory_space<vmem>> -> memref<80xi32, #tpu.memory_space<vmem>>
      %dma_wait3A_804 = arith.constant 0 : i32
      %dma_wait3A_805 = arith.constant 0 : i32
      %dma_wait3A_806 = tpu.memref_slice %arg2[%arg0, %dma_wait3A_804, %dma_wait3A_805] : memref<2x10240x128xf32, #tpu.memory_space<hbm>> -> memref<1x10240x128xf32, #tpu.memory_space<hbm>>
      %dma_wait3A_807 = tpu.memref_squeeze %dma_wait3A_806 : memref<1x10240x128xf32, #tpu.memory_space<hbm>> -> memref<10240x128xf32, #tpu.memory_space<hbm>>
      %dma_wait3A_808 = arith.constant 0 : i32
      %dma_wait3A_809 = arith.constant 0 : i32
      %dma_wait3A_810 = tpu.memref_slice %dma_wait3A_807[%dma_wait3A_808, %dma_wait3A_809] : memref<10240x128xf32, #tpu.memory_space<hbm>> -> memref<10240x128xf32, #tpu.memory_space<hbm>>
      tpu.wait_indirect_dma semaphore(%arg16 : memref<!tpu.dma_semaphore, #tpu.memory_space<semaphore_mem>>) src(%dma_wait3A_810 : memref<10240x128xf32, #tpu.memory_space<hbm>>) dst(%arg11 : memref<80x128xf32, #tpu.memory_space<vmem>>)
      %dma_start3A_811 = arith.constant 19 : i32
      %dma_start3A_812 = arith.constant 0 : i32
      %dma_start3A_813 = tpu.memref_slice %arg7[%dma_start3A_811, %dma_start3A_812] : memref<25x80xi32, #tpu.memory_space<vmem>> -> memref<1x80xi32, #tpu.memory_space<vmem>>
      %dma_start3A_814 = tpu.memref_squeeze %dma_start3A_813 : memref<1x80xi32, #tpu.memory_space<vmem>> -> memref<80xi32, #tpu.memory_space<vmem>>
      %dma_start3A_815 = arith.constant 0 : i32
      %dma_start3A_816 = arith.constant 0 : i32
      %dma_start3A_817 = tpu.memref_slice %arg12[%dma_start3A_815, %dma_start3A_816] : memref<10240x128xf32, #tpu.memory_space<vmem_shared>> -> memref<10240x128xf32, #tpu.memory_space<vmem_shared>>
      tpu.enqueue_indirect_dma source(%arg11 : memref<80x128xf32, #tpu.memory_space<vmem>>) target(%dma_start3A_817 : memref<10240x128xf32, #tpu.memory_space<vmem_shared>>) offsets(%dma_start3A_814 : memref<80xi32, #tpu.memory_space<vmem>>) semaphore(%arg20 : memref<!tpu.dma_semaphore, #tpu.memory_space<semaphore_mem>>) {add = true}
      %dma_wait3A_818 = arith.constant 17 : i32
      %dma_wait3A_819 = arith.constant 0 : i32
      %dma_wait3A_820 = tpu.memref_slice %arg7[%dma_wait3A_818, %dma_wait3A_819] : memref<25x80xi32, #tpu.memory_space<vmem>> -> memref<1x80xi32, #tpu.memory_space<vmem>>
      %dma_wait3A_821 = tpu.memref_squeeze %dma_wait3A_820 : memref<1x80xi32, #tpu.memory_space<vmem>> -> memref<80xi32, #tpu.memory_space<vmem>>
      %dma_wait3A_822 = arith.constant 0 : i32
      %dma_wait3A_823 = arith.constant 0 : i32
      %dma_wait3A_824 = tpu.memref_slice %arg12[%dma_wait3A_822, %dma_wait3A_823] : memref<10240x128xf32, #tpu.memory_space<vmem_shared>> -> memref<10240x128xf32, #tpu.memory_space<vmem_shared>>
      tpu.wait_indirect_dma semaphore(%arg18 : memref<!tpu.dma_semaphore, #tpu.memory_space<semaphore_mem>>) src(%arg9 : memref<80x128xf32, #tpu.memory_space<vmem>>) dst(%dma_wait3A_824 : memref<10240x128xf32, #tpu.memory_space<vmem_shared>>)
      %dma_start3A_825 = arith.constant 21 : i32
      %dma_start3A_826 = arith.constant 0 : i32
      %dma_start3A_827 = tpu.memref_slice %arg6[%dma_start3A_825, %dma_start3A_826] : memref<25x80xi32, #tpu.memory_space<vmem>> -> memref<1x80xi32, #tpu.memory_space<vmem>>
      %dma_start3A_828 = tpu.memref_squeeze %dma_start3A_827 : memref<1x80xi32, #tpu.memory_space<vmem>> -> memref<80xi32, #tpu.memory_space<vmem>>
      %dma_start3A_829 = arith.constant 0 : i32
      %dma_start3A_830 = arith.constant 0 : i32
      %dma_start3A_831 = tpu.memref_slice %arg2[%arg0, %dma_start3A_829, %dma_start3A_830] : memref<2x10240x128xf32, #tpu.memory_space<hbm>> -> memref<1x10240x128xf32, #tpu.memory_space<hbm>>
      %dma_start3A_832 = tpu.memref_squeeze %dma_start3A_831 : memref<1x10240x128xf32, #tpu.memory_space<hbm>> -> memref<10240x128xf32, #tpu.memory_space<hbm>>
      %dma_start3A_833 = arith.constant 0 : i32
      %dma_start3A_834 = arith.constant 0 : i32
      %dma_start3A_835 = tpu.memref_slice %dma_start3A_832[%dma_start3A_833, %dma_start3A_834] : memref<10240x128xf32, #tpu.memory_space<hbm>> -> memref<10240x128xf32, #tpu.memory_space<hbm>>
      tpu.enqueue_indirect_dma source(%dma_start3A_835 : memref<10240x128xf32, #tpu.memory_space<hbm>>) target(%arg9 : memref<80x128xf32, #tpu.memory_space<vmem>>) offsets(%dma_start3A_828 : memref<80xi32, #tpu.memory_space<vmem>>) semaphore(%arg14 : memref<!tpu.dma_semaphore, #tpu.memory_space<semaphore_mem>>)
      %dma_wait3A_836 = arith.constant 20 : i32
      %dma_wait3A_837 = arith.constant 0 : i32
      %dma_wait3A_838 = tpu.memref_slice %arg6[%dma_wait3A_836, %dma_wait3A_837] : memref<25x80xi32, #tpu.memory_space<vmem>> -> memref<1x80xi32, #tpu.memory_space<vmem>>
      %dma_wait3A_839 = tpu.memref_squeeze %dma_wait3A_838 : memref<1x80xi32, #tpu.memory_space<vmem>> -> memref<80xi32, #tpu.memory_space<vmem>>
      %dma_wait3A_840 = arith.constant 0 : i32
      %dma_wait3A_841 = arith.constant 0 : i32
      %dma_wait3A_842 = tpu.memref_slice %arg2[%arg0, %dma_wait3A_840, %dma_wait3A_841] : memref<2x10240x128xf32, #tpu.memory_space<hbm>> -> memref<1x10240x128xf32, #tpu.memory_space<hbm>>
      %dma_wait3A_843 = tpu.memref_squeeze %dma_wait3A_842 : memref<1x10240x128xf32, #tpu.memory_space<hbm>> -> memref<10240x128xf32, #tpu.memory_space<hbm>>
      %dma_wait3A_844 = arith.constant 0 : i32
      %dma_wait3A_845 = arith.constant 0 : i32
      %dma_wait3A_846 = tpu.memref_slice %dma_wait3A_843[%dma_wait3A_844, %dma_wait3A_845] : memref<10240x128xf32, #tpu.memory_space<hbm>> -> memref<10240x128xf32, #tpu.memory_space<hbm>>
      tpu.wait_indirect_dma semaphore(%arg13 : memref<!tpu.dma_semaphore, #tpu.memory_space<semaphore_mem>>) src(%dma_wait3A_846 : memref<10240x128xf32, #tpu.memory_space<hbm>>) dst(%arg8 : memref<80x128xf32, #tpu.memory_space<vmem>>)
      %dma_start3A_847 = arith.constant 20 : i32
      %dma_start3A_848 = arith.constant 0 : i32
      %dma_start3A_849 = tpu.memref_slice %arg7[%dma_start3A_847, %dma_start3A_848] : memref<25x80xi32, #tpu.memory_space<vmem>> -> memref<1x80xi32, #tpu.memory_space<vmem>>
      %dma_start3A_850 = tpu.memref_squeeze %dma_start3A_849 : memref<1x80xi32, #tpu.memory_space<vmem>> -> memref<80xi32, #tpu.memory_space<vmem>>
      %dma_start3A_851 = arith.constant 0 : i32
      %dma_start3A_852 = arith.constant 0 : i32
      %dma_start3A_853 = tpu.memref_slice %arg12[%dma_start3A_851, %dma_start3A_852] : memref<10240x128xf32, #tpu.memory_space<vmem_shared>> -> memref<10240x128xf32, #tpu.memory_space<vmem_shared>>
      tpu.enqueue_indirect_dma source(%arg8 : memref<80x128xf32, #tpu.memory_space<vmem>>) target(%dma_start3A_853 : memref<10240x128xf32, #tpu.memory_space<vmem_shared>>) offsets(%dma_start3A_850 : memref<80xi32, #tpu.memory_space<vmem>>) semaphore(%arg17 : memref<!tpu.dma_semaphore, #tpu.memory_space<semaphore_mem>>) {add = true}
      %dma_wait3A_854 = arith.constant 18 : i32
      %dma_wait3A_855 = arith.constant 0 : i32
      %dma_wait3A_856 = tpu.memref_slice %arg7[%dma_wait3A_854, %dma_wait3A_855] : memref<25x80xi32, #tpu.memory_space<vmem>> -> memref<1x80xi32, #tpu.memory_space<vmem>>
      %dma_wait3A_857 = tpu.memref_squeeze %dma_wait3A_856 : memref<1x80xi32, #tpu.memory_space<vmem>> -> memref<80xi32, #tpu.memory_space<vmem>>
      %dma_wait3A_858 = arith.constant 0 : i32
      %dma_wait3A_859 = arith.constant 0 : i32
      %dma_wait3A_860 = tpu.memref_slice %arg12[%dma_wait3A_858, %dma_wait3A_859] : memref<10240x128xf32, #tpu.memory_space<vmem_shared>> -> memref<10240x128xf32, #tpu.memory_space<vmem_shared>>
      tpu.wait_indirect_dma semaphore(%arg19 : memref<!tpu.dma_semaphore, #tpu.memory_space<semaphore_mem>>) src(%arg10 : memref<80x128xf32, #tpu.memory_space<vmem>>) dst(%dma_wait3A_860 : memref<10240x128xf32, #tpu.memory_space<vmem_shared>>)
      %dma_start3A_861 = arith.constant 22 : i32
      %dma_start3A_862 = arith.constant 0 : i32
      %dma_start3A_863 = tpu.memref_slice %arg6[%dma_start3A_861, %dma_start3A_862] : memref<25x80xi32, #tpu.memory_space<vmem>> -> memref<1x80xi32, #tpu.memory_space<vmem>>
      %dma_start3A_864 = tpu.memref_squeeze %dma_start3A_863 : memref<1x80xi32, #tpu.memory_space<vmem>> -> memref<80xi32, #tpu.memory_space<vmem>>
      %dma_start3A_865 = arith.constant 0 : i32
      %dma_start3A_866 = arith.constant 0 : i32
      %dma_start3A_867 = tpu.memref_slice %arg2[%arg0, %dma_start3A_865, %dma_start3A_866] : memref<2x10240x128xf32, #tpu.memory_space<hbm>> -> memref<1x10240x128xf32, #tpu.memory_space<hbm>>
      %dma_start3A_868 = tpu.memref_squeeze %dma_start3A_867 : memref<1x10240x128xf32, #tpu.memory_space<hbm>> -> memref<10240x128xf32, #tpu.memory_space<hbm>>
      %dma_start3A_869 = arith.constant 0 : i32
      %dma_start3A_870 = arith.constant 0 : i32
      %dma_start3A_871 = tpu.memref_slice %dma_start3A_868[%dma_start3A_869, %dma_start3A_870] : memref<10240x128xf32, #tpu.memory_space<hbm>> -> memref<10240x128xf32, #tpu.memory_space<hbm>>
      tpu.enqueue_indirect_dma source(%dma_start3A_871 : memref<10240x128xf32, #tpu.memory_space<hbm>>) target(%arg10 : memref<80x128xf32, #tpu.memory_space<vmem>>) offsets(%dma_start3A_864 : memref<80xi32, #tpu.memory_space<vmem>>) semaphore(%arg15 : memref<!tpu.dma_semaphore, #tpu.memory_space<semaphore_mem>>)
      %dma_wait3A_872 = arith.constant 21 : i32
      %dma_wait3A_873 = arith.constant 0 : i32
      %dma_wait3A_874 = tpu.memref_slice %arg6[%dma_wait3A_872, %dma_wait3A_873] : memref<25x80xi32, #tpu.memory_space<vmem>> -> memref<1x80xi32, #tpu.memory_space<vmem>>
      %dma_wait3A_875 = tpu.memref_squeeze %dma_wait3A_874 : memref<1x80xi32, #tpu.memory_space<vmem>> -> memref<80xi32, #tpu.memory_space<vmem>>
      %dma_wait3A_876 = arith.constant 0 : i32
      %dma_wait3A_877 = arith.constant 0 : i32
      %dma_wait3A_878 = tpu.memref_slice %arg2[%arg0, %dma_wait3A_876, %dma_wait3A_877] : memref<2x10240x128xf32, #tpu.memory_space<hbm>> -> memref<1x10240x128xf32, #tpu.memory_space<hbm>>
      %dma_wait3A_879 = tpu.memref_squeeze %dma_wait3A_878 : memref<1x10240x128xf32, #tpu.memory_space<hbm>> -> memref<10240x128xf32, #tpu.memory_space<hbm>>
      %dma_wait3A_880 = arith.constant 0 : i32
      %dma_wait3A_881 = arith.constant 0 : i32
      %dma_wait3A_882 = tpu.memref_slice %dma_wait3A_879[%dma_wait3A_880, %dma_wait3A_881] : memref<10240x128xf32, #tpu.memory_space<hbm>> -> memref<10240x128xf32, #tpu.memory_space<hbm>>
      tpu.wait_indirect_dma semaphore(%arg14 : memref<!tpu.dma_semaphore, #tpu.memory_space<semaphore_mem>>) src(%dma_wait3A_882 : memref<10240x128xf32, #tpu.memory_space<hbm>>) dst(%arg9 : memref<80x128xf32, #tpu.memory_space<vmem>>)
      %dma_start3A_883 = arith.constant 21 : i32
      %dma_start3A_884 = arith.constant 0 : i32
      %dma_start3A_885 = tpu.memref_slice %arg7[%dma_start3A_883, %dma_start3A_884] : memref<25x80xi32, #tpu.memory_space<vmem>> -> memref<1x80xi32, #tpu.memory_space<vmem>>
      %dma_start3A_886 = tpu.memref_squeeze %dma_start3A_885 : memref<1x80xi32, #tpu.memory_space<vmem>> -> memref<80xi32, #tpu.memory_space<vmem>>
      %dma_start3A_887 = arith.constant 0 : i32
      %dma_start3A_888 = arith.constant 0 : i32
      %dma_start3A_889 = tpu.memref_slice %arg12[%dma_start3A_887, %dma_start3A_888] : memref<10240x128xf32, #tpu.memory_space<vmem_shared>> -> memref<10240x128xf32, #tpu.memory_space<vmem_shared>>
      tpu.enqueue_indirect_dma source(%arg9 : memref<80x128xf32, #tpu.memory_space<vmem>>) target(%dma_start3A_889 : memref<10240x128xf32, #tpu.memory_space<vmem_shared>>) offsets(%dma_start3A_886 : memref<80xi32, #tpu.memory_space<vmem>>) semaphore(%arg18 : memref<!tpu.dma_semaphore, #tpu.memory_space<semaphore_mem>>) {add = true}
      %dma_wait3A_890 = arith.constant 19 : i32
      %dma_wait3A_891 = arith.constant 0 : i32
      %dma_wait3A_892 = tpu.memref_slice %arg7[%dma_wait3A_890, %dma_wait3A_891] : memref<25x80xi32, #tpu.memory_space<vmem>> -> memref<1x80xi32, #tpu.memory_space<vmem>>
      %dma_wait3A_893 = tpu.memref_squeeze %dma_wait3A_892 : memref<1x80xi32, #tpu.memory_space<vmem>> -> memref<80xi32, #tpu.memory_space<vmem>>
      %dma_wait3A_894 = arith.constant 0 : i32
      %dma_wait3A_895 = arith.constant 0 : i32
      %dma_wait3A_896 = tpu.memref_slice %arg12[%dma_wait3A_894, %dma_wait3A_895] : memref<10240x128xf32, #tpu.memory_space<vmem_shared>> -> memref<10240x128xf32, #tpu.memory_space<vmem_shared>>
      tpu.wait_indirect_dma semaphore(%arg20 : memref<!tpu.dma_semaphore, #tpu.memory_space<semaphore_mem>>) src(%arg11 : memref<80x128xf32, #tpu.memory_space<vmem>>) dst(%dma_wait3A_896 : memref<10240x128xf32, #tpu.memory_space<vmem_shared>>)
      %dma_start3A_897 = arith.constant 23 : i32
      %dma_start3A_898 = arith.constant 0 : i32
      %dma_start3A_899 = tpu.memref_slice %arg6[%dma_start3A_897, %dma_start3A_898] : memref<25x80xi32, #tpu.memory_space<vmem>> -> memref<1x80xi32, #tpu.memory_space<vmem>>
      %dma_start3A_900 = tpu.memref_squeeze %dma_start3A_899 : memref<1x80xi32, #tpu.memory_space<vmem>> -> memref<80xi32, #tpu.memory_space<vmem>>
      %dma_start3A_901 = arith.constant 0 : i32
      %dma_start3A_902 = arith.constant 0 : i32
      %dma_start3A_903 = tpu.memref_slice %arg2[%arg0, %dma_start3A_901, %dma_start3A_902] : memref<2x10240x128xf32, #tpu.memory_space<hbm>> -> memref<1x10240x128xf32, #tpu.memory_space<hbm>>
      %dma_start3A_904 = tpu.memref_squeeze %dma_start3A_903 : memref<1x10240x128xf32, #tpu.memory_space<hbm>> -> memref<10240x128xf32, #tpu.memory_space<hbm>>
      %dma_start3A_905 = arith.constant 0 : i32
      %dma_start3A_906 = arith.constant 0 : i32
      %dma_start3A_907 = tpu.memref_slice %dma_start3A_904[%dma_start3A_905, %dma_start3A_906] : memref<10240x128xf32, #tpu.memory_space<hbm>> -> memref<10240x128xf32, #tpu.memory_space<hbm>>
      tpu.enqueue_indirect_dma source(%dma_start3A_907 : memref<10240x128xf32, #tpu.memory_space<hbm>>) target(%arg11 : memref<80x128xf32, #tpu.memory_space<vmem>>) offsets(%dma_start3A_900 : memref<80xi32, #tpu.memory_space<vmem>>) semaphore(%arg16 : memref<!tpu.dma_semaphore, #tpu.memory_space<semaphore_mem>>)
      %dma_wait3A_908 = arith.constant 22 : i32
      %dma_wait3A_909 = arith.constant 0 : i32
      %dma_wait3A_910 = tpu.memref_slice %arg6[%dma_wait3A_908, %dma_wait3A_909] : memref<25x80xi32, #tpu.memory_space<vmem>> -> memref<1x80xi32, #tpu.memory_space<vmem>>
      %dma_wait3A_911 = tpu.memref_squeeze %dma_wait3A_910 : memref<1x80xi32, #tpu.memory_space<vmem>> -> memref<80xi32, #tpu.memory_space<vmem>>
      %dma_wait3A_912 = arith.constant 0 : i32
      %dma_wait3A_913 = arith.constant 0 : i32
      %dma_wait3A_914 = tpu.memref_slice %arg2[%arg0, %dma_wait3A_912, %dma_wait3A_913] : memref<2x10240x128xf32, #tpu.memory_space<hbm>> -> memref<1x10240x128xf32, #tpu.memory_space<hbm>>
      %dma_wait3A_915 = tpu.memref_squeeze %dma_wait3A_914 : memref<1x10240x128xf32, #tpu.memory_space<hbm>> -> memref<10240x128xf32, #tpu.memory_space<hbm>>
      %dma_wait3A_916 = arith.constant 0 : i32
      %dma_wait3A_917 = arith.constant 0 : i32
      %dma_wait3A_918 = tpu.memref_slice %dma_wait3A_915[%dma_wait3A_916, %dma_wait3A_917] : memref<10240x128xf32, #tpu.memory_space<hbm>> -> memref<10240x128xf32, #tpu.memory_space<hbm>>
      tpu.wait_indirect_dma semaphore(%arg15 : memref<!tpu.dma_semaphore, #tpu.memory_space<semaphore_mem>>) src(%dma_wait3A_918 : memref<10240x128xf32, #tpu.memory_space<hbm>>) dst(%arg10 : memref<80x128xf32, #tpu.memory_space<vmem>>)
      %dma_start3A_919 = arith.constant 22 : i32
      %dma_start3A_920 = arith.constant 0 : i32
      %dma_start3A_921 = tpu.memref_slice %arg7[%dma_start3A_919, %dma_start3A_920] : memref<25x80xi32, #tpu.memory_space<vmem>> -> memref<1x80xi32, #tpu.memory_space<vmem>>
      %dma_start3A_922 = tpu.memref_squeeze %dma_start3A_921 : memref<1x80xi32, #tpu.memory_space<vmem>> -> memref<80xi32, #tpu.memory_space<vmem>>
      %dma_start3A_923 = arith.constant 0 : i32
      %dma_start3A_924 = arith.constant 0 : i32
      %dma_start3A_925 = tpu.memref_slice %arg12[%dma_start3A_923, %dma_start3A_924] : memref<10240x128xf32, #tpu.memory_space<vmem_shared>> -> memref<10240x128xf32, #tpu.memory_space<vmem_shared>>
      tpu.enqueue_indirect_dma source(%arg10 : memref<80x128xf32, #tpu.memory_space<vmem>>) target(%dma_start3A_925 : memref<10240x128xf32, #tpu.memory_space<vmem_shared>>) offsets(%dma_start3A_922 : memref<80xi32, #tpu.memory_space<vmem>>) semaphore(%arg19 : memref<!tpu.dma_semaphore, #tpu.memory_space<semaphore_mem>>) {add = true}
      %dma_wait3A_926 = arith.constant 20 : i32
      %dma_wait3A_927 = arith.constant 0 : i32
      %dma_wait3A_928 = tpu.memref_slice %arg7[%dma_wait3A_926, %dma_wait3A_927] : memref<25x80xi32, #tpu.memory_space<vmem>> -> memref<1x80xi32, #tpu.memory_space<vmem>>
      %dma_wait3A_929 = tpu.memref_squeeze %dma_wait3A_928 : memref<1x80xi32, #tpu.memory_space<vmem>> -> memref<80xi32, #tpu.memory_space<vmem>>
      %dma_wait3A_930 = arith.constant 0 : i32
      %dma_wait3A_931 = arith.constant 0 : i32
      %dma_wait3A_932 = tpu.memref_slice %arg12[%dma_wait3A_930, %dma_wait3A_931] : memref<10240x128xf32, #tpu.memory_space<vmem_shared>> -> memref<10240x128xf32, #tpu.memory_space<vmem_shared>>
      tpu.wait_indirect_dma semaphore(%arg17 : memref<!tpu.dma_semaphore, #tpu.memory_space<semaphore_mem>>) src(%arg8 : memref<80x128xf32, #tpu.memory_space<vmem>>) dst(%dma_wait3A_932 : memref<10240x128xf32, #tpu.memory_space<vmem_shared>>)
      %dma_start3A_933 = arith.constant 24 : i32
      %dma_start3A_934 = arith.constant 0 : i32
      %dma_start3A_935 = tpu.memref_slice %arg6[%dma_start3A_933, %dma_start3A_934] : memref<25x80xi32, #tpu.memory_space<vmem>> -> memref<1x80xi32, #tpu.memory_space<vmem>>
      %dma_start3A_936 = tpu.memref_squeeze %dma_start3A_935 : memref<1x80xi32, #tpu.memory_space<vmem>> -> memref<80xi32, #tpu.memory_space<vmem>>
      %dma_start3A_937 = arith.constant 0 : i32
      %dma_start3A_938 = arith.constant 0 : i32
      %dma_start3A_939 = tpu.memref_slice %arg2[%arg0, %dma_start3A_937, %dma_start3A_938] : memref<2x10240x128xf32, #tpu.memory_space<hbm>> -> memref<1x10240x128xf32, #tpu.memory_space<hbm>>
      %dma_start3A_940 = tpu.memref_squeeze %dma_start3A_939 : memref<1x10240x128xf32, #tpu.memory_space<hbm>> -> memref<10240x128xf32, #tpu.memory_space<hbm>>
      %dma_start3A_941 = arith.constant 0 : i32
      %dma_start3A_942 = arith.constant 0 : i32
      %dma_start3A_943 = tpu.memref_slice %dma_start3A_940[%dma_start3A_941, %dma_start3A_942] : memref<10240x128xf32, #tpu.memory_space<hbm>> -> memref<10240x128xf32, #tpu.memory_space<hbm>>
      tpu.enqueue_indirect_dma source(%dma_start3A_943 : memref<10240x128xf32, #tpu.memory_space<hbm>>) target(%arg8 : memref<80x128xf32, #tpu.memory_space<vmem>>) offsets(%dma_start3A_936 : memref<80xi32, #tpu.memory_space<vmem>>) semaphore(%arg13 : memref<!tpu.dma_semaphore, #tpu.memory_space<semaphore_mem>>)
      %dma_wait3A_944 = arith.constant 23 : i32
      %dma_wait3A_945 = arith.constant 0 : i32
      %dma_wait3A_946 = tpu.memref_slice %arg6[%dma_wait3A_944, %dma_wait3A_945] : memref<25x80xi32, #tpu.memory_space<vmem>> -> memref<1x80xi32, #tpu.memory_space<vmem>>
      %dma_wait3A_947 = tpu.memref_squeeze %dma_wait3A_946 : memref<1x80xi32, #tpu.memory_space<vmem>> -> memref<80xi32, #tpu.memory_space<vmem>>
      %dma_wait3A_948 = arith.constant 0 : i32
      %dma_wait3A_949 = arith.constant 0 : i32
      %dma_wait3A_950 = tpu.memref_slice %arg2[%arg0, %dma_wait3A_948, %dma_wait3A_949] : memref<2x10240x128xf32, #tpu.memory_space<hbm>> -> memref<1x10240x128xf32, #tpu.memory_space<hbm>>
      %dma_wait3A_951 = tpu.memref_squeeze %dma_wait3A_950 : memref<1x10240x128xf32, #tpu.memory_space<hbm>> -> memref<10240x128xf32, #tpu.memory_space<hbm>>
      %dma_wait3A_952 = arith.constant 0 : i32
      %dma_wait3A_953 = arith.constant 0 : i32
      %dma_wait3A_954 = tpu.memref_slice %dma_wait3A_951[%dma_wait3A_952, %dma_wait3A_953] : memref<10240x128xf32, #tpu.memory_space<hbm>> -> memref<10240x128xf32, #tpu.memory_space<hbm>>
      tpu.wait_indirect_dma semaphore(%arg16 : memref<!tpu.dma_semaphore, #tpu.memory_space<semaphore_mem>>) src(%dma_wait3A_954 : memref<10240x128xf32, #tpu.memory_space<hbm>>) dst(%arg11 : memref<80x128xf32, #tpu.memory_space<vmem>>)
      %dma_start3A_955 = arith.constant 23 : i32
      %dma_start3A_956 = arith.constant 0 : i32
      %dma_start3A_957 = tpu.memref_slice %arg7[%dma_start3A_955, %dma_start3A_956] : memref<25x80xi32, #tpu.memory_space<vmem>> -> memref<1x80xi32, #tpu.memory_space<vmem>>
      %dma_start3A_958 = tpu.memref_squeeze %dma_start3A_957 : memref<1x80xi32, #tpu.memory_space<vmem>> -> memref<80xi32, #tpu.memory_space<vmem>>
      %dma_start3A_959 = arith.constant 0 : i32
      %dma_start3A_960 = arith.constant 0 : i32
      %dma_start3A_961 = tpu.memref_slice %arg12[%dma_start3A_959, %dma_start3A_960] : memref<10240x128xf32, #tpu.memory_space<vmem_shared>> -> memref<10240x128xf32, #tpu.memory_space<vmem_shared>>
      tpu.enqueue_indirect_dma source(%arg11 : memref<80x128xf32, #tpu.memory_space<vmem>>) target(%dma_start3A_961 : memref<10240x128xf32, #tpu.memory_space<vmem_shared>>) offsets(%dma_start3A_958 : memref<80xi32, #tpu.memory_space<vmem>>) semaphore(%arg20 : memref<!tpu.dma_semaphore, #tpu.memory_space<semaphore_mem>>) {add = true}
      %dma_wait3A_962 = arith.constant 24 : i32
      %dma_wait3A_963 = arith.constant 0 : i32
      %dma_wait3A_964 = tpu.memref_slice %arg6[%dma_wait3A_962, %dma_wait3A_963] : memref<25x80xi32, #tpu.memory_space<vmem>> -> memref<1x80xi32, #tpu.memory_space<vmem>>
      %dma_wait3A_965 = tpu.memref_squeeze %dma_wait3A_964 : memref<1x80xi32, #tpu.memory_space<vmem>> -> memref<80xi32, #tpu.memory_space<vmem>>
      %dma_wait3A_966 = arith.constant 0 : i32
      %dma_wait3A_967 = arith.constant 0 : i32
      %dma_wait3A_968 = tpu.memref_slice %arg2[%arg0, %dma_wait3A_966, %dma_wait3A_967] : memref<2x10240x128xf32, #tpu.memory_space<hbm>> -> memref<1x10240x128xf32, #tpu.memory_space<hbm>>
      %dma_wait3A_969 = tpu.memref_squeeze %dma_wait3A_968 : memref<1x10240x128xf32, #tpu.memory_space<hbm>> -> memref<10240x128xf32, #tpu.memory_space<hbm>>
      %dma_wait3A_970 = arith.constant 0 : i32
      %dma_wait3A_971 = arith.constant 0 : i32
      %dma_wait3A_972 = tpu.memref_slice %dma_wait3A_969[%dma_wait3A_970, %dma_wait3A_971] : memref<10240x128xf32, #tpu.memory_space<hbm>> -> memref<10240x128xf32, #tpu.memory_space<hbm>>
      tpu.wait_indirect_dma semaphore(%arg13 : memref<!tpu.dma_semaphore, #tpu.memory_space<semaphore_mem>>) src(%dma_wait3A_972 : memref<10240x128xf32, #tpu.memory_space<hbm>>) dst(%arg8 : memref<80x128xf32, #tpu.memory_space<vmem>>)
      %dma_start3A_973 = arith.constant 24 : i32
      %dma_start3A_974 = arith.constant 0 : i32
      %dma_start3A_975 = tpu.memref_slice %arg7[%dma_start3A_973, %dma_start3A_974] : memref<25x80xi32, #tpu.memory_space<vmem>> -> memref<1x80xi32, #tpu.memory_space<vmem>>
      %dma_start3A_976 = tpu.memref_squeeze %dma_start3A_975 : memref<1x80xi32, #tpu.memory_space<vmem>> -> memref<80xi32, #tpu.memory_space<vmem>>
      %dma_start3A_977 = arith.constant 0 : i32
      %dma_start3A_978 = arith.constant 0 : i32
      %dma_start3A_979 = tpu.memref_slice %arg12[%dma_start3A_977, %dma_start3A_978] : memref<10240x128xf32, #tpu.memory_space<vmem_shared>> -> memref<10240x128xf32, #tpu.memory_space<vmem_shared>>
      tpu.enqueue_indirect_dma source(%arg8 : memref<80x128xf32, #tpu.memory_space<vmem>>) target(%dma_start3A_979 : memref<10240x128xf32, #tpu.memory_space<vmem_shared>>) offsets(%dma_start3A_976 : memref<80xi32, #tpu.memory_space<vmem>>) semaphore(%arg17 : memref<!tpu.dma_semaphore, #tpu.memory_space<semaphore_mem>>) {add = true}
      %dma_wait3A_980 = arith.constant 21 : i32
      %dma_wait3A_981 = arith.constant 0 : i32
      %dma_wait3A_982 = tpu.memref_slice %arg7[%dma_wait3A_980, %dma_wait3A_981] : memref<25x80xi32, #tpu.memory_space<vmem>> -> memref<1x80xi32, #tpu.memory_space<vmem>>
      %dma_wait3A_983 = tpu.memref_squeeze %dma_wait3A_982 : memref<1x80xi32, #tpu.memory_space<vmem>> -> memref<80xi32, #tpu.memory_space<vmem>>
      %dma_wait3A_984 = arith.constant 0 : i32
      %dma_wait3A_985 = arith.constant 0 : i32
      %dma_wait3A_986 = tpu.memref_slice %arg12[%dma_wait3A_984, %dma_wait3A_985] : memref<10240x128xf32, #tpu.memory_space<vmem_shared>> -> memref<10240x128xf32, #tpu.memory_space<vmem_shared>>
      tpu.wait_indirect_dma semaphore(%arg18 : memref<!tpu.dma_semaphore, #tpu.memory_space<semaphore_mem>>) src(%arg9 : memref<80x128xf32, #tpu.memory_space<vmem>>) dst(%dma_wait3A_986 : memref<10240x128xf32, #tpu.memory_space<vmem_shared>>)
      %dma_wait3A_987 = arith.constant 22 : i32
      %dma_wait3A_988 = arith.constant 0 : i32
      %dma_wait3A_989 = tpu.memref_slice %arg7[%dma_wait3A_987, %dma_wait3A_988] : memref<25x80xi32, #tpu.memory_space<vmem>> -> memref<1x80xi32, #tpu.memory_space<vmem>>
      %dma_wait3A_990 = tpu.memref_squeeze %dma_wait3A_989 : memref<1x80xi32, #tpu.memory_space<vmem>> -> memref<80xi32, #tpu.memory_space<vmem>>
      %dma_wait3A_991 = arith.constant 0 : i32
      %dma_wait3A_992 = arith.constant 0 : i32
      %dma_wait3A_993 = tpu.memref_slice %arg12[%dma_wait3A_991, %dma_wait3A_992] : memref<10240x128xf32, #tpu.memory_space<vmem_shared>> -> memref<10240x128xf32, #tpu.memory_space<vmem_shared>>
      tpu.wait_indirect_dma semaphore(%arg19 : memref<!tpu.dma_semaphore, #tpu.memory_space<semaphore_mem>>) src(%arg10 : memref<80x128xf32, #tpu.memory_space<vmem>>) dst(%dma_wait3A_993 : memref<10240x128xf32, #tpu.memory_space<vmem_shared>>)
      %dma_wait3A_994 = arith.constant 23 : i32
      %dma_wait3A_995 = arith.constant 0 : i32
      %dma_wait3A_996 = tpu.memref_slice %arg7[%dma_wait3A_994, %dma_wait3A_995] : memref<25x80xi32, #tpu.memory_space<vmem>> -> memref<1x80xi32, #tpu.memory_space<vmem>>
      %dma_wait3A_997 = tpu.memref_squeeze %dma_wait3A_996 : memref<1x80xi32, #tpu.memory_space<vmem>> -> memref<80xi32, #tpu.memory_space<vmem>>
      %dma_wait3A_998 = arith.constant 0 : i32
      %dma_wait3A_999 = arith.constant 0 : i32
      %dma_wait3A_1000 = tpu.memref_slice %arg12[%dma_wait3A_998, %dma_wait3A_999] : memref<10240x128xf32, #tpu.memory_space<vmem_shared>> -> memref<10240x128xf32, #tpu.memory_space<vmem_shared>>
      tpu.wait_indirect_dma semaphore(%arg20 : memref<!tpu.dma_semaphore, #tpu.memory_space<semaphore_mem>>) src(%arg11 : memref<80x128xf32, #tpu.memory_space<vmem>>) dst(%dma_wait3A_1000 : memref<10240x128xf32, #tpu.memory_space<vmem_shared>>)
      %dma_wait3A_1001 = arith.constant 24 : i32
      %dma_wait3A_1002 = arith.constant 0 : i32
      %dma_wait3A_1003 = tpu.memref_slice %arg7[%dma_wait3A_1001, %dma_wait3A_1002] : memref<25x80xi32, #tpu.memory_space<vmem>> -> memref<1x80xi32, #tpu.memory_space<vmem>>
      %dma_wait3A_1004 = tpu.memref_squeeze %dma_wait3A_1003 : memref<1x80xi32, #tpu.memory_space<vmem>> -> memref<80xi32, #tpu.memory_space<vmem>>
      %dma_wait3A_1005 = arith.constant 0 : i32
      %dma_wait3A_1006 = arith.constant 0 : i32
      %dma_wait3A_1007 = tpu.memref_slice %arg12[%dma_wait3A_1005, %dma_wait3A_1006] : memref<10240x128xf32, #tpu.memory_space<vmem_shared>> -> memref<10240x128xf32, #tpu.memory_space<vmem_shared>>
      tpu.wait_indirect_dma semaphore(%arg17 : memref<!tpu.dma_semaphore, #tpu.memory_space<semaphore_mem>>) src(%arg8 : memref<80x128xf32, #tpu.memory_space<vmem>>) dst(%dma_wait3A_1007 : memref<10240x128xf32, #tpu.memory_space<vmem_shared>>)
      %scan3A_1008 = arith.constant 0 : i32
      scf.yield %scan3A_1008 : i32
    }
    %scan3A_42 = arith.constant 5 : i32
    %barrier3A_43 = arith.constant 0 : index
    tpu.barrier barrier_id(%barrier3A_43)
    %mul3A_44 = arith.constant 640 : i32
    %mul3A_45 = arith.muli %arg1, %mul3A_44 : i32
    %add3A_46 = arith.constant 0 : i32
    %add3A_47 = arith.addi %mul3A_45, %add3A_46 : i32
    %mul3A_48 = arith.constant 640 : i32
    %mul3A_49 = arith.muli %arg1, %mul3A_48 : i32
    %add3A_50 = arith.constant 0 : i32
    %add3A_51 = arith.addi %mul3A_49, %add3A_50 : i32
    "tpu.region"() ({
      %run_scoped3A = tpu.sem_alloc : memref<!tpu.dma_semaphore, #tpu.memory_space<semaphore_mem>>
      %dma_start3A = arith.constant 0 : i32
      %dma_start3A_108 = arith.constant 0 : i32
      %dma_start3A_109 = tpu.memref_slice %arg5[%arg0, %dma_start3A, %dma_start3A_108] : memref<2x10240x128xf32, #tpu.memory_space<hbm>> -> memref<1x10240x128xf32, #tpu.memory_space<hbm>>
      %dma_start3A_110 = tpu.memref_squeeze %dma_start3A_109 : memref<1x10240x128xf32, #tpu.memory_space<hbm>> -> memref<10240x128xf32, #tpu.memory_space<hbm>>
      %dma_start3A_111 = arith.constant 0 : i32
      %dma_start3A_112 = tpu.memref_slice %dma_start3A_110[%add3A_51, %dma_start3A_111] : memref<10240x128xf32, #tpu.memory_space<hbm>> -> memref<80x128xf32, #tpu.memory_space<hbm>>
      %dma_start3A_113 = arith.constant 0 : i32
      %dma_start3A_114 = tpu.memref_slice %arg12[%add3A_47, %dma_start3A_113] : memref<10240x128xf32, #tpu.memory_space<vmem_shared>> -> memref<80x128xf32, #tpu.memory_space<vmem_shared>>
      tpu.enqueue_dma source(%dma_start3A_114 : memref<80x128xf32, #tpu.memory_space<vmem_shared>>) target(%dma_start3A_112 : memref<80x128xf32, #tpu.memory_space<hbm>>) target_semaphore(%run_scoped3A : memref<!tpu.dma_semaphore, #tpu.memory_space<semaphore_mem>>)
      %dma_wait3A = arith.constant 0 : i32
      %dma_wait3A_115 = arith.constant 0 : i32
      %dma_wait3A_116 = tpu.memref_slice %arg5[%arg0, %dma_wait3A, %dma_wait3A_115] : memref<2x10240x128xf32, #tpu.memory_space<hbm>> -> memref<1x10240x128xf32, #tpu.memory_space<hbm>>
      %dma_wait3A_117 = tpu.memref_squeeze %dma_wait3A_116 : memref<1x10240x128xf32, #tpu.memory_space<hbm>> -> memref<10240x128xf32, #tpu.memory_space<hbm>>
      %dma_wait3A_118 = arith.constant 0 : i32
      %dma_wait3A_119 = tpu.memref_slice %dma_wait3A_117[%add3A_51, %dma_wait3A_118] : memref<10240x128xf32, #tpu.memory_space<hbm>> -> memref<80x128xf32, #tpu.memory_space<hbm>>
      %dma_wait3A_120 = arith.constant 0 : i32
      %dma_wait3A_121 = tpu.memref_slice %arg12[%add3A_47, %dma_wait3A_120] : memref<10240x128xf32, #tpu.memory_space<vmem_shared>> -> memref<80x128xf32, #tpu.memory_space<vmem_shared>>
      tpu.wait_dma2 semaphore(%run_scoped3A : memref<!tpu.dma_semaphore, #tpu.memory_space<semaphore_mem>>) src(%dma_wait3A_121 : memref<80x128xf32, #tpu.memory_space<vmem_shared>>) dst(%dma_wait3A_119 : memref<80x128xf32, #tpu.memory_space<hbm>>)
      tpu.yield
    }) : () -> ()
    %mul3A_52 = arith.constant 640 : i32
    %mul3A_53 = arith.muli %arg1, %mul3A_52 : i32
    %add3A_54 = arith.constant 80 : i32
    %add3A_55 = arith.addi %mul3A_53, %add3A_54 : i32
    %mul3A_56 = arith.constant 640 : i32
    %mul3A_57 = arith.muli %arg1, %mul3A_56 : i32
    %add3A_58 = arith.constant 80 : i32
    %add3A_59 = arith.addi %mul3A_57, %add3A_58 : i32
    "tpu.region"() ({
      %run_scoped3A = tpu.sem_alloc : memref<!tpu.dma_semaphore, #tpu.memory_space<semaphore_mem>>
      %dma_start3A = arith.constant 0 : i32
      %dma_start3A_108 = arith.constant 0 : i32
      %dma_start3A_109 = tpu.memref_slice %arg5[%arg0, %dma_start3A, %dma_start3A_108] : memref<2x10240x128xf32, #tpu.memory_space<hbm>> -> memref<1x10240x128xf32, #tpu.memory_space<hbm>>
      %dma_start3A_110 = tpu.memref_squeeze %dma_start3A_109 : memref<1x10240x128xf32, #tpu.memory_space<hbm>> -> memref<10240x128xf32, #tpu.memory_space<hbm>>
      %dma_start3A_111 = arith.constant 0 : i32
      %dma_start3A_112 = tpu.memref_slice %dma_start3A_110[%add3A_59, %dma_start3A_111] : memref<10240x128xf32, #tpu.memory_space<hbm>> -> memref<80x128xf32, #tpu.memory_space<hbm>>
      %dma_start3A_113 = arith.constant 0 : i32
      %dma_start3A_114 = tpu.memref_slice %arg12[%add3A_55, %dma_start3A_113] : memref<10240x128xf32, #tpu.memory_space<vmem_shared>> -> memref<80x128xf32, #tpu.memory_space<vmem_shared>>
      tpu.enqueue_dma source(%dma_start3A_114 : memref<80x128xf32, #tpu.memory_space<vmem_shared>>) target(%dma_start3A_112 : memref<80x128xf32, #tpu.memory_space<hbm>>) target_semaphore(%run_scoped3A : memref<!tpu.dma_semaphore, #tpu.memory_space<semaphore_mem>>)
      %dma_wait3A = arith.constant 0 : i32
      %dma_wait3A_115 = arith.constant 0 : i32
      %dma_wait3A_116 = tpu.memref_slice %arg5[%arg0, %dma_wait3A, %dma_wait3A_115] : memref<2x10240x128xf32, #tpu.memory_space<hbm>> -> memref<1x10240x128xf32, #tpu.memory_space<hbm>>
      %dma_wait3A_117 = tpu.memref_squeeze %dma_wait3A_116 : memref<1x10240x128xf32, #tpu.memory_space<hbm>> -> memref<10240x128xf32, #tpu.memory_space<hbm>>
      %dma_wait3A_118 = arith.constant 0 : i32
      %dma_wait3A_119 = tpu.memref_slice %dma_wait3A_117[%add3A_59, %dma_wait3A_118] : memref<10240x128xf32, #tpu.memory_space<hbm>> -> memref<80x128xf32, #tpu.memory_space<hbm>>
      %dma_wait3A_120 = arith.constant 0 : i32
      %dma_wait3A_121 = tpu.memref_slice %arg12[%add3A_55, %dma_wait3A_120] : memref<10240x128xf32, #tpu.memory_space<vmem_shared>> -> memref<80x128xf32, #tpu.memory_space<vmem_shared>>
      tpu.wait_dma2 semaphore(%run_scoped3A : memref<!tpu.dma_semaphore, #tpu.memory_space<semaphore_mem>>) src(%dma_wait3A_121 : memref<80x128xf32, #tpu.memory_space<vmem_shared>>) dst(%dma_wait3A_119 : memref<80x128xf32, #tpu.memory_space<hbm>>)
      tpu.yield
    }) : () -> ()
    %mul3A_60 = arith.constant 640 : i32
    %mul3A_61 = arith.muli %arg1, %mul3A_60 : i32
    %add3A_62 = arith.constant 160 : i32
    %add3A_63 = arith.addi %mul3A_61, %add3A_62 : i32
    %mul3A_64 = arith.constant 640 : i32
    %mul3A_65 = arith.muli %arg1, %mul3A_64 : i32
    %add3A_66 = arith.constant 160 : i32
    %add3A_67 = arith.addi %mul3A_65, %add3A_66 : i32
    "tpu.region"() ({
      %run_scoped3A = tpu.sem_alloc : memref<!tpu.dma_semaphore, #tpu.memory_space<semaphore_mem>>
      %dma_start3A = arith.constant 0 : i32
      %dma_start3A_108 = arith.constant 0 : i32
      %dma_start3A_109 = tpu.memref_slice %arg5[%arg0, %dma_start3A, %dma_start3A_108] : memref<2x10240x128xf32, #tpu.memory_space<hbm>> -> memref<1x10240x128xf32, #tpu.memory_space<hbm>>
      %dma_start3A_110 = tpu.memref_squeeze %dma_start3A_109 : memref<1x10240x128xf32, #tpu.memory_space<hbm>> -> memref<10240x128xf32, #tpu.memory_space<hbm>>
      %dma_start3A_111 = arith.constant 0 : i32
      %dma_start3A_112 = tpu.memref_slice %dma_start3A_110[%add3A_67, %dma_start3A_111] : memref<10240x128xf32, #tpu.memory_space<hbm>> -> memref<80x128xf32, #tpu.memory_space<hbm>>
      %dma_start3A_113 = arith.constant 0 : i32
      %dma_start3A_114 = tpu.memref_slice %arg12[%add3A_63, %dma_start3A_113] : memref<10240x128xf32, #tpu.memory_space<vmem_shared>> -> memref<80x128xf32, #tpu.memory_space<vmem_shared>>
      tpu.enqueue_dma source(%dma_start3A_114 : memref<80x128xf32, #tpu.memory_space<vmem_shared>>) target(%dma_start3A_112 : memref<80x128xf32, #tpu.memory_space<hbm>>) target_semaphore(%run_scoped3A : memref<!tpu.dma_semaphore, #tpu.memory_space<semaphore_mem>>)
      %dma_wait3A = arith.constant 0 : i32
      %dma_wait3A_115 = arith.constant 0 : i32
      %dma_wait3A_116 = tpu.memref_slice %arg5[%arg0, %dma_wait3A, %dma_wait3A_115] : memref<2x10240x128xf32, #tpu.memory_space<hbm>> -> memref<1x10240x128xf32, #tpu.memory_space<hbm>>
      %dma_wait3A_117 = tpu.memref_squeeze %dma_wait3A_116 : memref<1x10240x128xf32, #tpu.memory_space<hbm>> -> memref<10240x128xf32, #tpu.memory_space<hbm>>
      %dma_wait3A_118 = arith.constant 0 : i32
      %dma_wait3A_119 = tpu.memref_slice %dma_wait3A_117[%add3A_67, %dma_wait3A_118] : memref<10240x128xf32, #tpu.memory_space<hbm>> -> memref<80x128xf32, #tpu.memory_space<hbm>>
      %dma_wait3A_120 = arith.constant 0 : i32
      %dma_wait3A_121 = tpu.memref_slice %arg12[%add3A_63, %dma_wait3A_120] : memref<10240x128xf32, #tpu.memory_space<vmem_shared>> -> memref<80x128xf32, #tpu.memory_space<vmem_shared>>
      tpu.wait_dma2 semaphore(%run_scoped3A : memref<!tpu.dma_semaphore, #tpu.memory_space<semaphore_mem>>) src(%dma_wait3A_121 : memref<80x128xf32, #tpu.memory_space<vmem_shared>>) dst(%dma_wait3A_119 : memref<80x128xf32, #tpu.memory_space<hbm>>)
      tpu.yield
    }) : () -> ()
    %mul3A_68 = arith.constant 640 : i32
    %mul3A_69 = arith.muli %arg1, %mul3A_68 : i32
    %add3A_70 = arith.constant 240 : i32
    %add3A_71 = arith.addi %mul3A_69, %add3A_70 : i32
    %mul3A_72 = arith.constant 640 : i32
    %mul3A_73 = arith.muli %arg1, %mul3A_72 : i32
    %add3A_74 = arith.constant 240 : i32
    %add3A_75 = arith.addi %mul3A_73, %add3A_74 : i32
    "tpu.region"() ({
      %run_scoped3A = tpu.sem_alloc : memref<!tpu.dma_semaphore, #tpu.memory_space<semaphore_mem>>
      %dma_start3A = arith.constant 0 : i32
      %dma_start3A_108 = arith.constant 0 : i32
      %dma_start3A_109 = tpu.memref_slice %arg5[%arg0, %dma_start3A, %dma_start3A_108] : memref<2x10240x128xf32, #tpu.memory_space<hbm>> -> memref<1x10240x128xf32, #tpu.memory_space<hbm>>
      %dma_start3A_110 = tpu.memref_squeeze %dma_start3A_109 : memref<1x10240x128xf32, #tpu.memory_space<hbm>> -> memref<10240x128xf32, #tpu.memory_space<hbm>>
      %dma_start3A_111 = arith.constant 0 : i32
      %dma_start3A_112 = tpu.memref_slice %dma_start3A_110[%add3A_75, %dma_start3A_111] : memref<10240x128xf32, #tpu.memory_space<hbm>> -> memref<80x128xf32, #tpu.memory_space<hbm>>
      %dma_start3A_113 = arith.constant 0 : i32
      %dma_start3A_114 = tpu.memref_slice %arg12[%add3A_71, %dma_start3A_113] : memref<10240x128xf32, #tpu.memory_space<vmem_shared>> -> memref<80x128xf32, #tpu.memory_space<vmem_shared>>
      tpu.enqueue_dma source(%dma_start3A_114 : memref<80x128xf32, #tpu.memory_space<vmem_shared>>) target(%dma_start3A_112 : memref<80x128xf32, #tpu.memory_space<hbm>>) target_semaphore(%run_scoped3A : memref<!tpu.dma_semaphore, #tpu.memory_space<semaphore_mem>>)
      %dma_wait3A = arith.constant 0 : i32
      %dma_wait3A_115 = arith.constant 0 : i32
      %dma_wait3A_116 = tpu.memref_slice %arg5[%arg0, %dma_wait3A, %dma_wait3A_115] : memref<2x10240x128xf32, #tpu.memory_space<hbm>> -> memref<1x10240x128xf32, #tpu.memory_space<hbm>>
      %dma_wait3A_117 = tpu.memref_squeeze %dma_wait3A_116 : memref<1x10240x128xf32, #tpu.memory_space<hbm>> -> memref<10240x128xf32, #tpu.memory_space<hbm>>
      %dma_wait3A_118 = arith.constant 0 : i32
      %dma_wait3A_119 = tpu.memref_slice %dma_wait3A_117[%add3A_75, %dma_wait3A_118] : memref<10240x128xf32, #tpu.memory_space<hbm>> -> memref<80x128xf32, #tpu.memory_space<hbm>>
      %dma_wait3A_120 = arith.constant 0 : i32
      %dma_wait3A_121 = tpu.memref_slice %arg12[%add3A_71, %dma_wait3A_120] : memref<10240x128xf32, #tpu.memory_space<vmem_shared>> -> memref<80x128xf32, #tpu.memory_space<vmem_shared>>
      tpu.wait_dma2 semaphore(%run_scoped3A : memref<!tpu.dma_semaphore, #tpu.memory_space<semaphore_mem>>) src(%dma_wait3A_121 : memref<80x128xf32, #tpu.memory_space<vmem_shared>>) dst(%dma_wait3A_119 : memref<80x128xf32, #tpu.memory_space<hbm>>)
      tpu.yield
    }) : () -> ()
    %mul3A_76 = arith.constant 640 : i32
    %mul3A_77 = arith.muli %arg1, %mul3A_76 : i32
    %add3A_78 = arith.constant 320 : i32
    %add3A_79 = arith.addi %mul3A_77, %add3A_78 : i32
    %mul3A_80 = arith.constant 640 : i32
    %mul3A_81 = arith.muli %arg1, %mul3A_80 : i32
    %add3A_82 = arith.constant 320 : i32
    %add3A_83 = arith.addi %mul3A_81, %add3A_82 : i32
    "tpu.region"() ({
      %run_scoped3A = tpu.sem_alloc : memref<!tpu.dma_semaphore, #tpu.memory_space<semaphore_mem>>
      %dma_start3A = arith.constant 0 : i32
      %dma_start3A_108 = arith.constant 0 : i32
      %dma_start3A_109 = tpu.memref_slice %arg5[%arg0, %dma_start3A, %dma_start3A_108] : memref<2x10240x128xf32, #tpu.memory_space<hbm>> -> memref<1x10240x128xf32, #tpu.memory_space<hbm>>
      %dma_start3A_110 = tpu.memref_squeeze %dma_start3A_109 : memref<1x10240x128xf32, #tpu.memory_space<hbm>> -> memref<10240x128xf32, #tpu.memory_space<hbm>>
      %dma_start3A_111 = arith.constant 0 : i32
      %dma_start3A_112 = tpu.memref_slice %dma_start3A_110[%add3A_83, %dma_start3A_111] : memref<10240x128xf32, #tpu.memory_space<hbm>> -> memref<80x128xf32, #tpu.memory_space<hbm>>
      %dma_start3A_113 = arith.constant 0 : i32
      %dma_start3A_114 = tpu.memref_slice %arg12[%add3A_79, %dma_start3A_113] : memref<10240x128xf32, #tpu.memory_space<vmem_shared>> -> memref<80x128xf32, #tpu.memory_space<vmem_shared>>
      tpu.enqueue_dma source(%dma_start3A_114 : memref<80x128xf32, #tpu.memory_space<vmem_shared>>) target(%dma_start3A_112 : memref<80x128xf32, #tpu.memory_space<hbm>>) target_semaphore(%run_scoped3A : memref<!tpu.dma_semaphore, #tpu.memory_space<semaphore_mem>>)
      %dma_wait3A = arith.constant 0 : i32
      %dma_wait3A_115 = arith.constant 0 : i32
      %dma_wait3A_116 = tpu.memref_slice %arg5[%arg0, %dma_wait3A, %dma_wait3A_115] : memref<2x10240x128xf32, #tpu.memory_space<hbm>> -> memref<1x10240x128xf32, #tpu.memory_space<hbm>>
      %dma_wait3A_117 = tpu.memref_squeeze %dma_wait3A_116 : memref<1x10240x128xf32, #tpu.memory_space<hbm>> -> memref<10240x128xf32, #tpu.memory_space<hbm>>
      %dma_wait3A_118 = arith.constant 0 : i32
      %dma_wait3A_119 = tpu.memref_slice %dma_wait3A_117[%add3A_83, %dma_wait3A_118] : memref<10240x128xf32, #tpu.memory_space<hbm>> -> memref<80x128xf32, #tpu.memory_space<hbm>>
      %dma_wait3A_120 = arith.constant 0 : i32
      %dma_wait3A_121 = tpu.memref_slice %arg12[%add3A_79, %dma_wait3A_120] : memref<10240x128xf32, #tpu.memory_space<vmem_shared>> -> memref<80x128xf32, #tpu.memory_space<vmem_shared>>
      tpu.wait_dma2 semaphore(%run_scoped3A : memref<!tpu.dma_semaphore, #tpu.memory_space<semaphore_mem>>) src(%dma_wait3A_121 : memref<80x128xf32, #tpu.memory_space<vmem_shared>>) dst(%dma_wait3A_119 : memref<80x128xf32, #tpu.memory_space<hbm>>)
      tpu.yield
    }) : () -> ()
    %mul3A_84 = arith.constant 640 : i32
    %mul3A_85 = arith.muli %arg1, %mul3A_84 : i32
    %add3A_86 = arith.constant 400 : i32
    %add3A_87 = arith.addi %mul3A_85, %add3A_86 : i32
    %mul3A_88 = arith.constant 640 : i32
    %mul3A_89 = arith.muli %arg1, %mul3A_88 : i32
    %add3A_90 = arith.constant 400 : i32
    %add3A_91 = arith.addi %mul3A_89, %add3A_90 : i32
    "tpu.region"() ({
      %run_scoped3A = tpu.sem_alloc : memref<!tpu.dma_semaphore, #tpu.memory_space<semaphore_mem>>
      %dma_start3A = arith.constant 0 : i32
      %dma_start3A_108 = arith.constant 0 : i32
      %dma_start3A_109 = tpu.memref_slice %arg5[%arg0, %dma_start3A, %dma_start3A_108] : memref<2x10240x128xf32, #tpu.memory_space<hbm>> -> memref<1x10240x128xf32, #tpu.memory_space<hbm>>
      %dma_start3A_110 = tpu.memref_squeeze %dma_start3A_109 : memref<1x10240x128xf32, #tpu.memory_space<hbm>> -> memref<10240x128xf32, #tpu.memory_space<hbm>>
      %dma_start3A_111 = arith.constant 0 : i32
      %dma_start3A_112 = tpu.memref_slice %dma_start3A_110[%add3A_91, %dma_start3A_111] : memref<10240x128xf32, #tpu.memory_space<hbm>> -> memref<80x128xf32, #tpu.memory_space<hbm>>
      %dma_start3A_113 = arith.constant 0 : i32
      %dma_start3A_114 = tpu.memref_slice %arg12[%add3A_87, %dma_start3A_113] : memref<10240x128xf32, #tpu.memory_space<vmem_shared>> -> memref<80x128xf32, #tpu.memory_space<vmem_shared>>
      tpu.enqueue_dma source(%dma_start3A_114 : memref<80x128xf32, #tpu.memory_space<vmem_shared>>) target(%dma_start3A_112 : memref<80x128xf32, #tpu.memory_space<hbm>>) target_semaphore(%run_scoped3A : memref<!tpu.dma_semaphore, #tpu.memory_space<semaphore_mem>>)
      %dma_wait3A = arith.constant 0 : i32
      %dma_wait3A_115 = arith.constant 0 : i32
      %dma_wait3A_116 = tpu.memref_slice %arg5[%arg0, %dma_wait3A, %dma_wait3A_115] : memref<2x10240x128xf32, #tpu.memory_space<hbm>> -> memref<1x10240x128xf32, #tpu.memory_space<hbm>>
      %dma_wait3A_117 = tpu.memref_squeeze %dma_wait3A_116 : memref<1x10240x128xf32, #tpu.memory_space<hbm>> -> memref<10240x128xf32, #tpu.memory_space<hbm>>
      %dma_wait3A_118 = arith.constant 0 : i32
      %dma_wait3A_119 = tpu.memref_slice %dma_wait3A_117[%add3A_91, %dma_wait3A_118] : memref<10240x128xf32, #tpu.memory_space<hbm>> -> memref<80x128xf32, #tpu.memory_space<hbm>>
      %dma_wait3A_120 = arith.constant 0 : i32
      %dma_wait3A_121 = tpu.memref_slice %arg12[%add3A_87, %dma_wait3A_120] : memref<10240x128xf32, #tpu.memory_space<vmem_shared>> -> memref<80x128xf32, #tpu.memory_space<vmem_shared>>
      tpu.wait_dma2 semaphore(%run_scoped3A : memref<!tpu.dma_semaphore, #tpu.memory_space<semaphore_mem>>) src(%dma_wait3A_121 : memref<80x128xf32, #tpu.memory_space<vmem_shared>>) dst(%dma_wait3A_119 : memref<80x128xf32, #tpu.memory_space<hbm>>)
      tpu.yield
    }) : () -> ()
    %mul3A_92 = arith.constant 640 : i32
    %mul3A_93 = arith.muli %arg1, %mul3A_92 : i32
    %add3A_94 = arith.constant 480 : i32
    %add3A_95 = arith.addi %mul3A_93, %add3A_94 : i32
    %mul3A_96 = arith.constant 640 : i32
    %mul3A_97 = arith.muli %arg1, %mul3A_96 : i32
    %add3A_98 = arith.constant 480 : i32
    %add3A_99 = arith.addi %mul3A_97, %add3A_98 : i32
    "tpu.region"() ({
      %run_scoped3A = tpu.sem_alloc : memref<!tpu.dma_semaphore, #tpu.memory_space<semaphore_mem>>
      %dma_start3A = arith.constant 0 : i32
      %dma_start3A_108 = arith.constant 0 : i32
      %dma_start3A_109 = tpu.memref_slice %arg5[%arg0, %dma_start3A, %dma_start3A_108] : memref<2x10240x128xf32, #tpu.memory_space<hbm>> -> memref<1x10240x128xf32, #tpu.memory_space<hbm>>
      %dma_start3A_110 = tpu.memref_squeeze %dma_start3A_109 : memref<1x10240x128xf32, #tpu.memory_space<hbm>> -> memref<10240x128xf32, #tpu.memory_space<hbm>>
      %dma_start3A_111 = arith.constant 0 : i32
      %dma_start3A_112 = tpu.memref_slice %dma_start3A_110[%add3A_99, %dma_start3A_111] : memref<10240x128xf32, #tpu.memory_space<hbm>> -> memref<80x128xf32, #tpu.memory_space<hbm>>
      %dma_start3A_113 = arith.constant 0 : i32
      %dma_start3A_114 = tpu.memref_slice %arg12[%add3A_95, %dma_start3A_113] : memref<10240x128xf32, #tpu.memory_space<vmem_shared>> -> memref<80x128xf32, #tpu.memory_space<vmem_shared>>
      tpu.enqueue_dma source(%dma_start3A_114 : memref<80x128xf32, #tpu.memory_space<vmem_shared>>) target(%dma_start3A_112 : memref<80x128xf32, #tpu.memory_space<hbm>>) target_semaphore(%run_scoped3A : memref<!tpu.dma_semaphore, #tpu.memory_space<semaphore_mem>>)
      %dma_wait3A = arith.constant 0 : i32
      %dma_wait3A_115 = arith.constant 0 : i32
      %dma_wait3A_116 = tpu.memref_slice %arg5[%arg0, %dma_wait3A, %dma_wait3A_115] : memref<2x10240x128xf32, #tpu.memory_space<hbm>> -> memref<1x10240x128xf32, #tpu.memory_space<hbm>>
      %dma_wait3A_117 = tpu.memref_squeeze %dma_wait3A_116 : memref<1x10240x128xf32, #tpu.memory_space<hbm>> -> memref<10240x128xf32, #tpu.memory_space<hbm>>
      %dma_wait3A_118 = arith.constant 0 : i32
      %dma_wait3A_119 = tpu.memref_slice %dma_wait3A_117[%add3A_99, %dma_wait3A_118] : memref<10240x128xf32, #tpu.memory_space<hbm>> -> memref<80x128xf32, #tpu.memory_space<hbm>>
      %dma_wait3A_120 = arith.constant 0 : i32
      %dma_wait3A_121 = tpu.memref_slice %arg12[%add3A_95, %dma_wait3A_120] : memref<10240x128xf32, #tpu.memory_space<vmem_shared>> -> memref<80x128xf32, #tpu.memory_space<vmem_shared>>
      tpu.wait_dma2 semaphore(%run_scoped3A : memref<!tpu.dma_semaphore, #tpu.memory_space<semaphore_mem>>) src(%dma_wait3A_121 : memref<80x128xf32, #tpu.memory_space<vmem_shared>>) dst(%dma_wait3A_119 : memref<80x128xf32, #tpu.memory_space<hbm>>)
      tpu.yield
    }) : () -> ()
    %mul3A_100 = arith.constant 640 : i32
    %mul3A_101 = arith.muli %arg1, %mul3A_100 : i32
    %add3A_102 = arith.constant 560 : i32
    %add3A_103 = arith.addi %mul3A_101, %add3A_102 : i32
    %mul3A_104 = arith.constant 640 : i32
    %mul3A_105 = arith.muli %arg1, %mul3A_104 : i32
    %add3A_106 = arith.constant 560 : i32
    %add3A_107 = arith.addi %mul3A_105, %add3A_106 : i32
    "tpu.region"() ({
      %run_scoped3A = tpu.sem_alloc : memref<!tpu.dma_semaphore, #tpu.memory_space<semaphore_mem>>
      %dma_start3A = arith.constant 0 : i32
      %dma_start3A_108 = arith.constant 0 : i32
      %dma_start3A_109 = tpu.memref_slice %arg5[%arg0, %dma_start3A, %dma_start3A_108] : memref<2x10240x128xf32, #tpu.memory_space<hbm>> -> memref<1x10240x128xf32, #tpu.memory_space<hbm>>
      %dma_start3A_110 = tpu.memref_squeeze %dma_start3A_109 : memref<1x10240x128xf32, #tpu.memory_space<hbm>> -> memref<10240x128xf32, #tpu.memory_space<hbm>>
      %dma_start3A_111 = arith.constant 0 : i32
      %dma_start3A_112 = tpu.memref_slice %dma_start3A_110[%add3A_107, %dma_start3A_111] : memref<10240x128xf32, #tpu.memory_space<hbm>> -> memref<80x128xf32, #tpu.memory_space<hbm>>
      %dma_start3A_113 = arith.constant 0 : i32
      %dma_start3A_114 = tpu.memref_slice %arg12[%add3A_103, %dma_start3A_113] : memref<10240x128xf32, #tpu.memory_space<vmem_shared>> -> memref<80x128xf32, #tpu.memory_space<vmem_shared>>
      tpu.enqueue_dma source(%dma_start3A_114 : memref<80x128xf32, #tpu.memory_space<vmem_shared>>) target(%dma_start3A_112 : memref<80x128xf32, #tpu.memory_space<hbm>>) target_semaphore(%run_scoped3A : memref<!tpu.dma_semaphore, #tpu.memory_space<semaphore_mem>>)
      %dma_wait3A = arith.constant 0 : i32
      %dma_wait3A_115 = arith.constant 0 : i32
      %dma_wait3A_116 = tpu.memref_slice %arg5[%arg0, %dma_wait3A, %dma_wait3A_115] : memref<2x10240x128xf32, #tpu.memory_space<hbm>> -> memref<1x10240x128xf32, #tpu.memory_space<hbm>>
      %dma_wait3A_117 = tpu.memref_squeeze %dma_wait3A_116 : memref<1x10240x128xf32, #tpu.memory_space<hbm>> -> memref<10240x128xf32, #tpu.memory_space<hbm>>
      %dma_wait3A_118 = arith.constant 0 : i32
      %dma_wait3A_119 = tpu.memref_slice %dma_wait3A_117[%add3A_107, %dma_wait3A_118] : memref<10240x128xf32, #tpu.memory_space<hbm>> -> memref<80x128xf32, #tpu.memory_space<hbm>>
      %dma_wait3A_120 = arith.constant 0 : i32
      %dma_wait3A_121 = tpu.memref_slice %arg12[%add3A_103, %dma_wait3A_120] : memref<10240x128xf32, #tpu.memory_space<vmem_shared>> -> memref<80x128xf32, #tpu.memory_space<vmem_shared>>
      tpu.wait_dma2 semaphore(%run_scoped3A : memref<!tpu.dma_semaphore, #tpu.memory_space<semaphore_mem>>) src(%dma_wait3A_121 : memref<80x128xf32, #tpu.memory_space<vmem_shared>>) dst(%dma_wait3A_119 : memref<80x128xf32, #tpu.memory_space<hbm>>)
      tpu.yield
    }) : () -> ()
    return
  }
}

#map = affine_map<(d0, d1) -> (0, 0)>
module attributes {stable_mosaic.version = 14 : i64} {
  func.func @_hist_body(%arg0: i32, %arg1: i32, %arg2: memref<32x5120xi32, #tpu.memory_space<hbm>>, %arg3: memref<32x10240xf32, #tpu.memory_space<hbm>>, %arg4: memref<5120xi32, #tpu.memory_space<vmem>>, %arg5: memref<10240xf32, #tpu.memory_space<vmem>>) attributes {dimension_semantics = [#tpu.dimension_semantics<core_parallel>, #tpu.dimension_semantics<subcore_parallel>], iteration_bounds = array<i64: 2, 16>, scalar_prefetch = 0 : i64, scratch_operands = 2 : i64, tpu.core_type = #tpu.core_type<sc_vector_subcore>, window_params = [{transform_indices = #map}, {transform_indices = #map}]} {
    %mul3A = arith.constant 2 : i32
    %mul3A_0 = arith.muli %arg1, %mul3A : i32
    %add3A = arith.addi %mul3A_0, %arg0 : i32
    "tpu.region"() ({
      %run_scoped3A = tpu.sem_alloc : memref<!tpu.dma_semaphore, #tpu.memory_space<semaphore_mem>>
      %dma_start3A = arith.constant 0 : i32
      %dma_start3A_15 = tpu.memref_slice %arg2[%add3A, %dma_start3A] : memref<32x5120xi32, #tpu.memory_space<hbm>> -> memref<1x5120xi32, #tpu.memory_space<hbm>>
      %dma_start3A_16 = tpu.memref_squeeze %dma_start3A_15 : memref<1x5120xi32, #tpu.memory_space<hbm>> -> memref<5120xi32, #tpu.memory_space<hbm>>
      %dma_start3A_17 = arith.constant 0 : i32
      %dma_start3A_18 = tpu.memref_slice %arg2[%add3A, %dma_start3A_17] : memref<32x5120xi32, #tpu.memory_space<hbm>> -> memref<1x5120xi32, #tpu.memory_space<hbm>>
      %dma_start3A_19 = tpu.memref_squeeze %dma_start3A_18 : memref<1x5120xi32, #tpu.memory_space<hbm>> -> memref<5120xi32, #tpu.memory_space<hbm>>
      tpu.enqueue_dma source(%dma_start3A_19 : memref<5120xi32, #tpu.memory_space<hbm>>) target(%arg4 : memref<5120xi32, #tpu.memory_space<vmem>>) target_semaphore(%run_scoped3A : memref<!tpu.dma_semaphore, #tpu.memory_space<semaphore_mem>>)
      %dma_wait3A = arith.constant 0 : i32
      %dma_wait3A_20 = tpu.memref_slice %arg2[%add3A, %dma_wait3A] : memref<32x5120xi32, #tpu.memory_space<hbm>> -> memref<1x5120xi32, #tpu.memory_space<hbm>>
      %dma_wait3A_21 = tpu.memref_squeeze %dma_wait3A_20 : memref<1x5120xi32, #tpu.memory_space<hbm>> -> memref<5120xi32, #tpu.memory_space<hbm>>
      %dma_wait3A_22 = arith.constant 0 : i32
      %dma_wait3A_23 = tpu.memref_slice %arg2[%add3A, %dma_wait3A_22] : memref<32x5120xi32, #tpu.memory_space<hbm>> -> memref<1x5120xi32, #tpu.memory_space<hbm>>
      %dma_wait3A_24 = tpu.memref_squeeze %dma_wait3A_23 : memref<1x5120xi32, #tpu.memory_space<hbm>> -> memref<5120xi32, #tpu.memory_space<hbm>>
      tpu.wait_dma2 semaphore(%run_scoped3A : memref<!tpu.dma_semaphore, #tpu.memory_space<semaphore_mem>>) src(%dma_wait3A_24 : memref<5120xi32, #tpu.memory_space<hbm>>) dst(%arg4 : memref<5120xi32, #tpu.memory_space<vmem>>)
      tpu.yield
    }) : () -> ()
    %scan3A = arith.constant 0 : i32
    %scan3A_1 = arith.constant 0 : i32
    %scan3A_2 = arith.constant 640 : i32
    %scan3A_3 = arith.addi %scan3A_1, %scan3A_2 : i32
    %scan3A_4 = arith.constant 1 : i32
    %scan3A_5 = scf.for %scan3A_15 = %scan3A_1 to %scan3A_3 step %scan3A_4 iter_args(%scan3A_16 = %scan3A) -> (i32)  : i32 {
      %broadcast_in_dim3A_17 = arith.constant 0.000000e+00 : f32
      %broadcast_in_dim3A_18 = vector.broadcast %broadcast_in_dim3A_17 : f32 to vector<16xf32>
      %mul3A_19 = arith.constant 16 : i32
      %mul3A_20 = arith.muli %scan3A_15, %mul3A_19 : i32
      %swap3A = arith.index_cast %mul3A_20 : i32 to index
      %swap3A_21 = tpu.vector_load %arg5[%swap3A] {strides = array<i32>} : memref<10240xf32, #tpu.memory_space<vmem>>, vector<16xf32>,
      tpu.vector_store %arg5[%swap3A], %broadcast_in_dim3A_18 {strides = array<i32>} : memref<10240xf32, #tpu.memory_space<vmem>>, vector<16xf32>,
      %scan3A_22 = arith.constant 0 : i32
      scf.yield %scan3A_22 : i32
    }
    %scan3A_6 = arith.constant 640 : i32
    %broadcast_in_dim3A = arith.constant 1.000000e+00 : f32
    %broadcast_in_dim3A_7 = vector.broadcast %broadcast_in_dim3A : f32 to vector<16xf32>
    %scan3A_8 = arith.constant 0 : i32
    %scan3A_9 = arith.constant 0 : i32
    %scan3A_10 = arith.constant 320 : i32
    %scan3A_11 = arith.addi %scan3A_9, %scan3A_10 : i32
    %scan3A_12 = arith.constant 1 : i32
    %scan3A_13 = scf.for %scan3A_15 = %scan3A_9 to %scan3A_11 step %scan3A_12 iter_args(%scan3A_16 = %scan3A_8) -> (i32)  : i32 {
      %mul3A_17 = arith.constant 16 : i32
      %mul3A_18 = arith.muli %scan3A_15, %mul3A_17 : i32
      %get3A = arith.index_cast %mul3A_18 : i32 to index
      %get3A_19 = tpu.vector_load %arg4[%get3A] {strides = array<i32>} : memref<5120xi32, #tpu.memory_space<vmem>>, vector<16xi32>,
      tpu.vector_store_idx %arg5[%get3A_19], %broadcast_in_dim3A_7 {add = true} : memref<10240xf32, #tpu.memory_space<vmem>>[vector<16xi32>], vector<16xf32>,
      %scan3A_20 = arith.constant 0 : i32
      scf.yield %scan3A_20 : i32
    }
    %scan3A_14 = arith.constant 320 : i32
    "tpu.region"() ({
      %run_scoped3A = tpu.sem_alloc : memref<!tpu.dma_semaphore, #tpu.memory_space<semaphore_mem>>
      %dma_start3A = arith.constant 0 : i32
      %dma_start3A_15 = tpu.memref_slice %arg3[%add3A, %dma_start3A] : memref<32x10240xf32, #tpu.memory_space<hbm>> -> memref<1x10240xf32, #tpu.memory_space<hbm>>
      %dma_start3A_16 = tpu.memref_squeeze %dma_start3A_15 : memref<1x10240xf32, #tpu.memory_space<hbm>> -> memref<10240xf32, #tpu.memory_space<hbm>>
      %dma_start3A_17 = arith.constant 0 : i32
      %dma_start3A_18 = tpu.memref_slice %arg3[%add3A, %dma_start3A_17] : memref<32x10240xf32, #tpu.memory_space<hbm>> -> memref<1x10240xf32, #tpu.memory_space<hbm>>
      %dma_start3A_19 = tpu.memref_squeeze %dma_start3A_18 : memref<1x10240xf32, #tpu.memory_space<hbm>> -> memref<10240xf32, #tpu.memory_space<hbm>>
      tpu.enqueue_dma source(%arg5 : memref<10240xf32, #tpu.memory_space<vmem>>) target(%dma_start3A_19 : memref<10240xf32, #tpu.memory_space<hbm>>) target_semaphore(%run_scoped3A : memref<!tpu.dma_semaphore, #tpu.memory_space<semaphore_mem>>)
      %dma_wait3A = arith.constant 0 : i32
      %dma_wait3A_20 = tpu.memref_slice %arg3[%add3A, %dma_wait3A] : memref<32x10240xf32, #tpu.memory_space<hbm>> -> memref<1x10240xf32, #tpu.memory_space<hbm>>
      %dma_wait3A_21 = tpu.memref_squeeze %dma_wait3A_20 : memref<1x10240xf32, #tpu.memory_space<hbm>> -> memref<10240xf32, #tpu.memory_space<hbm>>
      %dma_wait3A_22 = arith.constant 0 : i32
      %dma_wait3A_23 = tpu.memref_slice %arg3[%add3A, %dma_wait3A_22] : memref<32x10240xf32, #tpu.memory_space<hbm>> -> memref<1x10240xf32, #tpu.memory_space<hbm>>
      %dma_wait3A_24 = tpu.memref_squeeze %dma_wait3A_23 : memref<1x10240xf32, #tpu.memory_space<hbm>> -> memref<10240xf32, #tpu.memory_space<hbm>>
      tpu.wait_dma2 semaphore(%run_scoped3A : memref<!tpu.dma_semaphore, #tpu.memory_space<semaphore_mem>>) src(%arg5 : memref<10240xf32, #tpu.memory_space<vmem>>) dst(%dma_wait3A_24 : memref<10240xf32, #tpu.memory_space<hbm>>)
      tpu.yield
    }) : () -> ()
    return
  }
}

module attributes {stable_mosaic.version = 14 : i64} {
  func.func @_scale_body(%arg0: i32, %arg1: memref<640x256xf32, #tpu.memory_space<vmem>>, %arg2: memref<32x640xf32, #tpu.memory_space<vmem>>, %arg3: memref<2x640x128xf32, #tpu.memory_space<vmem>>, %arg4: memref<8x640xf32, #tpu.memory_space<vmem>>, %arg5: memref<640x8xf32, #tpu.memory_space<vmem>>) attributes {dimension_semantics = [#tpu.dimension_semantics<arbitrary>], iteration_bounds = array<i64: 16>, scalar_prefetch = 0 : i64, scratch_operands = 0 : i64, tpu.core_type = #tpu.core_type<tc>, window_params = [{transform_indices = @transform_0, window_bounds = array<i64: 640, 256>}, {transform_indices = @transform_1, window_bounds = array<i64: 32, 640>}, {transform_indices = @transform_2, window_bounds = array<i64: 2, 640, 128>}, {transform_indices = @transform_3, window_bounds = array<i64: 8, 640>}, {transform_indices = @transform_4, window_bounds = array<i64: 640, 8>}]} {
    %get3A = arith.constant 0 : index
    %get3A_0 = arith.constant 0 : index
    %get3A_1 = vector.load %arg2[%get3A, %get3A_0] : memref<32x640xf32, #tpu.memory_space<vmem>>, vector<32x640xf32>
    %reduce_sum3A = arith.constant dense<0.000000e+00> : vector<640xf32>
    %reduce_sum3A_2 = vector.multi_reduction <add>, %get3A_1, %reduce_sum3A [0] : vector<32x640xf32> to vector<640xf32>
    %broadcast_in_dim3A = vector.shape_cast %reduce_sum3A_2 : vector<640xf32> to vector<1x640xf32>
    %add3A = arith.constant 1.000000e+00 : f32
    %add3A_3 = vector.broadcast %add3A : f32 to vector<1x640xf32>
    %add3A_4 = arith.addf %broadcast_in_dim3A, %add3A_3 : vector<1x640xf32>
    %rsqrt3A = math.rsqrt %add3A_4 : vector<1x640xf32>
    %transpose3A = tpu.transpose %rsqrt3A, [1, 0] : vector<1x640xf32> -> vector<640x1xf32>
    %get3A_5 = arith.constant 0 : index
    %get3A_6 = arith.constant 0 : index
    %get3A_7 = vector.load %arg1[%get3A_5, %get3A_6] : memref<640x256xf32, #tpu.memory_space<vmem>>, vector<640x256xf32>
    %ne3A = arith.cmpf one, %get3A_7, %get3A_7 : vector<640x256xf32>
    %eq3A = arith.constant 0x7F800000 : f32
    %eq3A_8 = vector.broadcast %eq3A : f32 to vector<640x256xf32>
    %eq3A_9 = arith.cmpf oeq, %get3A_7, %eq3A_8 : vector<640x256xf32>
    %eq3A_10 = arith.constant 0xFF800000 : f32
    %eq3A_11 = vector.broadcast %eq3A_10 : f32 to vector<640x256xf32>
    %eq3A_12 = arith.cmpf oeq, %get3A_7, %eq3A_11 : vector<640x256xf32>
    %jit3A = arith.constant -1.000000e+00 : f32
    %broadcast_in_dim3A_13 = vector.broadcast %jit3A : f32 to vector<640x256xf32>
    %select_n3A = arith.select %eq3A_12, %broadcast_in_dim3A_13, %get3A_7 : vector<640x256xi1>, vector<640x256xf32>
    %jit3A_14 = arith.constant 1.000000e+00 : f32
    %broadcast_in_dim3A_15 = vector.broadcast %jit3A_14 : f32 to vector<640x256xf32>
    %select_n3A_16 = arith.select %eq3A_9, %broadcast_in_dim3A_15, %select_n3A : vector<640x256xi1>, vector<640x256xf32>
    %jit3A_17 = arith.constant 0.000000e+00 : f32
    %broadcast_in_dim3A_18 = vector.broadcast %jit3A_17 : f32 to vector<640x256xf32>
    %select_n3A_19 = arith.select %ne3A, %broadcast_in_dim3A_18, %select_n3A_16 : vector<640x256xi1>, vector<640x256xf32>
    %mul3A = vector.broadcast %transpose3A : vector<640x1xf32> to vector<640x256xf32>
    %mul3A_20 = arith.mulf %mul3A, %select_n3A_19 : vector<640x256xf32>
    %slice3A = vector.extract_strided_slice %mul3A_20 {offsets = [0, 0], sizes = [640, 128], strides = [1, 1]} : vector<640x256xf32> to vector<640x128xf32>
    %swap3A = arith.constant 0 : index
    %swap3A_21 = arith.constant 0 : index
    %swap3A_22 = arith.constant 0 : index
    %swap3A_23 = vector.load %arg3[%swap3A, %swap3A_21, %swap3A_22] : memref<2x640x128xf32, #tpu.memory_space<vmem>>, vector<1x640x128xf32>
    %swap3A_24 = vector.shape_cast %swap3A_23 : vector<1x640x128xf32> to vector<640x128xf32>
    %swap3A_25 = vector.shape_cast %slice3A : vector<640x128xf32> to vector<1x640x128xf32>
    tpu.vector_store %arg3[%swap3A, %swap3A_21, %swap3A_22], %swap3A_25 {strides = array<i32>} : memref<2x640x128xf32, #tpu.memory_space<vmem>>, vector<1x640x128xf32>,
    %slice3A_26 = vector.extract_strided_slice %mul3A_20 {offsets = [0, 128], sizes = [640, 128], strides = [1, 1]} : vector<640x256xf32> to vector<640x128xf32>
    %swap3A_27 = arith.constant 1 : index
    %swap3A_28 = arith.constant 0 : index
    %swap3A_29 = arith.constant 0 : index
    %swap3A_30 = vector.load %arg3[%swap3A_27, %swap3A_28, %swap3A_29] : memref<2x640x128xf32, #tpu.memory_space<vmem>>, vector<1x640x128xf32>
    %swap3A_31 = vector.shape_cast %swap3A_30 : vector<1x640x128xf32> to vector<640x128xf32>
    %swap3A_32 = vector.shape_cast %slice3A_26 : vector<640x128xf32> to vector<1x640x128xf32>
    tpu.vector_store %arg3[%swap3A_27, %swap3A_28, %swap3A_29], %swap3A_32 {strides = array<i32>} : memref<2x640x128xf32, #tpu.memory_space<vmem>>, vector<1x640x128xf32>,
    %broadcast_in_dim3A_33 = vector.shape_cast %rsqrt3A : vector<1x640xf32> to vector<1x640xf32>
    %broadcast_in_dim3A_34 = vector.broadcast %broadcast_in_dim3A_33 : vector<1x640xf32> to vector<8x640xf32>
    %swap3A_35 = arith.constant 0 : index
    %swap3A_36 = arith.constant 0 : index
    %swap3A_37 = vector.load %arg4[%swap3A_35, %swap3A_36] : memref<8x640xf32, #tpu.memory_space<vmem>>, vector<8x640xf32>
    tpu.vector_store %arg4[%swap3A_35, %swap3A_36], %broadcast_in_dim3A_34 {strides = array<i32>} : memref<8x640xf32, #tpu.memory_space<vmem>>, vector<8x640xf32>,
    %broadcast_in_dim3A_38 = vector.shape_cast %transpose3A : vector<640x1xf32> to vector<640x1xf32>
    %broadcast_in_dim3A_39 = vector.broadcast %broadcast_in_dim3A_38 : vector<640x1xf32> to vector<640x8xf32>
    %swap3A_40 = arith.constant 0 : index
    %swap3A_41 = arith.constant 0 : index
    %swap3A_42 = vector.load %arg5[%swap3A_40, %swap3A_41] : memref<640x8xf32, #tpu.memory_space<vmem>>, vector<640x8xf32>
    tpu.vector_store %arg5[%swap3A_40, %swap3A_41], %broadcast_in_dim3A_39 {strides = array<i32>} : memref<640x8xf32, #tpu.memory_space<vmem>>, vector<640x8xf32>,
    return
  }
  func.func @transform_0(%arg0: i32) -> (i32, i32) {
    %c0_i32 = arith.constant 0 : i32
    %c0_i32_0 = arith.constant 0 : i32
    return %arg0, %c0_i32 : i32, i32
  }
  func.func @transform_1(%arg0: i32) -> (i32, i32) {
    %c0_i32 = arith.constant 0 : i32
    %c0_i32_0 = arith.constant 0 : i32
    return %c0_i32, %arg0 : i32, i32
  }
  func.func @transform_2(%arg0: i32) -> (i32, i32, i32) {
    %c0_i32 = arith.constant 0 : i32
    %c0_i32_0 = arith.constant 0 : i32
    %c0_i32_1 = arith.constant 0 : i32
    return %c0_i32, %arg0, %c0_i32_0 : i32, i32, i32
  }
  func.func @transform_3(%arg0: i32) -> (i32, i32) {
    %c0_i32 = arith.constant 0 : i32
    %c0_i32_0 = arith.constant 0 : i32
    return %c0_i32, %arg0 : i32, i32
  }
  func.func @transform_4(%arg0: i32) -> (i32, i32) {
    %c0_i32 = arith.constant 0 : i32
    %c0_i32_0 = arith.constant 0 : i32
    return %arg0, %c0_i32 : i32, i32
  }
}

module attributes {stable_mosaic.version = 14 : i64} {
  func.func @_final_body(%arg0: i32, %arg1: memref<2x640x128xf32, #tpu.memory_space<vmem>>, %arg2: memref<2x640x128xf32, #tpu.memory_space<vmem>>, %arg3: memref<640x8xf32, #tpu.memory_space<vmem>>, %arg4: memref<8x640xf32, #tpu.memory_space<vmem>>, %arg5: memref<32x640xf32, #tpu.memory_space<vmem>>, %arg6: memref<512x256xf32, #tpu.memory_space<vmem>>, %arg7: memref<1x512xf32, #tpu.memory_space<vmem>>, %arg8: memref<3x512xf32, #tpu.memory_space<vmem>>, %arg9: memref<1x3xf32, #tpu.memory_space<vmem>>, %arg10: memref<1x3xf32, #tpu.memory_space<vmem>>, %arg11: memref<8x512xf32, #tpu.memory_space<vmem>>) attributes {dimension_semantics = [#tpu.dimension_semantics<arbitrary>], iteration_bounds = array<i64: 16>, scalar_prefetch = 0 : i64, scratch_operands = 1 : i64, tpu.core_type = #tpu.core_type<tc>, window_params = [{transform_indices = @transform_0, window_bounds = array<i64: 2, 640, 128>}, {transform_indices = @transform_1, window_bounds = array<i64: 2, 640, 128>}, {transform_indices = @transform_2, window_bounds = array<i64: 640, 8>}, {transform_indices = @transform_3, window_bounds = array<i64: 8, 640>}, {transform_indices = @transform_4, window_bounds = array<i64: 32, 640>}, {pipeline_mode = #tpu.pipeline_mode<synchronous>, transform_indices = @transform_5, window_bounds = array<i64: 512, 256>}, {pipeline_mode = #tpu.pipeline_mode<synchronous>, transform_indices = @transform_6, window_bounds = array<i64: 1, 512>}, {pipeline_mode = #tpu.pipeline_mode<synchronous>, transform_indices = @transform_7, window_bounds = array<i64: 3, 512>}, {pipeline_mode = #tpu.pipeline_mode<synchronous>, transform_indices = @transform_8, window_bounds = array<i64: 1, 3>}, {pipeline_mode = #tpu.pipeline_mode<synchronous>, transform_indices = @transform_9, window_bounds = array<i64: 1, 3>}]} {
    %get3A = arith.constant 0 : index
    %get3A_0 = arith.constant 0 : index
    %get3A_1 = vector.load %arg3[%get3A, %get3A_0] : memref<640x8xf32, #tpu.memory_space<vmem>>, vector<640x1xf32>
    %get3A_2 = arith.constant 0 : index
    %get3A_3 = arith.constant 0 : index
    %get3A_4 = arith.constant 0 : index
    %get3A_5 = vector.load %arg1[%get3A_2, %get3A_3, %get3A_4] : memref<2x640x128xf32, #tpu.memory_space<vmem>>, vector<1x640x128xf32>
    %get3A_6 = vector.shape_cast %get3A_5 : vector<1x640x128xf32> to vector<640x128xf32>
    %get3A_7 = arith.constant 0 : index
    %get3A_8 = arith.constant 0 : index
    %get3A_9 = arith.constant 0 : index
    %get3A_10 = vector.load %arg2[%get3A_7, %get3A_8, %get3A_9] : memref<2x640x128xf32, #tpu.memory_space<vmem>>, vector<1x640x128xf32>
    %get3A_11 = vector.shape_cast %get3A_10 : vector<1x640x128xf32> to vector<640x128xf32>
    %add3A = arith.addf %get3A_6, %get3A_11 : vector<640x128xf32>
    %get3A_12 = arith.constant 1 : index
    %get3A_13 = arith.constant 0 : index
    %get3A_14 = arith.constant 0 : index
    %get3A_15 = vector.load %arg1[%get3A_12, %get3A_13, %get3A_14] : memref<2x640x128xf32, #tpu.memory_space<vmem>>, vector<1x640x128xf32>
    %get3A_16 = vector.shape_cast %get3A_15 : vector<1x640x128xf32> to vector<640x128xf32>
    %get3A_17 = arith.constant 1 : index
    %get3A_18 = arith.constant 0 : index
    %get3A_19 = arith.constant 0 : index
    %get3A_20 = vector.load %arg2[%get3A_17, %get3A_18, %get3A_19] : memref<2x640x128xf32, #tpu.memory_space<vmem>>, vector<1x640x128xf32>
    %get3A_21 = vector.shape_cast %get3A_20 : vector<1x640x128xf32> to vector<640x128xf32>
    %add3A_22 = arith.addf %get3A_16, %get3A_21 : vector<640x128xf32>
    %concatenate3A = tpu.concatenate %add3A, %add3A_22 in 1 : vector<640x128xf32>, vector<640x128xf32> -> vector<640x256xf32>
    %mul3A = vector.broadcast %get3A_1 : vector<640x1xf32> to vector<640x256xf32>
    %mul3A_23 = arith.mulf %mul3A, %concatenate3A : vector<640x256xf32>
    %get3A_24 = arith.constant 0 : index
    %get3A_25 = arith.constant 0 : index
    %get3A_26 = vector.load %arg6[%get3A_24, %get3A_25] : memref<512x256xf32, #tpu.memory_space<vmem>>, vector<512x256xf32>
    %dot_general3A = arith.constant dense<0.000000e+00> : vector<640x512xf32>
    %dot_general3A_27 = tpu.matmul %mul3A_23, %get3A_26, %dot_general3A {dimension_numbers = #tpu.dot_dimension_numbers<[1], [1], [0], [0], [0, 0, 1, 0], [], []>, transpose_lhs_hint = false} : vector<640x256xf32>, vector<512x256xf32>, vector<640x512xf32> -> vector<640x512xf32>
    %get3A_28 = arith.constant 0 : index
    %get3A_29 = arith.constant 0 : index
    %get3A_30 = vector.load %arg7[%get3A_28, %get3A_29] : memref<1x512xf32, #tpu.memory_space<vmem>>, vector<1x512xf32>
    %add3A_31 = vector.broadcast %get3A_30 : vector<1x512xf32> to vector<640x512xf32>
    %add3A_32 = arith.addf %dot_general3A_27, %add3A_31 : vector<640x512xf32>
    %max3A = arith.constant 0.000000e+00 : f32
    %max3A_33 = vector.broadcast %max3A : f32 to vector<640x512xf32>
    %max3A_34 = arith.maximumf %add3A_32, %max3A_33 : vector<640x512xf32>
    %get3A_35 = arith.constant 0 : index
    %get3A_36 = arith.constant 0 : index
    %get3A_37 = vector.load %arg4[%get3A_35, %get3A_36] : memref<8x640xf32, #tpu.memory_space<vmem>>, vector<1x640xf32>
    %get3A_38 = arith.constant 0 : index
    %get3A_39 = arith.constant 0 : index
    %get3A_40 = vector.load %arg5[%get3A_38, %get3A_39] : memref<32x640xf32, #tpu.memory_space<vmem>>, vector<32x640xf32>
    %reduce_sum3A = arith.constant dense<0.000000e+00> : vector<640xf32>
    %reduce_sum3A_41 = vector.multi_reduction <add>, %get3A_40, %reduce_sum3A [0] : vector<32x640xf32> to vector<640xf32>
    %broadcast_in_dim3A = vector.shape_cast %reduce_sum3A_41 : vector<640xf32> to vector<1x640xf32>
    %iota3A = tpu.iota {dimensions = array<i32: 1>} : vector<1x640xi32>
    %mul3A_42 = arith.constant 640 : i32
    %mul3A_43 = arith.muli %arg0, %mul3A_42 : i32
    %add3A_44 = vector.broadcast %mul3A_43 : i32 to vector<1x640xi32>
    %add3A_45 = arith.addi %iota3A, %add3A_44 : vector<1x640xi32>
    %lt3A = arith.constant 10000 : i32
    %lt3A_46 = vector.broadcast %lt3A : i32 to vector<1x640xi32>
    %lt3A_47 = arith.cmpi slt, %add3A_45, %lt3A_46 : vector<1x640xi32>
    %mul3A_48 = arith.mulf %get3A_37, %broadcast_in_dim3A : vector<1x640xf32>
    %mul3A_49 = arith.mulf %get3A_37, %get3A_37 : vector<1x640xf32>
    %add3A_50 = arith.addf %mul3A_48, %mul3A_49 : vector<1x640xf32>
    %jit3A = arith.constant 0.000000e+00 : f32
    %broadcast_in_dim3A_51 = vector.broadcast %jit3A : f32 to vector<1x640xf32>
    %select_n3A = arith.select %lt3A_47, %add3A_50, %broadcast_in_dim3A_51 : vector<1x640xi1>, vector<1x640xf32>
    %dot_general3A_52 = arith.constant dense<0.000000e+00> : vector<1x512xf32>
    %dot_general3A_53 = tpu.matmul %select_n3A, %max3A_34, %dot_general3A_52 {dimension_numbers = #tpu.dot_dimension_numbers<[1], [0], [0], [1], [0, 0, 1, 1], [], []>, transpose_lhs_hint = false} : vector<1x640xf32>, vector<640x512xf32>, vector<1x512xf32> -> vector<1x512xf32>
    %eq3A = arith.constant 0 : i32
    %eq3A_54 = arith.cmpi eq, %arg0, %eq3A : i32
    %convert_element_type3A = arith.extui %eq3A_54 : i1 to i32
    %cond3A = arith.constant 0 : i32
    %cond3A_55 = arith.cmpi ne, %convert_element_type3A, %cond3A : i32
    scf.if %cond3A_55 {
      %broadcast_in_dim3A_67 = arith.constant 0.000000e+00 : f32
      %broadcast_in_dim3A_68 = vector.broadcast %broadcast_in_dim3A_67 : f32 to vector<8x512xf32>
      %swap3A_69 = arith.constant 0 : index
      %swap3A_70 = arith.constant 0 : index
      %swap3A_71 = vector.load %arg11[%swap3A_69, %swap3A_70] : memref<8x512xf32, #tpu.memory_space<vmem>>, vector<8x512xf32>
      tpu.vector_store %arg11[%swap3A_69, %swap3A_70], %broadcast_in_dim3A_68 {strides = array<i32>} : memref<8x512xf32, #tpu.memory_space<vmem>>, vector<8x512xf32>,
    } else {
    }
    %get3A_56 = arith.constant 0 : index
    %get3A_57 = arith.constant 0 : index
    %get3A_58 = vector.load %arg11[%get3A_56, %get3A_57] : memref<8x512xf32, #tpu.memory_space<vmem>>, vector<1x512xf32>
    %add3A_59 = arith.addf %get3A_58, %dot_general3A_53 : vector<1x512xf32>
    %swap3A = arith.constant 0 : index
    %swap3A_60 = arith.constant 0 : index
    %swap3A_61 = vector.load %arg11[%swap3A, %swap3A_60] : memref<8x512xf32, #tpu.memory_space<vmem>>, vector<1x512xf32>
    tpu.vector_store %arg11[%swap3A, %swap3A_60], %add3A_59 {strides = array<i32>} : memref<8x512xf32, #tpu.memory_space<vmem>>, vector<1x512xf32>,
    %eq3A_62 = arith.constant 15 : i32
    %eq3A_63 = arith.cmpi eq, %arg0, %eq3A_62 : i32
    %convert_element_type3A_64 = arith.extui %eq3A_63 : i1 to i32
    %cond3A_65 = arith.constant 0 : i32
    %cond3A_66 = arith.cmpi ne, %convert_element_type3A_64, %cond3A_65 : i32
    scf.if %cond3A_66 {
      %get3A_67 = arith.constant 0 : index
      %get3A_68 = arith.constant 0 : index
      %get3A_69 = vector.load %arg11[%get3A_67, %get3A_68] : memref<8x512xf32, #tpu.memory_space<vmem>>, vector<1x512xf32>
      %mul3A_70 = arith.constant 9.99999974E-5 : f32
      %mul3A_71 = vector.broadcast %mul3A_70 : f32 to vector<1x512xf32>
      %mul3A_72 = arith.mulf %get3A_69, %mul3A_71 : vector<1x512xf32>
      %get3A_73 = arith.constant 0 : index
      %get3A_74 = arith.constant 0 : index
      %get3A_75 = vector.load %arg8[%get3A_73, %get3A_74] : memref<3x512xf32, #tpu.memory_space<vmem>>, vector<3x512xf32>
      %dot_general3A_76 = arith.constant dense<0.000000e+00> : vector<1x3xf32>
      %dot_general3A_77 = tpu.matmul %mul3A_72, %get3A_75, %dot_general3A_76 {dimension_numbers = #tpu.dot_dimension_numbers<[1], [1], [0], [0], [0, 0, 1, 0], [], []>, transpose_lhs_hint = false} : vector<1x512xf32>, vector<3x512xf32>, vector<1x3xf32> -> vector<1x3xf32>
      %get3A_78 = arith.constant 0 : index
      %get3A_79 = arith.constant 0 : index
      %get3A_80 = vector.load %arg9[%get3A_78, %get3A_79] : memref<1x3xf32, #tpu.memory_space<vmem>>, vector<1x3xf32>
      %add3A_81 = arith.addf %dot_general3A_77, %get3A_80 : vector<1x3xf32>
      %swap3A_82 = arith.constant 0 : index
      %swap3A_83 = arith.constant 0 : index
      %swap3A_84 = vector.load %arg10[%swap3A_82, %swap3A_83] : memref<1x3xf32, #tpu.memory_space<vmem>>, vector<1x3xf32>
      tpu.vector_store %arg10[%swap3A_82, %swap3A_83], %add3A_81 {strides = array<i32>} : memref<1x3xf32, #tpu.memory_space<vmem>>, vector<1x3xf32>,
    } else {
    }
    return
  }
  func.func @transform_0(%arg0: i32) -> (i32, i32, i32) {
    %c0_i32 = arith.constant 0 : i32
    %c0_i32_0 = arith.constant 0 : i32
    %c0_i32_1 = arith.constant 0 : i32
    return %c0_i32, %arg0, %c0_i32_0 : i32, i32, i32
  }
  func.func @transform_1(%arg0: i32) -> (i32, i32, i32) {
    %c0_i32 = arith.constant 0 : i32
    %c0_i32_0 = arith.constant 0 : i32
    %c0_i32_1 = arith.constant 0 : i32
    return %c0_i32, %arg0, %c0_i32_0 : i32, i32, i32
  }
  func.func @transform_2(%arg0: i32) -> (i32, i32) {
    %c0_i32 = arith.constant 0 : i32
    %c0_i32_0 = arith.constant 0 : i32
    return %arg0, %c0_i32 : i32, i32
  }
  func.func @transform_3(%arg0: i32) -> (i32, i32) {
    %c0_i32 = arith.constant 0 : i32
    %c0_i32_0 = arith.constant 0 : i32
    return %c0_i32, %arg0 : i32, i32
  }
  func.func @transform_4(%arg0: i32) -> (i32, i32) {
    %c0_i32 = arith.constant 0 : i32
    %c0_i32_0 = arith.constant 0 : i32
    return %c0_i32, %arg0 : i32, i32
  }
  func.func @transform_5(%arg0: i32) -> (i32, i32) {
    %c0_i32 = arith.constant 0 : i32
    %c0_i32_0 = arith.constant 0 : i32
    %c0_i32_1 = arith.constant 0 : i32
    return %c0_i32, %c0_i32_0 : i32, i32
  }
  func.func @transform_6(%arg0: i32) -> (i32, i32) {
    %c0_i32 = arith.constant 0 : i32
    %c0_i32_0 = arith.constant 0 : i32
    %c0_i32_1 = arith.constant 0 : i32
    return %c0_i32, %c0_i32_0 : i32, i32
  }
  func.func @transform_7(%arg0: i32) -> (i32, i32) {
    %c0_i32 = arith.constant 0 : i32
    %c0_i32_0 = arith.constant 0 : i32
    %c0_i32_1 = arith.constant 0 : i32
    return %c0_i32, %c0_i32_0 : i32, i32
  }
  func.func @transform_8(%arg0: i32) -> (i32, i32) {
    %c0_i32 = arith.constant 0 : i32
    %c0_i32_0 = arith.constant 0 : i32
    %c0_i32_1 = arith.constant 0 : i32
    return %c0_i32, %c0_i32_0 : i32, i32
  }
  func.func @transform_9(%arg0: i32) -> (i32, i32) {
    %c0_i32 = arith.constant 0 : i32
    %c0_i32_0 = arith.constant 0 : i32
    %c0_i32_1 = arith.constant 0 : i32
    return %c0_i32, %c0_i32_0 : i32, i32
  }
}

</mosaic_0001>

<sc_bundles>
// kernel: kernel.10.cloned.1.call-start
scs
__scs_entry_jumppad:
0x0: {  	(pc) =	sbr.rel $0x88, $3  }
0x1: {  	(tag) =	ssettag $0x0;
	lr =	simm.s32 $0x1  }
0x2: {  	[smem:$0x3F9B] =	sst lr;
	_ =	strace $0xD0000000  }
0x3: {  	_ = 	snop  }
0x4: {  	_ = 	snop  }
0x5: {  	_ = 	snop  }
0x6: {  	_ = 	snop  }
0x7: {  	_ = 	snop  }
__scs_overlays_trampoline_lowered:
0x8: {  	[smem:$0x3FAA] =	sst s0  }
0x9: {  	[smem:$0x3FAB] =	sst s1  }
0xa: {  	[smem:$0x3FAC] =	sst s2  }
0xb: {  	[smem:$0x3FAD] =	sst s3  }
0xc: {  	[smem:$0x3FAE] =	sst s4  }
0xd: {  	[smem:$0x3FAF] =	sst s5  }
0xe: {  	[smem:$0x3FB0] =	sst s6  }
0xf: {  	[smem:$0x3FB1] =	sst s7  }
0x10: {  	[smem:$0x3FB2] =	sst s8  }
0x11: {  	[smem:$0x3FB3] =	sst s9;
	s0 =	simm.s32 @!p0 $0x0  }
0x12: {  	s1 =	sld [smem:$0x3F99];
	s0 =	simm.s32 @p0 $0x1  }
0x13: {  	[smem:$0x3FB4] =	sst s0;
	s0 =	simm.s32 @!p1 $0x0  }
0x14: {  	s2 =	sld [smem:$0x3F98];
	s0 =	simm.s32 @p1 $0x1  }
0x15: {  	[smem:$0x3FB5] =	sst s0;
	s0 =	simm.s32 @!p2 $0x0  }
0x16: {  	s3 =	sld [smem:$0x3FDB];
	s0 =	simm.s32 @p2 $0x1  }
0x17: {  	s4 =	simm.s32 $0x1BF5;
	[smem:$0x3FB7] =	sst s0  }
0x18: {  	s0 =	sld [smem:$0x3F9A];
	_ =	swait.ge [sflag:s4], $0x0  }
0x19: {  	s7 =	sld [smem:$0x3F9B]  }
0x1a: {  	s8 =	sadd.s32 $0xFFFFE003, lr  }
0x1b: {  	s9 =	sadd.s32 $0xFFFFFEF7, lr;
	s5 =	simm.s32 $0xFFFFFFFF;
	p2 =	slt.u32 s8, $0xFFFFF086  }
0x1c: {  	p1 =	slt.u32 s9, $0xF7A;
	s5 =	simm.s32 @!p2 $0x0  }
0x1d: {  	s5 =	simm.s32 @p1 $0x1;
	p0 =	seq.s32 s7, s2  }
0x1e: {  	s7 =	smul.u32 @!p0 $0xF7A, s2;
	p2 =	seq.s32 @!p0 s5, $0x0  }
0x1f: {  	s9 =	smul.u32 $0xF7A, s1;
	s8 =	simm.s32 @!p0 $0x1BF5;
	p2 =	por !p2, p0  }
0x20: {  	[sflag:s8] =	ssyncset.s32 @!p0 $0xFFFFF086;
	s6 =	sadd.s32 @!p0 s3, s7;
	s7 =	simm.s32 @!p0 $0x108  }
0x21: {  	s3 =	sadd.s32 s3, s9;
	s6 =	sadd.s32 @!p0 $0x88, s6;
	s7 =	simm.s32 @p2 $0x1082  }
0x22: {  	[simem:s7], [sflag:s8] =	dma.local @!p0 [hbm:s6], $0xF7A  }
0x23: {  	s9 =	sor.u32 $0xD0000000, s2;
	s6 =	simm.s32 $0x108;
	_ =	swait.ge @!p0 [sflag:s8], $0x0  }
0x24: {  	s3 =	sadd.s32 $0x88, s3;
	s6 =	simm.s32 @!p1 $0x1082;
	[sflag:s4] =	ssyncset.s32 $0xFFFFF086  }
0x25: {  	[simem:s6], [sflag:s4] =	dma.local [hbm:s3], $0xF7A  }
0x26: {  	[smem:$0x3F9B] =	sst s1;
	(tag) =	ssettag s2;
	_ =	strace s9  }
0x27: {  	s1 =	sld [smem:$0x3FAB]  }
0x28: {  	s2 =	sld [smem:$0x3FAC]  }
0x29: {  	s4 =	sld [smem:$0x3FAE]  }
0x2a: {  	p0 =	seq.s32 s5, $0x0;
	s5 =	sld [smem:$0x3FAF]  }
0x2b: {  	s6 =	sld [smem:$0x3FB0]  }
0x2c: {  	s7 =	sld [smem:$0x3FB1]  }
0x2d: {  	s3 =	simm.s32 $0x108;
	s8 =	sld [smem:$0x3FB2]  }
0x2e: {  	s3 =	simm.s32 @!p0 $0x1082;
	s9 =	sld [smem:$0x3FB3]  }
0x2f: {  	lr =	sadd.s32 s0, s3;
	s0 =	sld [smem:$0x3FAA]  }
0x30: {  	s3 =	sld [smem:$0x3FAD]  }
0x31: {  	[smem:$0x3FB6] =	sst s10  }
0x32: {  	s10 =	sld [smem:$0x3FB4];
	_ =	sdelay $0x3  }
0x33: {  	p0 =	seq.s32 s10, $0x1;
	s10 =	sld [smem:$0x3FB6];
	_ =	sdelay $0x3  }
0x34: {  	[smem:$0x3FB6] =	sst s10  }
0x35: {  	s10 =	sld [smem:$0x3FB5];
	_ =	sdelay $0x3  }
0x36: {  	p1 =	seq.s32 s10, $0x1;
	s10 =	sld [smem:$0x3FB6];
	_ =	sdelay $0x3  }
0x37: {  	[smem:$0x3FB6] =	sst s10  }
0x38: {  	s10 =	sld [smem:$0x3FB7]  }
0x39: {  	_ = 	snop;
	(pc) =	sbr.ind lr, $3  }
0x3a: {  	_ = 	snop  }
0x3b: {  	_ = 	snop  }
0x3c: {  	p2 =	seq.s32 s10, $0x1;
	s10 =	sld [smem:$0x3FB6]  }
0x3d: {  	_ =	shalt  }
0x3e: {  	_ =	shalt  }
0x3f: {  	_ =	shalt  }
0x40: {  	_ =	shalt  }
0x41: {  	_ =	shalt  }
0x42: {  	_ =	shalt  }
0x43: {  	_ =	shalt  }
0x44: {  	_ =	shalt  }
0x45: {  	_ =	shalt  }
0x46: {  	_ =	shalt  }
0x47: {  	_ =	shalt  }
0x48: {  	_ =	shalt  }
0x49: {  	_ =	shalt  }
0x4a: {  	_ =	shalt  }
0x4b: {  	_ =	shalt  }
0x4c: {  	_ =	shalt  }
0x4d: {  	_ =	shalt  }
0x4e: {  	_ =	shalt  }
0x4f: {  	_ =	shalt  }
0x50: {  	_ =	shalt  }
0x51: {  	_ =	shalt  }
0x52: {  	_ =	shalt  }
0x53: {  	_ =	shalt  }
0x54: {  	_ =	shalt  }
0x55: {  	_ =	shalt  }
0x56: {  	_ =	shalt  }
0x57: {  	_ =	shalt  }
0x58: {  	_ =	shalt  }
0x59: {  	_ =	shalt  }
0x5a: {  	_ =	shalt  }
0x5b: {  	_ =	shalt  }
0x5c: {  	_ =	shalt  }
0x5d: {  	_ =	shalt  }
0x5e: {  	_ =	shalt  }
0x5f: {  	_ =	shalt  }
0x60: {  	_ =	shalt  }
0x61: {  	_ =	shalt  }
0x62: {  	_ =	shalt  }
0x63: {  	_ =	shalt  }
0x64: {  	_ =	shalt  }
0x65: {  	_ =	shalt  }
0x66: {  	_ =	shalt  }
0x67: {  	_ =	shalt  }
0x68: {  	_ =	shalt  }
0x69: {  	_ =	shalt  }
0x6a: {  	_ =	shalt  }
0x6b: {  	_ =	shalt  }
0x6c: {  	_ =	shalt  }
0x6d: {  	_ =	shalt  }
0x6e: {  	_ =	shalt  }
0x6f: {  	_ =	shalt  }
0x70: {  	_ =	shalt  }
0x71: {  	_ =	shalt  }
0x72: {  	_ =	shalt  }
0x73: {  	_ =	shalt  }
0x74: {  	_ =	shalt  }
0x75: {  	_ =	shalt  }
0x76: {  	_ =	shalt  }
0x77: {  	_ =	shalt  }
0x78: {  	_ =	shalt  }
0x79: {  	_ =	shalt  }
0x7a: {  	_ =	shalt  }
0x7b: {  	_ =	shalt  }
0x7c: {  	_ =	shalt  }
0x7d: {  	_ =	shalt  }
0x7e: {  	_ =	shalt  }
0x7f: {  	_ =	shalt  }
0x80: {  	_ =	shalt  }
0x81: {  	_ =	shalt  }
0x82: {  	_ =	shalt  }
0x83: {  	_ =	shalt  }
0x84: {  	_ =	shalt  }
0x85: {  	_ =	shalt  }
0x86: {  	_ =	shalt  }
0x87: {  	_ =	shalt  }
.Lfunc_end0:
.L_simem_size_0:
called_computation.1_lowered:
.L_overlay_start_0:
0x88: {  	s2 =	sld [smem:$0x3FD9]  }
0x89: {  	s3 =	sld [smem:$0x3FFE];
	_ =	sdelay $0x1  }
0x8a: {  	s1 =	srdreg.scid  }
0x8b: {  	s0 =	sand.u32 $0x1, s1  }
0x8c: {  	s17 =	sshll.u32 s0, $0xA;
	s2 =	sadd.s32 s3, s2  }
0x8d: {  	s2 =	sadd.s32 s2, s17  }
0x8e: {  	[smem:$0x3FC2] =	sst s2  }
0x8f: {  	_ = 	snop  }
0x90: {  	(tm) =	ssettm $0x1  }
0x91: {  	s18 =	sld [smem:$0x3FFB];
	_ =	sdelay $0x3  }
0x92: {  	_ =	strace s18  }
0x93: {  	s2 =	sld [smem:$0x3FFC];
	_ =	sdelay $0x3  }
0x94: {  	_ =	strace s2  }
0x95: {  	s2 =	sld [smem:$0x3FFD];
	_ =	sdelay $0x3  }
0x96: {  	_ =	strace s2  }
0x97: {  	_ =	strace $0x8FFFFFFF  }
0x98: {  	s19 =	sld [smem:$0x3FDB];
	_ =	sdelay $0x1  }
0x99: {  	s20 =	simm.s32 $_scs_section_size  }
0x9a: {  	s4 =	simm.s32 $_size__tile_overlayer_lowered;
	s5 =	simm.s32 $_tile_overlayer_lowered  }
0x9b: {  	s6 =	simm.s32 $0x1BFF;
	s21 =	sshll.u32 s5, $0x1;
	s3 =	sadd.s32 s20, s19  }
0x9c: {  	s22 =	simm.s32 $0x0;
	s4 =	sshll.u32 s4, $0x1;
	s5 =	sadd.s32 s21, s3  }
0x9d: {  	[timem:s22], [sflag:s6] =	dma.local [hbm:s5], s4  }
0x9e: {  	_ =	swait.ge [sflag:s6], s4  }
0x9f: {  	s4 =	ssub.s32 $0x0, s4;
	[sflag:s6] =	ssyncset.done $0x0  }
0xa0: {  	[sflag:s6] =	ssyncadd.s32 s4;
	_ =	sdelay $0x1  }
0xa1: {  	s23 =	simm.s32 $0x1B8B  }
0xa2: {  	_ =	swait.ge [sflag:s23], $0x1  }
0xa3: {  	[sflag:s23] =	ssyncset.done $0x0  }
0xa4: {  	[sflag:s23] =	ssyncadd.s32 $0xFFFFFFFF  }
0xa5: {  	s4 =	sld [smem:$0x0]  }
0xa6: {  	s5 =	sand.u32 $0xFFFFFFFE, s1  }
0xa7: {  	p0 =	sne.s32 s1, s5  }
0xa8: {  	s5 =	sshll.u32 @p0 s5, $0xE  }
0xa9: {  	s5 =	sadd.s32 @p0 $0x11B8D, s5;
	s6 =	sshll.u32 @p0 s4, $0x11  }
0xaa: {  	s5 =	sor.u32 @p0 s6, s5  }
0xab: {  	[sflag:s5] =	ssyncadd.remote.s32 @p0 $0x1;
	_ =	sdelay $0x1  }
0xac: {  	s5 =	simm.s32 @p0 $0x1B8D  }
0xad: {  	_ =	swait.eq @p0 [sflag:s5], $0x1  }
0xae: {  	[sflag:s5] =	ssyncadd.s32 @p0 $0xFFFFFFFF  }
0xaf: {  	s6 =	sshll.u32 @!p0 s1, $0xE  }
0xb0: {  	s6 =	sor.u32 @!p0 $0x4000, s6;
	s5 =	simm.s32 @!p0 $0x1B8D  }
0xb1: {  	s4 =	sshll.u32 @!p0 s4, $0x11;
	s6 =	sadd.s32 @!p0 $0x11B8D, s6;
	_ =	swait.eq @!p0 [sflag:s5], $0x1  }
0xb2: {  	s4 =	sor.u32 @!p0 s4, s6;
	[sflag:s5] =	ssyncadd.s32 @!p0 $0xFFFFFFFF  }
0xb3: {  	s25 =	simm.s32 $0x1B8E;
	s24 =	sld [smem:$0x3FFE];
	[sflag:s4] =	ssyncadd.remote.s32 @!p0 $0x1  }
0xb4: {  	s26 =	simm.s32 $execute0_lowered;
	[smem:$0x3FD2] =	sst s25  }
0xb5: {  	s5 =	sshll.u32 s26, $0x1;
	_ =	strace $0x8000004C;
	[dreg:$0x1] =	wrdreg $0xFFFFFFFF  }
0xb6: {  	s28 =	simm.s32 $_size_execute0_lowered;
	s3 =	sadd.s32 s3, s5;
	[dreg:$0x0] =	wrdreg $0x0  }
0xb7: {  	s5 =	sshll.u32 s28, $0x1;
	[dreg:$0x2] =	wrdreg s3  }
0xb8: {  	[dreg:$0x3] =	wrdreg s5  }
0xb9: {  	[dreg:$0x4] =	wrdreg $0xC0  }
0xba: {  	_ =	task [dreg:s22], $0x5FFFF  }
0xbb: {  	[dreg:$0x1] =	wrdreg $0xFFFFFFFF  }
0xbc: {  	[dreg:$0x0] =	wrdreg $0x60  }
0xbd: {  	[dreg:$0x2] =	wrdreg s24  }
0xbe: {  	[dreg:$0x3] =	wrdreg $0x9  }
0xbf: {  	_ =	task.clear_ibuf [dreg:s22], $0x4FFFF;
	_ =	strace $0x9000004C  }
0xc0: {  	s29 =	simm.s32 $0x9;
	_ =	strace $0x8000004E  }
0xc1: {  	_ =	swait.ge [sflag:s29], $0x1  }
0xc2: {  	[sflag:s29] =	ssyncadd.s32 $0xFFFFFFFF  }
0xc3: {  	_ =	strace $0x9000004E  }
0xc4: {  	_ =	sfence  }
0xc5: {  	s30 =	sld [smem:$0x0];
	_ =	sdelay $0x2  }
0xc6: {  	s31 =	sshll.u32 s1, $0xD;
	s1 =	sshrl.u32 s1, $0x2  }
0xc7: {  	s4 =	sand.u32 $0x4000, s31;
	s1 =	sadd.s32 s1, s30  }
0xc8: {  	s0 =	sor.u32 s4, s0;
	s1 =	sshll.u32 s1, $0x11  }
0xc9: {  	s0 =	sor.u32 s1, s0  }
0xca: {  	s0 =	sadd.s32 $0x8F2B, s0  }
0xcb: {  	[sflag:s0] =	ssyncadd.remote.s32 $0x1  }
0xcc: {  	_ =	sfence.sel $0xFFFF  }
0xcd: {  	[dreg:$0x0] =	wrdreg $0xFFFFFFFF;
	(pc) =	sbr.abs _section_cstart, $3  }
0xce: {  	[dreg:$0x1] =	wrdreg $0xFFFFFFFF  }
0xcf: {  	_ =	task.clear_ibuf [dreg:s22], $0x2FFFF;
	_ =	strace $0x9FFFFFFF  }
0xd0: {  	(tm) =	ssettm $0x7FFFFFFF  }
0xd1: {  	_ =	shalt  }
tec
execute0_lowered:
.L_overlay_start_1:
0x0: {  	(tag) =	ssettag $0x1  }
0x1: {  	s4 =	rddreg [dreg:$0x0]  }
0x2: {  	s0 =	rddreg [dreg:$0x1];
	s2 =	srdreg.scid  }
0x3: {  	s1 =	stileid.u32;
	s9 =	simm.s32 $0x400;
	s10 =	simm.s32 $0x1  }
0x4: {  	s11 =	simm.s32 $0x1400;
	s12 =	simm.s32 $0x2800;
	s13 =	simm.s32 $0x5000  }
0x5: {  	s14 =	simm.s32 $0x0;
	s3 =	sand.u32 $0x1, s2;
	s5 =	sshrl.u32 s1, $0x2  }
0x6: {  	s26 =	sshll.u32 s1, $0x8;
	s2 =	simm.s32 $0x0;
	s8 =	smul.u32 $0xA000, s5  }
0x7: {  	s6 =	sshll.u32 s3, $0x7;
	s7 =	sand.u32 $0x300, s26;
	s5 =	smul.u32 $0x14000, s5  }
0x8: {  	[smem:$0x7FF] =	sst s2;
	s29 =	ssub.s32 $0x2, s3;
	s6 =	sor.u32 s6, s7  }
0x9: {  	s3 =	sadd.s32 $0x6A00, s4;
	_ =	strace $0x8000004D;
	s7 =	sor.u32 s8, s6  }
0xa: {  	s31 =	sshrl.u32 s29, $0x1;
	s5 =	sor.u32 s5, s6;
	s7 =	sshrl.u32 s7, $0x3  }
0xb: {  	s8 =	simm.s32 $0x80;
	s5 =	sshrl.u32 s5, $0x3;
	s28 =	sadd.s32 s7, s4  }
0xc: {  	s30 =	sadd.s32 s5, s4;
	s7 =	ssub.s32 s29, s31;
	s4 =	sadd.s32 $0x9200, s28  }
0xd: {  	v0 =	vimm.f32 $0.0e+00;
	s5 =	sadd.s32 $0x1A00, s28;
	s6 =	sadd.s32 $0xC4A00, s30;
	s7 =	smax.u32 s7, $0x1  }
.LBB2_1:
0xe: {  	[tilespmem:s2], [sflag:$0x1] =	stream.strided.gather [hbm4b:s4+s8], $0x1400, s9, s8, $0x38;
	[tilespmem:$0x7800] =	vst v63  }
0xf: {  	_ =	swait.ge [sflag:s10], $0x1400  }
0x10: {  	[sflag:s10] =	ssyncset.done $0x0  }
0x11: {  	[sflag:s10] =	ssyncadd.s32 $0xFFFFEC00  }
0x12: {  	[tilespmem:s11], [sflag:$0x1] =	stream.strided.gather [hbm4b:s5+s8], $0x1400, s9, s8, $0x38;
	[tilespmem:$0x7800] =	vst v63  }
0x13: {  	_ =	swait.ge [sflag:s10], $0x1400  }
0x14: {  	[sflag:s10] =	ssyncset.done $0x0  }
0x15: {  	[sflag:s10] =	ssyncadd.s32 $0xFFFFEC00  }
0x16: {  	[tilespmem:s12], [sflag:$0x1] =	stream.strided.gather [hbm4b:s3+s8], $0x2800, s9, s8, $0x38;
	[tilespmem:$0x7800] =	vst v63  }
0x17: {  	_ =	swait.ge [sflag:s10], $0x2800  }
0x18: {  	[sflag:s10] =	ssyncset.done $0x0  }
0x19: {  	s15 =	simm.s32 $0x0;
	[sflag:s10] =	ssyncadd.s32 $0xFFFFD800  }
.LBB2_2:
0x1a: {  	p0 =	sne.s32 s15, $0x9FC0  }
.Ltmp0:
0x1b: {  	_ = 	snop;
	(pc) =	sbr.rel @p0 .LBB2_2-.Ltmp0, $3  }
0x1c: {  	_ =	sdelay $0x1  }
0x1d: {  	s16 =	sshra.s32 s15, $0x2  }
0x1e: {  	s15 =	sadd.s32 $0x40, s15;
	[tilespmem:s16+$0x5000] =	vst v0  }
0x1f: {  	s16 =	simm.s32 $0x0;
	s15 =	simm.s32 $0x40  }
.LBB2_4:
0x20: {  	p0 =	sne.s32 s15, $0x4FC0;
	v1 =	vld [tilespmem:s16+$0x1400];
	_ =	sdelay $0x5  }
0x21: {  	v2 =	vld [tilespmem:s16+$0x0];
	_ =	sdelay $0x1  }
0x22: {  	v1 =	vld.idx.msk [tilespmem:v1+s12+$0x0], $0xffff;
	_ =	sdelay $0x1  }
.Ltmp1:
0x23: {  	(pc) =	sbr.rel @p0 .LBB2_4-.Ltmp1, $2  }
0x24: {  	_ =	sdelay $0x2  }
0x25: {  	s16 =	sshra.s32 s15, $0x2;
	s15 =	sadd.s32 $0x40, s15;
	[tilespmem:v2+s13+$0x0] =	vst.idx.add.f32.msk $0xffff, v1  }
0x26: {  	v1 =	vld [tilespmem:s16+$0x1400];
	_ =	sdelay $0x4  }
0x27: {  	v2 =	vld [tilespmem:s16+$0x0];
	_ =	sdelay $0x2  }
0x28: {  	v1 =	vld.idx.msk [tilespmem:v1+s12+$0x0], $0xffff;
	_ =	sdelay $0x2  }
0x29: {  	s14 =	sadd.s32 $0x1, s14  }
0x2a: {  	p0 =	sne.s32 s14, s7  }
.Ltmp2:
0x2b: {  	[tilespmem:v2+s13+$0x0] =	vst.idx.add.f32.msk $0xffff, v1;
	(pc) =	sbr.rel @p0 .LBB2_1-.Ltmp2, $4  }
0x2c: {  	[hbm4b:s6+s8] =	stream.strided.scatter [tilespmem:s13], [sflag:$0x1], $0x2800, s9, s8, $0x38;
	[tilespmem:$0x7800] =	vst v63  }
0x2d: {  	_ =	swait.ge [sflag:s10], $0x2800  }
0x2e: {  	[sflag:s10] =	ssyncset.done $0x0  }
0x2f: {  	[sflag:s10] =	ssyncadd.s32 $0xFFFFD800  }
0x30: {  	_ =	sfence.sel $0x180000  }
0x31: {  	[bflag:$0x0] =	sbarrier.arrive $0xFFFF  }
0x32: {  	p0 =	sne.s32 s1, $0x0;
	_ =	strace $0x9000004D  }
0x33: {  	s0 =	sadd.s32 @!p0 $0x100000, s0;
	[bflag:$0x2] =	sbarrier.arrive $0xFFFF  }
0x34: {  	[sflag:s0] =	ssyncadd.tile.s32 @!p0 $0x1;
	_ =	shalt  }
.Lfunc_end2:
_tile_overlayer_lowered:
.L_overlay_start_2:
0x35: {  	(tag) =	ssettag $0x2  }
0x36: {  	s0 =	rddreg [dreg:$0x0];
	s2 =	stileid.u32  }
0x37: {  	s1 =	rddreg [dreg:$0x1];
	p0 =	sne.s32 s2, $0x0  }
0x38: {  	s3 =	rddreg [dreg:$0x2];
	[bflag:$0x3] =	sbarrier.arrive $0xFFFF;
	s2 =	simm.s32 @!p0 $0x1C01  }
0x39: {  	[timem:s3], [sflag:s2] =	dma.local @!p0 [hbm:s0], s1  }
0x3a: {  	s0 =	simm.s32 @!p0 $0x1  }
0x3b: {  	_ =	swait.ge @!p0 [sflag:s0], s1  }
0x3c: {  	s1 =	ssub.s32 @!p0 $0x0, s1;
	[sflag:s0] =	ssyncset.done @!p0 $0x0  }
0x3d: {  	[sflag:s0] =	ssyncadd.s32 @!p0 s1  }
0x3e: {  	[bflag:$0x3] =	sbarrier.arrive $0xFFFF  }
0x3f: {  	_ =	shalt  }

// kernel: kernel.13.cloned.1.call-start
scs
__scs_entry_jumppad:
0x0: {  	(pc) =	sbr.rel $0x88, $3  }
0x1: {  	(tag) =	ssettag $0x0;
	lr =	simm.s32 $0x1  }
0x2: {  	[smem:$0x3F9B] =	sst lr;
	_ =	strace $0xD0000000  }
0x3: {  	_ = 	snop  }
0x4: {  	_ = 	snop  }
0x5: {  	_ = 	snop  }
0x6: {  	_ = 	snop  }
0x7: {  	_ = 	snop  }
__scs_overlays_trampoline_lowered:
0x8: {  	[smem:$0x3FAA] =	sst s0  }
0x9: {  	[smem:$0x3FAB] =	sst s1  }
0xa: {  	[smem:$0x3FAC] =	sst s2  }
0xb: {  	[smem:$0x3FAD] =	sst s3  }
0xc: {  	[smem:$0x3FAE] =	sst s4  }
0xd: {  	[smem:$0x3FAF] =	sst s5  }
0xe: {  	[smem:$0x3FB0] =	sst s6  }
0xf: {  	[smem:$0x3FB1] =	sst s7  }
0x10: {  	[smem:$0x3FB2] =	sst s8  }
0x11: {  	[smem:$0x3FB3] =	sst s9;
	s0 =	simm.s32 @!p0 $0x0  }
0x12: {  	s1 =	sld [smem:$0x3F99];
	s0 =	simm.s32 @p0 $0x1  }
0x13: {  	[smem:$0x3FB4] =	sst s0;
	s0 =	simm.s32 @!p1 $0x0  }
0x14: {  	s2 =	sld [smem:$0x3F98];
	s0 =	simm.s32 @p1 $0x1  }
0x15: {  	[smem:$0x3FB5] =	sst s0;
	s0 =	simm.s32 @!p2 $0x0  }
0x16: {  	s3 =	sld [smem:$0x3FDB];
	s0 =	simm.s32 @p2 $0x1  }
0x17: {  	s4 =	simm.s32 $0x1BF5;
	[smem:$0x3FB7] =	sst s0  }
0x18: {  	s0 =	sld [smem:$0x3F9A];
	_ =	swait.ge [sflag:s4], $0x0  }
0x19: {  	s7 =	sld [smem:$0x3F9B]  }
0x1a: {  	s8 =	sadd.s32 $0xFFFFE003, lr  }
0x1b: {  	s9 =	sadd.s32 $0xFFFFFEF7, lr;
	s5 =	simm.s32 $0xFFFFFFFF;
	p2 =	slt.u32 s8, $0xFFFFF086  }
0x1c: {  	p1 =	slt.u32 s9, $0xF7A;
	s5 =	simm.s32 @!p2 $0x0  }
0x1d: {  	s5 =	simm.s32 @p1 $0x1;
	p0 =	seq.s32 s7, s2  }
0x1e: {  	s7 =	smul.u32 @!p0 $0xF7A, s2;
	p2 =	seq.s32 @!p0 s5, $0x0  }
0x1f: {  	s9 =	smul.u32 $0xF7A, s1;
	s8 =	simm.s32 @!p0 $0x1BF5;
	p2 =	por !p2, p0  }
0x20: {  	[sflag:s8] =	ssyncset.s32 @!p0 $0xFFFFF086;
	s6 =	sadd.s32 @!p0 s3, s7;
	s7 =	simm.s32 @!p0 $0x108  }
0x21: {  	s3 =	sadd.s32 s3, s9;
	s6 =	sadd.s32 @!p0 $0x88, s6;
	s7 =	simm.s32 @p2 $0x1082  }
0x22: {  	[simem:s7], [sflag:s8] =	dma.local @!p0 [hbm:s6], $0xF7A  }
0x23: {  	s9 =	sor.u32 $0xD0000000, s2;
	s6 =	simm.s32 $0x108;
	_ =	swait.ge @!p0 [sflag:s8], $0x0  }
0x24: {  	s3 =	sadd.s32 $0x88, s3;
	s6 =	simm.s32 @!p1 $0x1082;
	[sflag:s4] =	ssyncset.s32 $0xFFFFF086  }
0x25: {  	[simem:s6], [sflag:s4] =	dma.local [hbm:s3], $0xF7A  }
0x26: {  	[smem:$0x3F9B] =	sst s1;
	(tag) =	ssettag s2;
	_ =	strace s9  }
0x27: {  	s1 =	sld [smem:$0x3FAB]  }
0x28: {  	s2 =	sld [smem:$0x3FAC]  }
0x29: {  	s4 =	sld [smem:$0x3FAE]  }
0x2a: {  	p0 =	seq.s32 s5, $0x0;
	s5 =	sld [smem:$0x3FAF]  }
0x2b: {  	s6 =	sld [smem:$0x3FB0]  }
0x2c: {  	s7 =	sld [smem:$0x3FB1]  }
0x2d: {  	s3 =	simm.s32 $0x108;
	s8 =	sld [smem:$0x3FB2]  }
0x2e: {  	s3 =	simm.s32 @!p0 $0x1082;
	s9 =	sld [smem:$0x3FB3]  }
0x2f: {  	lr =	sadd.s32 s0, s3;
	s0 =	sld [smem:$0x3FAA]  }
0x30: {  	s3 =	sld [smem:$0x3FAD]  }
0x31: {  	[smem:$0x3FB6] =	sst s10  }
0x32: {  	s10 =	sld [smem:$0x3FB4];
	_ =	sdelay $0x3  }
0x33: {  	p0 =	seq.s32 s10, $0x1;
	s10 =	sld [smem:$0x3FB6];
	_ =	sdelay $0x3  }
0x34: {  	[smem:$0x3FB6] =	sst s10  }
0x35: {  	s10 =	sld [smem:$0x3FB5];
	_ =	sdelay $0x3  }
0x36: {  	p1 =	seq.s32 s10, $0x1;
	s10 =	sld [smem:$0x3FB6];
	_ =	sdelay $0x3  }
0x37: {  	[smem:$0x3FB6] =	sst s10  }
0x38: {  	s10 =	sld [smem:$0x3FB7]  }
0x39: {  	_ = 	snop;
	(pc) =	sbr.ind lr, $3  }
0x3a: {  	_ = 	snop  }
0x3b: {  	_ = 	snop  }
0x3c: {  	p2 =	seq.s32 s10, $0x1;
	s10 =	sld [smem:$0x3FB6]  }
0x3d: {  	_ =	shalt  }
0x3e: {  	_ =	shalt  }
0x3f: {  	_ =	shalt  }
0x40: {  	_ =	shalt  }
0x41: {  	_ =	shalt  }
0x42: {  	_ =	shalt  }
0x43: {  	_ =	shalt  }
0x44: {  	_ =	shalt  }
0x45: {  	_ =	shalt  }
0x46: {  	_ =	shalt  }
0x47: {  	_ =	shalt  }
0x48: {  	_ =	shalt  }
0x49: {  	_ =	shalt  }
0x4a: {  	_ =	shalt  }
0x4b: {  	_ =	shalt  }
0x4c: {  	_ =	shalt  }
0x4d: {  	_ =	shalt  }
0x4e: {  	_ =	shalt  }
0x4f: {  	_ =	shalt  }
0x50: {  	_ =	shalt  }
0x51: {  	_ =	shalt  }
0x52: {  	_ =	shalt  }
0x53: {  	_ =	shalt  }
0x54: {  	_ =	shalt  }
0x55: {  	_ =	shalt  }
0x56: {  	_ =	shalt  }
0x57: {  	_ =	shalt  }
0x58: {  	_ =	shalt  }
0x59: {  	_ =	shalt  }
0x5a: {  	_ =	shalt  }
0x5b: {  	_ =	shalt  }
0x5c: {  	_ =	shalt  }
0x5d: {  	_ =	shalt  }
0x5e: {  	_ =	shalt  }
0x5f: {  	_ =	shalt  }
0x60: {  	_ =	shalt  }
0x61: {  	_ =	shalt  }
0x62: {  	_ =	shalt  }
0x63: {  	_ =	shalt  }
0x64: {  	_ =	shalt  }
0x65: {  	_ =	shalt  }
0x66: {  	_ =	shalt  }
0x67: {  	_ =	shalt  }
0x68: {  	_ =	shalt  }
0x69: {  	_ =	shalt  }
0x6a: {  	_ =	shalt  }
0x6b: {  	_ =	shalt  }
0x6c: {  	_ =	shalt  }
0x6d: {  	_ =	shalt  }
0x6e: {  	_ =	shalt  }
0x6f: {  	_ =	shalt  }
0x70: {  	_ =	shalt  }
0x71: {  	_ =	shalt  }
0x72: {  	_ =	shalt  }
0x73: {  	_ =	shalt  }
0x74: {  	_ =	shalt  }
0x75: {  	_ =	shalt  }
0x76: {  	_ =	shalt  }
0x77: {  	_ =	shalt  }
0x78: {  	_ =	shalt  }
0x79: {  	_ =	shalt  }
0x7a: {  	_ =	shalt  }
0x7b: {  	_ =	shalt  }
0x7c: {  	_ =	shalt  }
0x7d: {  	_ =	shalt  }
0x7e: {  	_ =	shalt  }
0x7f: {  	_ =	shalt  }
0x80: {  	_ =	shalt  }
0x81: {  	_ =	shalt  }
0x82: {  	_ =	shalt  }
0x83: {  	_ =	shalt  }
0x84: {  	_ =	shalt  }
0x85: {  	_ =	shalt  }
0x86: {  	_ =	shalt  }
0x87: {  	_ =	shalt  }
.Lfunc_end0:
.L_simem_size_0:
called_computation.2_lowered:
.L_overlay_start_0:
0x88: {  	s2 =	sld [smem:$0x3FD9]  }
0x89: {  	s3 =	sld [smem:$0x3FFE];
	_ =	sdelay $0x1  }
0x8a: {  	s1 =	srdreg.scid  }
0x8b: {  	s0 =	sand.u32 $0x1, s1  }
0x8c: {  	s16 =	sshll.u32 s0, $0xA;
	s2 =	sadd.s32 s3, s2  }
0x8d: {  	s2 =	sadd.s32 s2, s16  }
0x8e: {  	[smem:$0x3FC2] =	sst s2  }
0x8f: {  	_ = 	snop  }
0x90: {  	(tm) =	ssettm $0x1  }
0x91: {  	s17 =	sld [smem:$0x3FFB];
	_ =	sdelay $0x3  }
0x92: {  	_ =	strace s17  }
0x93: {  	s2 =	sld [smem:$0x3FFC];
	_ =	sdelay $0x3  }
0x94: {  	_ =	strace s2  }
0x95: {  	s2 =	sld [smem:$0x3FFD];
	_ =	sdelay $0x3  }
0x96: {  	_ =	strace s2  }
0x97: {  	_ =	strace $0x8FFFFFFF  }
0x98: {  	s18 =	sld [smem:$0x3FDB];
	_ =	sdelay $0x1  }
0x99: {  	s19 =	simm.s32 $_scs_section_size  }
0x9a: {  	s4 =	simm.s32 $_size__tile_overlayer_lowered;
	s5 =	simm.s32 $_tile_overlayer_lowered  }
0x9b: {  	s22 =	simm.s32 $0x1BFF;
	s21 =	sshll.u32 s5, $0x1;
	s2 =	sadd.s32 s19, s18  }
0x9c: {  	s6 =	simm.s32 $0x0;
	s20 =	sshll.u32 s4, $0x1;
	s4 =	sadd.s32 s21, s2  }
0x9d: {  	[timem:s6], [sflag:s22] =	dma.local [hbm:s4], s20  }
0x9e: {  	_ =	swait.ge [sflag:s22], s20  }
0x9f: {  	s3 =	ssub.s32 $0x0, s20;
	[sflag:s22] =	ssyncset.done $0x0  }
0xa0: {  	[sflag:s22] =	ssyncadd.s32 s3;
	_ =	sdelay $0x1  }
0xa1: {  	s23 =	simm.s32 $0x1B8B  }
0xa2: {  	_ =	swait.ge [sflag:s23], $0x1  }
0xa3: {  	[sflag:s23] =	ssyncset.done $0x0  }
0xa4: {  	s25 =	simm.s32 $0x1B8E;
	s24 =	sld [smem:$0x3FFE];
	[sflag:s23] =	ssyncadd.s32 $0xFFFFFFFF  }
0xa5: {  	s26 =	simm.s32 $execute0_lowered;
	[smem:$0x3FD2] =	sst s25  }
0xa6: {  	s4 =	sshll.u32 s26, $0x1;
	_ =	strace $0x80000049;
	[dreg:$0x1] =	wrdreg $0xFFFFFFFF  }
0xa7: {  	s28 =	simm.s32 $_size_execute0_lowered;
	s2 =	sadd.s32 s2, s4;
	[dreg:$0x0] =	wrdreg $0x0  }
0xa8: {  	s4 =	sshll.u32 s28, $0x1;
	[dreg:$0x2] =	wrdreg s2  }
0xa9: {  	[dreg:$0x3] =	wrdreg s4  }
0xaa: {  	[dreg:$0x4] =	wrdreg $0xC0  }
0xab: {  	_ =	task [dreg:s6], $0x5FFFF  }
0xac: {  	[dreg:$0x1] =	wrdreg $0xFFFFFFFF  }
0xad: {  	[dreg:$0x0] =	wrdreg $0x60  }
0xae: {  	[dreg:$0x2] =	wrdreg s24  }
0xaf: {  	[dreg:$0x3] =	wrdreg $0xC0000  }
0xb0: {  	[dreg:$0x4] =	wrdreg $0xA  }
0xb1: {  	_ =	task.clear_ibuf [dreg:s6], $0x5FFFF;
	_ =	strace $0x90000049  }
0xb2: {  	s29 =	simm.s32 $0xA;
	_ =	strace $0x8000004B  }
0xb3: {  	_ =	swait.ge [sflag:s29], $0x1  }
0xb4: {  	[sflag:s29] =	ssyncadd.s32 $0xFFFFFFFF  }
0xb5: {  	_ =	strace $0x9000004B  }
0xb6: {  	_ =	sfence  }
0xb7: {  	s30 =	sld [smem:$0x0];
	_ =	sdelay $0x2  }
0xb8: {  	s31 =	sshll.u32 s1, $0xD;
	s1 =	sshrl.u32 s1, $0x2  }
0xb9: {  	s3 =	sand.u32 $0x4000, s31;
	s1 =	sadd.s32 s1, s30  }
0xba: {  	s0 =	sor.u32 s3, s0;
	s1 =	sshll.u32 s1, $0x11  }
0xbb: {  	s0 =	sor.u32 s1, s0  }
0xbc: {  	s0 =	sadd.s32 $0x8F2B, s0  }
0xbd: {  	[sflag:s0] =	ssyncadd.remote.s32 $0x1  }
0xbe: {  	_ =	sfence.sel $0xFFFF  }
0xbf: {  	[dreg:$0x0] =	wrdreg $0xFFFFFFFF;
	(pc) =	sbr.abs _section_cstart, $3  }
0xc0: {  	[dreg:$0x1] =	wrdreg $0xFFFFFFFF  }
0xc1: {  	_ =	task.clear_ibuf [dreg:s6], $0x2FFFF;
	_ =	strace $0x9FFFFFFF  }
0xc2: {  	(tm) =	ssettm $0x7FFFFFFF  }
0xc3: {  	_ =	shalt  }
tec
execute0_lowered:
.L_overlay_start_1:
0x0: {  	(tag) =	ssettag $0x1  }
0x1: {  	s0 =	rddreg [dreg:$0x0]  }
0x2: {  	s2 =	rddreg [dreg:$0x1];
	s3 =	simm.s32 $0x0  }
0x3: {  	s6 =	simm.s32 $0x80;
	[smem:$0x7FF] =	sst s3  }
0x4: {  	s24 =	simm.s32 $0x100;
	_ =	strace $0x8000004A;
	[dreg:$0x5] =	wrdreg s6  }
0x5: {  	s26 =	simm.s32 $0x1080;
	[dreg:$0x6] =	wrdreg s24  }
0x6: {  	s7 =	simm.s32 $0x180;
	[dreg:$0x7] =	wrdreg s26  }
0x7: {  	s8 =	simm.s32 $0x1100;
	[dreg:$0x8] =	wrdreg s7  }
0x8: {  	s9 =	simm.s32 $0x200;
	[dreg:$0x9] =	wrdreg s8  }
0x9: {  	s10 =	simm.s32 $0x1180;
	[dreg:$0xa] =	wrdreg s9  }
0xa: {  	s11 =	simm.s32 $0x280;
	[dreg:$0xb] =	wrdreg s10  }
0xb: {  	s12 =	simm.s32 $0x1200;
	[dreg:$0xc] =	wrdreg s11  }
0xc: {  	s14 =	simm.s32 $0x300;
	[dreg:$0xd] =	wrdreg s12  }
0xd: {  	s15 =	simm.s32 $0x1280;
	[dreg:$0xe] =	wrdreg s14  }
0xe: {  	s16 =	simm.s32 $0x380;
	[dreg:$0xf] =	wrdreg s15  }
0xf: {  	s17 =	simm.s32 $0x1300;
	[dreg:$0x10] =	wrdreg s16  }
0x10: {  	s13 =	stileid.u32;
	s18 =	simm.s32 $0x400;
	[dreg:$0x11] =	wrdreg s17  }
0x11: {  	s1 =	srdreg.scid;
	s19 =	simm.s32 $0x1380;
	[dreg:$0x12] =	wrdreg s18  }
0x12: {  	s20 =	simm.s32 $0x480;
	s28 =	simm.s32 $0x1;
	[dreg:$0x13] =	wrdreg s19  }
0x13: {  	s29 =	simm.s32 $0x7000;
	[dreg:$0x14] =	wrdreg s20;
	s24 =	simm.s32 $0x580  }
0x14: {  	s30 =	simm.s32 $0x2;
	s26 =	simm.s32 $0x600;
	[dreg:$0x18] =	wrdreg s24  }
0x15: {  	s31 =	simm.s32 $0x9800;
	s14 =	simm.s32 $0x1580;
	[dreg:$0x1a] =	wrdreg s26  }
0x16: {  	s4 =	smul.u32 $0xA00, s13;
	s15 =	simm.s32 $0x680;
	[dreg:$0x1b] =	wrdreg s14  }
0x17: {  	s5 =	sand.u32 $0x1, s1;
	s16 =	simm.s32 $0x1600;
	[dreg:$0x1c] =	wrdreg s15  }
0x18: {  	s25 =	smul.u32 $0x50000, s13;
	s18 =	simm.s32 $0x700;
	[dreg:$0x1d] =	wrdreg s16  }
0x19: {  	s1 =	smul.u32 $0x28000, s5;
	s19 =	simm.s32 $0x1680;
	[dreg:$0x1e] =	wrdreg s18  }
0x1a: {  	s5 =	ssub.s32 $0x2, s5;
	s20 =	simm.s32 $0x780;
	[dreg:$0x1f] =	wrdreg s19  }
0x1b: {  	s6 =	smul.u32 $0x280, s13;
	[smem:$0x7E9] =	sst s20;
	s24 =	simm.s32 $0x880  }
0x1c: {  	s13 =	smul.u32 $0x2800, s13;
	s26 =	simm.s32 $0x900;
	[smem:$0x7ED] =	sst s24  }
0x1d: {  	s4 =	sadd.s32 s4, s0;
	s14 =	simm.s32 $0x1880;
	[smem:$0x7EF] =	sst s26  }
0x1e: {  	s23 =	sshrl.u32 s5, $0x1;
	s15 =	simm.s32 $0x980;
	[smem:$0x7F0] =	sst s14  }
0x1f: {  	s16 =	simm.s32 $0x1900;
	s18 =	simm.s32 $0x1980;
	[smem:$0x7F1] =	sst s15  }
0x20: {  	s1 =	sadd.s32 s1, s0;
	s21 =	sadd.s32 $0x10A00, s4;
	[smem:$0x7F3] =	sst s16  }
0x21: {  	s22 =	sadd.s32 $0x1AA00, s4;
	s0 =	ssub.s32 s5, s23;
	[smem:$0x7F5] =	sst s18  }
0x22: {  	s5 =	sshrl.u32 s25, $0x2;
	s4 =	sor.u32 $0x50, s6;
	[dreg:$0x3] =	wrdreg s21  }
0x23: {  	s23 =	simm.s32 $0x1480;
	s25 =	simm.s32 $0x1500;
	[dreg:$0x4] =	wrdreg s22  }
0x24: {  	s14 =	simm.s32 $0x2000;
	s15 =	simm.s32 $0x9;
	[dreg:$0x17] =	wrdreg s23  }
0x25: {  	s16 =	simm.s32 $0x1000;
	s5 =	sadd.s32 s5, s2;
	[dreg:$0x19] =	wrdreg s25  }
0x26: {  	s18 =	simm.s32 $0x7;
	s21 =	simm.s32 $0x1400;
	[smem:$0x7E1] =	sst s5  }
0x27: {  	s22 =	simm.s32 $0x500;
	s5 =	sadd.s32 $0xA0, s6;
	[dreg:$0x15] =	wrdreg s21  }
0x28: {  	s23 =	simm.s32 $0x1780;
	[dreg:$0x16] =	wrdreg s22;
	s8 =	sshll.u32 s5, $0x7  }
0x29: {  	s7 =	sshll.u32 s4, $0x7;
	[smem:$0x7EC] =	sst s23;
	s8 =	sadd.s32 s8, s2  }
0x2a: {  	s25 =	simm.s32 $0x1800;
	[smem:$0x7E3] =	sst s8;
	s8 =	sadd.s32 $0xF0, s6  }
0x2b: {  	s0 =	smax.u32 s0, $0x1;
	[smem:$0x7EE] =	sst s25;
	s9 =	sshll.u32 s8, $0x7  }
0x2c: {  	s4 =	sshll.u32 s4, $0x4;
	[smem:$0x7F2] =	sst s0;
	s9 =	sadd.s32 s9, s2  }
0x2d: {  	s7 =	sadd.s32 s7, s2;
	[smem:$0x7E4] =	sst s9;
	s9 =	sadd.s32 $0x140, s6  }
0x2e: {  	s21 =	simm.s32 $0x1700;
	[smem:$0x7E2] =	sst s7;
	s10 =	sshll.u32 s9, $0x7  }
0x2f: {  	s22 =	simm.s32 $0x800;
	[smem:$0x7EA] =	sst s21;
	s10 =	sadd.s32 s10, s2  }
0x30: {  	s0 =	simm.s32 $0x5;
	[smem:$0x7E5] =	sst s10;
	s10 =	sadd.s32 $0x190, s6  }
0x31: {  	[smem:$0x7EB] =	sst s22;
	s5 =	sshll.u32 s5, $0x4;
	s11 =	sshll.u32 s10, $0x7  }
0x32: {  	s7 =	simm.s32 $0x1C00;
	s8 =	sshll.u32 s8, $0x4;
	s11 =	sadd.s32 s11, s2  }
0x33: {  	s9 =	sshll.u32 s9, $0x4;
	[smem:$0x7E6] =	sst s11;
	s11 =	sadd.s32 $0x1E0, s6  }
0x34: {  	s10 =	sshll.u32 s10, $0x4;
	s6 =	sadd.s32 $0x230, s6;
	s12 =	sshll.u32 s11, $0x7  }
0x35: {  	s17 =	sshll.u32 s6, $0x7;
	s11 =	sshll.u32 s11, $0x4;
	s12 =	sadd.s32 s12, s2  }
0x36: {  	[smem:$0x7E7] =	sst s12;
	s12 =	sadd.s32 s17, s2;
	s17 =	simm.s32 $0xA00  }
0x37: {  	[smem:$0x7E8] =	sst s12;
	s12 =	sadd.s32 $0x24A00, s1;
	s1 =	sadd.s32 $0x74A00, s1  }
0x38: {  	s6 =	sshll.u32 s6, $0x4;
	[smem:$0x7F4] =	sst s17;
	s19 =	sadd.s32 s13, s1  }
0x39: {  	s17 =	simm.s32 $0x6;
	s20 =	sadd.s32 s4, s1;
	[smem:$0x7F6] =	sst s19  }
0x3a: {  	s21 =	sadd.s32 s5, s1;
	s22 =	sadd.s32 s8, s1;
	[smem:$0x7F7] =	sst s20  }
0x3b: {  	s23 =	sadd.s32 s9, s1;
	s24 =	sadd.s32 s10, s1;
	[smem:$0x7F8] =	sst s21  }
0x3c: {  	s25 =	sadd.s32 s11, s1;
	s26 =	sadd.s32 s6, s1;
	[smem:$0x7F9] =	sst s22  }
0x3d: {  	s1 =	simm.s32 $0x3;
	s13 =	simm.s32 $0x4;
	[smem:$0x7FA] =	sst s23  }
0x3e: {  	s4 =	simm.s32 $0x1B00;
	s5 =	simm.s32 $0xC00;
	[smem:$0x7FB] =	sst s24  }
0x3f: {  	s6 =	simm.s32 $0x1B80;
	s9 =	simm.s32 $0x0;
	[smem:$0x7FC] =	sst s25  }
0x40: {  	[smem:$0x7FD] =	sst s26;
	s25 =	simm.s32 $0x50;
	s26 =	simm.s32 $0x4800  }
0x41: {  	s19 =	simm.s32 $0x8;
	s20 =	simm.s32 $0xA80;
	s21 =	simm.s32 $0x1A00  }
0x42: {  	v0 =	vimm.f32 $0.0e+00;
	s22 =	simm.s32 $0xB00;
	s23 =	simm.s32 $0x1A80;
	s24 =	simm.s32 $0xB80  }
.LBB2_1:
0x43: {  	s11 =	sand.u32 $0xFE00, s3  }
0x44: {  	[smem:$0x7E0] =	sst s9;
	s10 =	sand.u32 $0x70, s3;
	s11 =	sshrl.u32 s11, $0x2  }
0x45: {  	s9 =	simm.s32 $0x40;
	s11 =	sor.u32 s10, s11;
	s10 =	simm.s32 $0x0  }
.LBB2_2:
0x46: {  	p0 =	sne.s32 s9, $0x9FC0  }
0x47: {  	[tilespmem:s11+$0x2000] =	vst v0;
	s10 =	sadd.s32 $0x10, s10;
	s11 =	smov.u32 s9;
	s9 =	sadd.s32 $0x40, s9  }
.Ltmp0:
0x48: {  	(pc) =	sbr.rel @p0 .LBB2_2-.Ltmp0, $4  }
0x49: {  	_ = 	snop  }
0x4a: {  	s11 =	sand.u32 $0xFE00, s11  }
0x4b: {  	s8 =	sand.u32 $0x70, s10;
	s11 =	sshrl.u32 s11, $0x2  }
0x4c: {  	s11 =	sor.u32 s8, s11  }
0x4d: {  	s8 =	sld [smem:$0x7E1];
	_ =	sdelay $0x1  }
0x4e: {  	[tilespmem:s11+$0x2000] =	vst v0  }
0x4f: {  	[spmem:s8] =	stream.linear.scatter [tilespmem:s14], [sflag:$0x9], $0x2800, $0x38;
	v63 =	vld [tilespmem:$0x0]  }
0x50: {  	_ =	swait.ge [sflag:s15], $0x2800  }
0x51: {  	s9 =	sld [smem:$0x7E2]  }
0x52: {  	[sflag:s15] =	ssyncset.done $0x0  }
0x53: {  	[sflag:s15] =	ssyncadd.s32 $0xFFFFD800  }
0x54: {  	[spmem:s9] =	stream.linear.scatter [tilespmem:s14], [sflag:$0x9], $0x2800, $0x38;
	v63 =	vld [tilespmem:$0x0]  }
0x55: {  	_ =	swait.ge [sflag:s15], $0x2800  }
0x56: {  	s10 =	sld [smem:$0x7E3]  }
0x57: {  	[sflag:s15] =	ssyncset.done $0x0  }
0x58: {  	[sflag:s15] =	ssyncadd.s32 $0xFFFFD800  }
0x59: {  	[spmem:s10] =	stream.linear.scatter [tilespmem:s14], [sflag:$0x9], $0x2800, $0x38;
	v63 =	vld [tilespmem:$0x0]  }
0x5a: {  	_ =	swait.ge [sflag:s15], $0x2800  }
0x5b: {  	s11 =	sld [smem:$0x7E4]  }
0x5c: {  	[sflag:s15] =	ssyncset.done $0x0  }
0x5d: {  	[sflag:s15] =	ssyncadd.s32 $0xFFFFD800  }
0x5e: {  	[spmem:s11] =	stream.linear.scatter [tilespmem:s14], [sflag:$0x9], $0x2800, $0x38;
	v63 =	vld [tilespmem:$0x0]  }
0x5f: {  	_ =	swait.ge [sflag:s15], $0x2800  }
0x60: {  	s9 =	sld [smem:$0x7E5]  }
0x61: {  	[sflag:s15] =	ssyncset.done $0x0  }
0x62: {  	[sflag:s15] =	ssyncadd.s32 $0xFFFFD800  }
0x63: {  	[spmem:s9] =	stream.linear.scatter [tilespmem:s14], [sflag:$0x9], $0x2800, $0x38;
	v63 =	vld [tilespmem:$0x0]  }
0x64: {  	_ =	swait.ge [sflag:s15], $0x2800  }
0x65: {  	s10 =	sld [smem:$0x7E6]  }
0x66: {  	[sflag:s15] =	ssyncset.done $0x0  }
0x67: {  	[sflag:s15] =	ssyncadd.s32 $0xFFFFD800  }
0x68: {  	[spmem:s10] =	stream.linear.scatter [tilespmem:s14], [sflag:$0x9], $0x2800, $0x38;
	v63 =	vld [tilespmem:$0x0]  }
0x69: {  	_ =	swait.ge [sflag:s15], $0x2800  }
0x6a: {  	s11 =	sld [smem:$0x7E7]  }
0x6b: {  	[sflag:s15] =	ssyncset.done $0x0  }
0x6c: {  	[sflag:s15] =	ssyncadd.s32 $0xFFFFD800  }
0x6d: {  	[spmem:s11] =	stream.linear.scatter [tilespmem:s14], [sflag:$0x9], $0x2800, $0x38;
	v63 =	vld [tilespmem:$0x0]  }
0x6e: {  	_ =	swait.ge [sflag:s15], $0x2800  }
0x6f: {  	s9 =	sld [smem:$0x7E8]  }
0x70: {  	[sflag:s15] =	ssyncset.done $0x0  }
0x71: {  	[sflag:s15] =	ssyncadd.s32 $0xFFFFD800  }
0x72: {  	[spmem:s9] =	stream.linear.scatter [tilespmem:s14], [sflag:$0x9], $0x2800, $0x38;
	v63 =	vld [tilespmem:$0x0]  }
0x73: {  	_ =	swait.ge [sflag:s15], $0x2800  }
0x74: {  	[sflag:s15] =	ssyncset.done $0x0  }
0x75: {  	[sflag:s15] =	ssyncadd.s32 $0xFFFFD800  }
0x76: {  	[bflag:$0x0] =	sbarrier.arrive $0xFFFF  }
0x77: {  	s10 =	rddreg [dreg:$0x4]  }
0x78: {  	s8 =	sadd.s32 $0x0, s10  }
0x79: {  	[tilespmem:s3], [sflag:$0x9] =	stream.linear.gather [hbm4b:s8+s3], $0xC80, $0x38;
	v63 =	vld [tilespmem:$0x0]  }
0x7a: {  	_ =	swait.ge [sflag:s15], $0xC80  }
0x7b: {  	s11 =	rddreg [dreg:$0x3];
	[sflag:s15] =	ssyncset.done $0x0  }
0x7c: {  	[sflag:s15] =	ssyncadd.s32 $0xFFFFF380;
	s8 =	sadd.s32 $0x0, s11  }
0x7d: {  	[tilespmem:s16], [sflag:$0x9] =	stream.linear.gather [hbm4b:s8+s3], $0xC80, $0x38;
	v63 =	vld [tilespmem:$0x0]  }
0x7e: {  	_ =	swait.ge [sflag:s15], $0xC80  }
0x7f: {  	[sflag:s15] =	ssyncset.done $0x0  }
0x80: {  	[sflag:s15] =	ssyncadd.s32 $0xFFFFF380  }
0x81: {  	[tilespmem:s14], [sflag:$0x1] =	stream.indirect.gather [hbm4b:s12+s25], $0x80, s3, s25, $0xb8;
	v63 =	vld [tilespmem:$0x0]  }
0x82: {  	s9 =	rddreg [dreg:$0x5]  }
0x83: {  	[tilespmem:s26], [sflag:$0x2] =	stream.indirect.gather [hbm4b:s12+s25], $0x80, s9, s25, $0xb8;
	v63 =	vld [tilespmem:$0x0]  }
0x84: {  	_ =	swait.ge [sflag:s28], $0x2800  }
0x85: {  	[sflag:s28] =	ssyncset.done $0x0  }
0x86: {  	[sflag:s28] =	ssyncadd.s32 $0xFFFFD800  }
0x87: {  	[spmem:s2] =	stream.indirect.scatter.add.f32 [tilespmem:s14], [sflag:$0x5], $0x80, s16, s25, $0xb8;
	v63 =	vld [tilespmem:$0x0]  }
0x88: {  	s10 =	rddreg [dreg:$0x6]  }
0x89: {  	[tilespmem:s29], [sflag:$0x3] =	stream.indirect.gather [hbm4b:s12+s25], $0x80, s10, s25, $0xb8;
	v63 =	vld [tilespmem:$0x0]  }
0x8a: {  	_ =	swait.ge [sflag:s30], $0x2800  }
0x8b: {  	[sflag:s30] =	ssyncset.done $0x0  }
0x8c: {  	s11 =	rddreg [dreg:$0x7];
	[sflag:s30] =	ssyncadd.s32 $0xFFFFD800  }
0x8d: {  	[spmem:s2] =	stream.indirect.scatter.add.f32 [tilespmem:s26], [sflag:$0x6], $0x80, s11, s25, $0xb8;
	v63 =	vld [tilespmem:$0x0]  }
0x8e: {  	s9 =	rddreg [dreg:$0x8]  }
0x8f: {  	[tilespmem:s31], [sflag:$0x4] =	stream.indirect.gather [hbm4b:s12+s25], $0x80, s9, s25, $0xb8;
	v63 =	vld [tilespmem:$0x0]  }
0x90: {  	_ =	swait.ge [sflag:s1], $0x2800  }
0x91: {  	[sflag:s1] =	ssyncset.done $0x0  }
0x92: {  	s10 =	rddreg [dreg:$0x9];
	[sflag:s1] =	ssyncadd.s32 $0xFFFFD800  }
0x93: {  	[spmem:s2] =	stream.indirect.scatter.add.f32 [tilespmem:s29], [sflag:$0x7], $0x80, s10, s25, $0xb8;
	v63 =	vld [tilespmem:$0x0]  }
0x94: {  	_ =	swait.ge [sflag:s0], $0x2800  }
0x95: {  	[sflag:s0] =	ssyncset.done $0x0  }
0x96: {  	s11 =	rddreg [dreg:$0xa];
	[sflag:s0] =	ssyncadd.s32 $0xFFFFD800  }
0x97: {  	[tilespmem:s14], [sflag:$0x1] =	stream.indirect.gather [hbm4b:s12+s25], $0x80, s11, s25, $0xb8;
	v63 =	vld [tilespmem:$0x0]  }
0x98: {  	_ =	swait.ge [sflag:s13], $0x2800  }
0x99: {  	[sflag:s13] =	ssyncset.done $0x0  }
0x9a: {  	s9 =	rddreg [dreg:$0xb];
	[sflag:s13] =	ssyncadd.s32 $0xFFFFD800  }
0x9b: {  	[spmem:s2] =	stream.indirect.scatter.add.f32 [tilespmem:s31], [sflag:$0x8], $0x80, s9, s25, $0xb8;
	v63 =	vld [tilespmem:$0x0]  }
0x9c: {  	_ =	swait.ge [sflag:s17], $0x2800  }
0x9d: {  	[sflag:s17] =	ssyncset.done $0x0  }
0x9e: {  	s10 =	rddreg [dreg:$0xc];
	[sflag:s17] =	ssyncadd.s32 $0xFFFFD800  }
0x9f: {  	[tilespmem:s26], [sflag:$0x2] =	stream.indirect.gather [hbm4b:s12+s25], $0x80, s10, s25, $0xb8;
	v63 =	vld [tilespmem:$0x0]  }
0xa0: {  	_ =	swait.ge [sflag:s28], $0x2800  }
0xa1: {  	[sflag:s28] =	ssyncset.done $0x0  }
0xa2: {  	s11 =	rddreg [dreg:$0xd];
	[sflag:s28] =	ssyncadd.s32 $0xFFFFD800  }
0xa3: {  	[spmem:s2] =	stream.indirect.scatter.add.f32 [tilespmem:s14], [sflag:$0x5], $0x80, s11, s25, $0xb8;
	v63 =	vld [tilespmem:$0x0]  }
0xa4: {  	_ =	swait.ge [sflag:s18], $0x2800  }
0xa5: {  	[sflag:s18] =	ssyncset.done $0x0  }
0xa6: {  	s9 =	rddreg [dreg:$0xe];
	[sflag:s18] =	ssyncadd.s32 $0xFFFFD800  }
0xa7: {  	[tilespmem:s29], [sflag:$0x3] =	stream.indirect.gather [hbm4b:s12+s25], $0x80, s9, s25, $0xb8;
	v63 =	vld [tilespmem:$0x0]  }
0xa8: {  	_ =	swait.ge [sflag:s30], $0x2800  }
0xa9: {  	[sflag:s30] =	ssyncset.done $0x0  }
0xaa: {  	s10 =	rddreg [dreg:$0xf];
	[sflag:s30] =	ssyncadd.s32 $0xFFFFD800  }
0xab: {  	[spmem:s2] =	stream.indirect.scatter.add.f32 [tilespmem:s26], [sflag:$0x6], $0x80, s10, s25, $0xb8;
	v63 =	vld [tilespmem:$0x0]  }
0xac: {  	_ =	swait.ge [sflag:s19], $0x2800  }
0xad: {  	[sflag:s19] =	ssyncset.done $0x0  }
0xae: {  	s11 =	rddreg [dreg:$0x10];
	[sflag:s19] =	ssyncadd.s32 $0xFFFFD800  }
0xaf: {  	[tilespmem:s31], [sflag:$0x4] =	stream.indirect.gather [hbm4b:s12+s25], $0x80, s11, s25, $0xb8;
	v63 =	vld [tilespmem:$0x0]  }
0xb0: {  	_ =	swait.ge [sflag:s1], $0x2800  }
0xb1: {  	[sflag:s1] =	ssyncset.done $0x0  }
0xb2: {  	s9 =	rddreg [dreg:$0x11];
	[sflag:s1] =	ssyncadd.s32 $0xFFFFD800  }
0xb3: {  	[spmem:s2] =	stream.indirect.scatter.add.f32 [tilespmem:s29], [sflag:$0x7], $0x80, s9, s25, $0xb8;
	v63 =	vld [tilespmem:$0x0]  }
0xb4: {  	_ =	swait.ge [sflag:s0], $0x2800  }
0xb5: {  	[sflag:s0] =	ssyncset.done $0x0  }
0xb6: {  	s10 =	rddreg [dreg:$0x12];
	[sflag:s0] =	ssyncadd.s32 $0xFFFFD800  }
0xb7: {  	[tilespmem:s14], [sflag:$0x1] =	stream.indirect.gather [hbm4b:s12+s25], $0x80, s10, s25, $0xb8;
	v63 =	vld [tilespmem:$0x0]  }
0xb8: {  	_ =	swait.ge [sflag:s13], $0x2800  }
0xb9: {  	[sflag:s13] =	ssyncset.done $0x0  }
0xba: {  	s11 =	rddreg [dreg:$0x13];
	[sflag:s13] =	ssyncadd.s32 $0xFFFFD800  }
0xbb: {  	[spmem:s2] =	stream.indirect.scatter.add.f32 [tilespmem:s31], [sflag:$0x8], $0x80, s11, s25, $0xb8;
	v63 =	vld [tilespmem:$0x0]  }
0xbc: {  	_ =	swait.ge [sflag:s17], $0x2800  }
0xbd: {  	[sflag:s17] =	ssyncset.done $0x0  }
0xbe: {  	s9 =	rddreg [dreg:$0x14];
	[sflag:s17] =	ssyncadd.s32 $0xFFFFD800  }
0xbf: {  	[tilespmem:s26], [sflag:$0x2] =	stream.indirect.gather [hbm4b:s12+s25], $0x80, s9, s25, $0xb8;
	v63 =	vld [tilespmem:$0x0]  }
0xc0: {  	_ =	swait.ge [sflag:s28], $0x2800  }
0xc1: {  	[sflag:s28] =	ssyncset.done $0x0  }
0xc2: {  	s10 =	rddreg [dreg:$0x15];
	[sflag:s28] =	ssyncadd.s32 $0xFFFFD800  }
0xc3: {  	[spmem:s2] =	stream.indirect.scatter.add.f32 [tilespmem:s14], [sflag:$0x5], $0x80, s10, s25, $0xb8;
	v63 =	vld [tilespmem:$0x0]  }
0xc4: {  	_ =	swait.ge [sflag:s18], $0x2800  }
0xc5: {  	[sflag:s18] =	ssyncset.done $0x0  }
0xc6: {  	s11 =	rddreg [dreg:$0x16];
	[sflag:s18] =	ssyncadd.s32 $0xFFFFD800  }
0xc7: {  	[tilespmem:s29], [sflag:$0x3] =	stream.indirect.gather [hbm4b:s12+s25], $0x80, s11, s25, $0xb8;
	v63 =	vld [tilespmem:$0x0]  }
0xc8: {  	_ =	swait.ge [sflag:s30], $0x2800  }
0xc9: {  	[sflag:s30] =	ssyncset.done $0x0  }
0xca: {  	s9 =	rddreg [dreg:$0x17];
	[sflag:s30] =	ssyncadd.s32 $0xFFFFD800  }
0xcb: {  	[spmem:s2] =	stream.indirect.scatter.add.f32 [tilespmem:s26], [sflag:$0x6], $0x80, s9, s25, $0xb8;
	v63 =	vld [tilespmem:$0x0]  }
0xcc: {  	_ =	swait.ge [sflag:s19], $0x2800  }
0xcd: {  	[sflag:s19] =	ssyncset.done $0x0  }
0xce: {  	s10 =	rddreg [dreg:$0x18];
	[sflag:s19] =	ssyncadd.s32 $0xFFFFD800  }
0xcf: {  	[tilespmem:s31], [sflag:$0x4] =	stream.indirect.gather [hbm4b:s12+s25], $0x80, s10, s25, $0xb8;
	v63 =	vld [tilespmem:$0x0]  }
0xd0: {  	_ =	swait.ge [sflag:s1], $0x2800  }
0xd1: {  	[sflag:s1] =	ssyncset.done $0x0  }
0xd2: {  	s11 =	rddreg [dreg:$0x19];
	[sflag:s1] =	ssyncadd.s32 $0xFFFFD800  }
0xd3: {  	[spmem:s2] =	stream.indirect.scatter.add.f32 [tilespmem:s29], [sflag:$0x7], $0x80, s11, s25, $0xb8;
	v63 =	vld [tilespmem:$0x0]  }
0xd4: {  	_ =	swait.ge [sflag:s0], $0x2800  }
0xd5: {  	[sflag:s0] =	ssyncset.done $0x0  }
0xd6: {  	s9 =	rddreg [dreg:$0x1a];
	[sflag:s0] =	ssyncadd.s32 $0xFFFFD800  }
0xd7: {  	[tilespmem:s14], [sflag:$0x1] =	stream.indirect.gather [hbm4b:s12+s25], $0x80, s9, s25, $0xb8;
	v63 =	vld [tilespmem:$0x0]  }
0xd8: {  	_ =	swait.ge [sflag:s13], $0x2800  }
0xd9: {  	[sflag:s13] =	ssyncset.done $0x0  }
0xda: {  	s10 =	rddreg [dreg:$0x1b];
	[sflag:s13] =	ssyncadd.s32 $0xFFFFD800  }
0xdb: {  	[spmem:s2] =	stream.indirect.scatter.add.f32 [tilespmem:s31], [sflag:$0x8], $0x80, s10, s25, $0xb8;
	v63 =	vld [tilespmem:$0x0]  }
0xdc: {  	_ =	swait.ge [sflag:s17], $0x2800  }
0xdd: {  	[sflag:s17] =	ssyncset.done $0x0  }
0xde: {  	s11 =	rddreg [dreg:$0x1c];
	[sflag:s17] =	ssyncadd.s32 $0xFFFFD800  }
0xdf: {  	[tilespmem:s26], [sflag:$0x2] =	stream.indirect.gather [hbm4b:s12+s25], $0x80, s11, s25, $0xb8;
	v63 =	vld [tilespmem:$0x0]  }
0xe0: {  	_ =	swait.ge [sflag:s28], $0x2800  }
0xe1: {  	[sflag:s28] =	ssyncset.done $0x0  }
0xe2: {  	s9 =	rddreg [dreg:$0x1d];
	[sflag:s28] =	ssyncadd.s32 $0xFFFFD800  }
0xe3: {  	[spmem:s2] =	stream.indirect.scatter.add.f32 [tilespmem:s14], [sflag:$0x5], $0x80, s9, s25, $0xb8;
	v63 =	vld [tilespmem:$0x0]  }
0xe4: {  	_ =	swait.ge [sflag:s18], $0x2800  }
0xe5: {  	[sflag:s18] =	ssyncset.done $0x0  }
0xe6: {  	s10 =	rddreg [dreg:$0x1e];
	[sflag:s18] =	ssyncadd.s32 $0xFFFFD800  }
0xe7: {  	[tilespmem:s29], [sflag:$0x3] =	stream.indirect.gather [hbm4b:s12+s25], $0x80, s10, s25, $0xb8;
	v63 =	vld [tilespmem:$0x0]  }
0xe8: {  	_ =	swait.ge [sflag:s30], $0x2800  }
0xe9: {  	[sflag:s30] =	ssyncset.done $0x0  }
0xea: {  	s11 =	rddreg [dreg:$0x1f];
	[sflag:s30] =	ssyncadd.s32 $0xFFFFD800  }
0xeb: {  	[spmem:s2] =	stream.indirect.scatter.add.f32 [tilespmem:s26], [sflag:$0x6], $0x80, s11, s25, $0xb8;
	v63 =	vld [tilespmem:$0x0]  }
0xec: {  	_ =	swait.ge [sflag:s19], $0x2800  }
0xed: {  	s9 =	sld [smem:$0x7E9]  }
0xee: {  	[sflag:s19] =	ssyncset.done $0x0  }
0xef: {  	[sflag:s19] =	ssyncadd.s32 $0xFFFFD800  }
0xf0: {  	[tilespmem:s31], [sflag:$0x4] =	stream.indirect.gather [hbm4b:s12+s25], $0x80, s9, s25, $0xb8;
	v63 =	vld [tilespmem:$0x0]  }
0xf1: {  	_ =	swait.ge [sflag:s1], $0x2800  }
0xf2: {  	s10 =	sld [smem:$0x7EA]  }
0xf3: {  	[sflag:s1] =	ssyncset.done $0x0  }
0xf4: {  	[sflag:s1] =	ssyncadd.s32 $0xFFFFD800  }
0xf5: {  	[spmem:s2] =	stream.indirect.scatter.add.f32 [tilespmem:s29], [sflag:$0x7], $0x80, s10, s25, $0xb8;
	v63 =	vld [tilespmem:$0x0]  }
0xf6: {  	_ =	swait.ge [sflag:s0], $0x2800  }
0xf7: {  	s11 =	sld [smem:$0x7EB]  }
0xf8: {  	[sflag:s0] =	ssyncset.done $0x0  }
0xf9: {  	[sflag:s0] =	ssyncadd.s32 $0xFFFFD800  }
0xfa: {  	[tilespmem:s14], [sflag:$0x1] =	stream.indirect.gather [hbm4b:s12+s25], $0x80, s11, s25, $0xb8;
	v63 =	vld [tilespmem:$0x0]  }
0xfb: {  	_ =	swait.ge [sflag:s13], $0x2800  }
0xfc: {  	s9 =	sld [smem:$0x7EC]  }
0xfd: {  	[sflag:s13] =	ssyncset.done $0x0  }
0xfe: {  	[sflag:s13] =	ssyncadd.s32 $0xFFFFD800  }
0xff: {  	[spmem:s2] =	stream.indirect.scatter.add.f32 [tilespmem:s31], [sflag:$0x8], $0x80, s9, s25, $0xb8;
	v63 =	vld [tilespmem:$0x0]  }
0x100: {  	_ =	swait.ge [sflag:s17], $0x2800  }
0x101: {  	s10 =	sld [smem:$0x7ED]  }
0x102: {  	[sflag:s17] =	ssyncset.done $0x0  }
0x103: {  	[sflag:s17] =	ssyncadd.s32 $0xFFFFD800  }
0x104: {  	[tilespmem:s26], [sflag:$0x2] =	stream.indirect.gather [hbm4b:s12+s25], $0x80, s10, s25, $0xb8;
	v63 =	vld [tilespmem:$0x0]  }
0x105: {  	_ =	swait.ge [sflag:s28], $0x2800  }
0x106: {  	s11 =	sld [smem:$0x7EE]  }
0x107: {  	[sflag:s28] =	ssyncset.done $0x0  }
0x108: {  	[sflag:s28] =	ssyncadd.s32 $0xFFFFD800  }
0x109: {  	[spmem:s2] =	stream.indirect.scatter.add.f32 [tilespmem:s14], [sflag:$0x5], $0x80, s11, s25, $0xb8;
	v63 =	vld [tilespmem:$0x0]  }
0x10a: {  	_ =	swait.ge [sflag:s18], $0x2800  }
0x10b: {  	s9 =	sld [smem:$0x7EF]  }
0x10c: {  	[sflag:s18] =	ssyncset.done $0x0  }
0x10d: {  	[sflag:s18] =	ssyncadd.s32 $0xFFFFD800  }
0x10e: {  	[tilespmem:s29], [sflag:$0x3] =	stream.indirect.gather [hbm4b:s12+s25], $0x80, s9, s25, $0xb8;
	v63 =	vld [tilespmem:$0x0]  }
0x10f: {  	_ =	swait.ge [sflag:s30], $0x2800  }
0x110: {  	s10 =	sld [smem:$0x7F0]  }
0x111: {  	[sflag:s30] =	ssyncset.done $0x0  }
0x112: {  	[sflag:s30] =	ssyncadd.s32 $0xFFFFD800  }
0x113: {  	[spmem:s2] =	stream.indirect.scatter.add.f32 [tilespmem:s26], [sflag:$0x6], $0x80, s10, s25, $0xb8;
	v63 =	vld [tilespmem:$0x0]  }
0x114: {  	_ =	swait.ge [sflag:s19], $0x2800  }
0x115: {  	s11 =	sld [smem:$0x7F1]  }
0x116: {  	[sflag:s19] =	ssyncset.done $0x0  }
0x117: {  	[sflag:s19] =	ssyncadd.s32 $0xFFFFD800  }
0x118: {  	[tilespmem:s31], [sflag:$0x4] =	stream.indirect.gather [hbm4b:s12+s25], $0x80, s11, s25, $0xb8;
	v63 =	vld [tilespmem:$0x0]  }
0x119: {  	_ =	swait.ge [sflag:s1], $0x2800  }
0x11a: {  	s9 =	sld [smem:$0x7F3]  }
0x11b: {  	[sflag:s1] =	ssyncset.done $0x0  }
0x11c: {  	[sflag:s1] =	ssyncadd.s32 $0xFFFFD800  }
0x11d: {  	[spmem:s2] =	stream.indirect.scatter.add.f32 [tilespmem:s29], [sflag:$0x7], $0x80, s9, s25, $0xb8;
	v63 =	vld [tilespmem:$0x0]  }
0x11e: {  	_ =	swait.ge [sflag:s0], $0x2800  }
0x11f: {  	s10 =	sld [smem:$0x7F4]  }
0x120: {  	[sflag:s0] =	ssyncset.done $0x0  }
0x121: {  	[sflag:s0] =	ssyncadd.s32 $0xFFFFD800  }
0x122: {  	[tilespmem:s14], [sflag:$0x1] =	stream.indirect.gather [hbm4b:s12+s25], $0x80, s10, s25, $0xb8;
	v63 =	vld [tilespmem:$0x0]  }
0x123: {  	_ =	swait.ge [sflag:s13], $0x2800  }
0x124: {  	s11 =	sld [smem:$0x7F5]  }
0x125: {  	[sflag:s13] =	ssyncset.done $0x0  }
0x126: {  	[sflag:s13] =	ssyncadd.s32 $0xFFFFD800  }
0x127: {  	[spmem:s2] =	stream.indirect.scatter.add.f32 [tilespmem:s31], [sflag:$0x8], $0x80, s11, s25, $0xb8;
	v63 =	vld [tilespmem:$0x0]  }
0x128: {  	_ =	swait.ge [sflag:s17], $0x2800  }
0x129: {  	[sflag:s17] =	ssyncset.done $0x0  }
0x12a: {  	[sflag:s17] =	ssyncadd.s32 $0xFFFFD800  }
0x12b: {  	[tilespmem:s26], [sflag:$0x2] =	stream.indirect.gather [hbm4b:s12+s25], $0x80, s20, s25, $0xb8;
	v63 =	vld [tilespmem:$0x0]  }
0x12c: {  	_ =	swait.ge [sflag:s28], $0x2800  }
0x12d: {  	[sflag:s28] =	ssyncset.done $0x0  }
0x12e: {  	[sflag:s28] =	ssyncadd.s32 $0xFFFFD800  }
0x12f: {  	[spmem:s2] =	stream.indirect.scatter.add.f32 [tilespmem:s14], [sflag:$0x5], $0x80, s21, s25, $0xb8;
	v63 =	vld [tilespmem:$0x0]  }
0x130: {  	_ =	swait.ge [sflag:s18], $0x2800  }
0x131: {  	[sflag:s18] =	ssyncset.done $0x0  }
0x132: {  	[sflag:s18] =	ssyncadd.s32 $0xFFFFD800  }
0x133: {  	[tilespmem:s29], [sflag:$0x3] =	stream.indirect.gather [hbm4b:s12+s25], $0x80, s22, s25, $0xb8;
	v63 =	vld [tilespmem:$0x0]  }
0x134: {  	_ =	swait.ge [sflag:s30], $0x2800  }
0x135: {  	[sflag:s30] =	ssyncset.done $0x0  }
0x136: {  	[sflag:s30] =	ssyncadd.s32 $0xFFFFD800  }
0x137: {  	[spmem:s2] =	stream.indirect.scatter.add.f32 [tilespmem:s26], [sflag:$0x6], $0x80, s23, s25, $0xb8;
	v63 =	vld [tilespmem:$0x0]  }
0x138: {  	_ =	swait.ge [sflag:s19], $0x2800  }
0x139: {  	[sflag:s19] =	ssyncset.done $0x0  }
0x13a: {  	[sflag:s19] =	ssyncadd.s32 $0xFFFFD800  }
0x13b: {  	[tilespmem:s31], [sflag:$0x4] =	stream.indirect.gather [hbm4b:s12+s25], $0x80, s24, s25, $0xb8;
	v63 =	vld [tilespmem:$0x0]  }
0x13c: {  	_ =	swait.ge [sflag:s1], $0x2800  }
0x13d: {  	[sflag:s1] =	ssyncset.done $0x0  }
0x13e: {  	[sflag:s1] =	ssyncadd.s32 $0xFFFFD800  }
0x13f: {  	[spmem:s2] =	stream.indirect.scatter.add.f32 [tilespmem:s29], [sflag:$0x7], $0x80, s4, s25, $0xb8;
	v63 =	vld [tilespmem:$0x0]  }
0x140: {  	_ =	swait.ge [sflag:s0], $0x2800  }
0x141: {  	[sflag:s0] =	ssyncset.done $0x0  }
0x142: {  	[sflag:s0] =	ssyncadd.s32 $0xFFFFD800  }
0x143: {  	[tilespmem:s14], [sflag:$0x1] =	stream.indirect.gather [hbm4b:s12+s25], $0x80, s5, s25, $0xb8;
	v63 =	vld [tilespmem:$0x0]  }
0x144: {  	_ =	swait.ge [sflag:s13], $0x2800  }
0x145: {  	[sflag:s13] =	ssyncset.done $0x0  }
0x146: {  	[sflag:s13] =	ssyncadd.s32 $0xFFFFD800  }
0x147: {  	[spmem:s2] =	stream.indirect.scatter.add.f32 [tilespmem:s31], [sflag:$0x8], $0x80, s6, s25, $0xb8;
	v63 =	vld [tilespmem:$0x0]  }
0x148: {  	_ =	swait.ge [sflag:s28], $0x2800  }
0x149: {  	[sflag:s28] =	ssyncset.done $0x0  }
0x14a: {  	[sflag:s28] =	ssyncadd.s32 $0xFFFFD800  }
0x14b: {  	[spmem:s2] =	stream.indirect.scatter.add.f32 [tilespmem:s14], [sflag:$0x5], $0x80, s7, s25, $0xb8;
	v63 =	vld [tilespmem:$0x0]  }
0x14c: {  	_ =	swait.ge [sflag:s17], $0x2800  }
0x14d: {  	[sflag:s17] =	ssyncset.done $0x0  }
0x14e: {  	[sflag:s17] =	ssyncadd.s32 $0xFFFFD800  }
0x14f: {  	_ =	swait.ge [sflag:s18], $0x2800  }
0x150: {  	[sflag:s18] =	ssyncset.done $0x0  }
0x151: {  	[sflag:s18] =	ssyncadd.s32 $0xFFFFD800  }
0x152: {  	_ =	swait.ge [sflag:s19], $0x2800  }
0x153: {  	[sflag:s19] =	ssyncset.done $0x0  }
0x154: {  	[sflag:s19] =	ssyncadd.s32 $0xFFFFD800  }
0x155: {  	s9 =	simm.s32 $0x200;
	_ =	swait.ge [sflag:s0], $0x2800  }
0x156: {  	s10 =	simm.s32 $0x400;
	s11 =	rddreg [dreg:$0x4];
	[sflag:s0] =	ssyncset.done $0x0  }
.LBB2_4:
0x157: {  	[sflag:s0] =	ssyncadd.s32 $0xFFFFD800;
	s11 =	sadd.s32 s9, s11  }
0x158: {  	[tilespmem:s3], [sflag:$0x9] =	stream.linear.gather [hbm4b:s11+s3], $0xC80, $0x38;
	v63 =	vld [tilespmem:$0x0]  }
0x159: {  	_ =	swait.ge [sflag:s15], $0xC80  }
0x15a: {  	s11 =	rddreg [dreg:$0x3];
	[sflag:s15] =	ssyncset.done $0x0  }
0x15b: {  	[sflag:s15] =	ssyncadd.s32 $0xFFFFF380;
	s11 =	sadd.s32 s9, s11  }
0x15c: {  	[tilespmem:s16], [sflag:$0x9] =	stream.linear.gather [hbm4b:s11+s3], $0xC80, $0x38;
	v63 =	vld [tilespmem:$0x0]  }
0x15d: {  	_ =	swait.ge [sflag:s15], $0xC80  }
0x15e: {  	[sflag:s15] =	ssyncset.done $0x0  }
0x15f: {  	[sflag:s15] =	ssyncadd.s32 $0xFFFFF380  }
0x160: {  	[tilespmem:s14], [sflag:$0x1] =	stream.indirect.gather [hbm4b:s12+s25], $0x80, s3, s25, $0xb8;
	v63 =	vld [tilespmem:$0x0]  }
0x161: {  	s11 =	rddreg [dreg:$0x5]  }
0x162: {  	[tilespmem:s26], [sflag:$0x2] =	stream.indirect.gather [hbm4b:s12+s25], $0x80, s11, s25, $0xb8;
	v63 =	vld [tilespmem:$0x0]  }
0x163: {  	_ =	swait.ge [sflag:s28], $0x2800  }
0x164: {  	[sflag:s28] =	ssyncset.done $0x0  }
0x165: {  	[sflag:s28] =	ssyncadd.s32 $0xFFFFD800  }
0x166: {  	[spmem:s2] =	stream.indirect.scatter.add.f32 [tilespmem:s14], [sflag:$0x5], $0x80, s16, s25, $0xb8;
	v63 =	vld [tilespmem:$0x0]  }
0x167: {  	s11 =	rddreg [dreg:$0x6]  }
0x168: {  	[tilespmem:s29], [sflag:$0x3] =	stream.indirect.gather [hbm4b:s12+s25], $0x80, s11, s25, $0xb8;
	v63 =	vld [tilespmem:$0x0]  }
0x169: {  	_ =	swait.ge [sflag:s30], $0x2800  }
0x16a: {  	s8 =	smov.u32 s10;
	[sflag:s30] =	ssyncset.done $0x0  }
0x16b: {  	s9 =	smov.u32 s8;
	s8 =	rddreg [dreg:$0x7];
	[sflag:s30] =	ssyncadd.s32 $0xFFFFD800  }
0x16c: {  	[spmem:s2] =	stream.indirect.scatter.add.f32 [tilespmem:s26], [sflag:$0x6], $0x80, s8, s25, $0xb8;
	v63 =	vld [tilespmem:$0x0]  }
0x16d: {  	s11 =	rddreg [dreg:$0x8]  }
0x16e: {  	[tilespmem:s31], [sflag:$0x4] =	stream.indirect.gather [hbm4b:s12+s25], $0x80, s11, s25, $0xb8;
	v63 =	vld [tilespmem:$0x0]  }
0x16f: {  	_ =	swait.ge [sflag:s1], $0x2800  }
0x170: {  	[sflag:s1] =	ssyncset.done $0x0  }
0x171: {  	s11 =	rddreg [dreg:$0x9];
	[sflag:s1] =	ssyncadd.s32 $0xFFFFD800  }
0x172: {  	[spmem:s2] =	stream.indirect.scatter.add.f32 [tilespmem:s29], [sflag:$0x7], $0x80, s11, s25, $0xb8;
	v63 =	vld [tilespmem:$0x0]  }
0x173: {  	_ =	swait.ge [sflag:s0], $0x2800  }
0x174: {  	[sflag:s0] =	ssyncset.done $0x0  }
0x175: {  	s11 =	rddreg [dreg:$0xa];
	[sflag:s0] =	ssyncadd.s32 $0xFFFFD800  }
0x176: {  	[tilespmem:s14], [sflag:$0x1] =	stream.indirect.gather [hbm4b:s12+s25], $0x80, s11, s25, $0xb8;
	v63 =	vld [tilespmem:$0x0]  }
0x177: {  	_ =	swait.ge [sflag:s13], $0x2800  }
0x178: {  	[sflag:s13] =	ssyncset.done $0x0  }
0x179: {  	s11 =	rddreg [dreg:$0xb];
	[sflag:s13] =	ssyncadd.s32 $0xFFFFD800  }
0x17a: {  	[spmem:s2] =	stream.indirect.scatter.add.f32 [tilespmem:s31], [sflag:$0x8], $0x80, s11, s25, $0xb8;
	v63 =	vld [tilespmem:$0x0]  }
0x17b: {  	_ =	swait.ge [sflag:s17], $0x2800  }
0x17c: {  	[sflag:s17] =	ssyncset.done $0x0  }
0x17d: {  	s11 =	rddreg [dreg:$0xc];
	[sflag:s17] =	ssyncadd.s32 $0xFFFFD800  }
0x17e: {  	[tilespmem:s26], [sflag:$0x2] =	stream.indirect.gather [hbm4b:s12+s25], $0x80, s11, s25, $0xb8;
	v63 =	vld [tilespmem:$0x0]  }
0x17f: {  	_ =	swait.ge [sflag:s28], $0x2800  }
0x180: {  	[sflag:s28] =	ssyncset.done $0x0  }
0x181: {  	s11 =	rddreg [dreg:$0xd];
	[sflag:s28] =	ssyncadd.s32 $0xFFFFD800  }
0x182: {  	[spmem:s2] =	stream.indirect.scatter.add.f32 [tilespmem:s14], [sflag:$0x5], $0x80, s11, s25, $0xb8;
	v63 =	vld [tilespmem:$0x0]  }
0x183: {  	_ =	swait.ge [sflag:s18], $0x2800  }
0x184: {  	[sflag:s18] =	ssyncset.done $0x0  }
0x185: {  	s11 =	rddreg [dreg:$0xe];
	[sflag:s18] =	ssyncadd.s32 $0xFFFFD800  }
0x186: {  	[tilespmem:s29], [sflag:$0x3] =	stream.indirect.gather [hbm4b:s12+s25], $0x80, s11, s25, $0xb8;
	v63 =	vld [tilespmem:$0x0]  }
0x187: {  	_ =	swait.ge [sflag:s30], $0x2800  }
0x188: {  	[sflag:s30] =	ssyncset.done $0x0  }
0x189: {  	s11 =	rddreg [dreg:$0xf];
	[sflag:s30] =	ssyncadd.s32 $0xFFFFD800  }
0x18a: {  	[spmem:s2] =	stream.indirect.scatter.add.f32 [tilespmem:s26], [sflag:$0x6], $0x80, s11, s25, $0xb8;
	v63 =	vld [tilespmem:$0x0]  }
0x18b: {  	_ =	swait.ge [sflag:s19], $0x2800  }
0x18c: {  	[sflag:s19] =	ssyncset.done $0x0  }
0x18d: {  	s11 =	rddreg [dreg:$0x10];
	[sflag:s19] =	ssyncadd.s32 $0xFFFFD800  }
0x18e: {  	[tilespmem:s31], [sflag:$0x4] =	stream.indirect.gather [hbm4b:s12+s25], $0x80, s11, s25, $0xb8;
	v63 =	vld [tilespmem:$0x0]  }
0x18f: {  	_ =	swait.ge [sflag:s1], $0x2800  }
0x190: {  	[sflag:s1] =	ssyncset.done $0x0  }
0x191: {  	s11 =	rddreg [dreg:$0x11];
	[sflag:s1] =	ssyncadd.s32 $0xFFFFD800  }
0x192: {  	[spmem:s2] =	stream.indirect.scatter.add.f32 [tilespmem:s29], [sflag:$0x7], $0x80, s11, s25, $0xb8;
	v63 =	vld [tilespmem:$0x0]  }
0x193: {  	_ =	swait.ge [sflag:s0], $0x2800  }
0x194: {  	[sflag:s0] =	ssyncset.done $0x0  }
0x195: {  	s11 =	rddreg [dreg:$0x12];
	[sflag:s0] =	ssyncadd.s32 $0xFFFFD800  }
0x196: {  	[tilespmem:s14], [sflag:$0x1] =	stream.indirect.gather [hbm4b:s12+s25], $0x80, s11, s25, $0xb8;
	v63 =	vld [tilespmem:$0x0]  }
0x197: {  	_ =	swait.ge [sflag:s13], $0x2800  }
0x198: {  	[sflag:s13] =	ssyncset.done $0x0  }
0x199: {  	s11 =	rddreg [dreg:$0x13];
	[sflag:s13] =	ssyncadd.s32 $0xFFFFD800  }
0x19a: {  	[spmem:s2] =	stream.indirect.scatter.add.f32 [tilespmem:s31], [sflag:$0x8], $0x80, s11, s25, $0xb8;
	v63 =	vld [tilespmem:$0x0]  }
0x19b: {  	_ =	swait.ge [sflag:s17], $0x2800  }
0x19c: {  	[sflag:s17] =	ssyncset.done $0x0  }
0x19d: {  	s11 =	rddreg [dreg:$0x14];
	[sflag:s17] =	ssyncadd.s32 $0xFFFFD800  }
0x19e: {  	[tilespmem:s26], [sflag:$0x2] =	stream.indirect.gather [hbm4b:s12+s25], $0x80, s11, s25, $0xb8;
	v63 =	vld [tilespmem:$0x0]  }
0x19f: {  	_ =	swait.ge [sflag:s28], $0x2800  }
0x1a0: {  	[sflag:s28] =	ssyncset.done $0x0  }
0x1a1: {  	s11 =	rddreg [dreg:$0x15];
	[sflag:s28] =	ssyncadd.s32 $0xFFFFD800  }
0x1a2: {  	[spmem:s2] =	stream.indirect.scatter.add.f32 [tilespmem:s14], [sflag:$0x5], $0x80, s11, s25, $0xb8;
	v63 =	vld [tilespmem:$0x0]  }
0x1a3: {  	_ =	swait.ge [sflag:s18], $0x2800  }
0x1a4: {  	[sflag:s18] =	ssyncset.done $0x0  }
0x1a5: {  	s11 =	rddreg [dreg:$0x16];
	[sflag:s18] =	ssyncadd.s32 $0xFFFFD800  }
0x1a6: {  	[tilespmem:s29], [sflag:$0x3] =	stream.indirect.gather [hbm4b:s12+s25], $0x80, s11, s25, $0xb8;
	v63 =	vld [tilespmem:$0x0]  }
0x1a7: {  	_ =	swait.ge [sflag:s30], $0x2800  }
0x1a8: {  	[sflag:s30] =	ssyncset.done $0x0  }
0x1a9: {  	s11 =	rddreg [dreg:$0x17];
	[sflag:s30] =	ssyncadd.s32 $0xFFFFD800  }
0x1aa: {  	[spmem:s2] =	stream.indirect.scatter.add.f32 [tilespmem:s26], [sflag:$0x6], $0x80, s11, s25, $0xb8;
	v63 =	vld [tilespmem:$0x0]  }
0x1ab: {  	_ =	swait.ge [sflag:s19], $0x2800  }
0x1ac: {  	[sflag:s19] =	ssyncset.done $0x0  }
0x1ad: {  	s11 =	rddreg [dreg:$0x18];
	[sflag:s19] =	ssyncadd.s32 $0xFFFFD800  }
0x1ae: {  	[tilespmem:s31], [sflag:$0x4] =	stream.indirect.gather [hbm4b:s12+s25], $0x80, s11, s25, $0xb8;
	v63 =	vld [tilespmem:$0x0]  }
0x1af: {  	_ =	swait.ge [sflag:s1], $0x2800  }
0x1b0: {  	[sflag:s1] =	ssyncset.done $0x0  }
0x1b1: {  	s11 =	rddreg [dreg:$0x19];
	[sflag:s1] =	ssyncadd.s32 $0xFFFFD800  }
0x1b2: {  	[spmem:s2] =	stream.indirect.scatter.add.f32 [tilespmem:s29], [sflag:$0x7], $0x80, s11, s25, $0xb8;
	v63 =	vld [tilespmem:$0x0]  }
0x1b3: {  	_ =	swait.ge [sflag:s0], $0x2800  }
0x1b4: {  	[sflag:s0] =	ssyncset.done $0x0  }
0x1b5: {  	s11 =	rddreg [dreg:$0x1a];
	[sflag:s0] =	ssyncadd.s32 $0xFFFFD800  }
0x1b6: {  	[tilespmem:s14], [sflag:$0x1] =	stream.indirect.gather [hbm4b:s12+s25], $0x80, s11, s25, $0xb8;
	v63 =	vld [tilespmem:$0x0]  }
0x1b7: {  	_ =	swait.ge [sflag:s13], $0x2800  }
0x1b8: {  	[sflag:s13] =	ssyncset.done $0x0  }
0x1b9: {  	s11 =	rddreg [dreg:$0x1b];
	[sflag:s13] =	ssyncadd.s32 $0xFFFFD800  }
0x1ba: {  	[spmem:s2] =	stream.indirect.scatter.add.f32 [tilespmem:s31], [sflag:$0x8], $0x80, s11, s25, $0xb8;
	v63 =	vld [tilespmem:$0x0]  }
0x1bb: {  	_ =	swait.ge [sflag:s17], $0x2800  }
0x1bc: {  	[sflag:s17] =	ssyncset.done $0x0  }
0x1bd: {  	s11 =	rddreg [dreg:$0x1c];
	[sflag:s17] =	ssyncadd.s32 $0xFFFFD800  }
0x1be: {  	[tilespmem:s26], [sflag:$0x2] =	stream.indirect.gather [hbm4b:s12+s25], $0x80, s11, s25, $0xb8;
	v63 =	vld [tilespmem:$0x0]  }
0x1bf: {  	_ =	swait.ge [sflag:s28], $0x2800  }
0x1c0: {  	[sflag:s28] =	ssyncset.done $0x0  }
0x1c1: {  	s11 =	rddreg [dreg:$0x1d];
	[sflag:s28] =	ssyncadd.s32 $0xFFFFD800  }
0x1c2: {  	[spmem:s2] =	stream.indirect.scatter.add.f32 [tilespmem:s14], [sflag:$0x5], $0x80, s11, s25, $0xb8;
	v63 =	vld [tilespmem:$0x0]  }
0x1c3: {  	_ =	swait.ge [sflag:s18], $0x2800  }
0x1c4: {  	[sflag:s18] =	ssyncset.done $0x0  }
0x1c5: {  	s11 =	rddreg [dreg:$0x1e];
	[sflag:s18] =	ssyncadd.s32 $0xFFFFD800  }
0x1c6: {  	[tilespmem:s29], [sflag:$0x3] =	stream.indirect.gather [hbm4b:s12+s25], $0x80, s11, s25, $0xb8;
	v63 =	vld [tilespmem:$0x0]  }
0x1c7: {  	_ =	swait.ge [sflag:s30], $0x2800  }
0x1c8: {  	[sflag:s30] =	ssyncset.done $0x0  }
0x1c9: {  	s11 =	rddreg [dreg:$0x1f];
	[sflag:s30] =	ssyncadd.s32 $0xFFFFD800  }
0x1ca: {  	[spmem:s2] =	stream.indirect.scatter.add.f32 [tilespmem:s26], [sflag:$0x6], $0x80, s11, s25, $0xb8;
	v63 =	vld [tilespmem:$0x0]  }
0x1cb: {  	_ =	swait.ge [sflag:s19], $0x2800  }
0x1cc: {  	s11 =	sld [smem:$0x7E9]  }
0x1cd: {  	[sflag:s19] =	ssyncset.done $0x0  }
0x1ce: {  	[sflag:s19] =	ssyncadd.s32 $0xFFFFD800  }
0x1cf: {  	[tilespmem:s31], [sflag:$0x4] =	stream.indirect.gather [hbm4b:s12+s25], $0x80, s11, s25, $0xb8;
	v63 =	vld [tilespmem:$0x0]  }
0x1d0: {  	_ =	swait.ge [sflag:s1], $0x2800  }
0x1d1: {  	s11 =	sld [smem:$0x7EA]  }
0x1d2: {  	[sflag:s1] =	ssyncset.done $0x0  }
0x1d3: {  	[sflag:s1] =	ssyncadd.s32 $0xFFFFD800  }
0x1d4: {  	[spmem:s2] =	stream.indirect.scatter.add.f32 [tilespmem:s29], [sflag:$0x7], $0x80, s11, s25, $0xb8;
	v63 =	vld [tilespmem:$0x0]  }
0x1d5: {  	_ =	swait.ge [sflag:s0], $0x2800  }
0x1d6: {  	s11 =	sld [smem:$0x7EB]  }
0x1d7: {  	[sflag:s0] =	ssyncset.done $0x0  }
0x1d8: {  	[sflag:s0] =	ssyncadd.s32 $0xFFFFD800  }
0x1d9: {  	[tilespmem:s14], [sflag:$0x1] =	stream.indirect.gather [hbm4b:s12+s25], $0x80, s11, s25, $0xb8;
	v63 =	vld [tilespmem:$0x0]  }
0x1da: {  	_ =	swait.ge [sflag:s13], $0x2800  }
0x1db: {  	s11 =	sld [smem:$0x7EC]  }
0x1dc: {  	[sflag:s13] =	ssyncset.done $0x0  }
0x1dd: {  	[sflag:s13] =	ssyncadd.s32 $0xFFFFD800  }
0x1de: {  	[spmem:s2] =	stream.indirect.scatter.add.f32 [tilespmem:s31], [sflag:$0x8], $0x80, s11, s25, $0xb8;
	v63 =	vld [tilespmem:$0x0]  }
0x1df: {  	_ =	swait.ge [sflag:s17], $0x2800  }
0x1e0: {  	s11 =	sld [smem:$0x7ED]  }
0x1e1: {  	[sflag:s17] =	ssyncset.done $0x0  }
0x1e2: {  	[sflag:s17] =	ssyncadd.s32 $0xFFFFD800  }
0x1e3: {  	[tilespmem:s26], [sflag:$0x2] =	stream.indirect.gather [hbm4b:s12+s25], $0x80, s11, s25, $0xb8;
	v63 =	vld [tilespmem:$0x0]  }
0x1e4: {  	_ =	swait.ge [sflag:s28], $0x2800  }
0x1e5: {  	s11 =	sld [smem:$0x7EE]  }
0x1e6: {  	[sflag:s28] =	ssyncset.done $0x0  }
0x1e7: {  	[sflag:s28] =	ssyncadd.s32 $0xFFFFD800  }
0x1e8: {  	[spmem:s2] =	stream.indirect.scatter.add.f32 [tilespmem:s14], [sflag:$0x5], $0x80, s11, s25, $0xb8;
	v63 =	vld [tilespmem:$0x0]  }
0x1e9: {  	_ =	swait.ge [sflag:s18], $0x2800  }
0x1ea: {  	s11 =	sld [smem:$0x7EF]  }
0x1eb: {  	[sflag:s18] =	ssyncset.done $0x0  }
0x1ec: {  	[sflag:s18] =	ssyncadd.s32 $0xFFFFD800  }
0x1ed: {  	[tilespmem:s29], [sflag:$0x3] =	stream.indirect.gather [hbm4b:s12+s25], $0x80, s11, s25, $0xb8;
	v63 =	vld [tilespmem:$0x0]  }
0x1ee: {  	_ =	swait.ge [sflag:s30], $0x2800  }
0x1ef: {  	s11 =	sld [smem:$0x7F0]  }
0x1f0: {  	[sflag:s30] =	ssyncset.done $0x0  }
0x1f1: {  	[sflag:s30] =	ssyncadd.s32 $0xFFFFD800  }
0x1f2: {  	[spmem:s2] =	stream.indirect.scatter.add.f32 [tilespmem:s26], [sflag:$0x6], $0x80, s11, s25, $0xb8;
	v63 =	vld [tilespmem:$0x0]  }
0x1f3: {  	_ =	swait.ge [sflag:s19], $0x2800  }
0x1f4: {  	s11 =	sld [smem:$0x7F1]  }
0x1f5: {  	[sflag:s19] =	ssyncset.done $0x0  }
0x1f6: {  	[sflag:s19] =	ssyncadd.s32 $0xFFFFD800  }
0x1f7: {  	[tilespmem:s31], [sflag:$0x4] =	stream.indirect.gather [hbm4b:s12+s25], $0x80, s11, s25, $0xb8;
	v63 =	vld [tilespmem:$0x0]  }
0x1f8: {  	_ =	swait.ge [sflag:s1], $0x2800  }
0x1f9: {  	s11 =	sld [smem:$0x7F3]  }
0x1fa: {  	[sflag:s1] =	ssyncset.done $0x0  }
0x1fb: {  	[sflag:s1] =	ssyncadd.s32 $0xFFFFD800  }
0x1fc: {  	[spmem:s2] =	stream.indirect.scatter.add.f32 [tilespmem:s29], [sflag:$0x7], $0x80, s11, s25, $0xb8;
	v63 =	vld [tilespmem:$0x0]  }
0x1fd: {  	_ =	swait.ge [sflag:s0], $0x2800  }
0x1fe: {  	s11 =	sld [smem:$0x7F4]  }
0x1ff: {  	[sflag:s0] =	ssyncset.done $0x0  }
0x200: {  	[sflag:s0] =	ssyncadd.s32 $0xFFFFD800  }
0x201: {  	[tilespmem:s14], [sflag:$0x1] =	stream.indirect.gather [hbm4b:s12+s25], $0x80, s11, s25, $0xb8;
	v63 =	vld [tilespmem:$0x0]  }
0x202: {  	_ =	swait.ge [sflag:s13], $0x2800  }
0x203: {  	s11 =	sld [smem:$0x7F5]  }
0x204: {  	[sflag:s13] =	ssyncset.done $0x0  }
0x205: {  	[sflag:s13] =	ssyncadd.s32 $0xFFFFD800  }
0x206: {  	[spmem:s2] =	stream.indirect.scatter.add.f32 [tilespmem:s31], [sflag:$0x8], $0x80, s11, s25, $0xb8;
	v63 =	vld [tilespmem:$0x0]  }
0x207: {  	_ =	swait.ge [sflag:s17], $0x2800  }
0x208: {  	[sflag:s17] =	ssyncset.done $0x0  }
0x209: {  	[sflag:s17] =	ssyncadd.s32 $0xFFFFD800  }
0x20a: {  	[tilespmem:s26], [sflag:$0x2] =	stream.indirect.gather [hbm4b:s12+s25], $0x80, s20, s25, $0xb8;
	v63 =	vld [tilespmem:$0x0]  }
0x20b: {  	_ =	swait.ge [sflag:s28], $0x2800  }
0x20c: {  	[sflag:s28] =	ssyncset.done $0x0  }
0x20d: {  	[sflag:s28] =	ssyncadd.s32 $0xFFFFD800  }
0x20e: {  	[spmem:s2] =	stream.indirect.scatter.add.f32 [tilespmem:s14], [sflag:$0x5], $0x80, s21, s25, $0xb8;
	v63 =	vld [tilespmem:$0x0]  }
0x20f: {  	_ =	swait.ge [sflag:s18], $0x2800  }
0x210: {  	[sflag:s18] =	ssyncset.done $0x0  }
0x211: {  	[sflag:s18] =	ssyncadd.s32 $0xFFFFD800  }
0x212: {  	[tilespmem:s29], [sflag:$0x3] =	stream.indirect.gather [hbm4b:s12+s25], $0x80, s22, s25, $0xb8;
	v63 =	vld [tilespmem:$0x0]  }
0x213: {  	_ =	swait.ge [sflag:s30], $0x2800  }
0x214: {  	[sflag:s30] =	ssyncset.done $0x0  }
0x215: {  	[sflag:s30] =	ssyncadd.s32 $0xFFFFD800  }
0x216: {  	[spmem:s2] =	stream.indirect.scatter.add.f32 [tilespmem:s26], [sflag:$0x6], $0x80, s23, s25, $0xb8;
	v63 =	vld [tilespmem:$0x0]  }
0x217: {  	_ =	swait.ge [sflag:s19], $0x2800  }
0x218: {  	[sflag:s19] =	ssyncset.done $0x0  }
0x219: {  	[sflag:s19] =	ssyncadd.s32 $0xFFFFD800  }
0x21a: {  	[tilespmem:s31], [sflag:$0x4] =	stream.indirect.gather [hbm4b:s12+s25], $0x80, s24, s25, $0xb8;
	v63 =	vld [tilespmem:$0x0]  }
0x21b: {  	_ =	swait.ge [sflag:s1], $0x2800  }
0x21c: {  	[sflag:s1] =	ssyncset.done $0x0  }
0x21d: {  	[sflag:s1] =	ssyncadd.s32 $0xFFFFD800  }
0x21e: {  	[spmem:s2] =	stream.indirect.scatter.add.f32 [tilespmem:s29], [sflag:$0x7], $0x80, s4, s25, $0xb8;
	v63 =	vld [tilespmem:$0x0]  }
0x21f: {  	_ =	swait.ge [sflag:s0], $0x2800  }
0x220: {  	[sflag:s0] =	ssyncset.done $0x0  }
0x221: {  	[sflag:s0] =	ssyncadd.s32 $0xFFFFD800  }
0x222: {  	[tilespmem:s14], [sflag:$0x1] =	stream.indirect.gather [hbm4b:s12+s25], $0x80, s5, s25, $0xb8;
	v63 =	vld [tilespmem:$0x0]  }
0x223: {  	_ =	swait.ge [sflag:s13], $0x2800  }
0x224: {  	[sflag:s13] =	ssyncset.done $0x0  }
0x225: {  	[sflag:s13] =	ssyncadd.s32 $0xFFFFD800  }
0x226: {  	[spmem:s2] =	stream.indirect.scatter.add.f32 [tilespmem:s31], [sflag:$0x8], $0x80, s6, s25, $0xb8;
	v63 =	vld [tilespmem:$0x0]  }
0x227: {  	_ =	swait.ge [sflag:s28], $0x2800  }
0x228: {  	[sflag:s28] =	ssyncset.done $0x0  }
0x229: {  	[sflag:s28] =	ssyncadd.s32 $0xFFFFD800  }
0x22a: {  	[spmem:s2] =	stream.indirect.scatter.add.f32 [tilespmem:s14], [sflag:$0x5], $0x80, s7, s25, $0xb8;
	v63 =	vld [tilespmem:$0x0]  }
0x22b: {  	_ =	swait.ge [sflag:s17], $0x2800  }
0x22c: {  	[sflag:s17] =	ssyncset.done $0x0  }
0x22d: {  	[sflag:s17] =	ssyncadd.s32 $0xFFFFD800  }
0x22e: {  	_ =	swait.ge [sflag:s18], $0x2800  }
0x22f: {  	[sflag:s18] =	ssyncset.done $0x0  }
0x230: {  	p0 =	sne.s32 s10, $0x800;
	[sflag:s18] =	ssyncadd.s32 $0xFFFFD800  }
.Ltmp1:
0x231: {  	_ =	swait.ge [sflag:s19], $0x2800;
	(pc) =	sbr.rel @p0 .LBB2_4-.Ltmp1, $4  }
0x232: {  	[sflag:s19] =	ssyncset.done $0x0  }
0x233: {  	[sflag:s19] =	ssyncadd.s32 $0xFFFFD800  }
0x234: {  	_ =	swait.ge [sflag:s0], $0x2800  }
0x235: {  	s10 =	sadd.s32 $0x200, s10;
	s11 =	rddreg [dreg:$0x4];
	[sflag:s0] =	ssyncset.done $0x0  }
0x236: {  	[sflag:s0] =	ssyncadd.s32 $0xFFFFD800;
	s8 =	sadd.s32 s9, s11  }
0x237: {  	[tilespmem:s3], [sflag:$0x9] =	stream.linear.gather [hbm4b:s8+s3], $0xC80, $0x38;
	v63 =	vld [tilespmem:$0x0]  }
0x238: {  	_ =	swait.ge [sflag:s15], $0xC80  }
0x239: {  	s11 =	rddreg [dreg:$0x3];
	[sflag:s15] =	ssyncset.done $0x0  }
0x23a: {  	[sflag:s15] =	ssyncadd.s32 $0xFFFFF380;
	s8 =	sadd.s32 s9, s11  }
0x23b: {  	[tilespmem:s16], [sflag:$0x9] =	stream.linear.gather [hbm4b:s8+s3], $0xC80, $0x38;
	v63 =	vld [tilespmem:$0x0]  }
0x23c: {  	_ =	swait.ge [sflag:s15], $0xC80  }
0x23d: {  	[sflag:s15] =	ssyncset.done $0x0  }
0x23e: {  	[sflag:s15] =	ssyncadd.s32 $0xFFFFF380  }
0x23f: {  	[tilespmem:s14], [sflag:$0x1] =	stream.indirect.gather [hbm4b:s12+s25], $0x80, s3, s25, $0xb8;
	v63 =	vld [tilespmem:$0x0]  }
0x240: {  	s10 =	rddreg [dreg:$0x5]  }
0x241: {  	[tilespmem:s26], [sflag:$0x2] =	stream.indirect.gather [hbm4b:s12+s25], $0x80, s10, s25, $0xb8;
	v63 =	vld [tilespmem:$0x0]  }
0x242: {  	_ =	swait.ge [sflag:s28], $0x2800  }
0x243: {  	[sflag:s28] =	ssyncset.done $0x0  }
0x244: {  	[sflag:s28] =	ssyncadd.s32 $0xFFFFD800  }
0x245: {  	[spmem:s2] =	stream.indirect.scatter.add.f32 [tilespmem:s14], [sflag:$0x5], $0x80, s16, s25, $0xb8;
	v63 =	vld [tilespmem:$0x0]  }
0x246: {  	s11 =	rddreg [dreg:$0x6]  }
0x247: {  	[tilespmem:s29], [sflag:$0x3] =	stream.indirect.gather [hbm4b:s12+s25], $0x80, s11, s25, $0xb8;
	v63 =	vld [tilespmem:$0x0]  }
0x248: {  	_ =	swait.ge [sflag:s30], $0x2800  }
0x249: {  	[sflag:s30] =	ssyncset.done $0x0  }
0x24a: {  	s9 =	rddreg [dreg:$0x7];
	[sflag:s30] =	ssyncadd.s32 $0xFFFFD800  }
0x24b: {  	[spmem:s2] =	stream.indirect.scatter.add.f32 [tilespmem:s26], [sflag:$0x6], $0x80, s9, s25, $0xb8;
	v63 =	vld [tilespmem:$0x0]  }
0x24c: {  	s10 =	rddreg [dreg:$0x8]  }
0x24d: {  	[tilespmem:s31], [sflag:$0x4] =	stream.indirect.gather [hbm4b:s12+s25], $0x80, s10, s25, $0xb8;
	v63 =	vld [tilespmem:$0x0]  }
0x24e: {  	_ =	swait.ge [sflag:s1], $0x2800  }
0x24f: {  	[sflag:s1] =	ssyncset.done $0x0  }
0x250: {  	s11 =	rddreg [dreg:$0x9];
	[sflag:s1] =	ssyncadd.s32 $0xFFFFD800  }
0x251: {  	[spmem:s2] =	stream.indirect.scatter.add.f32 [tilespmem:s29], [sflag:$0x7], $0x80, s11, s25, $0xb8;
	v63 =	vld [tilespmem:$0x0]  }
0x252: {  	_ =	swait.ge [sflag:s0], $0x2800  }
0x253: {  	[sflag:s0] =	ssyncset.done $0x0  }
0x254: {  	s9 =	rddreg [dreg:$0xa];
	[sflag:s0] =	ssyncadd.s32 $0xFFFFD800  }
0x255: {  	[tilespmem:s14], [sflag:$0x1] =	stream.indirect.gather [hbm4b:s12+s25], $0x80, s9, s25, $0xb8;
	v63 =	vld [tilespmem:$0x0]  }
0x256: {  	_ =	swait.ge [sflag:s13], $0x2800  }
0x257: {  	[sflag:s13] =	ssyncset.done $0x0  }
0x258: {  	s10 =	rddreg [dreg:$0xb];
	[sflag:s13] =	ssyncadd.s32 $0xFFFFD800  }
0x259: {  	[spmem:s2] =	stream.indirect.scatter.add.f32 [tilespmem:s31], [sflag:$0x8], $0x80, s10, s25, $0xb8;
	v63 =	vld [tilespmem:$0x0]  }
0x25a: {  	_ =	swait.ge [sflag:s17], $0x2800  }
0x25b: {  	[sflag:s17] =	ssyncset.done $0x0  }
0x25c: {  	s11 =	rddreg [dreg:$0xc];
	[sflag:s17] =	ssyncadd.s32 $0xFFFFD800  }
0x25d: {  	[tilespmem:s26], [sflag:$0x2] =	stream.indirect.gather [hbm4b:s12+s25], $0x80, s11, s25, $0xb8;
	v63 =	vld [tilespmem:$0x0]  }
0x25e: {  	_ =	swait.ge [sflag:s28], $0x2800  }
0x25f: {  	[sflag:s28] =	ssyncset.done $0x0  }
0x260: {  	s9 =	rddreg [dreg:$0xd];
	[sflag:s28] =	ssyncadd.s32 $0xFFFFD800  }
0x261: {  	[spmem:s2] =	stream.indirect.scatter.add.f32 [tilespmem:s14], [sflag:$0x5], $0x80, s9, s25, $0xb8;
	v63 =	vld [tilespmem:$0x0]  }
0x262: {  	_ =	swait.ge [sflag:s18], $0x2800  }
0x263: {  	[sflag:s18] =	ssyncset.done $0x0  }
0x264: {  	s10 =	rddreg [dreg:$0xe];
	[sflag:s18] =	ssyncadd.s32 $0xFFFFD800  }
0x265: {  	[tilespmem:s29], [sflag:$0x3] =	stream.indirect.gather [hbm4b:s12+s25], $0x80, s10, s25, $0xb8;
	v63 =	vld [tilespmem:$0x0]  }
0x266: {  	_ =	swait.ge [sflag:s30], $0x2800  }
0x267: {  	[sflag:s30] =	ssyncset.done $0x0  }
0x268: {  	s11 =	rddreg [dreg:$0xf];
	[sflag:s30] =	ssyncadd.s32 $0xFFFFD800  }
0x269: {  	[spmem:s2] =	stream.indirect.scatter.add.f32 [tilespmem:s26], [sflag:$0x6], $0x80, s11, s25, $0xb8;
	v63 =	vld [tilespmem:$0x0]  }
0x26a: {  	_ =	swait.ge [sflag:s19], $0x2800  }
0x26b: {  	[sflag:s19] =	ssyncset.done $0x0  }
0x26c: {  	s9 =	rddreg [dreg:$0x10];
	[sflag:s19] =	ssyncadd.s32 $0xFFFFD800  }
0x26d: {  	[tilespmem:s31], [sflag:$0x4] =	stream.indirect.gather [hbm4b:s12+s25], $0x80, s9, s25, $0xb8;
	v63 =	vld [tilespmem:$0x0]  }
0x26e: {  	_ =	swait.ge [sflag:s1], $0x2800  }
0x26f: {  	[sflag:s1] =	ssyncset.done $0x0  }
0x270: {  	s10 =	rddreg [dreg:$0x11];
	[sflag:s1] =	ssyncadd.s32 $0xFFFFD800  }
0x271: {  	[spmem:s2] =	stream.indirect.scatter.add.f32 [tilespmem:s29], [sflag:$0x7], $0x80, s10, s25, $0xb8;
	v63 =	vld [tilespmem:$0x0]  }
0x272: {  	_ =	swait.ge [sflag:s0], $0x2800  }
0x273: {  	[sflag:s0] =	ssyncset.done $0x0  }
0x274: {  	s11 =	rddreg [dreg:$0x12];
	[sflag:s0] =	ssyncadd.s32 $0xFFFFD800  }
0x275: {  	[tilespmem:s14], [sflag:$0x1] =	stream.indirect.gather [hbm4b:s12+s25], $0x80, s11, s25, $0xb8;
	v63 =	vld [tilespmem:$0x0]  }
0x276: {  	_ =	swait.ge [sflag:s13], $0x2800  }
0x277: {  	[sflag:s13] =	ssyncset.done $0x0  }
0x278: {  	s9 =	rddreg [dreg:$0x13];
	[sflag:s13] =	ssyncadd.s32 $0xFFFFD800  }
0x279: {  	[spmem:s2] =	stream.indirect.scatter.add.f32 [tilespmem:s31], [sflag:$0x8], $0x80, s9, s25, $0xb8;
	v63 =	vld [tilespmem:$0x0]  }
0x27a: {  	_ =	swait.ge [sflag:s17], $0x2800  }
0x27b: {  	[sflag:s17] =	ssyncset.done $0x0  }
0x27c: {  	s10 =	rddreg [dreg:$0x14];
	[sflag:s17] =	ssyncadd.s32 $0xFFFFD800  }
0x27d: {  	[tilespmem:s26], [sflag:$0x2] =	stream.indirect.gather [hbm4b:s12+s25], $0x80, s10, s25, $0xb8;
	v63 =	vld [tilespmem:$0x0]  }
0x27e: {  	_ =	swait.ge [sflag:s28], $0x2800  }
0x27f: {  	[sflag:s28] =	ssyncset.done $0x0  }
0x280: {  	s11 =	rddreg [dreg:$0x15];
	[sflag:s28] =	ssyncadd.s32 $0xFFFFD800  }
0x281: {  	[spmem:s2] =	stream.indirect.scatter.add.f32 [tilespmem:s14], [sflag:$0x5], $0x80, s11, s25, $0xb8;
	v63 =	vld [tilespmem:$0x0]  }
0x282: {  	_ =	swait.ge [sflag:s18], $0x2800  }
0x283: {  	[sflag:s18] =	ssyncset.done $0x0  }
0x284: {  	s9 =	rddreg [dreg:$0x16];
	[sflag:s18] =	ssyncadd.s32 $0xFFFFD800  }
0x285: {  	[tilespmem:s29], [sflag:$0x3] =	stream.indirect.gather [hbm4b:s12+s25], $0x80, s9, s25, $0xb8;
	v63 =	vld [tilespmem:$0x0]  }
0x286: {  	_ =	swait.ge [sflag:s30], $0x2800  }
0x287: {  	[sflag:s30] =	ssyncset.done $0x0  }
0x288: {  	s10 =	rddreg [dreg:$0x17];
	[sflag:s30] =	ssyncadd.s32 $0xFFFFD800  }
0x289: {  	[spmem:s2] =	stream.indirect.scatter.add.f32 [tilespmem:s26], [sflag:$0x6], $0x80, s10, s25, $0xb8;
	v63 =	vld [tilespmem:$0x0]  }
0x28a: {  	_ =	swait.ge [sflag:s19], $0x2800  }
0x28b: {  	[sflag:s19] =	ssyncset.done $0x0  }
0x28c: {  	s11 =	rddreg [dreg:$0x18];
	[sflag:s19] =	ssyncadd.s32 $0xFFFFD800  }
0x28d: {  	[tilespmem:s31], [sflag:$0x4] =	stream.indirect.gather [hbm4b:s12+s25], $0x80, s11, s25, $0xb8;
	v63 =	vld [tilespmem:$0x0]  }
0x28e: {  	_ =	swait.ge [sflag:s1], $0x2800  }
0x28f: {  	[sflag:s1] =	ssyncset.done $0x0  }
0x290: {  	s9 =	rddreg [dreg:$0x19];
	[sflag:s1] =	ssyncadd.s32 $0xFFFFD800  }
0x291: {  	[spmem:s2] =	stream.indirect.scatter.add.f32 [tilespmem:s29], [sflag:$0x7], $0x80, s9, s25, $0xb8;
	v63 =	vld [tilespmem:$0x0]  }
0x292: {  	_ =	swait.ge [sflag:s0], $0x2800  }
0x293: {  	[sflag:s0] =	ssyncset.done $0x0  }
0x294: {  	s10 =	rddreg [dreg:$0x1a];
	[sflag:s0] =	ssyncadd.s32 $0xFFFFD800  }
0x295: {  	[tilespmem:s14], [sflag:$0x1] =	stream.indirect.gather [hbm4b:s12+s25], $0x80, s10, s25, $0xb8;
	v63 =	vld [tilespmem:$0x0]  }
0x296: {  	_ =	swait.ge [sflag:s13], $0x2800  }
0x297: {  	[sflag:s13] =	ssyncset.done $0x0  }
0x298: {  	s11 =	rddreg [dreg:$0x1b];
	[sflag:s13] =	ssyncadd.s32 $0xFFFFD800  }
0x299: {  	[spmem:s2] =	stream.indirect.scatter.add.f32 [tilespmem:s31], [sflag:$0x8], $0x80, s11, s25, $0xb8;
	v63 =	vld [tilespmem:$0x0]  }
0x29a: {  	_ =	swait.ge [sflag:s17], $0x2800  }
0x29b: {  	[sflag:s17] =	ssyncset.done $0x0  }
0x29c: {  	s9 =	rddreg [dreg:$0x1c];
	[sflag:s17] =	ssyncadd.s32 $0xFFFFD800  }
0x29d: {  	[tilespmem:s26], [sflag:$0x2] =	stream.indirect.gather [hbm4b:s12+s25], $0x80, s9, s25, $0xb8;
	v63 =	vld [tilespmem:$0x0]  }
0x29e: {  	_ =	swait.ge [sflag:s28], $0x2800  }
0x29f: {  	[sflag:s28] =	ssyncset.done $0x0  }
0x2a0: {  	s10 =	rddreg [dreg:$0x1d];
	[sflag:s28] =	ssyncadd.s32 $0xFFFFD800  }
0x2a1: {  	[spmem:s2] =	stream.indirect.scatter.add.f32 [tilespmem:s14], [sflag:$0x5], $0x80, s10, s25, $0xb8;
	v63 =	vld [tilespmem:$0x0]  }
0x2a2: {  	_ =	swait.ge [sflag:s18], $0x2800  }
0x2a3: {  	[sflag:s18] =	ssyncset.done $0x0  }
0x2a4: {  	s11 =	rddreg [dreg:$0x1e];
	[sflag:s18] =	ssyncadd.s32 $0xFFFFD800  }
0x2a5: {  	[tilespmem:s29], [sflag:$0x3] =	stream.indirect.gather [hbm4b:s12+s25], $0x80, s11, s25, $0xb8;
	v63 =	vld [tilespmem:$0x0]  }
0x2a6: {  	_ =	swait.ge [sflag:s30], $0x2800  }
0x2a7: {  	[sflag:s30] =	ssyncset.done $0x0  }
0x2a8: {  	s9 =	rddreg [dreg:$0x1f];
	[sflag:s30] =	ssyncadd.s32 $0xFFFFD800  }
0x2a9: {  	[spmem:s2] =	stream.indirect.scatter.add.f32 [tilespmem:s26], [sflag:$0x6], $0x80, s9, s25, $0xb8;
	v63 =	vld [tilespmem:$0x0]  }
0x2aa: {  	_ =	swait.ge [sflag:s19], $0x2800  }
0x2ab: {  	s10 =	sld [smem:$0x7E9]  }
0x2ac: {  	[sflag:s19] =	ssyncset.done $0x0  }
0x2ad: {  	[sflag:s19] =	ssyncadd.s32 $0xFFFFD800  }
0x2ae: {  	[tilespmem:s31], [sflag:$0x4] =	stream.indirect.gather [hbm4b:s12+s25], $0x80, s10, s25, $0xb8;
	v63 =	vld [tilespmem:$0x0]  }
0x2af: {  	_ =	swait.ge [sflag:s1], $0x2800  }
0x2b0: {  	s11 =	sld [smem:$0x7EA]  }
0x2b1: {  	[sflag:s1] =	ssyncset.done $0x0  }
0x2b2: {  	[sflag:s1] =	ssyncadd.s32 $0xFFFFD800  }
0x2b3: {  	[spmem:s2] =	stream.indirect.scatter.add.f32 [tilespmem:s29], [sflag:$0x7], $0x80, s11, s25, $0xb8;
	v63 =	vld [tilespmem:$0x0]  }
0x2b4: {  	_ =	swait.ge [sflag:s0], $0x2800  }
0x2b5: {  	s9 =	sld [smem:$0x7EB]  }
0x2b6: {  	[sflag:s0] =	ssyncset.done $0x0  }
0x2b7: {  	[sflag:s0] =	ssyncadd.s32 $0xFFFFD800  }
0x2b8: {  	[tilespmem:s14], [sflag:$0x1] =	stream.indirect.gather [hbm4b:s12+s25], $0x80, s9, s25, $0xb8;
	v63 =	vld [tilespmem:$0x0]  }
0x2b9: {  	_ =	swait.ge [sflag:s13], $0x2800  }
0x2ba: {  	s10 =	sld [smem:$0x7EC]  }
0x2bb: {  	[sflag:s13] =	ssyncset.done $0x0  }
0x2bc: {  	[sflag:s13] =	ssyncadd.s32 $0xFFFFD800  }
0x2bd: {  	[spmem:s2] =	stream.indirect.scatter.add.f32 [tilespmem:s31], [sflag:$0x8], $0x80, s10, s25, $0xb8;
	v63 =	vld [tilespmem:$0x0]  }
0x2be: {  	_ =	swait.ge [sflag:s17], $0x2800  }
0x2bf: {  	s11 =	sld [smem:$0x7ED]  }
0x2c0: {  	[sflag:s17] =	ssyncset.done $0x0  }
0x2c1: {  	[sflag:s17] =	ssyncadd.s32 $0xFFFFD800  }
0x2c2: {  	[tilespmem:s26], [sflag:$0x2] =	stream.indirect.gather [hbm4b:s12+s25], $0x80, s11, s25, $0xb8;
	v63 =	vld [tilespmem:$0x0]  }
0x2c3: {  	_ =	swait.ge [sflag:s28], $0x2800  }
0x2c4: {  	s9 =	sld [smem:$0x7EE]  }
0x2c5: {  	[sflag:s28] =	ssyncset.done $0x0  }
0x2c6: {  	[sflag:s28] =	ssyncadd.s32 $0xFFFFD800  }
0x2c7: {  	[spmem:s2] =	stream.indirect.scatter.add.f32 [tilespmem:s14], [sflag:$0x5], $0x80, s9, s25, $0xb8;
	v63 =	vld [tilespmem:$0x0]  }
0x2c8: {  	_ =	swait.ge [sflag:s18], $0x2800  }
0x2c9: {  	s10 =	sld [smem:$0x7EF]  }
0x2ca: {  	[sflag:s18] =	ssyncset.done $0x0  }
0x2cb: {  	[sflag:s18] =	ssyncadd.s32 $0xFFFFD800  }
0x2cc: {  	[tilespmem:s29], [sflag:$0x3] =	stream.indirect.gather [hbm4b:s12+s25], $0x80, s10, s25, $0xb8;
	v63 =	vld [tilespmem:$0x0]  }
0x2cd: {  	_ =	swait.ge [sflag:s30], $0x2800  }
0x2ce: {  	s11 =	sld [smem:$0x7F0]  }
0x2cf: {  	[sflag:s30] =	ssyncset.done $0x0  }
0x2d0: {  	[sflag:s30] =	ssyncadd.s32 $0xFFFFD800  }
0x2d1: {  	[spmem:s2] =	stream.indirect.scatter.add.f32 [tilespmem:s26], [sflag:$0x6], $0x80, s11, s25, $0xb8;
	v63 =	vld [tilespmem:$0x0]  }
0x2d2: {  	_ =	swait.ge [sflag:s19], $0x2800  }
0x2d3: {  	s9 =	sld [smem:$0x7F1]  }
0x2d4: {  	[sflag:s19] =	ssyncset.done $0x0  }
0x2d5: {  	[sflag:s19] =	ssyncadd.s32 $0xFFFFD800  }
0x2d6: {  	[tilespmem:s31], [sflag:$0x4] =	stream.indirect.gather [hbm4b:s12+s25], $0x80, s9, s25, $0xb8;
	v63 =	vld [tilespmem:$0x0]  }
0x2d7: {  	_ =	swait.ge [sflag:s1], $0x2800  }
0x2d8: {  	s10 =	sld [smem:$0x7F3]  }
0x2d9: {  	[sflag:s1] =	ssyncset.done $0x0  }
0x2da: {  	[sflag:s1] =	ssyncadd.s32 $0xFFFFD800  }
0x2db: {  	[spmem:s2] =	stream.indirect.scatter.add.f32 [tilespmem:s29], [sflag:$0x7], $0x80, s10, s25, $0xb8;
	v63 =	vld [tilespmem:$0x0]  }
0x2dc: {  	_ =	swait.ge [sflag:s0], $0x2800  }
0x2dd: {  	s11 =	sld [smem:$0x7F4]  }
0x2de: {  	[sflag:s0] =	ssyncset.done $0x0  }
0x2df: {  	[sflag:s0] =	ssyncadd.s32 $0xFFFFD800  }
0x2e0: {  	[tilespmem:s14], [sflag:$0x1] =	stream.indirect.gather [hbm4b:s12+s25], $0x80, s11, s25, $0xb8;
	v63 =	vld [tilespmem:$0x0]  }
0x2e1: {  	_ =	swait.ge [sflag:s13], $0x2800  }
0x2e2: {  	s9 =	sld [smem:$0x7F5]  }
0x2e3: {  	[sflag:s13] =	ssyncset.done $0x0  }
0x2e4: {  	[sflag:s13] =	ssyncadd.s32 $0xFFFFD800  }
0x2e5: {  	[spmem:s2] =	stream.indirect.scatter.add.f32 [tilespmem:s31], [sflag:$0x8], $0x80, s9, s25, $0xb8;
	v63 =	vld [tilespmem:$0x0]  }
0x2e6: {  	_ =	swait.ge [sflag:s17], $0x2800  }
0x2e7: {  	[sflag:s17] =	ssyncset.done $0x0  }
0x2e8: {  	[sflag:s17] =	ssyncadd.s32 $0xFFFFD800  }
0x2e9: {  	[tilespmem:s26], [sflag:$0x2] =	stream.indirect.gather [hbm4b:s12+s25], $0x80, s20, s25, $0xb8;
	v63 =	vld [tilespmem:$0x0]  }
0x2ea: {  	_ =	swait.ge [sflag:s28], $0x2800  }
0x2eb: {  	[sflag:s28] =	ssyncset.done $0x0  }
0x2ec: {  	[sflag:s28] =	ssyncadd.s32 $0xFFFFD800  }
0x2ed: {  	[spmem:s2] =	stream.indirect.scatter.add.f32 [tilespmem:s14], [sflag:$0x5], $0x80, s21, s25, $0xb8;
	v63 =	vld [tilespmem:$0x0]  }
0x2ee: {  	_ =	swait.ge [sflag:s18], $0x2800  }
0x2ef: {  	[sflag:s18] =	ssyncset.done $0x0  }
0x2f0: {  	[sflag:s18] =	ssyncadd.s32 $0xFFFFD800  }
0x2f1: {  	[tilespmem:s29], [sflag:$0x3] =	stream.indirect.gather [hbm4b:s12+s25], $0x80, s22, s25, $0xb8;
	v63 =	vld [tilespmem:$0x0]  }
0x2f2: {  	_ =	swait.ge [sflag:s30], $0x2800  }
0x2f3: {  	[sflag:s30] =	ssyncset.done $0x0  }
0x2f4: {  	[sflag:s30] =	ssyncadd.s32 $0xFFFFD800  }
0x2f5: {  	[spmem:s2] =	stream.indirect.scatter.add.f32 [tilespmem:s26], [sflag:$0x6], $0x80, s23, s25, $0xb8;
	v63 =	vld [tilespmem:$0x0]  }
0x2f6: {  	_ =	swait.ge [sflag:s19], $0x2800  }
0x2f7: {  	[sflag:s19] =	ssyncset.done $0x0  }
0x2f8: {  	[sflag:s19] =	ssyncadd.s32 $0xFFFFD800  }
0x2f9: {  	[tilespmem:s31], [sflag:$0x4] =	stream.indirect.gather [hbm4b:s12+s25], $0x80, s24, s25, $0xb8;
	v63 =	vld [tilespmem:$0x0]  }
0x2fa: {  	_ =	swait.ge [sflag:s1], $0x2800  }
0x2fb: {  	[sflag:s1] =	ssyncset.done $0x0  }
0x2fc: {  	[sflag:s1] =	ssyncadd.s32 $0xFFFFD800  }
0x2fd: {  	[spmem:s2] =	stream.indirect.scatter.add.f32 [tilespmem:s29], [sflag:$0x7], $0x80, s4, s25, $0xb8;
	v63 =	vld [tilespmem:$0x0]  }
0x2fe: {  	_ =	swait.ge [sflag:s0], $0x2800  }
0x2ff: {  	[sflag:s0] =	ssyncset.done $0x0  }
0x300: {  	[sflag:s0] =	ssyncadd.s32 $0xFFFFD800  }
0x301: {  	[tilespmem:s14], [sflag:$0x1] =	stream.indirect.gather [hbm4b:s12+s25], $0x80, s5, s25, $0xb8;
	v63 =	vld [tilespmem:$0x0]  }
0x302: {  	_ =	swait.ge [sflag:s13], $0x2800  }
0x303: {  	[sflag:s13] =	ssyncset.done $0x0  }
0x304: {  	[sflag:s13] =	ssyncadd.s32 $0xFFFFD800  }
0x305: {  	[spmem:s2] =	stream.indirect.scatter.add.f32 [tilespmem:s31], [sflag:$0x8], $0x80, s6, s25, $0xb8;
	v63 =	vld [tilespmem:$0x0]  }
0x306: {  	_ =	swait.ge [sflag:s28], $0x2800  }
0x307: {  	[sflag:s28] =	ssyncset.done $0x0  }
0x308: {  	[sflag:s28] =	ssyncadd.s32 $0xFFFFD800  }
0x309: {  	[spmem:s2] =	stream.indirect.scatter.add.f32 [tilespmem:s14], [sflag:$0x5], $0x80, s7, s25, $0xb8;
	v63 =	vld [tilespmem:$0x0]  }
0x30a: {  	_ =	swait.ge [sflag:s17], $0x2800  }
0x30b: {  	[sflag:s17] =	ssyncset.done $0x0  }
0x30c: {  	[sflag:s17] =	ssyncadd.s32 $0xFFFFD800  }
0x30d: {  	_ =	swait.ge [sflag:s18], $0x2800  }
0x30e: {  	[sflag:s18] =	ssyncset.done $0x0  }
0x30f: {  	[sflag:s18] =	ssyncadd.s32 $0xFFFFD800  }
0x310: {  	_ =	swait.ge [sflag:s19], $0x2800  }
0x311: {  	[sflag:s19] =	ssyncset.done $0x0  }
0x312: {  	[sflag:s19] =	ssyncadd.s32 $0xFFFFD800  }
0x313: {  	_ =	swait.ge [sflag:s0], $0x2800  }
0x314: {  	[sflag:s0] =	ssyncset.done $0x0  }
0x315: {  	[sflag:s0] =	ssyncadd.s32 $0xFFFFD800  }
0x316: {  	[bflag:$0x0] =	sbarrier.arrive $0xFFFF  }
0x317: {  	s10 =	stileid.u32;
	s11 =	sld [smem:$0x7E1]  }
0x318: {  	s8 =	sshll.u32 s10, $0x6;
	s10 =	sld [smem:$0x7F6];
	_ =	sdelay $0x1  }
0x319: {  	s8 =	sor.u32 $0x1C09, s8;
	s9 =	sshrl.u32 s11, $0x3  }
0x31a: {  	[hbm:s10], [sflag:s8] =	dma.local [spmem:s9], $0x500  }
0x31b: {  	_ =	swait.ge [sflag:s15], $0x500  }
0x31c: {  	s10 =	sld [smem:$0x7E2]  }
0x31d: {  	s11 =	sld [smem:$0x7F7]  }
0x31e: {  	[sflag:s15] =	ssyncset.done $0x0  }
0x31f: {  	[sflag:s15] =	ssyncadd.s32 $0xFFFFFB00;
	s9 =	sshrl.u32 s10, $0x3  }
0x320: {  	[hbm:s11], [sflag:s8] =	dma.local [spmem:s9], $0x500  }
0x321: {  	_ =	swait.ge [sflag:s15], $0x500  }
0x322: {  	s10 =	sld [smem:$0x7E3]  }
0x323: {  	s11 =	sld [smem:$0x7F8]  }
0x324: {  	[sflag:s15] =	ssyncset.done $0x0  }
0x325: {  	[sflag:s15] =	ssyncadd.s32 $0xFFFFFB00;
	s9 =	sshrl.u32 s10, $0x3  }
0x326: {  	[hbm:s11], [sflag:s8] =	dma.local [spmem:s9], $0x500  }
0x327: {  	_ =	swait.ge [sflag:s15], $0x500  }
0x328: {  	s10 =	sld [smem:$0x7E4]  }
0x329: {  	s11 =	sld [smem:$0x7F9]  }
0x32a: {  	[sflag:s15] =	ssyncset.done $0x0  }
0x32b: {  	[sflag:s15] =	ssyncadd.s32 $0xFFFFFB00;
	s9 =	sshrl.u32 s10, $0x3  }
0x32c: {  	[hbm:s11], [sflag:s8] =	dma.local [spmem:s9], $0x500  }
0x32d: {  	_ =	swait.ge [sflag:s15], $0x500  }
0x32e: {  	s10 =	sld [smem:$0x7E5]  }
0x32f: {  	s11 =	sld [smem:$0x7FA]  }
0x330: {  	[sflag:s15] =	ssyncset.done $0x0  }
0x331: {  	[sflag:s15] =	ssyncadd.s32 $0xFFFFFB00;
	s9 =	sshrl.u32 s10, $0x3  }
0x332: {  	[hbm:s11], [sflag:s8] =	dma.local [spmem:s9], $0x500  }
0x333: {  	_ =	swait.ge [sflag:s15], $0x500  }
0x334: {  	s10 =	sld [smem:$0x7E6]  }
0x335: {  	s11 =	sld [smem:$0x7FB]  }
0x336: {  	[sflag:s15] =	ssyncset.done $0x0  }
0x337: {  	[sflag:s15] =	ssyncadd.s32 $0xFFFFFB00;
	s9 =	sshrl.u32 s10, $0x3  }
0x338: {  	[hbm:s11], [sflag:s8] =	dma.local [spmem:s9], $0x500  }
0x339: {  	_ =	swait.ge [sflag:s15], $0x500  }
0x33a: {  	s10 =	sld [smem:$0x7E7]  }
0x33b: {  	s11 =	sld [smem:$0x7FC]  }
0x33c: {  	[sflag:s15] =	ssyncset.done $0x0  }
0x33d: {  	[sflag:s15] =	ssyncadd.s32 $0xFFFFFB00;
	s9 =	sshrl.u32 s10, $0x3  }
0x33e: {  	[hbm:s11], [sflag:s8] =	dma.local [spmem:s9], $0x500  }
0x33f: {  	_ =	swait.ge [sflag:s15], $0x500  }
0x340: {  	s10 =	sld [smem:$0x7E8]  }
0x341: {  	s11 =	sld [smem:$0x7FD]  }
0x342: {  	[sflag:s15] =	ssyncset.done $0x0  }
0x343: {  	[sflag:s15] =	ssyncadd.s32 $0xFFFFFB00;
	s9 =	sshrl.u32 s10, $0x3  }
0x344: {  	[hbm:s11], [sflag:s8] =	dma.local [spmem:s9], $0x500  }
0x345: {  	_ =	swait.ge [sflag:s15], $0x500  }
0x346: {  	s10 =	sld [smem:$0x7E0]  }
0x347: {  	s11 =	sld [smem:$0x7F2];
	_ =	sdelay $0x1  }
0x348: {  	s9 =	sadd.s32 $0x1, s10  }
0x349: {  	p0 =	sne.s32 s9, s11  }
.Ltmp2:
0x34a: {  	_ = 	snop;
	(pc) =	sbr.rel @p0 .LBB2_1-.Ltmp2, $3  }
0x34b: {  	_ =	sdelay $0x1  }
0x34c: {  	[sflag:s15] =	ssyncset.done $0x0  }
0x34d: {  	[sflag:s15] =	ssyncadd.s32 $0xFFFFFB00  }
0x34e: {  	_ =	sfence.sel $0x180000  }
0x34f: {  	[bflag:$0x0] =	sbarrier.arrive $0xFFFF  }
0x350: {  	_ =	strace $0x9000004A  }
0x351: {  	s0 =	stileid.u32;
	[bflag:$0x2] =	sbarrier.arrive $0xFFFF  }
0x352: {  	p0 =	sne.s32 s0, $0x0;
	s0 =	rddreg [dreg:$0x2]  }
0x353: {  	s0 =	sadd.s32 @!p0 $0x100000, s0  }
0x354: {  	[sflag:s0] =	ssyncadd.tile.s32 @!p0 $0x1;
	_ =	shalt  }
.Lfunc_end2:
_tile_overlayer_lowered:
.L_overlay_start_2:
0x355: {  	(tag) =	ssettag $0x2  }
0x356: {  	s0 =	rddreg [dreg:$0x0];
	s2 =	stileid.u32  }
0x357: {  	s1 =	rddreg [dreg:$0x1];
	p0 =	sne.s32 s2, $0x0  }
0x358: {  	s3 =	rddreg [dreg:$0x2];
	[bflag:$0x3] =	sbarrier.arrive $0xFFFF;
	s2 =	simm.s32 @!p0 $0x1C09  }
0x359: {  	[timem:s3], [sflag:s2] =	dma.local @!p0 [hbm:s0], s1  }
0x35a: {  	s0 =	simm.s32 @!p0 $0x9  }
0x35b: {  	_ =	swait.ge @!p0 [sflag:s0], s1  }
0x35c: {  	s1 =	ssub.s32 @!p0 $0x0, s1;
	[sflag:s0] =	ssyncset.done @!p0 $0x0  }
0x35d: {  	[sflag:s0] =	ssyncadd.s32 @!p0 s1  }
0x35e: {  	[bflag:$0x3] =	sbarrier.arrive $0xFFFF  }
0x35f: {  	_ =	shalt  }

// kernel: kernel.7.cloned.1.call-start
scs
__scs_entry_jumppad:
0x0: {  	(pc) =	sbr.rel $0x88, $3  }
0x1: {  	(tag) =	ssettag $0x0;
	lr =	simm.s32 $0x1  }
0x2: {  	[smem:$0x3F9B] =	sst lr;
	_ =	strace $0xD0000000  }
0x3: {  	_ = 	snop  }
0x4: {  	_ = 	snop  }
0x5: {  	_ = 	snop  }
0x6: {  	_ = 	snop  }
0x7: {  	_ = 	snop  }
__scs_overlays_trampoline_lowered:
0x8: {  	[smem:$0x3FAA] =	sst s0  }
0x9: {  	[smem:$0x3FAB] =	sst s1  }
0xa: {  	[smem:$0x3FAC] =	sst s2  }
0xb: {  	[smem:$0x3FAD] =	sst s3  }
0xc: {  	[smem:$0x3FAE] =	sst s4  }
0xd: {  	[smem:$0x3FAF] =	sst s5  }
0xe: {  	[smem:$0x3FB0] =	sst s6  }
0xf: {  	[smem:$0x3FB1] =	sst s7  }
0x10: {  	[smem:$0x3FB2] =	sst s8  }
0x11: {  	[smem:$0x3FB3] =	sst s9;
	s0 =	simm.s32 @!p0 $0x0  }
0x12: {  	s1 =	sld [smem:$0x3F99];
	s0 =	simm.s32 @p0 $0x1  }
0x13: {  	[smem:$0x3FB4] =	sst s0;
	s0 =	simm.s32 @!p1 $0x0  }
0x14: {  	s2 =	sld [smem:$0x3F98];
	s0 =	simm.s32 @p1 $0x1  }
0x15: {  	[smem:$0x3FB5] =	sst s0;
	s0 =	simm.s32 @!p2 $0x0  }
0x16: {  	s3 =	sld [smem:$0x3FDB];
	s0 =	simm.s32 @p2 $0x1  }
0x17: {  	s4 =	simm.s32 $0x1BF5;
	[smem:$0x3FB7] =	sst s0  }
0x18: {  	s0 =	sld [smem:$0x3F9A];
	_ =	swait.ge [sflag:s4], $0x0  }
0x19: {  	s7 =	sld [smem:$0x3F9B]  }
0x1a: {  	s8 =	sadd.s32 $0xFFFFE003, lr  }
0x1b: {  	s9 =	sadd.s32 $0xFFFFFEF7, lr;
	s5 =	simm.s32 $0xFFFFFFFF;
	p2 =	slt.u32 s8, $0xFFFFF086  }
0x1c: {  	p1 =	slt.u32 s9, $0xF7A;
	s5 =	simm.s32 @!p2 $0x0  }
0x1d: {  	s5 =	simm.s32 @p1 $0x1;
	p0 =	seq.s32 s7, s2  }
0x1e: {  	s7 =	smul.u32 @!p0 $0xF7A, s2;
	p2 =	seq.s32 @!p0 s5, $0x0  }
0x1f: {  	s9 =	smul.u32 $0xF7A, s1;
	s8 =	simm.s32 @!p0 $0x1BF5;
	p2 =	por !p2, p0  }
0x20: {  	[sflag:s8] =	ssyncset.s32 @!p0 $0xFFFFF086;
	s6 =	sadd.s32 @!p0 s3, s7;
	s7 =	simm.s32 @!p0 $0x108  }
0x21: {  	s3 =	sadd.s32 s3, s9;
	s6 =	sadd.s32 @!p0 $0x88, s6;
	s7 =	simm.s32 @p2 $0x1082  }
0x22: {  	[simem:s7], [sflag:s8] =	dma.local @!p0 [hbm:s6], $0xF7A  }
0x23: {  	s9 =	sor.u32 $0xD0000000, s2;
	s6 =	simm.s32 $0x108;
	_ =	swait.ge @!p0 [sflag:s8], $0x0  }
0x24: {  	s3 =	sadd.s32 $0x88, s3;
	s6 =	simm.s32 @!p1 $0x1082;
	[sflag:s4] =	ssyncset.s32 $0xFFFFF086  }
0x25: {  	[simem:s6], [sflag:s4] =	dma.local [hbm:s3], $0xF7A  }
0x26: {  	[smem:$0x3F9B] =	sst s1;
	(tag) =	ssettag s2;
	_ =	strace s9  }
0x27: {  	s1 =	sld [smem:$0x3FAB]  }
0x28: {  	s2 =	sld [smem:$0x3FAC]  }
0x29: {  	s4 =	sld [smem:$0x3FAE]  }
0x2a: {  	p0 =	seq.s32 s5, $0x0;
	s5 =	sld [smem:$0x3FAF]  }
0x2b: {  	s6 =	sld [smem:$0x3FB0]  }
0x2c: {  	s7 =	sld [smem:$0x3FB1]  }
0x2d: {  	s3 =	simm.s32 $0x108;
	s8 =	sld [smem:$0x3FB2]  }
0x2e: {  	s3 =	simm.s32 @!p0 $0x1082;
	s9 =	sld [smem:$0x3FB3]  }
0x2f: {  	lr =	sadd.s32 s0, s3;
	s0 =	sld [smem:$0x3FAA]  }
0x30: {  	s3 =	sld [smem:$0x3FAD]  }
0x31: {  	[smem:$0x3FB6] =	sst s10  }
0x32: {  	s10 =	sld [smem:$0x3FB4];
	_ =	sdelay $0x3  }
0x33: {  	p0 =	seq.s32 s10, $0x1;
	s10 =	sld [smem:$0x3FB6];
	_ =	sdelay $0x3  }
0x34: {  	[smem:$0x3FB6] =	sst s10  }
0x35: {  	s10 =	sld [smem:$0x3FB5];
	_ =	sdelay $0x3  }
0x36: {  	p1 =	seq.s32 s10, $0x1;
	s10 =	sld [smem:$0x3FB6];
	_ =	sdelay $0x3  }
0x37: {  	[smem:$0x3FB6] =	sst s10  }
0x38: {  	s10 =	sld [smem:$0x3FB7]  }
0x39: {  	_ = 	snop;
	(pc) =	sbr.ind lr, $3  }
0x3a: {  	_ = 	snop  }
0x3b: {  	_ = 	snop  }
0x3c: {  	p2 =	seq.s32 s10, $0x1;
	s10 =	sld [smem:$0x3FB6]  }
0x3d: {  	_ =	shalt  }
0x3e: {  	_ =	shalt  }
0x3f: {  	_ =	shalt  }
0x40: {  	_ =	shalt  }
0x41: {  	_ =	shalt  }
0x42: {  	_ =	shalt  }
0x43: {  	_ =	shalt  }
0x44: {  	_ =	shalt  }
0x45: {  	_ =	shalt  }
0x46: {  	_ =	shalt  }
0x47: {  	_ =	shalt  }
0x48: {  	_ =	shalt  }
0x49: {  	_ =	shalt  }
0x4a: {  	_ =	shalt  }
0x4b: {  	_ =	shalt  }
0x4c: {  	_ =	shalt  }
0x4d: {  	_ =	shalt  }
0x4e: {  	_ =	shalt  }
0x4f: {  	_ =	shalt  }
0x50: {  	_ =	shalt  }
0x51: {  	_ =	shalt  }
0x52: {  	_ =	shalt  }
0x53: {  	_ =	shalt  }
0x54: {  	_ =	shalt  }
0x55: {  	_ =	shalt  }
0x56: {  	_ =	shalt  }
0x57: {  	_ =	shalt  }
0x58: {  	_ =	shalt  }
0x59: {  	_ =	shalt  }
0x5a: {  	_ =	shalt  }
0x5b: {  	_ =	shalt  }
0x5c: {  	_ =	shalt  }
0x5d: {  	_ =	shalt  }
0x5e: {  	_ =	shalt  }
0x5f: {  	_ =	shalt  }
0x60: {  	_ =	shalt  }
0x61: {  	_ =	shalt  }
0x62: {  	_ =	shalt  }
0x63: {  	_ =	shalt  }
0x64: {  	_ =	shalt  }
0x65: {  	_ =	shalt  }
0x66: {  	_ =	shalt  }
0x67: {  	_ =	shalt  }
0x68: {  	_ =	shalt  }
0x69: {  	_ =	shalt  }
0x6a: {  	_ =	shalt  }
0x6b: {  	_ =	shalt  }
0x6c: {  	_ =	shalt  }
0x6d: {  	_ =	shalt  }
0x6e: {  	_ =	shalt  }
0x6f: {  	_ =	shalt  }
0x70: {  	_ =	shalt  }
0x71: {  	_ =	shalt  }
0x72: {  	_ =	shalt  }
0x73: {  	_ =	shalt  }
0x74: {  	_ =	shalt  }
0x75: {  	_ =	shalt  }
0x76: {  	_ =	shalt  }
0x77: {  	_ =	shalt  }
0x78: {  	_ =	shalt  }
0x79: {  	_ =	shalt  }
0x7a: {  	_ =	shalt  }
0x7b: {  	_ =	shalt  }
0x7c: {  	_ =	shalt  }
0x7d: {  	_ =	shalt  }
0x7e: {  	_ =	shalt  }
0x7f: {  	_ =	shalt  }
0x80: {  	_ =	shalt  }
0x81: {  	_ =	shalt  }
0x82: {  	_ =	shalt  }
0x83: {  	_ =	shalt  }
0x84: {  	_ =	shalt  }
0x85: {  	_ =	shalt  }
0x86: {  	_ =	shalt  }
0x87: {  	_ =	shalt  }
.Lfunc_end0:
.L_simem_size_0:
called_computation_lowered:
.L_overlay_start_0:
0x88: {  	s2 =	sld [smem:$0x3FD9]  }
0x89: {  	s3 =	sld [smem:$0x3FFE];
	_ =	sdelay $0x1  }
0x8a: {  	s1 =	srdreg.scid  }
0x8b: {  	s0 =	sand.u32 $0x1, s1  }
0x8c: {  	s16 =	sshll.u32 s0, $0xA;
	s2 =	sadd.s32 s3, s2  }
0x8d: {  	s2 =	sadd.s32 s2, s16  }
0x8e: {  	[smem:$0x3FC2] =	sst s2  }
0x8f: {  	_ = 	snop  }
0x90: {  	(tm) =	ssettm $0x1  }
0x91: {  	s17 =	sld [smem:$0x3FFB];
	_ =	sdelay $0x3  }
0x92: {  	_ =	strace s17  }
0x93: {  	s2 =	sld [smem:$0x3FFC];
	_ =	sdelay $0x3  }
0x94: {  	_ =	strace s2  }
0x95: {  	s2 =	sld [smem:$0x3FFD];
	_ =	sdelay $0x3  }
0x96: {  	_ =	strace s2  }
0x97: {  	_ =	strace $0x8FFFFFFF  }
0x98: {  	s18 =	sld [smem:$0x3FDB];
	_ =	sdelay $0x1  }
0x99: {  	s19 =	simm.s32 $_scs_section_size  }
0x9a: {  	s4 =	simm.s32 $_size__tile_overlayer_lowered;
	s5 =	simm.s32 $_tile_overlayer_lowered  }
0x9b: {  	s22 =	simm.s32 $0x1BFF;
	s21 =	sshll.u32 s5, $0x1;
	s2 =	sadd.s32 s19, s18  }
0x9c: {  	s6 =	simm.s32 $0x0;
	s20 =	sshll.u32 s4, $0x1;
	s4 =	sadd.s32 s21, s2  }
0x9d: {  	[timem:s6], [sflag:s22] =	dma.local [hbm:s4], s20  }
0x9e: {  	_ =	swait.ge [sflag:s22], s20  }
0x9f: {  	s3 =	ssub.s32 $0x0, s20;
	[sflag:s22] =	ssyncset.done $0x0  }
0xa0: {  	[sflag:s22] =	ssyncadd.s32 s3;
	_ =	sdelay $0x1  }
0xa1: {  	s23 =	simm.s32 $0x1B8B  }
0xa2: {  	_ =	swait.ge [sflag:s23], $0x1  }
0xa3: {  	[sflag:s23] =	ssyncset.done $0x0  }
0xa4: {  	s25 =	simm.s32 $0x1B8E;
	s24 =	sld [smem:$0x3FFE];
	[sflag:s23] =	ssyncadd.s32 $0xFFFFFFFF  }
0xa5: {  	s26 =	simm.s32 $execute0_lowered;
	[smem:$0x3FD2] =	sst s25  }
0xa6: {  	s4 =	sshll.u32 s26, $0x1;
	_ =	strace $0x80000046;
	[dreg:$0x1] =	wrdreg $0xFFFFFFFF  }
0xa7: {  	s28 =	simm.s32 $_size_execute0_lowered;
	s2 =	sadd.s32 s2, s4;
	[dreg:$0x0] =	wrdreg $0x0  }
0xa8: {  	s4 =	sshll.u32 s28, $0x1;
	[dreg:$0x2] =	wrdreg s2  }
0xa9: {  	[dreg:$0x3] =	wrdreg s4  }
0xaa: {  	[dreg:$0x4] =	wrdreg $0xC0  }
0xab: {  	_ =	task [dreg:s6], $0x5FFFF  }
0xac: {  	[dreg:$0x1] =	wrdreg $0xFFFFFFFF  }
0xad: {  	[dreg:$0x0] =	wrdreg $0x60  }
0xae: {  	[dreg:$0x2] =	wrdreg s24  }
0xaf: {  	[dreg:$0x3] =	wrdreg $0x9  }
0xb0: {  	_ =	task.clear_ibuf [dreg:s6], $0x4FFFF;
	_ =	strace $0x90000046  }
0xb1: {  	s29 =	simm.s32 $0x9;
	_ =	strace $0x80000048  }
0xb2: {  	_ =	swait.ge [sflag:s29], $0x1  }
0xb3: {  	[sflag:s29] =	ssyncadd.s32 $0xFFFFFFFF  }
0xb4: {  	_ =	strace $0x90000048  }
0xb5: {  	_ =	sfence  }
0xb6: {  	s30 =	sld [smem:$0x0];
	_ =	sdelay $0x2  }
0xb7: {  	s31 =	sshll.u32 s1, $0xD;
	s1 =	sshrl.u32 s1, $0x2  }
0xb8: {  	s3 =	sand.u32 $0x4000, s31;
	s1 =	sadd.s32 s1, s30  }
0xb9: {  	s0 =	sor.u32 s3, s0;
	s1 =	sshll.u32 s1, $0x11  }
0xba: {  	s0 =	sor.u32 s1, s0  }
0xbb: {  	s0 =	sadd.s32 $0x8F2B, s0  }
0xbc: {  	[sflag:s0] =	ssyncadd.remote.s32 $0x1  }
0xbd: {  	_ =	sfence.sel $0xFFFF  }
0xbe: {  	[dreg:$0x0] =	wrdreg $0xFFFFFFFF;
	(pc) =	sbr.abs _section_cstart, $3  }
0xbf: {  	[dreg:$0x1] =	wrdreg $0xFFFFFFFF  }
0xc0: {  	_ =	task.clear_ibuf [dreg:s6], $0x2FFFF;
	_ =	strace $0x9FFFFFFF  }
0xc1: {  	(tm) =	ssettm $0x7FFFFFFF  }
tec
execute0_lowered:
.L_overlay_start_1:
0x0: {  	(tag) =	ssettag $0x1  }
0x1: {  	s3 =	rddreg [dreg:$0x0]  }
0x2: {  	s0 =	rddreg [dreg:$0x1]  }
0x3: {  	s1 =	stileid.u32;
	s2 =	simm.s32 $0x0;
	s4 =	srdreg.scid  }
0x4: {  	s9 =	simm.s32 $0x1400;
	s10 =	simm.s32 $0x0;
	s5 =	sshrl.u32 s1, $0x2  }
0x5: {  	s4 =	sand.u32 $0x1, s4;
	s6 =	sshll.u32 s1, $0x8;
	[smem:$0x7FF] =	sst s2  }
0x6: {  	s7 =	smul.u32 $0xA000, s5;
	s8 =	sshll.u32 s4, $0x7;
	s6 =	sand.u32 $0x300, s6  }
0x7: {  	s5 =	smul.u32 $0x14000, s5;
	s4 =	ssub.s32 $0x2, s4;
	s6 =	sor.u32 s8, s6  }
0x8: {  	_ =	strace $0x80000047;
	s30 =	sshrl.u32 s4, $0x1;
	s7 =	sor.u32 s7, s6  }
0x9: {  	s8 =	simm.s32 $0x1;
	s5 =	sor.u32 s5, s6;
	s29 =	sshrl.u32 s7, $0x3  }
0xa: {  	s31 =	ssub.s32 s4, s30;
	s5 =	sshrl.u32 s5, $0x3;
	s6 =	sadd.s32 s29, s3  }
0xb: {  	s7 =	simm.s32 $0x400;
	s5 =	sadd.s32 s5, s3;
	s3 =	sadd.s32 $0x1A00, s6  }
0xc: {  	v0 =	vimm.f32 $0.0e+00;
	v1 =	vimm.f32 $1.000000000e+00;
	s4 =	sadd.s32 $0x6A00, s5;
	s5 =	smax.u32 s31, $0x1;
	s6 =	simm.s32 $0x80  }
.LBB2_1:
0xd: {  	[tilespmem:s2], [sflag:$0x1] =	stream.strided.gather [hbm4b:s3+s6], $0x1400, s7, s6, $0x38;
	[tilespmem:$0x3C00] =	vst v63  }
0xe: {  	_ =	swait.ge [sflag:s8], $0x1400  }
0xf: {  	[sflag:s8] =	ssyncset.done $0x0  }
0x10: {  	s11 =	simm.s32 $0x0;
	[sflag:s8] =	ssyncadd.s32 $0xFFFFEC00  }
.LBB2_2:
0x11: {  	p0 =	sne.s32 s11, $0x9FC0  }
.Ltmp0:
0x12: {  	_ = 	snop;
	(pc) =	sbr.rel @p0 .LBB2_2-.Ltmp0, $3  }
0x13: {  	_ =	sdelay $0x1  }
0x14: {  	s12 =	sshra.s32 s11, $0x2  }
0x15: {  	s11 =	sadd.s32 $0x40, s11;
	[tilespmem:s12+$0x1400] =	vst v0  }
0x16: {  	s12 =	simm.s32 $0x0;
	s11 =	simm.s32 $0x40  }
.LBB2_4:
0x17: {  	p0 =	sne.s32 s11, $0x4FC0;
	v2 =	vld [tilespmem:s12+$0x0];
	_ =	sdelay $0x3  }
.Ltmp1:
0x18: {  	(pc) =	sbr.rel @p0 .LBB2_4-.Ltmp1, $2  }
0x19: {  	_ =	sdelay $0x2  }
0x1a: {  	s12 =	sshra.s32 s11, $0x2;
	s11 =	sadd.s32 $0x40, s11;
	[tilespmem:v2+s9+$0x0] =	vst.idx.add.f32.msk $0xffff, v1  }
0x1b: {  	v2 =	vld [tilespmem:s12+$0x0];
	_ =	sdelay $0x5  }
0x1c: {  	s10 =	sadd.s32 $0x1, s10  }
0x1d: {  	p0 =	sne.s32 s10, s5  }
.Ltmp2:
0x1e: {  	[tilespmem:v2+s9+$0x0] =	vst.idx.add.f32.msk $0xffff, v1;
	(pc) =	sbr.rel @p0 .LBB2_1-.Ltmp2, $4  }
0x1f: {  	[hbm4b:s4+s6] =	stream.strided.scatter [tilespmem:s9], [sflag:$0x1], $0x2800, s7, s6, $0x38;
	[tilespmem:$0x3C00] =	vst v63  }
0x20: {  	_ =	swait.ge [sflag:s8], $0x2800  }
0x21: {  	[sflag:s8] =	ssyncset.done $0x0  }
0x22: {  	[sflag:s8] =	ssyncadd.s32 $0xFFFFD800  }
0x23: {  	_ =	sfence.sel $0x180000  }
0x24: {  	[bflag:$0x0] =	sbarrier.arrive $0xFFFF  }
0x25: {  	p0 =	sne.s32 s1, $0x0;
	_ =	strace $0x90000047  }
0x26: {  	s0 =	sadd.s32 @!p0 $0x100000, s0;
	[bflag:$0x2] =	sbarrier.arrive $0xFFFF  }
0x27: {  	[sflag:s0] =	ssyncadd.tile.s32 @!p0 $0x1;
	_ =	shalt  }
.Lfunc_end2:
_tile_overlayer_lowered:
.L_overlay_start_2:
0x28: {  	(tag) =	ssettag $0x2  }
0x29: {  	s0 =	rddreg [dreg:$0x0];
	s2 =	stileid.u32  }
0x2a: {  	s1 =	rddreg [dreg:$0x1];
	p0 =	sne.s32 s2, $0x0  }
0x2b: {  	s3 =	rddreg [dreg:$0x2];
	[bflag:$0x3] =	sbarrier.arrive $0xFFFF;
	s2 =	simm.s32 @!p0 $0x1C01  }
0x2c: {  	[timem:s3], [sflag:s2] =	dma.local @!p0 [hbm:s0], s1  }
0x2d: {  	s0 =	simm.s32 @!p0 $0x1  }
0x2e: {  	_ =	swait.ge @!p0 [sflag:s0], s1  }
0x2f: {  	s1 =	ssub.s32 @!p0 $0x0, s1;
	[sflag:s0] =	ssyncset.done @!p0 $0x0  }
0x30: {  	[sflag:s0] =	ssyncadd.s32 @!p0 s1  }
0x31: {  	[bflag:$0x3] =	sbarrier.arrive $0xFFFF  }
0x32: {  	_ =	shalt  }

</sc_bundles>
